<compile_context>
chip_gen: v7x
topology: tpu7x:2x2x1
jax: 0.10.2.dev20260603
libtpu: 0.0.44.dev20260713+nightly
codegen_flags: <defaults>
</compile_context>

<pallas_src>
import functools

import jax
import jax.numpy as jnp
from jax import lax
from jax.experimental import pallas as pl
from jax.experimental.pallas import tpu as pltpu
from jax.experimental.pallas import tpu_sc as plsc

N_NODES = 10000
N_EDGES = 320000
D = 128

NC = 2
NS = 16
NW = NC * NS
BATCH = 80
CHUNK = 16
N_CHUNK = 8
N_BATCH = CHUNK * N_CHUNK
E_PER_W = BATCH * N_BATCH
E_PAD = NW * E_PER_W
N_PAD = 10240
ROWS_PER_TILE = N_PAD // NS
NBUF = 4


def _sc_aggregate(x, e5, zeros_pad):
    mesh = plsc.VectorSubcoreMesh(core_axis_name="c", subcore_axis_name="s")

    @functools.partial(
        pl.kernel,
        mesh=mesh,
        out_type=jax.ShapeDtypeStruct((NC, N_PAD, D), jnp.float32),
        scratch_types=(
            [pltpu.VMEM((2, CHUNK, 2, BATCH), jnp.int32)]
            + [pltpu.VMEM((BATCH, D), jnp.float32)] * NBUF
            + [pltpu.VMEM_SHARED((N_PAD, D), jnp.float32)]
            + [pltpu.SemaphoreType.DMA] * (2 * NBUF + 2)
        ),
    )
    def agg_kernel(x_hbm, e_hbm, zero_hbm, out_hbm,
                   idx2, r0, r1, r2, r3, acc_sh,
                   g0, g1, g2, g3, s0, s1, s2, s3, i0, i1):
        c = lax.axis_index("c")
        s = lax.axis_index("s")
        wid = c * NS + s
        rows = [r0, r1, r2, r3]
        gsem = [g0, g1, g2, g3]
        ssem = [s0, s1, s2, s3]
        isem = [i0, i1]

        def gather(p, k, b):
            pltpu.async_copy(x_hbm.at[idx2.at[p, k, 0]], rows[b], gsem[b])

        def wait_gather(b):
            pltpu.make_async_copy(x_hbm.at[idx2.at[0, 0, 0]], rows[b],
                                  gsem[b]).wait()

        def scatter(p, k, b):
            pltpu.async_copy(rows[b], acc_sh.at[idx2.at[p, k, 1]], ssem[b],
                             add=True)

        def wait_scatter(b):
            pltpu.make_async_copy(rows[b], acc_sh.at[idx2.at[0, 0, 1]],
                                  ssem[b]).wait()

        def load_chunk(ci, p, sem):
            pltpu.async_copy(e_hbm.at[wid, ci], idx2.at[p], sem)

        def wait_chunk(p):
            pltpu.make_async_copy(e_hbm.at[wid, 0], idx2.at[p],
                                  isem[p]).wait()

        row0 = s * ROWS_PER_TILE
        zcp = pltpu.async_copy(zero_hbm.at[pl.ds(row0, ROWS_PER_TILE)],
                               acc_sh.at[pl.ds(row0, ROWS_PER_TILE)], g0)
        pltpu.sync_copy(e_hbm.at[wid, 0], idx2.at[0])
        zcp.wait()

        for k in range(NBUF):
            gather(0, k, k)
        plsc.subcore_barrier()
        for k in range(2):
            wait_gather(k)
            scatter(0, k, k)
        for k in range(NBUF, CHUNK):
            b = k % NBUF
            wait_scatter(b)
            if k == NBUF:
                load_chunk(1, 1, isem[1])
            gather(0, k, b)
            b2 = (b + 2) % NBUF
            wait_gather(b2)
            scatter(0, k - 2, b2)

        def body(t, carry):
            for half, p in ((1, 1), (2, 0)):
                ci = 2 * t + half
                for k in range(CHUNK):
                    b = k % NBUF
                    wait_scatter(b)
                    if k == 0:
                        wait_chunk(p)
                    if k == NBUF:
                        load_chunk(ci + 1, 1 - p, isem[1 - p])
                    gather(p, k, b)
                    b2 = (b + 2) % NBUF
                    wait_gather(b2)
                    if k >= 2:
                        scatter(p, k - 2, b2)
                    else:
                        scatter(1 - p, CHUNK - 2 + k, b2)
            return carry

        lax.fori_loop(0, 3, body, 0)

        for k in range(CHUNK):
            b = k % NBUF
            wait_scatter(b)
            if k == 0:
                wait_chunk(1)
            gather(1, k, b)
            b2 = (b + 2) % NBUF
            wait_gather(b2)
            if k >= 2:
                scatter(1, k - 2, b2)
            else:
                scatter(0, CHUNK - 2 + k, b2)
        for k in (CHUNK - 2, CHUNK - 1):
            b2 = k % NBUF
            wait_gather(b2)
            scatter(1, k, b2)
        for b in range(NBUF):
            wait_scatter(b)

        plsc.subcore_barrier()

        pltpu.sync_copy(acc_sh.at[pl.ds(row0, ROWS_PER_TILE)],
                        out_hbm.at[c, pl.ds(row0, ROWS_PER_TILE)])

    return agg_kernel(x, e5, zeros_pad)


def _tc_mlp_bn(x, partials, W1, b1, W2, b2, gamma, beta):
    def body(x_ref, p_ref, w1_ref, b1_ref, w2_ref, b2_ref, g_ref, bt_ref, o_ref):
        h = x_ref[...] + p_ref[0, :N_NODES, :] + p_ref[1, :N_NODES, :]
        h = lax.dot_general(h, w1_ref[...], (((1,), (1,)), ((), ())),
                            preferred_element_type=jnp.float32,
                            precision=lax.Precision.HIGHEST)
        h = jnp.maximum(h + b1_ref[...], 0.0)
        h = lax.dot_general(h, w2_ref[...], (((1,), (1,)), ((), ())),
                            preferred_element_type=jnp.float32,
                            precision=lax.Precision.HIGHEST)
        h = jnp.maximum(h + b2_ref[...], 0.0)
        mean = jnp.mean(h, axis=0, keepdims=True)
        var = jnp.mean(h * h, axis=0, keepdims=True) - mean * mean
        o_ref[...] = (h - mean) * lax.rsqrt(var + 1e-5) * g_ref[...] + bt_ref[...]

    return pl.pallas_call(
        body,
        out_shape=jax.ShapeDtypeStruct((N_NODES, D), jnp.float32),
    )(x, partials, W1, b1, W2, b2, gamma, beta)


def kernel(x, edge_index, W1, b1, W2, b2, gamma, beta):
    ei = edge_index.astype(jnp.int32)
    n_fill = E_PAD - N_EDGES
    pad = jnp.stack([jnp.zeros((n_fill,), jnp.int32),
                     N_NODES + (jnp.arange(n_fill, dtype=jnp.int32)
                                % (N_PAD - N_NODES))])
    e5 = (jnp.concatenate([ei, pad], axis=1)
          .reshape(2, NW, N_CHUNK, CHUNK, BATCH)
          .transpose(1, 2, 3, 0, 4))
    zeros_pad = jnp.zeros((N_PAD, D), jnp.float32)
    partials = _sc_aggregate(x, e5, zeros_pad)
    return _tc_mlp_bn(x, partials,
                      W1, b1.reshape(1, D), W2, b2.reshape(1, D),
                      gamma.reshape(1, D), beta.reshape(1, D))

# --- scband reference (transcript-rebuilt; emitter-appended) ---
"""Pipeline reference for scband-gin-layer-60653528154553 (READ-ONLY COPY).

The authoritative reference and input builder live on the scoring server;
editing this copy changes nothing except your own understanding.
"""

import jax, jax.numpy as jnp
import numpy as np

N_NODES = 10000
N_EDGES = 320000
D_IN = 128
D_HID = 128


def setup_inputs(seed: int = 0) -> dict:
    key = jax.random.key(seed)
    k_x, k_e, k_w1, k_b1, k_w2, k_b2 = jax.random.split(key, 6)
    x = jax.random.normal(k_x, (N_NODES, D_IN), dtype=jnp.float32)
    edge_index = jax.random.randint(k_e, (2, N_EDGES), 0, N_NODES, dtype=jnp.int64)
    # nn1 = Linear(D_IN, D_HID) -> ReLU -> Linear(D_HID, D_HID)
    lim1 = 1.0 / np.sqrt(D_IN)
    W1 = jax.random.uniform(k_w1, (D_HID, D_IN), minval=-lim1, maxval=lim1, dtype=jnp.float32)
    b1 = jax.random.uniform(k_b1, (D_HID,), minval=-lim1, maxval=lim1, dtype=jnp.float32)
    lim2 = 1.0 / np.sqrt(D_HID)
    W2 = jax.random.uniform(k_w2, (D_HID, D_HID), minval=-lim2, maxval=lim2, dtype=jnp.float32)
    b2 = jax.random.uniform(k_b2, (D_HID,), minval=-lim2, maxval=lim2, dtype=jnp.float32)
    gamma = jnp.ones((D_HID,), dtype=jnp.float32)
    beta = jnp.zeros((D_HID,), dtype=jnp.float32)
    return {"x": x, "edge_index": edge_index, "W1": W1, "b1": b1, "W2": W2, "b2": b2, "gamma": gamma, "beta": beta}


def reference(x, edge_index, W1, b1, W2, b2, gamma, beta):
    src = edge_index[0]
    dst = edge_index[1]
    # GINConv sum aggregation: messages x[src] scatter-added at dst
    agg = jnp.zeros_like(x).at[dst].add(x[src])
    # (1 + eps) * x + agg, default eps = 0
    h = x + agg
    # nn1: Linear -> ReLU -> Linear
    h = h @ W1.T + b1
    h = jax.nn.relu(h)
    h = h @ W2.T + b2
    # act1
    h = jax.nn.relu(h)
    # BatchNorm1d (training mode: batch statistics, biased variance)
    mean = jnp.mean(h, axis=0)
    var = jnp.var(h, axis=0)
    h = (h - mean) / jnp.sqrt(var + 1e-5) * gamma + beta
    return h

if __name__ == "__main__":
    import jax
    _d = setup_inputs()
    print(jax.jit(kernel)(*tuple(_d.values())))

</pallas_src>

<mosaic_0001>
#map = affine_map<(d0, d1) -> (0, 0)>
#map1 = affine_map<(d0, d1) -> (0, 0, 0, 0, 0)>
#map2 = affine_map<(d0, d1) -> (0, 0, 0)>
module attributes {stable_mosaic.version = 14 : i64} {
  func.func @agg_kernel(%arg0: i32, %arg1: i32, %arg2: memref<10000x128xf32, #tpu.memory_space<hbm>>, %arg3: memref<32x8x16x2x80xi32, #tpu.memory_space<hbm>>, %arg4: memref<10240x128xf32, #tpu.memory_space<hbm>>, %arg5: memref<2x10240x128xf32, #tpu.memory_space<hbm>>, %arg6: memref<2x16x2x80xi32, #tpu.memory_space<vmem>>, %arg7: memref<80x128xf32, #tpu.memory_space<vmem>>, %arg8: memref<80x128xf32, #tpu.memory_space<vmem>>, %arg9: memref<80x128xf32, #tpu.memory_space<vmem>>, %arg10: memref<80x128xf32, #tpu.memory_space<vmem>>, %arg11: memref<10240x128xf32, #tpu.memory_space<vmem_shared>>, %arg12: memref<!tpu.dma_semaphore, #tpu.memory_space<semaphore_mem>>, %arg13: memref<!tpu.dma_semaphore, #tpu.memory_space<semaphore_mem>>, %arg14: memref<!tpu.dma_semaphore, #tpu.memory_space<semaphore_mem>>, %arg15: memref<!tpu.dma_semaphore, #tpu.memory_space<semaphore_mem>>, %arg16: memref<!tpu.dma_semaphore, #tpu.memory_space<semaphore_mem>>, %arg17: memref<!tpu.dma_semaphore, #tpu.memory_space<semaphore_mem>>, %arg18: memref<!tpu.dma_semaphore, #tpu.memory_space<semaphore_mem>>, %arg19: memref<!tpu.dma_semaphore, #tpu.memory_space<semaphore_mem>>, %arg20: memref<!tpu.dma_semaphore, #tpu.memory_space<semaphore_mem>>, %arg21: memref<!tpu.dma_semaphore, #tpu.memory_space<semaphore_mem>>) attributes {dimension_semantics = [#tpu.dimension_semantics<core_parallel>, #tpu.dimension_semantics<subcore_parallel>], iteration_bounds = array<i64: 2, 16>, scalar_prefetch = 0 : i64, scratch_operands = 16 : i64, tpu.core_type = #tpu.core_type<sc_vector_subcore>, window_params = [{transform_indices = #map}, {transform_indices = #map1}, {transform_indices = #map}, {transform_indices = #map2}]} {
    %mul3A = arith.constant 16 : i32
    %mul3A_0 = arith.muli %arg0, %mul3A : i32
    %add3A = arith.addi %mul3A_0, %arg1 : i32
    %mul3A_1 = arith.constant 640 : i32
    %mul3A_2 = arith.muli %arg1, %mul3A_1 : i32
    %dma_start3A = arith.constant 0 : i32
    %dma_start3A_3 = tpu.memref_slice %arg11[%mul3A_2, %dma_start3A] : memref<10240x128xf32, #tpu.memory_space<vmem_shared>> -> memref<640x128xf32, #tpu.memory_space<vmem_shared>>
    %dma_start3A_4 = arith.constant 0 : i32
    %dma_start3A_5 = tpu.memref_slice %arg4[%mul3A_2, %dma_start3A_4] : memref<10240x128xf32, #tpu.memory_space<hbm>> -> memref<640x128xf32, #tpu.memory_space<hbm>>
    tpu.enqueue_dma source(%dma_start3A_5 : memref<640x128xf32, #tpu.memory_space<hbm>>) target(%dma_start3A_3 : memref<640x128xf32, #tpu.memory_space<vmem_shared>>) target_semaphore(%arg12 : memref<!tpu.dma_semaphore, #tpu.memory_space<semaphore_mem>>)
    %run_scoped3A = arith.constant 0 : i32
    %run_scoped3A_6 = arith.constant 0 : i32
    "tpu.region"() ({
      %run_scoped3A_1212 = tpu.sem_alloc : memref<!tpu.dma_semaphore, #tpu.memory_space<semaphore_mem>>
      %dma_start3A_1213 = arith.constant 0 : i32
      %dma_start3A_1214 = arith.constant 0 : i32
      %dma_start3A_1215 = arith.constant 0 : i32
      %dma_start3A_1216 = tpu.memref_slice %arg6[%run_scoped3A_6, %dma_start3A_1213, %dma_start3A_1214, %dma_start3A_1215] : memref<2x16x2x80xi32, #tpu.memory_space<vmem>> -> memref<1x16x2x80xi32, #tpu.memory_space<vmem>>
      %dma_start3A_1217 = tpu.memref_squeeze %dma_start3A_1216 : memref<1x16x2x80xi32, #tpu.memory_space<vmem>> -> memref<16x2x80xi32, #tpu.memory_space<vmem>>
      %dma_start3A_1218 = arith.constant 0 : i32
      %dma_start3A_1219 = arith.constant 0 : i32
      %dma_start3A_1220 = arith.constant 0 : i32
      %dma_start3A_1221 = tpu.memref_slice %arg3[%add3A, %run_scoped3A, %dma_start3A_1218, %dma_start3A_1219, %dma_start3A_1220] : memref<32x8x16x2x80xi32, #tpu.memory_space<hbm>> -> memref<1x1x16x2x80xi32, #tpu.memory_space<hbm>>
      %dma_start3A_1222 = tpu.memref_squeeze %dma_start3A_1221 : memref<1x1x16x2x80xi32, #tpu.memory_space<hbm>> -> memref<16x2x80xi32, #tpu.memory_space<hbm>>
      %dma_start3A_1223 = arith.constant 0 : i32
      %dma_start3A_1224 = arith.constant 0 : i32
      %dma_start3A_1225 = arith.constant 0 : i32
      %dma_start3A_1226 = tpu.memref_slice %arg6[%run_scoped3A_6, %dma_start3A_1223, %dma_start3A_1224, %dma_start3A_1225] : memref<2x16x2x80xi32, #tpu.memory_space<vmem>> -> memref<1x16x2x80xi32, #tpu.memory_space<vmem>>
      %dma_start3A_1227 = tpu.memref_squeeze %dma_start3A_1226 : memref<1x16x2x80xi32, #tpu.memory_space<vmem>> -> memref<16x2x80xi32, #tpu.memory_space<vmem>>
      %dma_start3A_1228 = arith.constant 0 : i32
      %dma_start3A_1229 = arith.constant 0 : i32
      %dma_start3A_1230 = arith.constant 0 : i32
      %dma_start3A_1231 = tpu.memref_slice %arg3[%add3A, %run_scoped3A, %dma_start3A_1228, %dma_start3A_1229, %dma_start3A_1230] : memref<32x8x16x2x80xi32, #tpu.memory_space<hbm>> -> memref<1x1x16x2x80xi32, #tpu.memory_space<hbm>>
      %dma_start3A_1232 = tpu.memref_squeeze %dma_start3A_1231 : memref<1x1x16x2x80xi32, #tpu.memory_space<hbm>> -> memref<16x2x80xi32, #tpu.memory_space<hbm>>
      tpu.enqueue_dma source(%dma_start3A_1232 : memref<16x2x80xi32, #tpu.memory_space<hbm>>) target(%dma_start3A_1227 : memref<16x2x80xi32, #tpu.memory_space<vmem>>) target_semaphore(%run_scoped3A_1212 : memref<!tpu.dma_semaphore, #tpu.memory_space<semaphore_mem>>)
      %dma_wait3A_1233 = arith.constant 0 : i32
      %dma_wait3A_1234 = arith.constant 0 : i32
      %dma_wait3A_1235 = arith.constant 0 : i32
      %dma_wait3A_1236 = tpu.memref_slice %arg6[%run_scoped3A_6, %dma_wait3A_1233, %dma_wait3A_1234, %dma_wait3A_1235] : memref<2x16x2x80xi32, #tpu.memory_space<vmem>> -> memref<1x16x2x80xi32, #tpu.memory_space<vmem>>
      %dma_wait3A_1237 = tpu.memref_squeeze %dma_wait3A_1236 : memref<1x16x2x80xi32, #tpu.memory_space<vmem>> -> memref<16x2x80xi32, #tpu.memory_space<vmem>>
      %dma_wait3A_1238 = arith.constant 0 : i32
      %dma_wait3A_1239 = arith.constant 0 : i32
      %dma_wait3A_1240 = arith.constant 0 : i32
      %dma_wait3A_1241 = tpu.memref_slice %arg3[%add3A, %run_scoped3A, %dma_wait3A_1238, %dma_wait3A_1239, %dma_wait3A_1240] : memref<32x8x16x2x80xi32, #tpu.memory_space<hbm>> -> memref<1x1x16x2x80xi32, #tpu.memory_space<hbm>>
      %dma_wait3A_1242 = tpu.memref_squeeze %dma_wait3A_1241 : memref<1x1x16x2x80xi32, #tpu.memory_space<hbm>> -> memref<16x2x80xi32, #tpu.memory_space<hbm>>
      %dma_wait3A_1243 = arith.constant 0 : i32
      %dma_wait3A_1244 = arith.constant 0 : i32
      %dma_wait3A_1245 = arith.constant 0 : i32
      %dma_wait3A_1246 = tpu.memref_slice %arg6[%run_scoped3A_6, %dma_wait3A_1243, %dma_wait3A_1244, %dma_wait3A_1245] : memref<2x16x2x80xi32, #tpu.memory_space<vmem>> -> memref<1x16x2x80xi32, #tpu.memory_space<vmem>>
      %dma_wait3A_1247 = tpu.memref_squeeze %dma_wait3A_1246 : memref<1x16x2x80xi32, #tpu.memory_space<vmem>> -> memref<16x2x80xi32, #tpu.memory_space<vmem>>
      %dma_wait3A_1248 = arith.constant 0 : i32
      %dma_wait3A_1249 = arith.constant 0 : i32
      %dma_wait3A_1250 = arith.constant 0 : i32
      %dma_wait3A_1251 = tpu.memref_slice %arg3[%add3A, %run_scoped3A, %dma_wait3A_1248, %dma_wait3A_1249, %dma_wait3A_1250] : memref<32x8x16x2x80xi32, #tpu.memory_space<hbm>> -> memref<1x1x16x2x80xi32, #tpu.memory_space<hbm>>
      %dma_wait3A_1252 = tpu.memref_squeeze %dma_wait3A_1251 : memref<1x1x16x2x80xi32, #tpu.memory_space<hbm>> -> memref<16x2x80xi32, #tpu.memory_space<hbm>>
      tpu.wait_dma2 semaphore(%run_scoped3A_1212 : memref<!tpu.dma_semaphore, #tpu.memory_space<semaphore_mem>>) src(%dma_wait3A_1252 : memref<16x2x80xi32, #tpu.memory_space<hbm>>) dst(%dma_wait3A_1247 : memref<16x2x80xi32, #tpu.memory_space<vmem>>)
      tpu.yield
    }) : () -> ()
    %dma_wait3A = arith.constant 0 : i32
    %dma_wait3A_7 = tpu.memref_slice %arg11[%mul3A_2, %dma_wait3A] : memref<10240x128xf32, #tpu.memory_space<vmem_shared>> -> memref<640x128xf32, #tpu.memory_space<vmem_shared>>
    %dma_wait3A_8 = arith.constant 0 : i32
    %dma_wait3A_9 = tpu.memref_slice %arg4[%mul3A_2, %dma_wait3A_8] : memref<10240x128xf32, #tpu.memory_space<hbm>> -> memref<640x128xf32, #tpu.memory_space<hbm>>
    tpu.wait_dma2 semaphore(%arg12 : memref<!tpu.dma_semaphore, #tpu.memory_space<semaphore_mem>>) src(%dma_wait3A_9 : memref<640x128xf32, #tpu.memory_space<hbm>>) dst(%dma_wait3A_7 : memref<640x128xf32, #tpu.memory_space<vmem_shared>>)
    %dma_start3A_10 = arith.constant 0 : i32
    %dma_start3A_11 = arith.constant 0 : i32
    %dma_start3A_12 = arith.constant 0 : i32
    %dma_start3A_13 = arith.constant 0 : i32
    %dma_start3A_14 = tpu.memref_slice %arg6[%dma_start3A_10, %dma_start3A_11, %dma_start3A_12, %dma_start3A_13] : memref<2x16x2x80xi32, #tpu.memory_space<vmem>> -> memref<1x1x1x80xi32, #tpu.memory_space<vmem>>
    %dma_start3A_15 = tpu.memref_squeeze %dma_start3A_14 : memref<1x1x1x80xi32, #tpu.memory_space<vmem>> -> memref<80xi32, #tpu.memory_space<vmem>>
    %dma_start3A_16 = arith.constant 0 : i32
    %dma_start3A_17 = arith.constant 0 : i32
    %dma_start3A_18 = tpu.memref_slice %arg2[%dma_start3A_16, %dma_start3A_17] : memref<10000x128xf32, #tpu.memory_space<hbm>> -> memref<10000x128xf32, #tpu.memory_space<hbm>>
    tpu.enqueue_indirect_dma source(%dma_start3A_18 : memref<10000x128xf32, #tpu.memory_space<hbm>>) target(%arg7 : memref<80x128xf32, #tpu.memory_space<vmem>>) offsets(%dma_start3A_15 : memref<80xi32, #tpu.memory_space<vmem>>) semaphore(%arg12 : memref<!tpu.dma_semaphore, #tpu.memory_space<semaphore_mem>>)
    %dma_start3A_19 = arith.constant 0 : i32
    %dma_start3A_20 = arith.constant 1 : i32
    %dma_start3A_21 = arith.constant 0 : i32
    %dma_start3A_22 = arith.constant 0 : i32
    %dma_start3A_23 = tpu.memref_slice %arg6[%dma_start3A_19, %dma_start3A_20, %dma_start3A_21, %dma_start3A_22] : memref<2x16x2x80xi32, #tpu.memory_space<vmem>> -> memref<1x1x1x80xi32, #tpu.memory_space<vmem>>
    %dma_start3A_24 = tpu.memref_squeeze %dma_start3A_23 : memref<1x1x1x80xi32, #tpu.memory_space<vmem>> -> memref<80xi32, #tpu.memory_space<vmem>>
    %dma_start3A_25 = arith.constant 0 : i32
    %dma_start3A_26 = arith.constant 0 : i32
    %dma_start3A_27 = tpu.memref_slice %arg2[%dma_start3A_25, %dma_start3A_26] : memref<10000x128xf32, #tpu.memory_space<hbm>> -> memref<10000x128xf32, #tpu.memory_space<hbm>>
    tpu.enqueue_indirect_dma source(%dma_start3A_27 : memref<10000x128xf32, #tpu.memory_space<hbm>>) target(%arg8 : memref<80x128xf32, #tpu.memory_space<vmem>>) offsets(%dma_start3A_24 : memref<80xi32, #tpu.memory_space<vmem>>) semaphore(%arg13 : memref<!tpu.dma_semaphore, #tpu.memory_space<semaphore_mem>>)
    %dma_start3A_28 = arith.constant 0 : i32
    %dma_start3A_29 = arith.constant 2 : i32
    %dma_start3A_30 = arith.constant 0 : i32
    %dma_start3A_31 = arith.constant 0 : i32
    %dma_start3A_32 = tpu.memref_slice %arg6[%dma_start3A_28, %dma_start3A_29, %dma_start3A_30, %dma_start3A_31] : memref<2x16x2x80xi32, #tpu.memory_space<vmem>> -> memref<1x1x1x80xi32, #tpu.memory_space<vmem>>
    %dma_start3A_33 = tpu.memref_squeeze %dma_start3A_32 : memref<1x1x1x80xi32, #tpu.memory_space<vmem>> -> memref<80xi32, #tpu.memory_space<vmem>>
    %dma_start3A_34 = arith.constant 0 : i32
    %dma_start3A_35 = arith.constant 0 : i32
    %dma_start3A_36 = tpu.memref_slice %arg2[%dma_start3A_34, %dma_start3A_35] : memref<10000x128xf32, #tpu.memory_space<hbm>> -> memref<10000x128xf32, #tpu.memory_space<hbm>>
    tpu.enqueue_indirect_dma source(%dma_start3A_36 : memref<10000x128xf32, #tpu.memory_space<hbm>>) target(%arg9 : memref<80x128xf32, #tpu.memory_space<vmem>>) offsets(%dma_start3A_33 : memref<80xi32, #tpu.memory_space<vmem>>) semaphore(%arg14 : memref<!tpu.dma_semaphore, #tpu.memory_space<semaphore_mem>>)
    %dma_start3A_37 = arith.constant 0 : i32
    %dma_start3A_38 = arith.constant 3 : i32
    %dma_start3A_39 = arith.constant 0 : i32
    %dma_start3A_40 = arith.constant 0 : i32
    %dma_start3A_41 = tpu.memref_slice %arg6[%dma_start3A_37, %dma_start3A_38, %dma_start3A_39, %dma_start3A_40] : memref<2x16x2x80xi32, #tpu.memory_space<vmem>> -> memref<1x1x1x80xi32, #tpu.memory_space<vmem>>
    %dma_start3A_42 = tpu.memref_squeeze %dma_start3A_41 : memref<1x1x1x80xi32, #tpu.memory_space<vmem>> -> memref<80xi32, #tpu.memory_space<vmem>>
    %dma_start3A_43 = arith.constant 0 : i32
    %dma_start3A_44 = arith.constant 0 : i32
    %dma_start3A_45 = tpu.memref_slice %arg2[%dma_start3A_43, %dma_start3A_44] : memref<10000x128xf32, #tpu.memory_space<hbm>> -> memref<10000x128xf32, #tpu.memory_space<hbm>>
    tpu.enqueue_indirect_dma source(%dma_start3A_45 : memref<10000x128xf32, #tpu.memory_space<hbm>>) target(%arg10 : memref<80x128xf32, #tpu.memory_space<vmem>>) offsets(%dma_start3A_42 : memref<80xi32, #tpu.memory_space<vmem>>) semaphore(%arg15 : memref<!tpu.dma_semaphore, #tpu.memory_space<semaphore_mem>>)
    %barrier3A = arith.constant 0 : index
    tpu.barrier barrier_id(%barrier3A)
    %dma_wait3A_46 = arith.constant 0 : i32
    %dma_wait3A_47 = arith.constant 0 : i32
    %dma_wait3A_48 = arith.constant 0 : i32
    %dma_wait3A_49 = arith.constant 0 : i32
    %dma_wait3A_50 = tpu.memref_slice %arg6[%dma_wait3A_46, %dma_wait3A_47, %dma_wait3A_48, %dma_wait3A_49] : memref<2x16x2x80xi32, #tpu.memory_space<vmem>> -> memref<1x1x1x80xi32, #tpu.memory_space<vmem>>
    %dma_wait3A_51 = tpu.memref_squeeze %dma_wait3A_50 : memref<1x1x1x80xi32, #tpu.memory_space<vmem>> -> memref<80xi32, #tpu.memory_space<vmem>>
    %dma_wait3A_52 = arith.constant 0 : i32
    %dma_wait3A_53 = arith.constant 0 : i32
    %dma_wait3A_54 = tpu.memref_slice %arg2[%dma_wait3A_52, %dma_wait3A_53] : memref<10000x128xf32, #tpu.memory_space<hbm>> -> memref<10000x128xf32, #tpu.memory_space<hbm>>
    tpu.wait_indirect_dma semaphore(%arg12 : memref<!tpu.dma_semaphore, #tpu.memory_space<semaphore_mem>>) src(%dma_wait3A_54 : memref<10000x128xf32, #tpu.memory_space<hbm>>) dst(%arg7 : memref<80x128xf32, #tpu.memory_space<vmem>>)
    %dma_start3A_55 = arith.constant 0 : i32
    %dma_start3A_56 = arith.constant 0 : i32
    %dma_start3A_57 = arith.constant 1 : i32
    %dma_start3A_58 = arith.constant 0 : i32
    %dma_start3A_59 = tpu.memref_slice %arg6[%dma_start3A_55, %dma_start3A_56, %dma_start3A_57, %dma_start3A_58] : memref<2x16x2x80xi32, #tpu.memory_space<vmem>> -> memref<1x1x1x80xi32, #tpu.memory_space<vmem>>
    %dma_start3A_60 = tpu.memref_squeeze %dma_start3A_59 : memref<1x1x1x80xi32, #tpu.memory_space<vmem>> -> memref<80xi32, #tpu.memory_space<vmem>>
    %dma_start3A_61 = arith.constant 0 : i32
    %dma_start3A_62 = arith.constant 0 : i32
    %dma_start3A_63 = tpu.memref_slice %arg11[%dma_start3A_61, %dma_start3A_62] : memref<10240x128xf32, #tpu.memory_space<vmem_shared>> -> memref<10240x128xf32, #tpu.memory_space<vmem_shared>>
    tpu.enqueue_indirect_dma source(%arg7 : memref<80x128xf32, #tpu.memory_space<vmem>>) target(%dma_start3A_63 : memref<10240x128xf32, #tpu.memory_space<vmem_shared>>) offsets(%dma_start3A_60 : memref<80xi32, #tpu.memory_space<vmem>>) semaphore(%arg16 : memref<!tpu.dma_semaphore, #tpu.memory_space<semaphore_mem>>) {add = true}
    %dma_wait3A_64 = arith.constant 0 : i32
    %dma_wait3A_65 = arith.constant 0 : i32
    %dma_wait3A_66 = arith.constant 0 : i32
    %dma_wait3A_67 = arith.constant 0 : i32
    %dma_wait3A_68 = tpu.memref_slice %arg6[%dma_wait3A_64, %dma_wait3A_65, %dma_wait3A_66, %dma_wait3A_67] : memref<2x16x2x80xi32, #tpu.memory_space<vmem>> -> memref<1x1x1x80xi32, #tpu.memory_space<vmem>>
    %dma_wait3A_69 = tpu.memref_squeeze %dma_wait3A_68 : memref<1x1x1x80xi32, #tpu.memory_space<vmem>> -> memref<80xi32, #tpu.memory_space<vmem>>
    %dma_wait3A_70 = arith.constant 0 : i32
    %dma_wait3A_71 = arith.constant 0 : i32
    %dma_wait3A_72 = tpu.memref_slice %arg2[%dma_wait3A_70, %dma_wait3A_71] : memref<10000x128xf32, #tpu.memory_space<hbm>> -> memref<10000x128xf32, #tpu.memory_space<hbm>>
    tpu.wait_indirect_dma semaphore(%arg13 : memref<!tpu.dma_semaphore, #tpu.memory_space<semaphore_mem>>) src(%dma_wait3A_72 : memref<10000x128xf32, #tpu.memory_space<hbm>>) dst(%arg8 : memref<80x128xf32, #tpu.memory_space<vmem>>)
    %dma_start3A_73 = arith.constant 0 : i32
    %dma_start3A_74 = arith.constant 1 : i32
    %dma_start3A_75 = arith.constant 1 : i32
    %dma_start3A_76 = arith.constant 0 : i32
    %dma_start3A_77 = tpu.memref_slice %arg6[%dma_start3A_73, %dma_start3A_74, %dma_start3A_75, %dma_start3A_76] : memref<2x16x2x80xi32, #tpu.memory_space<vmem>> -> memref<1x1x1x80xi32, #tpu.memory_space<vmem>>
    %dma_start3A_78 = tpu.memref_squeeze %dma_start3A_77 : memref<1x1x1x80xi32, #tpu.memory_space<vmem>> -> memref<80xi32, #tpu.memory_space<vmem>>
    %dma_start3A_79 = arith.constant 0 : i32
    %dma_start3A_80 = arith.constant 0 : i32
    %dma_start3A_81 = tpu.memref_slice %arg11[%dma_start3A_79, %dma_start3A_80] : memref<10240x128xf32, #tpu.memory_space<vmem_shared>> -> memref<10240x128xf32, #tpu.memory_space<vmem_shared>>
    tpu.enqueue_indirect_dma source(%arg8 : memref<80x128xf32, #tpu.memory_space<vmem>>) target(%dma_start3A_81 : memref<10240x128xf32, #tpu.memory_space<vmem_shared>>) offsets(%dma_start3A_78 : memref<80xi32, #tpu.memory_space<vmem>>) semaphore(%arg17 : memref<!tpu.dma_semaphore, #tpu.memory_space<semaphore_mem>>) {add = true}
    %dma_wait3A_82 = arith.constant 0 : i32
    %dma_wait3A_83 = arith.constant 0 : i32
    %dma_wait3A_84 = arith.constant 1 : i32
    %dma_wait3A_85 = arith.constant 0 : i32
    %dma_wait3A_86 = tpu.memref_slice %arg6[%dma_wait3A_82, %dma_wait3A_83, %dma_wait3A_84, %dma_wait3A_85] : memref<2x16x2x80xi32, #tpu.memory_space<vmem>> -> memref<1x1x1x80xi32, #tpu.memory_space<vmem>>
    %dma_wait3A_87 = tpu.memref_squeeze %dma_wait3A_86 : memref<1x1x1x80xi32, #tpu.memory_space<vmem>> -> memref<80xi32, #tpu.memory_space<vmem>>
    %dma_wait3A_88 = arith.constant 0 : i32
    %dma_wait3A_89 = arith.constant 0 : i32
    %dma_wait3A_90 = tpu.memref_slice %arg11[%dma_wait3A_88, %dma_wait3A_89] : memref<10240x128xf32, #tpu.memory_space<vmem_shared>> -> memref<10240x128xf32, #tpu.memory_space<vmem_shared>>
    tpu.wait_indirect_dma semaphore(%arg16 : memref<!tpu.dma_semaphore, #tpu.memory_space<semaphore_mem>>) src(%arg7 : memref<80x128xf32, #tpu.memory_space<vmem>>) dst(%dma_wait3A_90 : memref<10240x128xf32, #tpu.memory_space<vmem_shared>>)
    %dma_start3A_91 = arith.constant 1 : i32
    %dma_start3A_92 = arith.constant 1 : i32
    %dma_start3A_93 = arith.constant 0 : i32
    %dma_start3A_94 = arith.constant 0 : i32
    %dma_start3A_95 = arith.constant 0 : i32
    %dma_start3A_96 = tpu.memref_slice %arg6[%dma_start3A_92, %dma_start3A_93, %dma_start3A_94, %dma_start3A_95] : memref<2x16x2x80xi32, #tpu.memory_space<vmem>> -> memref<1x16x2x80xi32, #tpu.memory_space<vmem>>
    %dma_start3A_97 = tpu.memref_squeeze %dma_start3A_96 : memref<1x16x2x80xi32, #tpu.memory_space<vmem>> -> memref<16x2x80xi32, #tpu.memory_space<vmem>>
    %dma_start3A_98 = arith.constant 0 : i32
    %dma_start3A_99 = arith.constant 0 : i32
    %dma_start3A_100 = arith.constant 0 : i32
    %dma_start3A_101 = tpu.memref_slice %arg3[%add3A, %dma_start3A_91, %dma_start3A_98, %dma_start3A_99, %dma_start3A_100] : memref<32x8x16x2x80xi32, #tpu.memory_space<hbm>> -> memref<1x1x16x2x80xi32, #tpu.memory_space<hbm>>
    %dma_start3A_102 = tpu.memref_squeeze %dma_start3A_101 : memref<1x1x16x2x80xi32, #tpu.memory_space<hbm>> -> memref<16x2x80xi32, #tpu.memory_space<hbm>>
    %dma_start3A_103 = arith.constant 0 : i32
    %dma_start3A_104 = arith.constant 0 : i32
    %dma_start3A_105 = arith.constant 0 : i32
    %dma_start3A_106 = tpu.memref_slice %arg6[%dma_start3A_92, %dma_start3A_103, %dma_start3A_104, %dma_start3A_105] : memref<2x16x2x80xi32, #tpu.memory_space<vmem>> -> memref<1x16x2x80xi32, #tpu.memory_space<vmem>>
    %dma_start3A_107 = tpu.memref_squeeze %dma_start3A_106 : memref<1x16x2x80xi32, #tpu.memory_space<vmem>> -> memref<16x2x80xi32, #tpu.memory_space<vmem>>
    %dma_start3A_108 = arith.constant 0 : i32
    %dma_start3A_109 = arith.constant 0 : i32
    %dma_start3A_110 = arith.constant 0 : i32
    %dma_start3A_111 = tpu.memref_slice %arg3[%add3A, %dma_start3A_91, %dma_start3A_108, %dma_start3A_109, %dma_start3A_110] : memref<32x8x16x2x80xi32, #tpu.memory_space<hbm>> -> memref<1x1x16x2x80xi32, #tpu.memory_space<hbm>>
    %dma_start3A_112 = tpu.memref_squeeze %dma_start3A_111 : memref<1x1x16x2x80xi32, #tpu.memory_space<hbm>> -> memref<16x2x80xi32, #tpu.memory_space<hbm>>
    tpu.enqueue_dma source(%dma_start3A_112 : memref<16x2x80xi32, #tpu.memory_space<hbm>>) target(%dma_start3A_107 : memref<16x2x80xi32, #tpu.memory_space<vmem>>) target_semaphore(%arg21 : memref<!tpu.dma_semaphore, #tpu.memory_space<semaphore_mem>>)
    %dma_start3A_113 = arith.constant 0 : i32
    %dma_start3A_114 = arith.constant 4 : i32
    %dma_start3A_115 = arith.constant 0 : i32
    %dma_start3A_116 = arith.constant 0 : i32
    %dma_start3A_117 = tpu.memref_slice %arg6[%dma_start3A_113, %dma_start3A_114, %dma_start3A_115, %dma_start3A_116] : memref<2x16x2x80xi32, #tpu.memory_space<vmem>> -> memref<1x1x1x80xi32, #tpu.memory_space<vmem>>
    %dma_start3A_118 = tpu.memref_squeeze %dma_start3A_117 : memref<1x1x1x80xi32, #tpu.memory_space<vmem>> -> memref<80xi32, #tpu.memory_space<vmem>>
    %dma_start3A_119 = arith.constant 0 : i32
    %dma_start3A_120 = arith.constant 0 : i32
    %dma_start3A_121 = tpu.memref_slice %arg2[%dma_start3A_119, %dma_start3A_120] : memref<10000x128xf32, #tpu.memory_space<hbm>> -> memref<10000x128xf32, #tpu.memory_space<hbm>>
    tpu.enqueue_indirect_dma source(%dma_start3A_121 : memref<10000x128xf32, #tpu.memory_space<hbm>>) target(%arg7 : memref<80x128xf32, #tpu.memory_space<vmem>>) offsets(%dma_start3A_118 : memref<80xi32, #tpu.memory_space<vmem>>) semaphore(%arg12 : memref<!tpu.dma_semaphore, #tpu.memory_space<semaphore_mem>>)
    %dma_wait3A_122 = arith.constant 0 : i32
    %dma_wait3A_123 = arith.constant 0 : i32
    %dma_wait3A_124 = arith.constant 0 : i32
    %dma_wait3A_125 = arith.constant 0 : i32
    %dma_wait3A_126 = tpu.memref_slice %arg6[%dma_wait3A_122, %dma_wait3A_123, %dma_wait3A_124, %dma_wait3A_125] : memref<2x16x2x80xi32, #tpu.memory_space<vmem>> -> memref<1x1x1x80xi32, #tpu.memory_space<vmem>>
    %dma_wait3A_127 = tpu.memref_squeeze %dma_wait3A_126 : memref<1x1x1x80xi32, #tpu.memory_space<vmem>> -> memref<80xi32, #tpu.memory_space<vmem>>
    %dma_wait3A_128 = arith.constant 0 : i32
    %dma_wait3A_129 = arith.constant 0 : i32
    %dma_wait3A_130 = tpu.memref_slice %arg2[%dma_wait3A_128, %dma_wait3A_129] : memref<10000x128xf32, #tpu.memory_space<hbm>> -> memref<10000x128xf32, #tpu.memory_space<hbm>>
    tpu.wait_indirect_dma semaphore(%arg14 : memref<!tpu.dma_semaphore, #tpu.memory_space<semaphore_mem>>) src(%dma_wait3A_130 : memref<10000x128xf32, #tpu.memory_space<hbm>>) dst(%arg9 : memref<80x128xf32, #tpu.memory_space<vmem>>)
    %dma_start3A_131 = arith.constant 0 : i32
    %dma_start3A_132 = arith.constant 2 : i32
    %dma_start3A_133 = arith.constant 1 : i32
    %dma_start3A_134 = arith.constant 0 : i32
    %dma_start3A_135 = tpu.memref_slice %arg6[%dma_start3A_131, %dma_start3A_132, %dma_start3A_133, %dma_start3A_134] : memref<2x16x2x80xi32, #tpu.memory_space<vmem>> -> memref<1x1x1x80xi32, #tpu.memory_space<vmem>>
    %dma_start3A_136 = tpu.memref_squeeze %dma_start3A_135 : memref<1x1x1x80xi32, #tpu.memory_space<vmem>> -> memref<80xi32, #tpu.memory_space<vmem>>
    %dma_start3A_137 = arith.constant 0 : i32
    %dma_start3A_138 = arith.constant 0 : i32
    %dma_start3A_139 = tpu.memref_slice %arg11[%dma_start3A_137, %dma_start3A_138] : memref<10240x128xf32, #tpu.memory_space<vmem_shared>> -> memref<10240x128xf32, #tpu.memory_space<vmem_shared>>
    tpu.enqueue_indirect_dma source(%arg9 : memref<80x128xf32, #tpu.memory_space<vmem>>) target(%dma_start3A_139 : memref<10240x128xf32, #tpu.memory_space<vmem_shared>>) offsets(%dma_start3A_136 : memref<80xi32, #tpu.memory_space<vmem>>) semaphore(%arg18 : memref<!tpu.dma_semaphore, #tpu.memory_space<semaphore_mem>>) {add = true}
    %dma_wait3A_140 = arith.constant 0 : i32
    %dma_wait3A_141 = arith.constant 0 : i32
    %dma_wait3A_142 = arith.constant 1 : i32
    %dma_wait3A_143 = arith.constant 0 : i32
    %dma_wait3A_144 = tpu.memref_slice %arg6[%dma_wait3A_140, %dma_wait3A_141, %dma_wait3A_142, %dma_wait3A_143] : memref<2x16x2x80xi32, #tpu.memory_space<vmem>> -> memref<1x1x1x80xi32, #tpu.memory_space<vmem>>
    %dma_wait3A_145 = tpu.memref_squeeze %dma_wait3A_144 : memref<1x1x1x80xi32, #tpu.memory_space<vmem>> -> memref<80xi32, #tpu.memory_space<vmem>>
    %dma_wait3A_146 = arith.constant 0 : i32
    %dma_wait3A_147 = arith.constant 0 : i32
    %dma_wait3A_148 = tpu.memref_slice %arg11[%dma_wait3A_146, %dma_wait3A_147] : memref<10240x128xf32, #tpu.memory_space<vmem_shared>> -> memref<10240x128xf32, #tpu.memory_space<vmem_shared>>
    tpu.wait_indirect_dma semaphore(%arg17 : memref<!tpu.dma_semaphore, #tpu.memory_space<semaphore_mem>>) src(%arg8 : memref<80x128xf32, #tpu.memory_space<vmem>>) dst(%dma_wait3A_148 : memref<10240x128xf32, #tpu.memory_space<vmem_shared>>)
    %dma_start3A_149 = arith.constant 0 : i32
    %dma_start3A_150 = arith.constant 5 : i32
    %dma_start3A_151 = arith.constant 0 : i32
    %dma_start3A_152 = arith.constant 0 : i32
    %dma_start3A_153 = tpu.memref_slice %arg6[%dma_start3A_149, %dma_start3A_150, %dma_start3A_151, %dma_start3A_152] : memref<2x16x2x80xi32, #tpu.memory_space<vmem>> -> memref<1x1x1x80xi32, #tpu.memory_space<vmem>>
    %dma_start3A_154 = tpu.memref_squeeze %dma_start3A_153 : memref<1x1x1x80xi32, #tpu.memory_space<vmem>> -> memref<80xi32, #tpu.memory_space<vmem>>
    %dma_start3A_155 = arith.constant 0 : i32
    %dma_start3A_156 = arith.constant 0 : i32
    %dma_start3A_157 = tpu.memref_slice %arg2[%dma_start3A_155, %dma_start3A_156] : memref<10000x128xf32, #tpu.memory_space<hbm>> -> memref<10000x128xf32, #tpu.memory_space<hbm>>
    tpu.enqueue_indirect_dma source(%dma_start3A_157 : memref<10000x128xf32, #tpu.memory_space<hbm>>) target(%arg8 : memref<80x128xf32, #tpu.memory_space<vmem>>) offsets(%dma_start3A_154 : memref<80xi32, #tpu.memory_space<vmem>>) semaphore(%arg13 : memref<!tpu.dma_semaphore, #tpu.memory_space<semaphore_mem>>)
    %dma_wait3A_158 = arith.constant 0 : i32
    %dma_wait3A_159 = arith.constant 0 : i32
    %dma_wait3A_160 = arith.constant 0 : i32
    %dma_wait3A_161 = arith.constant 0 : i32
    %dma_wait3A_162 = tpu.memref_slice %arg6[%dma_wait3A_158, %dma_wait3A_159, %dma_wait3A_160, %dma_wait3A_161] : memref<2x16x2x80xi32, #tpu.memory_space<vmem>> -> memref<1x1x1x80xi32, #tpu.memory_space<vmem>>
    %dma_wait3A_163 = tpu.memref_squeeze %dma_wait3A_162 : memref<1x1x1x80xi32, #tpu.memory_space<vmem>> -> memref<80xi32, #tpu.memory_space<vmem>>
    %dma_wait3A_164 = arith.constant 0 : i32
    %dma_wait3A_165 = arith.constant 0 : i32
    %dma_wait3A_166 = tpu.memref_slice %arg2[%dma_wait3A_164, %dma_wait3A_165] : memref<10000x128xf32, #tpu.memory_space<hbm>> -> memref<10000x128xf32, #tpu.memory_space<hbm>>
    tpu.wait_indirect_dma semaphore(%arg15 : memref<!tpu.dma_semaphore, #tpu.memory_space<semaphore_mem>>) src(%dma_wait3A_166 : memref<10000x128xf32, #tpu.memory_space<hbm>>) dst(%arg10 : memref<80x128xf32, #tpu.memory_space<vmem>>)
    %dma_start3A_167 = arith.constant 0 : i32
    %dma_start3A_168 = arith.constant 3 : i32
    %dma_start3A_169 = arith.constant 1 : i32
    %dma_start3A_170 = arith.constant 0 : i32
    %dma_start3A_171 = tpu.memref_slice %arg6[%dma_start3A_167, %dma_start3A_168, %dma_start3A_169, %dma_start3A_170] : memref<2x16x2x80xi32, #tpu.memory_space<vmem>> -> memref<1x1x1x80xi32, #tpu.memory_space<vmem>>
    %dma_start3A_172 = tpu.memref_squeeze %dma_start3A_171 : memref<1x1x1x80xi32, #tpu.memory_space<vmem>> -> memref<80xi32, #tpu.memory_space<vmem>>
    %dma_start3A_173 = arith.constant 0 : i32
    %dma_start3A_174 = arith.constant 0 : i32
    %dma_start3A_175 = tpu.memref_slice %arg11[%dma_start3A_173, %dma_start3A_174] : memref<10240x128xf32, #tpu.memory_space<vmem_shared>> -> memref<10240x128xf32, #tpu.memory_space<vmem_shared>>
    tpu.enqueue_indirect_dma source(%arg10 : memref<80x128xf32, #tpu.memory_space<vmem>>) target(%dma_start3A_175 : memref<10240x128xf32, #tpu.memory_space<vmem_shared>>) offsets(%dma_start3A_172 : memref<80xi32, #tpu.memory_space<vmem>>) semaphore(%arg19 : memref<!tpu.dma_semaphore, #tpu.memory_space<semaphore_mem>>) {add = true}
    %dma_wait3A_176 = arith.constant 0 : i32
    %dma_wait3A_177 = arith.constant 0 : i32
    %dma_wait3A_178 = arith.constant 1 : i32
    %dma_wait3A_179 = arith.constant 0 : i32
    %dma_wait3A_180 = tpu.memref_slice %arg6[%dma_wait3A_176, %dma_wait3A_177, %dma_wait3A_178, %dma_wait3A_179] : memref<2x16x2x80xi32, #tpu.memory_space<vmem>> -> memref<1x1x1x80xi32, #tpu.memory_space<vmem>>
    %dma_wait3A_181 = tpu.memref_squeeze %dma_wait3A_180 : memref<1x1x1x80xi32, #tpu.memory_space<vmem>> -> memref<80xi32, #tpu.memory_space<vmem>>
    %dma_wait3A_182 = arith.constant 0 : i32
    %dma_wait3A_183 = arith.constant 0 : i32
    %dma_wait3A_184 = tpu.memref_slice %arg11[%dma_wait3A_182, %dma_wait3A_183] : memref<10240x128xf32, #tpu.memory_space<vmem_shared>> -> memref<10240x128xf32, #tpu.memory_space<vmem_shared>>
    tpu.wait_indirect_dma semaphore(%arg18 : memref<!tpu.dma_semaphore, #tpu.memory_space<semaphore_mem>>) src(%arg9 : memref<80x128xf32, #tpu.memory_space<vmem>>) dst(%dma_wait3A_184 : memref<10240x128xf32, #tpu.memory_space<vmem_shared>>)
    %dma_start3A_185 = arith.constant 0 : i32
    %dma_start3A_186 = arith.constant 6 : i32
    %dma_start3A_187 = arith.constant 0 : i32
    %dma_start3A_188 = arith.constant 0 : i32
    %dma_start3A_189 = tpu.memref_slice %arg6[%dma_start3A_185, %dma_start3A_186, %dma_start3A_187, %dma_start3A_188] : memref<2x16x2x80xi32, #tpu.memory_space<vmem>> -> memref<1x1x1x80xi32, #tpu.memory_space<vmem>>
    %dma_start3A_190 = tpu.memref_squeeze %dma_start3A_189 : memref<1x1x1x80xi32, #tpu.memory_space<vmem>> -> memref<80xi32, #tpu.memory_space<vmem>>
    %dma_start3A_191 = arith.constant 0 : i32
    %dma_start3A_192 = arith.constant 0 : i32
    %dma_start3A_193 = tpu.memref_slice %arg2[%dma_start3A_191, %dma_start3A_192] : memref<10000x128xf32, #tpu.memory_space<hbm>> -> memref<10000x128xf32, #tpu.memory_space<hbm>>
    tpu.enqueue_indirect_dma source(%dma_start3A_193 : memref<10000x128xf32, #tpu.memory_space<hbm>>) target(%arg9 : memref<80x128xf32, #tpu.memory_space<vmem>>) offsets(%dma_start3A_190 : memref<80xi32, #tpu.memory_space<vmem>>) semaphore(%arg14 : memref<!tpu.dma_semaphore, #tpu.memory_space<semaphore_mem>>)
    %dma_wait3A_194 = arith.constant 0 : i32
    %dma_wait3A_195 = arith.constant 0 : i32
    %dma_wait3A_196 = arith.constant 0 : i32
    %dma_wait3A_197 = arith.constant 0 : i32
    %dma_wait3A_198 = tpu.memref_slice %arg6[%dma_wait3A_194, %dma_wait3A_195, %dma_wait3A_196, %dma_wait3A_197] : memref<2x16x2x80xi32, #tpu.memory_space<vmem>> -> memref<1x1x1x80xi32, #tpu.memory_space<vmem>>
    %dma_wait3A_199 = tpu.memref_squeeze %dma_wait3A_198 : memref<1x1x1x80xi32, #tpu.memory_space<vmem>> -> memref<80xi32, #tpu.memory_space<vmem>>
    %dma_wait3A_200 = arith.constant 0 : i32
    %dma_wait3A_201 = arith.constant 0 : i32
    %dma_wait3A_202 = tpu.memref_slice %arg2[%dma_wait3A_200, %dma_wait3A_201] : memref<10000x128xf32, #tpu.memory_space<hbm>> -> memref<10000x128xf32, #tpu.memory_space<hbm>>
    tpu.wait_indirect_dma semaphore(%arg12 : memref<!tpu.dma_semaphore, #tpu.memory_space<semaphore_mem>>) src(%dma_wait3A_202 : memref<10000x128xf32, #tpu.memory_space<hbm>>) dst(%arg7 : memref<80x128xf32, #tpu.memory_space<vmem>>)
    %dma_start3A_203 = arith.constant 0 : i32
    %dma_start3A_204 = arith.constant 4 : i32
    %dma_start3A_205 = arith.constant 1 : i32
    %dma_start3A_206 = arith.constant 0 : i32
    %dma_start3A_207 = tpu.memref_slice %arg6[%dma_start3A_203, %dma_start3A_204, %dma_start3A_205, %dma_start3A_206] : memref<2x16x2x80xi32, #tpu.memory_space<vmem>> -> memref<1x1x1x80xi32, #tpu.memory_space<vmem>>
    %dma_start3A_208 = tpu.memref_squeeze %dma_start3A_207 : memref<1x1x1x80xi32, #tpu.memory_space<vmem>> -> memref<80xi32, #tpu.memory_space<vmem>>
    %dma_start3A_209 = arith.constant 0 : i32
    %dma_start3A_210 = arith.constant 0 : i32
    %dma_start3A_211 = tpu.memref_slice %arg11[%dma_start3A_209, %dma_start3A_210] : memref<10240x128xf32, #tpu.memory_space<vmem_shared>> -> memref<10240x128xf32, #tpu.memory_space<vmem_shared>>
    tpu.enqueue_indirect_dma source(%arg7 : memref<80x128xf32, #tpu.memory_space<vmem>>) target(%dma_start3A_211 : memref<10240x128xf32, #tpu.memory_space<vmem_shared>>) offsets(%dma_start3A_208 : memref<80xi32, #tpu.memory_space<vmem>>) semaphore(%arg16 : memref<!tpu.dma_semaphore, #tpu.memory_space<semaphore_mem>>) {add = true}
    %dma_wait3A_212 = arith.constant 0 : i32
    %dma_wait3A_213 = arith.constant 0 : i32
    %dma_wait3A_214 = arith.constant 1 : i32
    %dma_wait3A_215 = arith.constant 0 : i32
    %dma_wait3A_216 = tpu.memref_slice %arg6[%dma_wait3A_212, %dma_wait3A_213, %dma_wait3A_214, %dma_wait3A_215] : memref<2x16x2x80xi32, #tpu.memory_space<vmem>> -> memref<1x1x1x80xi32, #tpu.memory_space<vmem>>
    %dma_wait3A_217 = tpu.memref_squeeze %dma_wait3A_216 : memref<1x1x1x80xi32, #tpu.memory_space<vmem>> -> memref<80xi32, #tpu.memory_space<vmem>>
    %dma_wait3A_218 = arith.constant 0 : i32
    %dma_wait3A_219 = arith.constant 0 : i32
    %dma_wait3A_220 = tpu.memref_slice %arg11[%dma_wait3A_218, %dma_wait3A_219] : memref<10240x128xf32, #tpu.memory_space<vmem_shared>> -> memref<10240x128xf32, #tpu.memory_space<vmem_shared>>
    tpu.wait_indirect_dma semaphore(%arg19 : memref<!tpu.dma_semaphore, #tpu.memory_space<semaphore_mem>>) src(%arg10 : memref<80x128xf32, #tpu.memory_space<vmem>>) dst(%dma_wait3A_220 : memref<10240x128xf32, #tpu.memory_space<vmem_shared>>)
    %dma_start3A_221 = arith.constant 0 : i32
    %dma_start3A_222 = arith.constant 7 : i32
    %dma_start3A_223 = arith.constant 0 : i32
    %dma_start3A_224 = arith.constant 0 : i32
    %dma_start3A_225 = tpu.memref_slice %arg6[%dma_start3A_221, %dma_start3A_222, %dma_start3A_223, %dma_start3A_224] : memref<2x16x2x80xi32, #tpu.memory_space<vmem>> -> memref<1x1x1x80xi32, #tpu.memory_space<vmem>>
    %dma_start3A_226 = tpu.memref_squeeze %dma_start3A_225 : memref<1x1x1x80xi32, #tpu.memory_space<vmem>> -> memref<80xi32, #tpu.memory_space<vmem>>
    %dma_start3A_227 = arith.constant 0 : i32
    %dma_start3A_228 = arith.constant 0 : i32
    %dma_start3A_229 = tpu.memref_slice %arg2[%dma_start3A_227, %dma_start3A_228] : memref<10000x128xf32, #tpu.memory_space<hbm>> -> memref<10000x128xf32, #tpu.memory_space<hbm>>
    tpu.enqueue_indirect_dma source(%dma_start3A_229 : memref<10000x128xf32, #tpu.memory_space<hbm>>) target(%arg10 : memref<80x128xf32, #tpu.memory_space<vmem>>) offsets(%dma_start3A_226 : memref<80xi32, #tpu.memory_space<vmem>>) semaphore(%arg15 : memref<!tpu.dma_semaphore, #tpu.memory_space<semaphore_mem>>)
    %dma_wait3A_230 = arith.constant 0 : i32
    %dma_wait3A_231 = arith.constant 0 : i32
    %dma_wait3A_232 = arith.constant 0 : i32
    %dma_wait3A_233 = arith.constant 0 : i32
    %dma_wait3A_234 = tpu.memref_slice %arg6[%dma_wait3A_230, %dma_wait3A_231, %dma_wait3A_232, %dma_wait3A_233] : memref<2x16x2x80xi32, #tpu.memory_space<vmem>> -> memref<1x1x1x80xi32, #tpu.memory_space<vmem>>
    %dma_wait3A_235 = tpu.memref_squeeze %dma_wait3A_234 : memref<1x1x1x80xi32, #tpu.memory_space<vmem>> -> memref<80xi32, #tpu.memory_space<vmem>>
    %dma_wait3A_236 = arith.constant 0 : i32
    %dma_wait3A_237 = arith.constant 0 : i32
    %dma_wait3A_238 = tpu.memref_slice %arg2[%dma_wait3A_236, %dma_wait3A_237] : memref<10000x128xf32, #tpu.memory_space<hbm>> -> memref<10000x128xf32, #tpu.memory_space<hbm>>
    tpu.wait_indirect_dma semaphore(%arg13 : memref<!tpu.dma_semaphore, #tpu.memory_space<semaphore_mem>>) src(%dma_wait3A_238 : memref<10000x128xf32, #tpu.memory_space<hbm>>) dst(%arg8 : memref<80x128xf32, #tpu.memory_space<vmem>>)
    %dma_start3A_239 = arith.constant 0 : i32
    %dma_start3A_240 = arith.constant 5 : i32
    %dma_start3A_241 = arith.constant 1 : i32
    %dma_start3A_242 = arith.constant 0 : i32
    %dma_start3A_243 = tpu.memref_slice %arg6[%dma_start3A_239, %dma_start3A_240, %dma_start3A_241, %dma_start3A_242] : memref<2x16x2x80xi32, #tpu.memory_space<vmem>> -> memref<1x1x1x80xi32, #tpu.memory_space<vmem>>
    %dma_start3A_244 = tpu.memref_squeeze %dma_start3A_243 : memref<1x1x1x80xi32, #tpu.memory_space<vmem>> -> memref<80xi32, #tpu.memory_space<vmem>>
    %dma_start3A_245 = arith.constant 0 : i32
    %dma_start3A_246 = arith.constant 0 : i32
    %dma_start3A_247 = tpu.memref_slice %arg11[%dma_start3A_245, %dma_start3A_246] : memref<10240x128xf32, #tpu.memory_space<vmem_shared>> -> memref<10240x128xf32, #tpu.memory_space<vmem_shared>>
    tpu.enqueue_indirect_dma source(%arg8 : memref<80x128xf32, #tpu.memory_space<vmem>>) target(%dma_start3A_247 : memref<10240x128xf32, #tpu.memory_space<vmem_shared>>) offsets(%dma_start3A_244 : memref<80xi32, #tpu.memory_space<vmem>>) semaphore(%arg17 : memref<!tpu.dma_semaphore, #tpu.memory_space<semaphore_mem>>) {add = true}
    %dma_wait3A_248 = arith.constant 0 : i32
    %dma_wait3A_249 = arith.constant 0 : i32
    %dma_wait3A_250 = arith.constant 1 : i32
    %dma_wait3A_251 = arith.constant 0 : i32
    %dma_wait3A_252 = tpu.memref_slice %arg6[%dma_wait3A_248, %dma_wait3A_249, %dma_wait3A_250, %dma_wait3A_251] : memref<2x16x2x80xi32, #tpu.memory_space<vmem>> -> memref<1x1x1x80xi32, #tpu.memory_space<vmem>>
    %dma_wait3A_253 = tpu.memref_squeeze %dma_wait3A_252 : memref<1x1x1x80xi32, #tpu.memory_space<vmem>> -> memref<80xi32, #tpu.memory_space<vmem>>
    %dma_wait3A_254 = arith.constant 0 : i32
    %dma_wait3A_255 = arith.constant 0 : i32
    %dma_wait3A_256 = tpu.memref_slice %arg11[%dma_wait3A_254, %dma_wait3A_255] : memref<10240x128xf32, #tpu.memory_space<vmem_shared>> -> memref<10240x128xf32, #tpu.memory_space<vmem_shared>>
    tpu.wait_indirect_dma semaphore(%arg16 : memref<!tpu.dma_semaphore, #tpu.memory_space<semaphore_mem>>) src(%arg7 : memref<80x128xf32, #tpu.memory_space<vmem>>) dst(%dma_wait3A_256 : memref<10240x128xf32, #tpu.memory_space<vmem_shared>>)
    %dma_start3A_257 = arith.constant 0 : i32
    %dma_start3A_258 = arith.constant 8 : i32
    %dma_start3A_259 = arith.constant 0 : i32
    %dma_start3A_260 = arith.constant 0 : i32
    %dma_start3A_261 = tpu.memref_slice %arg6[%dma_start3A_257, %dma_start3A_258, %dma_start3A_259, %dma_start3A_260] : memref<2x16x2x80xi32, #tpu.memory_space<vmem>> -> memref<1x1x1x80xi32, #tpu.memory_space<vmem>>
    %dma_start3A_262 = tpu.memref_squeeze %dma_start3A_261 : memref<1x1x1x80xi32, #tpu.memory_space<vmem>> -> memref<80xi32, #tpu.memory_space<vmem>>
    %dma_start3A_263 = arith.constant 0 : i32
    %dma_start3A_264 = arith.constant 0 : i32
    %dma_start3A_265 = tpu.memref_slice %arg2[%dma_start3A_263, %dma_start3A_264] : memref<10000x128xf32, #tpu.memory_space<hbm>> -> memref<10000x128xf32, #tpu.memory_space<hbm>>
    tpu.enqueue_indirect_dma source(%dma_start3A_265 : memref<10000x128xf32, #tpu.memory_space<hbm>>) target(%arg7 : memref<80x128xf32, #tpu.memory_space<vmem>>) offsets(%dma_start3A_262 : memref<80xi32, #tpu.memory_space<vmem>>) semaphore(%arg12 : memref<!tpu.dma_semaphore, #tpu.memory_space<semaphore_mem>>)
    %dma_wait3A_266 = arith.constant 0 : i32
    %dma_wait3A_267 = arith.constant 0 : i32
    %dma_wait3A_268 = arith.constant 0 : i32
    %dma_wait3A_269 = arith.constant 0 : i32
    %dma_wait3A_270 = tpu.memref_slice %arg6[%dma_wait3A_266, %dma_wait3A_267, %dma_wait3A_268, %dma_wait3A_269] : memref<2x16x2x80xi32, #tpu.memory_space<vmem>> -> memref<1x1x1x80xi32, #tpu.memory_space<vmem>>
    %dma_wait3A_271 = tpu.memref_squeeze %dma_wait3A_270 : memref<1x1x1x80xi32, #tpu.memory_space<vmem>> -> memref<80xi32, #tpu.memory_space<vmem>>
    %dma_wait3A_272 = arith.constant 0 : i32
    %dma_wait3A_273 = arith.constant 0 : i32
    %dma_wait3A_274 = tpu.memref_slice %arg2[%dma_wait3A_272, %dma_wait3A_273] : memref<10000x128xf32, #tpu.memory_space<hbm>> -> memref<10000x128xf32, #tpu.memory_space<hbm>>
    tpu.wait_indirect_dma semaphore(%arg14 : memref<!tpu.dma_semaphore, #tpu.memory_space<semaphore_mem>>) src(%dma_wait3A_274 : memref<10000x128xf32, #tpu.memory_space<hbm>>) dst(%arg9 : memref<80x128xf32, #tpu.memory_space<vmem>>)
    %dma_start3A_275 = arith.constant 0 : i32
    %dma_start3A_276 = arith.constant 6 : i32
    %dma_start3A_277 = arith.constant 1 : i32
    %dma_start3A_278 = arith.constant 0 : i32
    %dma_start3A_279 = tpu.memref_slice %arg6[%dma_start3A_275, %dma_start3A_276, %dma_start3A_277, %dma_start3A_278] : memref<2x16x2x80xi32, #tpu.memory_space<vmem>> -> memref<1x1x1x80xi32, #tpu.memory_space<vmem>>
    %dma_start3A_280 = tpu.memref_squeeze %dma_start3A_279 : memref<1x1x1x80xi32, #tpu.memory_space<vmem>> -> memref<80xi32, #tpu.memory_space<vmem>>
    %dma_start3A_281 = arith.constant 0 : i32
    %dma_start3A_282 = arith.constant 0 : i32
    %dma_start3A_283 = tpu.memref_slice %arg11[%dma_start3A_281, %dma_start3A_282] : memref<10240x128xf32, #tpu.memory_space<vmem_shared>> -> memref<10240x128xf32, #tpu.memory_space<vmem_shared>>
    tpu.enqueue_indirect_dma source(%arg9 : memref<80x128xf32, #tpu.memory_space<vmem>>) target(%dma_start3A_283 : memref<10240x128xf32, #tpu.memory_space<vmem_shared>>) offsets(%dma_start3A_280 : memref<80xi32, #tpu.memory_space<vmem>>) semaphore(%arg18 : memref<!tpu.dma_semaphore, #tpu.memory_space<semaphore_mem>>) {add = true}
    %dma_wait3A_284 = arith.constant 0 : i32
    %dma_wait3A_285 = arith.constant 0 : i32
    %dma_wait3A_286 = arith.constant 1 : i32
    %dma_wait3A_287 = arith.constant 0 : i32
    %dma_wait3A_288 = tpu.memref_slice %arg6[%dma_wait3A_284, %dma_wait3A_285, %dma_wait3A_286, %dma_wait3A_287] : memref<2x16x2x80xi32, #tpu.memory_space<vmem>> -> memref<1x1x1x80xi32, #tpu.memory_space<vmem>>
    %dma_wait3A_289 = tpu.memref_squeeze %dma_wait3A_288 : memref<1x1x1x80xi32, #tpu.memory_space<vmem>> -> memref<80xi32, #tpu.memory_space<vmem>>
    %dma_wait3A_290 = arith.constant 0 : i32
    %dma_wait3A_291 = arith.constant 0 : i32
    %dma_wait3A_292 = tpu.memref_slice %arg11[%dma_wait3A_290, %dma_wait3A_291] : memref<10240x128xf32, #tpu.memory_space<vmem_shared>> -> memref<10240x128xf32, #tpu.memory_space<vmem_shared>>
    tpu.wait_indirect_dma semaphore(%arg17 : memref<!tpu.dma_semaphore, #tpu.memory_space<semaphore_mem>>) src(%arg8 : memref<80x128xf32, #tpu.memory_space<vmem>>) dst(%dma_wait3A_292 : memref<10240x128xf32, #tpu.memory_space<vmem_shared>>)
    %dma_start3A_293 = arith.constant 0 : i32
    %dma_start3A_294 = arith.constant 9 : i32
    %dma_start3A_295 = arith.constant 0 : i32
    %dma_start3A_296 = arith.constant 0 : i32
    %dma_start3A_297 = tpu.memref_slice %arg6[%dma_start3A_293, %dma_start3A_294, %dma_start3A_295, %dma_start3A_296] : memref<2x16x2x80xi32, #tpu.memory_space<vmem>> -> memref<1x1x1x80xi32, #tpu.memory_space<vmem>>
    %dma_start3A_298 = tpu.memref_squeeze %dma_start3A_297 : memref<1x1x1x80xi32, #tpu.memory_space<vmem>> -> memref<80xi32, #tpu.memory_space<vmem>>
    %dma_start3A_299 = arith.constant 0 : i32
    %dma_start3A_300 = arith.constant 0 : i32
    %dma_start3A_301 = tpu.memref_slice %arg2[%dma_start3A_299, %dma_start3A_300] : memref<10000x128xf32, #tpu.memory_space<hbm>> -> memref<10000x128xf32, #tpu.memory_space<hbm>>
    tpu.enqueue_indirect_dma source(%dma_start3A_301 : memref<10000x128xf32, #tpu.memory_space<hbm>>) target(%arg8 : memref<80x128xf32, #tpu.memory_space<vmem>>) offsets(%dma_start3A_298 : memref<80xi32, #tpu.memory_space<vmem>>) semaphore(%arg13 : memref<!tpu.dma_semaphore, #tpu.memory_space<semaphore_mem>>)
    %dma_wait3A_302 = arith.constant 0 : i32
    %dma_wait3A_303 = arith.constant 0 : i32
    %dma_wait3A_304 = arith.constant 0 : i32
    %dma_wait3A_305 = arith.constant 0 : i32
    %dma_wait3A_306 = tpu.memref_slice %arg6[%dma_wait3A_302, %dma_wait3A_303, %dma_wait3A_304, %dma_wait3A_305] : memref<2x16x2x80xi32, #tpu.memory_space<vmem>> -> memref<1x1x1x80xi32, #tpu.memory_space<vmem>>
    %dma_wait3A_307 = tpu.memref_squeeze %dma_wait3A_306 : memref<1x1x1x80xi32, #tpu.memory_space<vmem>> -> memref<80xi32, #tpu.memory_space<vmem>>
    %dma_wait3A_308 = arith.constant 0 : i32
    %dma_wait3A_309 = arith.constant 0 : i32
    %dma_wait3A_310 = tpu.memref_slice %arg2[%dma_wait3A_308, %dma_wait3A_309] : memref<10000x128xf32, #tpu.memory_space<hbm>> -> memref<10000x128xf32, #tpu.memory_space<hbm>>
    tpu.wait_indirect_dma semaphore(%arg15 : memref<!tpu.dma_semaphore, #tpu.memory_space<semaphore_mem>>) src(%dma_wait3A_310 : memref<10000x128xf32, #tpu.memory_space<hbm>>) dst(%arg10 : memref<80x128xf32, #tpu.memory_space<vmem>>)
    %dma_start3A_311 = arith.constant 0 : i32
    %dma_start3A_312 = arith.constant 7 : i32
    %dma_start3A_313 = arith.constant 1 : i32
    %dma_start3A_314 = arith.constant 0 : i32
    %dma_start3A_315 = tpu.memref_slice %arg6[%dma_start3A_311, %dma_start3A_312, %dma_start3A_313, %dma_start3A_314] : memref<2x16x2x80xi32, #tpu.memory_space<vmem>> -> memref<1x1x1x80xi32, #tpu.memory_space<vmem>>
    %dma_start3A_316 = tpu.memref_squeeze %dma_start3A_315 : memref<1x1x1x80xi32, #tpu.memory_space<vmem>> -> memref<80xi32, #tpu.memory_space<vmem>>
    %dma_start3A_317 = arith.constant 0 : i32
    %dma_start3A_318 = arith.constant 0 : i32
    %dma_start3A_319 = tpu.memref_slice %arg11[%dma_start3A_317, %dma_start3A_318] : memref<10240x128xf32, #tpu.memory_space<vmem_shared>> -> memref<10240x128xf32, #tpu.memory_space<vmem_shared>>
    tpu.enqueue_indirect_dma source(%arg10 : memref<80x128xf32, #tpu.memory_space<vmem>>) target(%dma_start3A_319 : memref<10240x128xf32, #tpu.memory_space<vmem_shared>>) offsets(%dma_start3A_316 : memref<80xi32, #tpu.memory_space<vmem>>) semaphore(%arg19 : memref<!tpu.dma_semaphore, #tpu.memory_space<semaphore_mem>>) {add = true}
    %dma_wait3A_320 = arith.constant 0 : i32
    %dma_wait3A_321 = arith.constant 0 : i32
    %dma_wait3A_322 = arith.constant 1 : i32
    %dma_wait3A_323 = arith.constant 0 : i32
    %dma_wait3A_324 = tpu.memref_slice %arg6[%dma_wait3A_320, %dma_wait3A_321, %dma_wait3A_322, %dma_wait3A_323] : memref<2x16x2x80xi32, #tpu.memory_space<vmem>> -> memref<1x1x1x80xi32, #tpu.memory_space<vmem>>
    %dma_wait3A_325 = tpu.memref_squeeze %dma_wait3A_324 : memref<1x1x1x80xi32, #tpu.memory_space<vmem>> -> memref<80xi32, #tpu.memory_space<vmem>>
    %dma_wait3A_326 = arith.constant 0 : i32
    %dma_wait3A_327 = arith.constant 0 : i32
    %dma_wait3A_328 = tpu.memref_slice %arg11[%dma_wait3A_326, %dma_wait3A_327] : memref<10240x128xf32, #tpu.memory_space<vmem_shared>> -> memref<10240x128xf32, #tpu.memory_space<vmem_shared>>
    tpu.wait_indirect_dma semaphore(%arg18 : memref<!tpu.dma_semaphore, #tpu.memory_space<semaphore_mem>>) src(%arg9 : memref<80x128xf32, #tpu.memory_space<vmem>>) dst(%dma_wait3A_328 : memref<10240x128xf32, #tpu.memory_space<vmem_shared>>)
    %dma_start3A_329 = arith.constant 0 : i32
    %dma_start3A_330 = arith.constant 10 : i32
    %dma_start3A_331 = arith.constant 0 : i32
    %dma_start3A_332 = arith.constant 0 : i32
    %dma_start3A_333 = tpu.memref_slice %arg6[%dma_start3A_329, %dma_start3A_330, %dma_start3A_331, %dma_start3A_332] : memref<2x16x2x80xi32, #tpu.memory_space<vmem>> -> memref<1x1x1x80xi32, #tpu.memory_space<vmem>>
    %dma_start3A_334 = tpu.memref_squeeze %dma_start3A_333 : memref<1x1x1x80xi32, #tpu.memory_space<vmem>> -> memref<80xi32, #tpu.memory_space<vmem>>
    %dma_start3A_335 = arith.constant 0 : i32
    %dma_start3A_336 = arith.constant 0 : i32
    %dma_start3A_337 = tpu.memref_slice %arg2[%dma_start3A_335, %dma_start3A_336] : memref<10000x128xf32, #tpu.memory_space<hbm>> -> memref<10000x128xf32, #tpu.memory_space<hbm>>
    tpu.enqueue_indirect_dma source(%dma_start3A_337 : memref<10000x128xf32, #tpu.memory_space<hbm>>) target(%arg9 : memref<80x128xf32, #tpu.memory_space<vmem>>) offsets(%dma_start3A_334 : memref<80xi32, #tpu.memory_space<vmem>>) semaphore(%arg14 : memref<!tpu.dma_semaphore, #tpu.memory_space<semaphore_mem>>)
    %dma_wait3A_338 = arith.constant 0 : i32
    %dma_wait3A_339 = arith.constant 0 : i32
    %dma_wait3A_340 = arith.constant 0 : i32
    %dma_wait3A_341 = arith.constant 0 : i32
    %dma_wait3A_342 = tpu.memref_slice %arg6[%dma_wait3A_338, %dma_wait3A_339, %dma_wait3A_340, %dma_wait3A_341] : memref<2x16x2x80xi32, #tpu.memory_space<vmem>> -> memref<1x1x1x80xi32, #tpu.memory_space<vmem>>
    %dma_wait3A_343 = tpu.memref_squeeze %dma_wait3A_342 : memref<1x1x1x80xi32, #tpu.memory_space<vmem>> -> memref<80xi32, #tpu.memory_space<vmem>>
    %dma_wait3A_344 = arith.constant 0 : i32
    %dma_wait3A_345 = arith.constant 0 : i32
    %dma_wait3A_346 = tpu.memref_slice %arg2[%dma_wait3A_344, %dma_wait3A_345] : memref<10000x128xf32, #tpu.memory_space<hbm>> -> memref<10000x128xf32, #tpu.memory_space<hbm>>
    tpu.wait_indirect_dma semaphore(%arg12 : memref<!tpu.dma_semaphore, #tpu.memory_space<semaphore_mem>>) src(%dma_wait3A_346 : memref<10000x128xf32, #tpu.memory_space<hbm>>) dst(%arg7 : memref<80x128xf32, #tpu.memory_space<vmem>>)
    %dma_start3A_347 = arith.constant 0 : i32
    %dma_start3A_348 = arith.constant 8 : i32
    %dma_start3A_349 = arith.constant 1 : i32
    %dma_start3A_350 = arith.constant 0 : i32
    %dma_start3A_351 = tpu.memref_slice %arg6[%dma_start3A_347, %dma_start3A_348, %dma_start3A_349, %dma_start3A_350] : memref<2x16x2x80xi32, #tpu.memory_space<vmem>> -> memref<1x1x1x80xi32, #tpu.memory_space<vmem>>
    %dma_start3A_352 = tpu.memref_squeeze %dma_start3A_351 : memref<1x1x1x80xi32, #tpu.memory_space<vmem>> -> memref<80xi32, #tpu.memory_space<vmem>>
    %dma_start3A_353 = arith.constant 0 : i32
    %dma_start3A_354 = arith.constant 0 : i32
    %dma_start3A_355 = tpu.memref_slice %arg11[%dma_start3A_353, %dma_start3A_354] : memref<10240x128xf32, #tpu.memory_space<vmem_shared>> -> memref<10240x128xf32, #tpu.memory_space<vmem_shared>>
    tpu.enqueue_indirect_dma source(%arg7 : memref<80x128xf32, #tpu.memory_space<vmem>>) target(%dma_start3A_355 : memref<10240x128xf32, #tpu.memory_space<vmem_shared>>) offsets(%dma_start3A_352 : memref<80xi32, #tpu.memory_space<vmem>>) semaphore(%arg16 : memref<!tpu.dma_semaphore, #tpu.memory_space<semaphore_mem>>) {add = true}
    %dma_wait3A_356 = arith.constant 0 : i32
    %dma_wait3A_357 = arith.constant 0 : i32
    %dma_wait3A_358 = arith.constant 1 : i32
    %dma_wait3A_359 = arith.constant 0 : i32
    %dma_wait3A_360 = tpu.memref_slice %arg6[%dma_wait3A_356, %dma_wait3A_357, %dma_wait3A_358, %dma_wait3A_359] : memref<2x16x2x80xi32, #tpu.memory_space<vmem>> -> memref<1x1x1x80xi32, #tpu.memory_space<vmem>>
    %dma_wait3A_361 = tpu.memref_squeeze %dma_wait3A_360 : memref<1x1x1x80xi32, #tpu.memory_space<vmem>> -> memref<80xi32, #tpu.memory_space<vmem>>
    %dma_wait3A_362 = arith.constant 0 : i32
    %dma_wait3A_363 = arith.constant 0 : i32
    %dma_wait3A_364 = tpu.memref_slice %arg11[%dma_wait3A_362, %dma_wait3A_363] : memref<10240x128xf32, #tpu.memory_space<vmem_shared>> -> memref<10240x128xf32, #tpu.memory_space<vmem_shared>>
    tpu.wait_indirect_dma semaphore(%arg19 : memref<!tpu.dma_semaphore, #tpu.memory_space<semaphore_mem>>) src(%arg10 : memref<80x128xf32, #tpu.memory_space<vmem>>) dst(%dma_wait3A_364 : memref<10240x128xf32, #tpu.memory_space<vmem_shared>>)
    %dma_start3A_365 = arith.constant 0 : i32
    %dma_start3A_366 = arith.constant 11 : i32
    %dma_start3A_367 = arith.constant 0 : i32
    %dma_start3A_368 = arith.constant 0 : i32
    %dma_start3A_369 = tpu.memref_slice %arg6[%dma_start3A_365, %dma_start3A_366, %dma_start3A_367, %dma_start3A_368] : memref<2x16x2x80xi32, #tpu.memory_space<vmem>> -> memref<1x1x1x80xi32, #tpu.memory_space<vmem>>
    %dma_start3A_370 = tpu.memref_squeeze %dma_start3A_369 : memref<1x1x1x80xi32, #tpu.memory_space<vmem>> -> memref<80xi32, #tpu.memory_space<vmem>>
    %dma_start3A_371 = arith.constant 0 : i32
    %dma_start3A_372 = arith.constant 0 : i32
    %dma_start3A_373 = tpu.memref_slice %arg2[%dma_start3A_371, %dma_start3A_372] : memref<10000x128xf32, #tpu.memory_space<hbm>> -> memref<10000x128xf32, #tpu.memory_space<hbm>>
    tpu.enqueue_indirect_dma source(%dma_start3A_373 : memref<10000x128xf32, #tpu.memory_space<hbm>>) target(%arg10 : memref<80x128xf32, #tpu.memory_space<vmem>>) offsets(%dma_start3A_370 : memref<80xi32, #tpu.memory_space<vmem>>) semaphore(%arg15 : memref<!tpu.dma_semaphore, #tpu.memory_space<semaphore_mem>>)
    %dma_wait3A_374 = arith.constant 0 : i32
    %dma_wait3A_375 = arith.constant 0 : i32
    %dma_wait3A_376 = arith.constant 0 : i32
    %dma_wait3A_377 = arith.constant 0 : i32
    %dma_wait3A_378 = tpu.memref_slice %arg6[%dma_wait3A_374, %dma_wait3A_375, %dma_wait3A_376, %dma_wait3A_377] : memref<2x16x2x80xi32, #tpu.memory_space<vmem>> -> memref<1x1x1x80xi32, #tpu.memory_space<vmem>>
    %dma_wait3A_379 = tpu.memref_squeeze %dma_wait3A_378 : memref<1x1x1x80xi32, #tpu.memory_space<vmem>> -> memref<80xi32, #tpu.memory_space<vmem>>
    %dma_wait3A_380 = arith.constant 0 : i32
    %dma_wait3A_381 = arith.constant 0 : i32
    %dma_wait3A_382 = tpu.memref_slice %arg2[%dma_wait3A_380, %dma_wait3A_381] : memref<10000x128xf32, #tpu.memory_space<hbm>> -> memref<10000x128xf32, #tpu.memory_space<hbm>>
    tpu.wait_indirect_dma semaphore(%arg13 : memref<!tpu.dma_semaphore, #tpu.memory_space<semaphore_mem>>) src(%dma_wait3A_382 : memref<10000x128xf32, #tpu.memory_space<hbm>>) dst(%arg8 : memref<80x128xf32, #tpu.memory_space<vmem>>)
    %dma_start3A_383 = arith.constant 0 : i32
    %dma_start3A_384 = arith.constant 9 : i32
    %dma_start3A_385 = arith.constant 1 : i32
    %dma_start3A_386 = arith.constant 0 : i32
    %dma_start3A_387 = tpu.memref_slice %arg6[%dma_start3A_383, %dma_start3A_384, %dma_start3A_385, %dma_start3A_386] : memref<2x16x2x80xi32, #tpu.memory_space<vmem>> -> memref<1x1x1x80xi32, #tpu.memory_space<vmem>>
    %dma_start3A_388 = tpu.memref_squeeze %dma_start3A_387 : memref<1x1x1x80xi32, #tpu.memory_space<vmem>> -> memref<80xi32, #tpu.memory_space<vmem>>
    %dma_start3A_389 = arith.constant 0 : i32
    %dma_start3A_390 = arith.constant 0 : i32
    %dma_start3A_391 = tpu.memref_slice %arg11[%dma_start3A_389, %dma_start3A_390] : memref<10240x128xf32, #tpu.memory_space<vmem_shared>> -> memref<10240x128xf32, #tpu.memory_space<vmem_shared>>
    tpu.enqueue_indirect_dma source(%arg8 : memref<80x128xf32, #tpu.memory_space<vmem>>) target(%dma_start3A_391 : memref<10240x128xf32, #tpu.memory_space<vmem_shared>>) offsets(%dma_start3A_388 : memref<80xi32, #tpu.memory_space<vmem>>) semaphore(%arg17 : memref<!tpu.dma_semaphore, #tpu.memory_space<semaphore_mem>>) {add = true}
    %dma_wait3A_392 = arith.constant 0 : i32
    %dma_wait3A_393 = arith.constant 0 : i32
    %dma_wait3A_394 = arith.constant 1 : i32
    %dma_wait3A_395 = arith.constant 0 : i32
    %dma_wait3A_396 = tpu.memref_slice %arg6[%dma_wait3A_392, %dma_wait3A_393, %dma_wait3A_394, %dma_wait3A_395] : memref<2x16x2x80xi32, #tpu.memory_space<vmem>> -> memref<1x1x1x80xi32, #tpu.memory_space<vmem>>
    %dma_wait3A_397 = tpu.memref_squeeze %dma_wait3A_396 : memref<1x1x1x80xi32, #tpu.memory_space<vmem>> -> memref<80xi32, #tpu.memory_space<vmem>>
    %dma_wait3A_398 = arith.constant 0 : i32
    %dma_wait3A_399 = arith.constant 0 : i32
    %dma_wait3A_400 = tpu.memref_slice %arg11[%dma_wait3A_398, %dma_wait3A_399] : memref<10240x128xf32, #tpu.memory_space<vmem_shared>> -> memref<10240x128xf32, #tpu.memory_space<vmem_shared>>
    tpu.wait_indirect_dma semaphore(%arg16 : memref<!tpu.dma_semaphore, #tpu.memory_space<semaphore_mem>>) src(%arg7 : memref<80x128xf32, #tpu.memory_space<vmem>>) dst(%dma_wait3A_400 : memref<10240x128xf32, #tpu.memory_space<vmem_shared>>)
    %dma_start3A_401 = arith.constant 0 : i32
    %dma_start3A_402 = arith.constant 12 : i32
    %dma_start3A_403 = arith.constant 0 : i32
    %dma_start3A_404 = arith.constant 0 : i32
    %dma_start3A_405 = tpu.memref_slice %arg6[%dma_start3A_401, %dma_start3A_402, %dma_start3A_403, %dma_start3A_404] : memref<2x16x2x80xi32, #tpu.memory_space<vmem>> -> memref<1x1x1x80xi32, #tpu.memory_space<vmem>>
    %dma_start3A_406 = tpu.memref_squeeze %dma_start3A_405 : memref<1x1x1x80xi32, #tpu.memory_space<vmem>> -> memref<80xi32, #tpu.memory_space<vmem>>
    %dma_start3A_407 = arith.constant 0 : i32
    %dma_start3A_408 = arith.constant 0 : i32
    %dma_start3A_409 = tpu.memref_slice %arg2[%dma_start3A_407, %dma_start3A_408] : memref<10000x128xf32, #tpu.memory_space<hbm>> -> memref<10000x128xf32, #tpu.memory_space<hbm>>
    tpu.enqueue_indirect_dma source(%dma_start3A_409 : memref<10000x128xf32, #tpu.memory_space<hbm>>) target(%arg7 : memref<80x128xf32, #tpu.memory_space<vmem>>) offsets(%dma_start3A_406 : memref<80xi32, #tpu.memory_space<vmem>>) semaphore(%arg12 : memref<!tpu.dma_semaphore, #tpu.memory_space<semaphore_mem>>)
    %dma_wait3A_410 = arith.constant 0 : i32
    %dma_wait3A_411 = arith.constant 0 : i32
    %dma_wait3A_412 = arith.constant 0 : i32
    %dma_wait3A_413 = arith.constant 0 : i32
    %dma_wait3A_414 = tpu.memref_slice %arg6[%dma_wait3A_410, %dma_wait3A_411, %dma_wait3A_412, %dma_wait3A_413] : memref<2x16x2x80xi32, #tpu.memory_space<vmem>> -> memref<1x1x1x80xi32, #tpu.memory_space<vmem>>
    %dma_wait3A_415 = tpu.memref_squeeze %dma_wait3A_414 : memref<1x1x1x80xi32, #tpu.memory_space<vmem>> -> memref<80xi32, #tpu.memory_space<vmem>>
    %dma_wait3A_416 = arith.constant 0 : i32
    %dma_wait3A_417 = arith.constant 0 : i32
    %dma_wait3A_418 = tpu.memref_slice %arg2[%dma_wait3A_416, %dma_wait3A_417] : memref<10000x128xf32, #tpu.memory_space<hbm>> -> memref<10000x128xf32, #tpu.memory_space<hbm>>
    tpu.wait_indirect_dma semaphore(%arg14 : memref<!tpu.dma_semaphore, #tpu.memory_space<semaphore_mem>>) src(%dma_wait3A_418 : memref<10000x128xf32, #tpu.memory_space<hbm>>) dst(%arg9 : memref<80x128xf32, #tpu.memory_space<vmem>>)
    %dma_start3A_419 = arith.constant 0 : i32
    %dma_start3A_420 = arith.constant 10 : i32
    %dma_start3A_421 = arith.constant 1 : i32
    %dma_start3A_422 = arith.constant 0 : i32
    %dma_start3A_423 = tpu.memref_slice %arg6[%dma_start3A_419, %dma_start3A_420, %dma_start3A_421, %dma_start3A_422] : memref<2x16x2x80xi32, #tpu.memory_space<vmem>> -> memref<1x1x1x80xi32, #tpu.memory_space<vmem>>
    %dma_start3A_424 = tpu.memref_squeeze %dma_start3A_423 : memref<1x1x1x80xi32, #tpu.memory_space<vmem>> -> memref<80xi32, #tpu.memory_space<vmem>>
    %dma_start3A_425 = arith.constant 0 : i32
    %dma_start3A_426 = arith.constant 0 : i32
    %dma_start3A_427 = tpu.memref_slice %arg11[%dma_start3A_425, %dma_start3A_426] : memref<10240x128xf32, #tpu.memory_space<vmem_shared>> -> memref<10240x128xf32, #tpu.memory_space<vmem_shared>>
    tpu.enqueue_indirect_dma source(%arg9 : memref<80x128xf32, #tpu.memory_space<vmem>>) target(%dma_start3A_427 : memref<10240x128xf32, #tpu.memory_space<vmem_shared>>) offsets(%dma_start3A_424 : memref<80xi32, #tpu.memory_space<vmem>>) semaphore(%arg18 : memref<!tpu.dma_semaphore, #tpu.memory_space<semaphore_mem>>) {add = true}
    %dma_wait3A_428 = arith.constant 0 : i32
    %dma_wait3A_429 = arith.constant 0 : i32
    %dma_wait3A_430 = arith.constant 1 : i32
    %dma_wait3A_431 = arith.constant 0 : i32
    %dma_wait3A_432 = tpu.memref_slice %arg6[%dma_wait3A_428, %dma_wait3A_429, %dma_wait3A_430, %dma_wait3A_431] : memref<2x16x2x80xi32, #tpu.memory_space<vmem>> -> memref<1x1x1x80xi32, #tpu.memory_space<vmem>>
    %dma_wait3A_433 = tpu.memref_squeeze %dma_wait3A_432 : memref<1x1x1x80xi32, #tpu.memory_space<vmem>> -> memref<80xi32, #tpu.memory_space<vmem>>
    %dma_wait3A_434 = arith.constant 0 : i32
    %dma_wait3A_435 = arith.constant 0 : i32
    %dma_wait3A_436 = tpu.memref_slice %arg11[%dma_wait3A_434, %dma_wait3A_435] : memref<10240x128xf32, #tpu.memory_space<vmem_shared>> -> memref<10240x128xf32, #tpu.memory_space<vmem_shared>>
    tpu.wait_indirect_dma semaphore(%arg17 : memref<!tpu.dma_semaphore, #tpu.memory_space<semaphore_mem>>) src(%arg8 : memref<80x128xf32, #tpu.memory_space<vmem>>) dst(%dma_wait3A_436 : memref<10240x128xf32, #tpu.memory_space<vmem_shared>>)
    %dma_start3A_437 = arith.constant 0 : i32
    %dma_start3A_438 = arith.constant 13 : i32
    %dma_start3A_439 = arith.constant 0 : i32
    %dma_start3A_440 = arith.constant 0 : i32
    %dma_start3A_441 = tpu.memref_slice %arg6[%dma_start3A_437, %dma_start3A_438, %dma_start3A_439, %dma_start3A_440] : memref<2x16x2x80xi32, #tpu.memory_space<vmem>> -> memref<1x1x1x80xi32, #tpu.memory_space<vmem>>
    %dma_start3A_442 = tpu.memref_squeeze %dma_start3A_441 : memref<1x1x1x80xi32, #tpu.memory_space<vmem>> -> memref<80xi32, #tpu.memory_space<vmem>>
    %dma_start3A_443 = arith.constant 0 : i32
    %dma_start3A_444 = arith.constant 0 : i32
    %dma_start3A_445 = tpu.memref_slice %arg2[%dma_start3A_443, %dma_start3A_444] : memref<10000x128xf32, #tpu.memory_space<hbm>> -> memref<10000x128xf32, #tpu.memory_space<hbm>>
    tpu.enqueue_indirect_dma source(%dma_start3A_445 : memref<10000x128xf32, #tpu.memory_space<hbm>>) target(%arg8 : memref<80x128xf32, #tpu.memory_space<vmem>>) offsets(%dma_start3A_442 : memref<80xi32, #tpu.memory_space<vmem>>) semaphore(%arg13 : memref<!tpu.dma_semaphore, #tpu.memory_space<semaphore_mem>>)
    %dma_wait3A_446 = arith.constant 0 : i32
    %dma_wait3A_447 = arith.constant 0 : i32
    %dma_wait3A_448 = arith.constant 0 : i32
    %dma_wait3A_449 = arith.constant 0 : i32
    %dma_wait3A_450 = tpu.memref_slice %arg6[%dma_wait3A_446, %dma_wait3A_447, %dma_wait3A_448, %dma_wait3A_449] : memref<2x16x2x80xi32, #tpu.memory_space<vmem>> -> memref<1x1x1x80xi32, #tpu.memory_space<vmem>>
    %dma_wait3A_451 = tpu.memref_squeeze %dma_wait3A_450 : memref<1x1x1x80xi32, #tpu.memory_space<vmem>> -> memref<80xi32, #tpu.memory_space<vmem>>
    %dma_wait3A_452 = arith.constant 0 : i32
    %dma_wait3A_453 = arith.constant 0 : i32
    %dma_wait3A_454 = tpu.memref_slice %arg2[%dma_wait3A_452, %dma_wait3A_453] : memref<10000x128xf32, #tpu.memory_space<hbm>> -> memref<10000x128xf32, #tpu.memory_space<hbm>>
    tpu.wait_indirect_dma semaphore(%arg15 : memref<!tpu.dma_semaphore, #tpu.memory_space<semaphore_mem>>) src(%dma_wait3A_454 : memref<10000x128xf32, #tpu.memory_space<hbm>>) dst(%arg10 : memref<80x128xf32, #tpu.memory_space<vmem>>)
    %dma_start3A_455 = arith.constant 0 : i32
    %dma_start3A_456 = arith.constant 11 : i32
    %dma_start3A_457 = arith.constant 1 : i32
    %dma_start3A_458 = arith.constant 0 : i32
    %dma_start3A_459 = tpu.memref_slice %arg6[%dma_start3A_455, %dma_start3A_456, %dma_start3A_457, %dma_start3A_458] : memref<2x16x2x80xi32, #tpu.memory_space<vmem>> -> memref<1x1x1x80xi32, #tpu.memory_space<vmem>>
    %dma_start3A_460 = tpu.memref_squeeze %dma_start3A_459 : memref<1x1x1x80xi32, #tpu.memory_space<vmem>> -> memref<80xi32, #tpu.memory_space<vmem>>
    %dma_start3A_461 = arith.constant 0 : i32
    %dma_start3A_462 = arith.constant 0 : i32
    %dma_start3A_463 = tpu.memref_slice %arg11[%dma_start3A_461, %dma_start3A_462] : memref<10240x128xf32, #tpu.memory_space<vmem_shared>> -> memref<10240x128xf32, #tpu.memory_space<vmem_shared>>
    tpu.enqueue_indirect_dma source(%arg10 : memref<80x128xf32, #tpu.memory_space<vmem>>) target(%dma_start3A_463 : memref<10240x128xf32, #tpu.memory_space<vmem_shared>>) offsets(%dma_start3A_460 : memref<80xi32, #tpu.memory_space<vmem>>) semaphore(%arg19 : memref<!tpu.dma_semaphore, #tpu.memory_space<semaphore_mem>>) {add = true}
    %dma_wait3A_464 = arith.constant 0 : i32
    %dma_wait3A_465 = arith.constant 0 : i32
    %dma_wait3A_466 = arith.constant 1 : i32
    %dma_wait3A_467 = arith.constant 0 : i32
    %dma_wait3A_468 = tpu.memref_slice %arg6[%dma_wait3A_464, %dma_wait3A_465, %dma_wait3A_466, %dma_wait3A_467] : memref<2x16x2x80xi32, #tpu.memory_space<vmem>> -> memref<1x1x1x80xi32, #tpu.memory_space<vmem>>
    %dma_wait3A_469 = tpu.memref_squeeze %dma_wait3A_468 : memref<1x1x1x80xi32, #tpu.memory_space<vmem>> -> memref<80xi32, #tpu.memory_space<vmem>>
    %dma_wait3A_470 = arith.constant 0 : i32
    %dma_wait3A_471 = arith.constant 0 : i32
    %dma_wait3A_472 = tpu.memref_slice %arg11[%dma_wait3A_470, %dma_wait3A_471] : memref<10240x128xf32, #tpu.memory_space<vmem_shared>> -> memref<10240x128xf32, #tpu.memory_space<vmem_shared>>
    tpu.wait_indirect_dma semaphore(%arg18 : memref<!tpu.dma_semaphore, #tpu.memory_space<semaphore_mem>>) src(%arg9 : memref<80x128xf32, #tpu.memory_space<vmem>>) dst(%dma_wait3A_472 : memref<10240x128xf32, #tpu.memory_space<vmem_shared>>)
    %dma_start3A_473 = arith.constant 0 : i32
    %dma_start3A_474 = arith.constant 14 : i32
    %dma_start3A_475 = arith.constant 0 : i32
    %dma_start3A_476 = arith.constant 0 : i32
    %dma_start3A_477 = tpu.memref_slice %arg6[%dma_start3A_473, %dma_start3A_474, %dma_start3A_475, %dma_start3A_476] : memref<2x16x2x80xi32, #tpu.memory_space<vmem>> -> memref<1x1x1x80xi32, #tpu.memory_space<vmem>>
    %dma_start3A_478 = tpu.memref_squeeze %dma_start3A_477 : memref<1x1x1x80xi32, #tpu.memory_space<vmem>> -> memref<80xi32, #tpu.memory_space<vmem>>
    %dma_start3A_479 = arith.constant 0 : i32
    %dma_start3A_480 = arith.constant 0 : i32
    %dma_start3A_481 = tpu.memref_slice %arg2[%dma_start3A_479, %dma_start3A_480] : memref<10000x128xf32, #tpu.memory_space<hbm>> -> memref<10000x128xf32, #tpu.memory_space<hbm>>
    tpu.enqueue_indirect_dma source(%dma_start3A_481 : memref<10000x128xf32, #tpu.memory_space<hbm>>) target(%arg9 : memref<80x128xf32, #tpu.memory_space<vmem>>) offsets(%dma_start3A_478 : memref<80xi32, #tpu.memory_space<vmem>>) semaphore(%arg14 : memref<!tpu.dma_semaphore, #tpu.memory_space<semaphore_mem>>)
    %dma_wait3A_482 = arith.constant 0 : i32
    %dma_wait3A_483 = arith.constant 0 : i32
    %dma_wait3A_484 = arith.constant 0 : i32
    %dma_wait3A_485 = arith.constant 0 : i32
    %dma_wait3A_486 = tpu.memref_slice %arg6[%dma_wait3A_482, %dma_wait3A_483, %dma_wait3A_484, %dma_wait3A_485] : memref<2x16x2x80xi32, #tpu.memory_space<vmem>> -> memref<1x1x1x80xi32, #tpu.memory_space<vmem>>
    %dma_wait3A_487 = tpu.memref_squeeze %dma_wait3A_486 : memref<1x1x1x80xi32, #tpu.memory_space<vmem>> -> memref<80xi32, #tpu.memory_space<vmem>>
    %dma_wait3A_488 = arith.constant 0 : i32
    %dma_wait3A_489 = arith.constant 0 : i32
    %dma_wait3A_490 = tpu.memref_slice %arg2[%dma_wait3A_488, %dma_wait3A_489] : memref<10000x128xf32, #tpu.memory_space<hbm>> -> memref<10000x128xf32, #tpu.memory_space<hbm>>
    tpu.wait_indirect_dma semaphore(%arg12 : memref<!tpu.dma_semaphore, #tpu.memory_space<semaphore_mem>>) src(%dma_wait3A_490 : memref<10000x128xf32, #tpu.memory_space<hbm>>) dst(%arg7 : memref<80x128xf32, #tpu.memory_space<vmem>>)
    %dma_start3A_491 = arith.constant 0 : i32
    %dma_start3A_492 = arith.constant 12 : i32
    %dma_start3A_493 = arith.constant 1 : i32
    %dma_start3A_494 = arith.constant 0 : i32
    %dma_start3A_495 = tpu.memref_slice %arg6[%dma_start3A_491, %dma_start3A_492, %dma_start3A_493, %dma_start3A_494] : memref<2x16x2x80xi32, #tpu.memory_space<vmem>> -> memref<1x1x1x80xi32, #tpu.memory_space<vmem>>
    %dma_start3A_496 = tpu.memref_squeeze %dma_start3A_495 : memref<1x1x1x80xi32, #tpu.memory_space<vmem>> -> memref<80xi32, #tpu.memory_space<vmem>>
    %dma_start3A_497 = arith.constant 0 : i32
    %dma_start3A_498 = arith.constant 0 : i32
    %dma_start3A_499 = tpu.memref_slice %arg11[%dma_start3A_497, %dma_start3A_498] : memref<10240x128xf32, #tpu.memory_space<vmem_shared>> -> memref<10240x128xf32, #tpu.memory_space<vmem_shared>>
    tpu.enqueue_indirect_dma source(%arg7 : memref<80x128xf32, #tpu.memory_space<vmem>>) target(%dma_start3A_499 : memref<10240x128xf32, #tpu.memory_space<vmem_shared>>) offsets(%dma_start3A_496 : memref<80xi32, #tpu.memory_space<vmem>>) semaphore(%arg16 : memref<!tpu.dma_semaphore, #tpu.memory_space<semaphore_mem>>) {add = true}
    %dma_wait3A_500 = arith.constant 0 : i32
    %dma_wait3A_501 = arith.constant 0 : i32
    %dma_wait3A_502 = arith.constant 1 : i32
    %dma_wait3A_503 = arith.constant 0 : i32
    %dma_wait3A_504 = tpu.memref_slice %arg6[%dma_wait3A_500, %dma_wait3A_501, %dma_wait3A_502, %dma_wait3A_503] : memref<2x16x2x80xi32, #tpu.memory_space<vmem>> -> memref<1x1x1x80xi32, #tpu.memory_space<vmem>>
    %dma_wait3A_505 = tpu.memref_squeeze %dma_wait3A_504 : memref<1x1x1x80xi32, #tpu.memory_space<vmem>> -> memref<80xi32, #tpu.memory_space<vmem>>
    %dma_wait3A_506 = arith.constant 0 : i32
    %dma_wait3A_507 = arith.constant 0 : i32
    %dma_wait3A_508 = tpu.memref_slice %arg11[%dma_wait3A_506, %dma_wait3A_507] : memref<10240x128xf32, #tpu.memory_space<vmem_shared>> -> memref<10240x128xf32, #tpu.memory_space<vmem_shared>>
    tpu.wait_indirect_dma semaphore(%arg19 : memref<!tpu.dma_semaphore, #tpu.memory_space<semaphore_mem>>) src(%arg10 : memref<80x128xf32, #tpu.memory_space<vmem>>) dst(%dma_wait3A_508 : memref<10240x128xf32, #tpu.memory_space<vmem_shared>>)
    %dma_start3A_509 = arith.constant 0 : i32
    %dma_start3A_510 = arith.constant 15 : i32
    %dma_start3A_511 = arith.constant 0 : i32
    %dma_start3A_512 = arith.constant 0 : i32
    %dma_start3A_513 = tpu.memref_slice %arg6[%dma_start3A_509, %dma_start3A_510, %dma_start3A_511, %dma_start3A_512] : memref<2x16x2x80xi32, #tpu.memory_space<vmem>> -> memref<1x1x1x80xi32, #tpu.memory_space<vmem>>
    %dma_start3A_514 = tpu.memref_squeeze %dma_start3A_513 : memref<1x1x1x80xi32, #tpu.memory_space<vmem>> -> memref<80xi32, #tpu.memory_space<vmem>>
    %dma_start3A_515 = arith.constant 0 : i32
    %dma_start3A_516 = arith.constant 0 : i32
    %dma_start3A_517 = tpu.memref_slice %arg2[%dma_start3A_515, %dma_start3A_516] : memref<10000x128xf32, #tpu.memory_space<hbm>> -> memref<10000x128xf32, #tpu.memory_space<hbm>>
    tpu.enqueue_indirect_dma source(%dma_start3A_517 : memref<10000x128xf32, #tpu.memory_space<hbm>>) target(%arg10 : memref<80x128xf32, #tpu.memory_space<vmem>>) offsets(%dma_start3A_514 : memref<80xi32, #tpu.memory_space<vmem>>) semaphore(%arg15 : memref<!tpu.dma_semaphore, #tpu.memory_space<semaphore_mem>>)
    %dma_wait3A_518 = arith.constant 0 : i32
    %dma_wait3A_519 = arith.constant 0 : i32
    %dma_wait3A_520 = arith.constant 0 : i32
    %dma_wait3A_521 = arith.constant 0 : i32
    %dma_wait3A_522 = tpu.memref_slice %arg6[%dma_wait3A_518, %dma_wait3A_519, %dma_wait3A_520, %dma_wait3A_521] : memref<2x16x2x80xi32, #tpu.memory_space<vmem>> -> memref<1x1x1x80xi32, #tpu.memory_space<vmem>>
    %dma_wait3A_523 = tpu.memref_squeeze %dma_wait3A_522 : memref<1x1x1x80xi32, #tpu.memory_space<vmem>> -> memref<80xi32, #tpu.memory_space<vmem>>
    %dma_wait3A_524 = arith.constant 0 : i32
    %dma_wait3A_525 = arith.constant 0 : i32
    %dma_wait3A_526 = tpu.memref_slice %arg2[%dma_wait3A_524, %dma_wait3A_525] : memref<10000x128xf32, #tpu.memory_space<hbm>> -> memref<10000x128xf32, #tpu.memory_space<hbm>>
    tpu.wait_indirect_dma semaphore(%arg13 : memref<!tpu.dma_semaphore, #tpu.memory_space<semaphore_mem>>) src(%dma_wait3A_526 : memref<10000x128xf32, #tpu.memory_space<hbm>>) dst(%arg8 : memref<80x128xf32, #tpu.memory_space<vmem>>)
    %dma_start3A_527 = arith.constant 0 : i32
    %dma_start3A_528 = arith.constant 13 : i32
    %dma_start3A_529 = arith.constant 1 : i32
    %dma_start3A_530 = arith.constant 0 : i32
    %dma_start3A_531 = tpu.memref_slice %arg6[%dma_start3A_527, %dma_start3A_528, %dma_start3A_529, %dma_start3A_530] : memref<2x16x2x80xi32, #tpu.memory_space<vmem>> -> memref<1x1x1x80xi32, #tpu.memory_space<vmem>>
    %dma_start3A_532 = tpu.memref_squeeze %dma_start3A_531 : memref<1x1x1x80xi32, #tpu.memory_space<vmem>> -> memref<80xi32, #tpu.memory_space<vmem>>
    %dma_start3A_533 = arith.constant 0 : i32
    %dma_start3A_534 = arith.constant 0 : i32
    %dma_start3A_535 = tpu.memref_slice %arg11[%dma_start3A_533, %dma_start3A_534] : memref<10240x128xf32, #tpu.memory_space<vmem_shared>> -> memref<10240x128xf32, #tpu.memory_space<vmem_shared>>
    tpu.enqueue_indirect_dma source(%arg8 : memref<80x128xf32, #tpu.memory_space<vmem>>) target(%dma_start3A_535 : memref<10240x128xf32, #tpu.memory_space<vmem_shared>>) offsets(%dma_start3A_532 : memref<80xi32, #tpu.memory_space<vmem>>) semaphore(%arg17 : memref<!tpu.dma_semaphore, #tpu.memory_space<semaphore_mem>>) {add = true}
    %scan3A = arith.constant 0 : i32
    %scan3A_536 = arith.constant 0 : i32
    %scan3A_537 = arith.constant 3 : i32
    %scan3A_538 = arith.addi %scan3A_536, %scan3A_537 : i32
    %scan3A_539 = arith.constant 1 : i32
    scf.for %scan3A_1212 = %scan3A_536 to %scan3A_538 step %scan3A_539  : i32 {
      %mul3A_1213 = arith.constant 2 : i32
      %mul3A_1214 = arith.muli %mul3A_1213, %scan3A_1212 : i32
      %add3A_1215 = arith.constant 1 : i32
      %add3A_1216 = arith.addi %mul3A_1214, %add3A_1215 : i32
      %dma_wait3A_1217 = arith.constant 0 : i32
      %dma_wait3A_1218 = arith.constant 0 : i32
      %dma_wait3A_1219 = arith.constant 1 : i32
      %dma_wait3A_1220 = arith.constant 0 : i32
      %dma_wait3A_1221 = tpu.memref_slice %arg6[%dma_wait3A_1217, %dma_wait3A_1218, %dma_wait3A_1219, %dma_wait3A_1220] : memref<2x16x2x80xi32, #tpu.memory_space<vmem>> -> memref<1x1x1x80xi32, #tpu.memory_space<vmem>>
      %dma_wait3A_1222 = tpu.memref_squeeze %dma_wait3A_1221 : memref<1x1x1x80xi32, #tpu.memory_space<vmem>> -> memref<80xi32, #tpu.memory_space<vmem>>
      %dma_wait3A_1223 = arith.constant 0 : i32
      %dma_wait3A_1224 = arith.constant 0 : i32
      %dma_wait3A_1225 = tpu.memref_slice %arg11[%dma_wait3A_1223, %dma_wait3A_1224] : memref<10240x128xf32, #tpu.memory_space<vmem_shared>> -> memref<10240x128xf32, #tpu.memory_space<vmem_shared>>
      tpu.wait_indirect_dma semaphore(%arg16 : memref<!tpu.dma_semaphore, #tpu.memory_space<semaphore_mem>>) src(%arg7 : memref<80x128xf32, #tpu.memory_space<vmem>>) dst(%dma_wait3A_1225 : memref<10240x128xf32, #tpu.memory_space<vmem_shared>>)
      %dma_wait3A_1226 = arith.constant 0 : i32
      %dma_wait3A_1227 = arith.constant 1 : i32
      %dma_wait3A_1228 = arith.constant 0 : i32
      %dma_wait3A_1229 = arith.constant 0 : i32
      %dma_wait3A_1230 = arith.constant 0 : i32
      %dma_wait3A_1231 = tpu.memref_slice %arg6[%dma_wait3A_1227, %dma_wait3A_1228, %dma_wait3A_1229, %dma_wait3A_1230] : memref<2x16x2x80xi32, #tpu.memory_space<vmem>> -> memref<1x16x2x80xi32, #tpu.memory_space<vmem>>
      %dma_wait3A_1232 = tpu.memref_squeeze %dma_wait3A_1231 : memref<1x16x2x80xi32, #tpu.memory_space<vmem>> -> memref<16x2x80xi32, #tpu.memory_space<vmem>>
      %dma_wait3A_1233 = arith.constant 0 : i32
      %dma_wait3A_1234 = arith.constant 0 : i32
      %dma_wait3A_1235 = arith.constant 0 : i32
      %dma_wait3A_1236 = tpu.memref_slice %arg3[%add3A, %dma_wait3A_1226, %dma_wait3A_1233, %dma_wait3A_1234, %dma_wait3A_1235] : memref<32x8x16x2x80xi32, #tpu.memory_space<hbm>> -> memref<1x1x16x2x80xi32, #tpu.memory_space<hbm>>
      %dma_wait3A_1237 = tpu.memref_squeeze %dma_wait3A_1236 : memref<1x1x16x2x80xi32, #tpu.memory_space<hbm>> -> memref<16x2x80xi32, #tpu.memory_space<hbm>>
      %dma_wait3A_1238 = arith.constant 0 : i32
      %dma_wait3A_1239 = arith.constant 0 : i32
      %dma_wait3A_1240 = arith.constant 0 : i32
      %dma_wait3A_1241 = tpu.memref_slice %arg6[%dma_wait3A_1227, %dma_wait3A_1238, %dma_wait3A_1239, %dma_wait3A_1240] : memref<2x16x2x80xi32, #tpu.memory_space<vmem>> -> memref<1x16x2x80xi32, #tpu.memory_space<vmem>>
      %dma_wait3A_1242 = tpu.memref_squeeze %dma_wait3A_1241 : memref<1x16x2x80xi32, #tpu.memory_space<vmem>> -> memref<16x2x80xi32, #tpu.memory_space<vmem>>
      %dma_wait3A_1243 = arith.constant 0 : i32
      %dma_wait3A_1244 = arith.constant 0 : i32
      %dma_wait3A_1245 = arith.constant 0 : i32
      %dma_wait3A_1246 = tpu.memref_slice %arg3[%add3A, %dma_wait3A_1226, %dma_wait3A_1243, %dma_wait3A_1244, %dma_wait3A_1245] : memref<32x8x16x2x80xi32, #tpu.memory_space<hbm>> -> memref<1x1x16x2x80xi32, #tpu.memory_space<hbm>>
      %dma_wait3A_1247 = tpu.memref_squeeze %dma_wait3A_1246 : memref<1x1x16x2x80xi32, #tpu.memory_space<hbm>> -> memref<16x2x80xi32, #tpu.memory_space<hbm>>
      tpu.wait_dma2 semaphore(%arg21 : memref<!tpu.dma_semaphore, #tpu.memory_space<semaphore_mem>>) src(%dma_wait3A_1247 : memref<16x2x80xi32, #tpu.memory_space<hbm>>) dst(%dma_wait3A_1242 : memref<16x2x80xi32, #tpu.memory_space<vmem>>)
      %dma_start3A_1248 = arith.constant 1 : i32
      %dma_start3A_1249 = arith.constant 0 : i32
      %dma_start3A_1250 = arith.constant 0 : i32
      %dma_start3A_1251 = arith.constant 0 : i32
      %dma_start3A_1252 = tpu.memref_slice %arg6[%dma_start3A_1248, %dma_start3A_1249, %dma_start3A_1250, %dma_start3A_1251] : memref<2x16x2x80xi32, #tpu.memory_space<vmem>> -> memref<1x1x1x80xi32, #tpu.memory_space<vmem>>
      %dma_start3A_1253 = tpu.memref_squeeze %dma_start3A_1252 : memref<1x1x1x80xi32, #tpu.memory_space<vmem>> -> memref<80xi32, #tpu.memory_space<vmem>>
      %dma_start3A_1254 = arith.constant 0 : i32
      %dma_start3A_1255 = arith.constant 0 : i32
      %dma_start3A_1256 = tpu.memref_slice %arg2[%dma_start3A_1254, %dma_start3A_1255] : memref<10000x128xf32, #tpu.memory_space<hbm>> -> memref<10000x128xf32, #tpu.memory_space<hbm>>
      tpu.enqueue_indirect_dma source(%dma_start3A_1256 : memref<10000x128xf32, #tpu.memory_space<hbm>>) target(%arg7 : memref<80x128xf32, #tpu.memory_space<vmem>>) offsets(%dma_start3A_1253 : memref<80xi32, #tpu.memory_space<vmem>>) semaphore(%arg12 : memref<!tpu.dma_semaphore, #tpu.memory_space<semaphore_mem>>)
      %dma_wait3A_1257 = arith.constant 0 : i32
      %dma_wait3A_1258 = arith.constant 0 : i32
      %dma_wait3A_1259 = arith.constant 0 : i32
      %dma_wait3A_1260 = arith.constant 0 : i32
      %dma_wait3A_1261 = tpu.memref_slice %arg6[%dma_wait3A_1257, %dma_wait3A_1258, %dma_wait3A_1259, %dma_wait3A_1260] : memref<2x16x2x80xi32, #tpu.memory_space<vmem>> -> memref<1x1x1x80xi32, #tpu.memory_space<vmem>>
      %dma_wait3A_1262 = tpu.memref_squeeze %dma_wait3A_1261 : memref<1x1x1x80xi32, #tpu.memory_space<vmem>> -> memref<80xi32, #tpu.memory_space<vmem>>
      %dma_wait3A_1263 = arith.constant 0 : i32
      %dma_wait3A_1264 = arith.constant 0 : i32
      %dma_wait3A_1265 = tpu.memref_slice %arg2[%dma_wait3A_1263, %dma_wait3A_1264] : memref<10000x128xf32, #tpu.memory_space<hbm>> -> memref<10000x128xf32, #tpu.memory_space<hbm>>
      tpu.wait_indirect_dma semaphore(%arg14 : memref<!tpu.dma_semaphore, #tpu.memory_space<semaphore_mem>>) src(%dma_wait3A_1265 : memref<10000x128xf32, #tpu.memory_space<hbm>>) dst(%arg9 : memref<80x128xf32, #tpu.memory_space<vmem>>)
      %dma_start3A_1266 = arith.constant 0 : i32
      %dma_start3A_1267 = arith.constant 14 : i32
      %dma_start3A_1268 = arith.constant 1 : i32
      %dma_start3A_1269 = arith.constant 0 : i32
      %dma_start3A_1270 = tpu.memref_slice %arg6[%dma_start3A_1266, %dma_start3A_1267, %dma_start3A_1268, %dma_start3A_1269] : memref<2x16x2x80xi32, #tpu.memory_space<vmem>> -> memref<1x1x1x80xi32, #tpu.memory_space<vmem>>
      %dma_start3A_1271 = tpu.memref_squeeze %dma_start3A_1270 : memref<1x1x1x80xi32, #tpu.memory_space<vmem>> -> memref<80xi32, #tpu.memory_space<vmem>>
      %dma_start3A_1272 = arith.constant 0 : i32
      %dma_start3A_1273 = arith.constant 0 : i32
      %dma_start3A_1274 = tpu.memref_slice %arg11[%dma_start3A_1272, %dma_start3A_1273] : memref<10240x128xf32, #tpu.memory_space<vmem_shared>> -> memref<10240x128xf32, #tpu.memory_space<vmem_shared>>
      tpu.enqueue_indirect_dma source(%arg9 : memref<80x128xf32, #tpu.memory_space<vmem>>) target(%dma_start3A_1274 : memref<10240x128xf32, #tpu.memory_space<vmem_shared>>) offsets(%dma_start3A_1271 : memref<80xi32, #tpu.memory_space<vmem>>) semaphore(%arg18 : memref<!tpu.dma_semaphore, #tpu.memory_space<semaphore_mem>>) {add = true}
      %dma_wait3A_1275 = arith.constant 0 : i32
      %dma_wait3A_1276 = arith.constant 0 : i32
      %dma_wait3A_1277 = arith.constant 1 : i32
      %dma_wait3A_1278 = arith.constant 0 : i32
      %dma_wait3A_1279 = tpu.memref_slice %arg6[%dma_wait3A_1275, %dma_wait3A_1276, %dma_wait3A_1277, %dma_wait3A_1278] : memref<2x16x2x80xi32, #tpu.memory_space<vmem>> -> memref<1x1x1x80xi32, #tpu.memory_space<vmem>>
      %dma_wait3A_1280 = tpu.memref_squeeze %dma_wait3A_1279 : memref<1x1x1x80xi32, #tpu.memory_space<vmem>> -> memref<80xi32, #tpu.memory_space<vmem>>
      %dma_wait3A_1281 = arith.constant 0 : i32
      %dma_wait3A_1282 = arith.constant 0 : i32
      %dma_wait3A_1283 = tpu.memref_slice %arg11[%dma_wait3A_1281, %dma_wait3A_1282] : memref<10240x128xf32, #tpu.memory_space<vmem_shared>> -> memref<10240x128xf32, #tpu.memory_space<vmem_shared>>
      tpu.wait_indirect_dma semaphore(%arg17 : memref<!tpu.dma_semaphore, #tpu.memory_space<semaphore_mem>>) src(%arg8 : memref<80x128xf32, #tpu.memory_space<vmem>>) dst(%dma_wait3A_1283 : memref<10240x128xf32, #tpu.memory_space<vmem_shared>>)
      %dma_start3A_1284 = arith.constant 1 : i32
      %dma_start3A_1285 = arith.constant 1 : i32
      %dma_start3A_1286 = arith.constant 0 : i32
      %dma_start3A_1287 = arith.constant 0 : i32
      %dma_start3A_1288 = tpu.memref_slice %arg6[%dma_start3A_1284, %dma_start3A_1285, %dma_start3A_1286, %dma_start3A_1287] : memref<2x16x2x80xi32, #tpu.memory_space<vmem>> -> memref<1x1x1x80xi32, #tpu.memory_space<vmem>>
      %dma_start3A_1289 = tpu.memref_squeeze %dma_start3A_1288 : memref<1x1x1x80xi32, #tpu.memory_space<vmem>> -> memref<80xi32, #tpu.memory_space<vmem>>
      %dma_start3A_1290 = arith.constant 0 : i32
      %dma_start3A_1291 = arith.constant 0 : i32
      %dma_start3A_1292 = tpu.memref_slice %arg2[%dma_start3A_1290, %dma_start3A_1291] : memref<10000x128xf32, #tpu.memory_space<hbm>> -> memref<10000x128xf32, #tpu.memory_space<hbm>>
      tpu.enqueue_indirect_dma source(%dma_start3A_1292 : memref<10000x128xf32, #tpu.memory_space<hbm>>) target(%arg8 : memref<80x128xf32, #tpu.memory_space<vmem>>) offsets(%dma_start3A_1289 : memref<80xi32, #tpu.memory_space<vmem>>) semaphore(%arg13 : memref<!tpu.dma_semaphore, #tpu.memory_space<semaphore_mem>>)
      %dma_wait3A_1293 = arith.constant 0 : i32
      %dma_wait3A_1294 = arith.constant 0 : i32
      %dma_wait3A_1295 = arith.constant 0 : i32
      %dma_wait3A_1296 = arith.constant 0 : i32
      %dma_wait3A_1297 = tpu.memref_slice %arg6[%dma_wait3A_1293, %dma_wait3A_1294, %dma_wait3A_1295, %dma_wait3A_1296] : memref<2x16x2x80xi32, #tpu.memory_space<vmem>> -> memref<1x1x1x80xi32, #tpu.memory_space<vmem>>
      %dma_wait3A_1298 = tpu.memref_squeeze %dma_wait3A_1297 : memref<1x1x1x80xi32, #tpu.memory_space<vmem>> -> memref<80xi32, #tpu.memory_space<vmem>>
      %dma_wait3A_1299 = arith.constant 0 : i32
      %dma_wait3A_1300 = arith.constant 0 : i32
      %dma_wait3A_1301 = tpu.memref_slice %arg2[%dma_wait3A_1299, %dma_wait3A_1300] : memref<10000x128xf32, #tpu.memory_space<hbm>> -> memref<10000x128xf32, #tpu.memory_space<hbm>>
      tpu.wait_indirect_dma semaphore(%arg15 : memref<!tpu.dma_semaphore, #tpu.memory_space<semaphore_mem>>) src(%dma_wait3A_1301 : memref<10000x128xf32, #tpu.memory_space<hbm>>) dst(%arg10 : memref<80x128xf32, #tpu.memory_space<vmem>>)
      %dma_start3A_1302 = arith.constant 0 : i32
      %dma_start3A_1303 = arith.constant 15 : i32
      %dma_start3A_1304 = arith.constant 1 : i32
      %dma_start3A_1305 = arith.constant 0 : i32
      %dma_start3A_1306 = tpu.memref_slice %arg6[%dma_start3A_1302, %dma_start3A_1303, %dma_start3A_1304, %dma_start3A_1305] : memref<2x16x2x80xi32, #tpu.memory_space<vmem>> -> memref<1x1x1x80xi32, #tpu.memory_space<vmem>>
      %dma_start3A_1307 = tpu.memref_squeeze %dma_start3A_1306 : memref<1x1x1x80xi32, #tpu.memory_space<vmem>> -> memref<80xi32, #tpu.memory_space<vmem>>
      %dma_start3A_1308 = arith.constant 0 : i32
      %dma_start3A_1309 = arith.constant 0 : i32
      %dma_start3A_1310 = tpu.memref_slice %arg11[%dma_start3A_1308, %dma_start3A_1309] : memref<10240x128xf32, #tpu.memory_space<vmem_shared>> -> memref<10240x128xf32, #tpu.memory_space<vmem_shared>>
      tpu.enqueue_indirect_dma source(%arg10 : memref<80x128xf32, #tpu.memory_space<vmem>>) target(%dma_start3A_1310 : memref<10240x128xf32, #tpu.memory_space<vmem_shared>>) offsets(%dma_start3A_1307 : memref<80xi32, #tpu.memory_space<vmem>>) semaphore(%arg19 : memref<!tpu.dma_semaphore, #tpu.memory_space<semaphore_mem>>) {add = true}
      %dma_wait3A_1311 = arith.constant 0 : i32
      %dma_wait3A_1312 = arith.constant 0 : i32
      %dma_wait3A_1313 = arith.constant 1 : i32
      %dma_wait3A_1314 = arith.constant 0 : i32
      %dma_wait3A_1315 = tpu.memref_slice %arg6[%dma_wait3A_1311, %dma_wait3A_1312, %dma_wait3A_1313, %dma_wait3A_1314] : memref<2x16x2x80xi32, #tpu.memory_space<vmem>> -> memref<1x1x1x80xi32, #tpu.memory_space<vmem>>
      %dma_wait3A_1316 = tpu.memref_squeeze %dma_wait3A_1315 : memref<1x1x1x80xi32, #tpu.memory_space<vmem>> -> memref<80xi32, #tpu.memory_space<vmem>>
      %dma_wait3A_1317 = arith.constant 0 : i32
      %dma_wait3A_1318 = arith.constant 0 : i32
      %dma_wait3A_1319 = tpu.memref_slice %arg11[%dma_wait3A_1317, %dma_wait3A_1318] : memref<10240x128xf32, #tpu.memory_space<vmem_shared>> -> memref<10240x128xf32, #tpu.memory_space<vmem_shared>>
      tpu.wait_indirect_dma semaphore(%arg18 : memref<!tpu.dma_semaphore, #tpu.memory_space<semaphore_mem>>) src(%arg9 : memref<80x128xf32, #tpu.memory_space<vmem>>) dst(%dma_wait3A_1319 : memref<10240x128xf32, #tpu.memory_space<vmem_shared>>)
      %dma_start3A_1320 = arith.constant 1 : i32
      %dma_start3A_1321 = arith.constant 2 : i32
      %dma_start3A_1322 = arith.constant 0 : i32
      %dma_start3A_1323 = arith.constant 0 : i32
      %dma_start3A_1324 = tpu.memref_slice %arg6[%dma_start3A_1320, %dma_start3A_1321, %dma_start3A_1322, %dma_start3A_1323] : memref<2x16x2x80xi32, #tpu.memory_space<vmem>> -> memref<1x1x1x80xi32, #tpu.memory_space<vmem>>
      %dma_start3A_1325 = tpu.memref_squeeze %dma_start3A_1324 : memref<1x1x1x80xi32, #tpu.memory_space<vmem>> -> memref<80xi32, #tpu.memory_space<vmem>>
      %dma_start3A_1326 = arith.constant 0 : i32
      %dma_start3A_1327 = arith.constant 0 : i32
      %dma_start3A_1328 = tpu.memref_slice %arg2[%dma_start3A_1326, %dma_start3A_1327] : memref<10000x128xf32, #tpu.memory_space<hbm>> -> memref<10000x128xf32, #tpu.memory_space<hbm>>
      tpu.enqueue_indirect_dma source(%dma_start3A_1328 : memref<10000x128xf32, #tpu.memory_space<hbm>>) target(%arg9 : memref<80x128xf32, #tpu.memory_space<vmem>>) offsets(%dma_start3A_1325 : memref<80xi32, #tpu.memory_space<vmem>>) semaphore(%arg14 : memref<!tpu.dma_semaphore, #tpu.memory_space<semaphore_mem>>)
      %dma_wait3A_1329 = arith.constant 0 : i32
      %dma_wait3A_1330 = arith.constant 0 : i32
      %dma_wait3A_1331 = arith.constant 0 : i32
      %dma_wait3A_1332 = arith.constant 0 : i32
      %dma_wait3A_1333 = tpu.memref_slice %arg6[%dma_wait3A_1329, %dma_wait3A_1330, %dma_wait3A_1331, %dma_wait3A_1332] : memref<2x16x2x80xi32, #tpu.memory_space<vmem>> -> memref<1x1x1x80xi32, #tpu.memory_space<vmem>>
      %dma_wait3A_1334 = tpu.memref_squeeze %dma_wait3A_1333 : memref<1x1x1x80xi32, #tpu.memory_space<vmem>> -> memref<80xi32, #tpu.memory_space<vmem>>
      %dma_wait3A_1335 = arith.constant 0 : i32
      %dma_wait3A_1336 = arith.constant 0 : i32
      %dma_wait3A_1337 = tpu.memref_slice %arg2[%dma_wait3A_1335, %dma_wait3A_1336] : memref<10000x128xf32, #tpu.memory_space<hbm>> -> memref<10000x128xf32, #tpu.memory_space<hbm>>
      tpu.wait_indirect_dma semaphore(%arg12 : memref<!tpu.dma_semaphore, #tpu.memory_space<semaphore_mem>>) src(%dma_wait3A_1337 : memref<10000x128xf32, #tpu.memory_space<hbm>>) dst(%arg7 : memref<80x128xf32, #tpu.memory_space<vmem>>)
      %dma_start3A_1338 = arith.constant 1 : i32
      %dma_start3A_1339 = arith.constant 0 : i32
      %dma_start3A_1340 = arith.constant 1 : i32
      %dma_start3A_1341 = arith.constant 0 : i32
      %dma_start3A_1342 = tpu.memref_slice %arg6[%dma_start3A_1338, %dma_start3A_1339, %dma_start3A_1340, %dma_start3A_1341] : memref<2x16x2x80xi32, #tpu.memory_space<vmem>> -> memref<1x1x1x80xi32, #tpu.memory_space<vmem>>
      %dma_start3A_1343 = tpu.memref_squeeze %dma_start3A_1342 : memref<1x1x1x80xi32, #tpu.memory_space<vmem>> -> memref<80xi32, #tpu.memory_space<vmem>>
      %dma_start3A_1344 = arith.constant 0 : i32
      %dma_start3A_1345 = arith.constant 0 : i32
      %dma_start3A_1346 = tpu.memref_slice %arg11[%dma_start3A_1344, %dma_start3A_1345] : memref<10240x128xf32, #tpu.memory_space<vmem_shared>> -> memref<10240x128xf32, #tpu.memory_space<vmem_shared>>
      tpu.enqueue_indirect_dma source(%arg7 : memref<80x128xf32, #tpu.memory_space<vmem>>) target(%dma_start3A_1346 : memref<10240x128xf32, #tpu.memory_space<vmem_shared>>) offsets(%dma_start3A_1343 : memref<80xi32, #tpu.memory_space<vmem>>) semaphore(%arg16 : memref<!tpu.dma_semaphore, #tpu.memory_space<semaphore_mem>>) {add = true}
      %dma_wait3A_1347 = arith.constant 0 : i32
      %dma_wait3A_1348 = arith.constant 0 : i32
      %dma_wait3A_1349 = arith.constant 1 : i32
      %dma_wait3A_1350 = arith.constant 0 : i32
      %dma_wait3A_1351 = tpu.memref_slice %arg6[%dma_wait3A_1347, %dma_wait3A_1348, %dma_wait3A_1349, %dma_wait3A_1350] : memref<2x16x2x80xi32, #tpu.memory_space<vmem>> -> memref<1x1x1x80xi32, #tpu.memory_space<vmem>>
      %dma_wait3A_1352 = tpu.memref_squeeze %dma_wait3A_1351 : memref<1x1x1x80xi32, #tpu.memory_space<vmem>> -> memref<80xi32, #tpu.memory_space<vmem>>
      %dma_wait3A_1353 = arith.constant 0 : i32
      %dma_wait3A_1354 = arith.constant 0 : i32
      %dma_wait3A_1355 = tpu.memref_slice %arg11[%dma_wait3A_1353, %dma_wait3A_1354] : memref<10240x128xf32, #tpu.memory_space<vmem_shared>> -> memref<10240x128xf32, #tpu.memory_space<vmem_shared>>
      tpu.wait_indirect_dma semaphore(%arg19 : memref<!tpu.dma_semaphore, #tpu.memory_space<semaphore_mem>>) src(%arg10 : memref<80x128xf32, #tpu.memory_space<vmem>>) dst(%dma_wait3A_1355 : memref<10240x128xf32, #tpu.memory_space<vmem_shared>>)
      %dma_start3A_1356 = arith.constant 1 : i32
      %dma_start3A_1357 = arith.constant 3 : i32
      %dma_start3A_1358 = arith.constant 0 : i32
      %dma_start3A_1359 = arith.constant 0 : i32
      %dma_start3A_1360 = tpu.memref_slice %arg6[%dma_start3A_1356, %dma_start3A_1357, %dma_start3A_1358, %dma_start3A_1359] : memref<2x16x2x80xi32, #tpu.memory_space<vmem>> -> memref<1x1x1x80xi32, #tpu.memory_space<vmem>>
      %dma_start3A_1361 = tpu.memref_squeeze %dma_start3A_1360 : memref<1x1x1x80xi32, #tpu.memory_space<vmem>> -> memref<80xi32, #tpu.memory_space<vmem>>
      %dma_start3A_1362 = arith.constant 0 : i32
      %dma_start3A_1363 = arith.constant 0 : i32
      %dma_start3A_1364 = tpu.memref_slice %arg2[%dma_start3A_1362, %dma_start3A_1363] : memref<10000x128xf32, #tpu.memory_space<hbm>> -> memref<10000x128xf32, #tpu.memory_space<hbm>>
      tpu.enqueue_indirect_dma source(%dma_start3A_1364 : memref<10000x128xf32, #tpu.memory_space<hbm>>) target(%arg10 : memref<80x128xf32, #tpu.memory_space<vmem>>) offsets(%dma_start3A_1361 : memref<80xi32, #tpu.memory_space<vmem>>) semaphore(%arg15 : memref<!tpu.dma_semaphore, #tpu.memory_space<semaphore_mem>>)
      %dma_wait3A_1365 = arith.constant 0 : i32
      %dma_wait3A_1366 = arith.constant 0 : i32
      %dma_wait3A_1367 = arith.constant 0 : i32
      %dma_wait3A_1368 = arith.constant 0 : i32
      %dma_wait3A_1369 = tpu.memref_slice %arg6[%dma_wait3A_1365, %dma_wait3A_1366, %dma_wait3A_1367, %dma_wait3A_1368] : memref<2x16x2x80xi32, #tpu.memory_space<vmem>> -> memref<1x1x1x80xi32, #tpu.memory_space<vmem>>
      %dma_wait3A_1370 = tpu.memref_squeeze %dma_wait3A_1369 : memref<1x1x1x80xi32, #tpu.memory_space<vmem>> -> memref<80xi32, #tpu.memory_space<vmem>>
      %dma_wait3A_1371 = arith.constant 0 : i32
      %dma_wait3A_1372 = arith.constant 0 : i32
      %dma_wait3A_1373 = tpu.memref_slice %arg2[%dma_wait3A_1371, %dma_wait3A_1372] : memref<10000x128xf32, #tpu.memory_space<hbm>> -> memref<10000x128xf32, #tpu.memory_space<hbm>>
      tpu.wait_indirect_dma semaphore(%arg13 : memref<!tpu.dma_semaphore, #tpu.memory_space<semaphore_mem>>) src(%dma_wait3A_1373 : memref<10000x128xf32, #tpu.memory_space<hbm>>) dst(%arg8 : memref<80x128xf32, #tpu.memory_space<vmem>>)
      %dma_start3A_1374 = arith.constant 1 : i32
      %dma_start3A_1375 = arith.constant 1 : i32
      %dma_start3A_1376 = arith.constant 1 : i32
      %dma_start3A_1377 = arith.constant 0 : i32
      %dma_start3A_1378 = tpu.memref_slice %arg6[%dma_start3A_1374, %dma_start3A_1375, %dma_start3A_1376, %dma_start3A_1377] : memref<2x16x2x80xi32, #tpu.memory_space<vmem>> -> memref<1x1x1x80xi32, #tpu.memory_space<vmem>>
      %dma_start3A_1379 = tpu.memref_squeeze %dma_start3A_1378 : memref<1x1x1x80xi32, #tpu.memory_space<vmem>> -> memref<80xi32, #tpu.memory_space<vmem>>
      %dma_start3A_1380 = arith.constant 0 : i32
      %dma_start3A_1381 = arith.constant 0 : i32
      %dma_start3A_1382 = tpu.memref_slice %arg11[%dma_start3A_1380, %dma_start3A_1381] : memref<10240x128xf32, #tpu.memory_space<vmem_shared>> -> memref<10240x128xf32, #tpu.memory_space<vmem_shared>>
      tpu.enqueue_indirect_dma source(%arg8 : memref<80x128xf32, #tpu.memory_space<vmem>>) target(%dma_start3A_1382 : memref<10240x128xf32, #tpu.memory_space<vmem_shared>>) offsets(%dma_start3A_1379 : memref<80xi32, #tpu.memory_space<vmem>>) semaphore(%arg17 : memref<!tpu.dma_semaphore, #tpu.memory_space<semaphore_mem>>) {add = true}
      %dma_wait3A_1383 = arith.constant 0 : i32
      %dma_wait3A_1384 = arith.constant 0 : i32
      %dma_wait3A_1385 = arith.constant 1 : i32
      %dma_wait3A_1386 = arith.constant 0 : i32
      %dma_wait3A_1387 = tpu.memref_slice %arg6[%dma_wait3A_1383, %dma_wait3A_1384, %dma_wait3A_1385, %dma_wait3A_1386] : memref<2x16x2x80xi32, #tpu.memory_space<vmem>> -> memref<1x1x1x80xi32, #tpu.memory_space<vmem>>
      %dma_wait3A_1388 = tpu.memref_squeeze %dma_wait3A_1387 : memref<1x1x1x80xi32, #tpu.memory_space<vmem>> -> memref<80xi32, #tpu.memory_space<vmem>>
      %dma_wait3A_1389 = arith.constant 0 : i32
      %dma_wait3A_1390 = arith.constant 0 : i32
      %dma_wait3A_1391 = tpu.memref_slice %arg11[%dma_wait3A_1389, %dma_wait3A_1390] : memref<10240x128xf32, #tpu.memory_space<vmem_shared>> -> memref<10240x128xf32, #tpu.memory_space<vmem_shared>>
      tpu.wait_indirect_dma semaphore(%arg16 : memref<!tpu.dma_semaphore, #tpu.memory_space<semaphore_mem>>) src(%arg7 : memref<80x128xf32, #tpu.memory_space<vmem>>) dst(%dma_wait3A_1391 : memref<10240x128xf32, #tpu.memory_space<vmem_shared>>)
      %add3A_1392 = arith.constant 1 : i32
      %add3A_1393 = arith.addi %add3A_1216, %add3A_1392 : i32
      %dma_start3A_1394 = arith.constant 0 : i32
      %dma_start3A_1395 = arith.constant 0 : i32
      %dma_start3A_1396 = arith.constant 0 : i32
      %dma_start3A_1397 = arith.constant 0 : i32
      %dma_start3A_1398 = tpu.memref_slice %arg6[%dma_start3A_1394, %dma_start3A_1395, %dma_start3A_1396, %dma_start3A_1397] : memref<2x16x2x80xi32, #tpu.memory_space<vmem>> -> memref<1x16x2x80xi32, #tpu.memory_space<vmem>>
      %dma_start3A_1399 = tpu.memref_squeeze %dma_start3A_1398 : memref<1x16x2x80xi32, #tpu.memory_space<vmem>> -> memref<16x2x80xi32, #tpu.memory_space<vmem>>
      %dma_start3A_1400 = arith.constant 0 : i32
      %dma_start3A_1401 = arith.constant 0 : i32
      %dma_start3A_1402 = arith.constant 0 : i32
      %dma_start3A_1403 = tpu.memref_slice %arg3[%add3A, %add3A_1393, %dma_start3A_1400, %dma_start3A_1401, %dma_start3A_1402] : memref<32x8x16x2x80xi32, #tpu.memory_space<hbm>> -> memref<1x1x16x2x80xi32, #tpu.memory_space<hbm>>
      %dma_start3A_1404 = tpu.memref_squeeze %dma_start3A_1403 : memref<1x1x16x2x80xi32, #tpu.memory_space<hbm>> -> memref<16x2x80xi32, #tpu.memory_space<hbm>>
      %dma_start3A_1405 = arith.constant 0 : i32
      %dma_start3A_1406 = arith.constant 0 : i32
      %dma_start3A_1407 = arith.constant 0 : i32
      %dma_start3A_1408 = tpu.memref_slice %arg6[%dma_start3A_1394, %dma_start3A_1405, %dma_start3A_1406, %dma_start3A_1407] : memref<2x16x2x80xi32, #tpu.memory_space<vmem>> -> memref<1x16x2x80xi32, #tpu.memory_space<vmem>>
      %dma_start3A_1409 = tpu.memref_squeeze %dma_start3A_1408 : memref<1x16x2x80xi32, #tpu.memory_space<vmem>> -> memref<16x2x80xi32, #tpu.memory_space<vmem>>
      %dma_start3A_1410 = arith.constant 0 : i32
      %dma_start3A_1411 = arith.constant 0 : i32
      %dma_start3A_1412 = arith.constant 0 : i32
      %dma_start3A_1413 = tpu.memref_slice %arg3[%add3A, %add3A_1393, %dma_start3A_1410, %dma_start3A_1411, %dma_start3A_1412] : memref<32x8x16x2x80xi32, #tpu.memory_space<hbm>> -> memref<1x1x16x2x80xi32, #tpu.memory_space<hbm>>
      %dma_start3A_1414 = tpu.memref_squeeze %dma_start3A_1413 : memref<1x1x16x2x80xi32, #tpu.memory_space<hbm>> -> memref<16x2x80xi32, #tpu.memory_space<hbm>>
      tpu.enqueue_dma source(%dma_start3A_1414 : memref<16x2x80xi32, #tpu.memory_space<hbm>>) target(%dma_start3A_1409 : memref<16x2x80xi32, #tpu.memory_space<vmem>>) target_semaphore(%arg20 : memref<!tpu.dma_semaphore, #tpu.memory_space<semaphore_mem>>)
      %dma_start3A_1415 = arith.constant 1 : i32
      %dma_start3A_1416 = arith.constant 4 : i32
      %dma_start3A_1417 = arith.constant 0 : i32
      %dma_start3A_1418 = arith.constant 0 : i32
      %dma_start3A_1419 = tpu.memref_slice %arg6[%dma_start3A_1415, %dma_start3A_1416, %dma_start3A_1417, %dma_start3A_1418] : memref<2x16x2x80xi32, #tpu.memory_space<vmem>> -> memref<1x1x1x80xi32, #tpu.memory_space<vmem>>
      %dma_start3A_1420 = tpu.memref_squeeze %dma_start3A_1419 : memref<1x1x1x80xi32, #tpu.memory_space<vmem>> -> memref<80xi32, #tpu.memory_space<vmem>>
      %dma_start3A_1421 = arith.constant 0 : i32
      %dma_start3A_1422 = arith.constant 0 : i32
      %dma_start3A_1423 = tpu.memref_slice %arg2[%dma_start3A_1421, %dma_start3A_1422] : memref<10000x128xf32, #tpu.memory_space<hbm>> -> memref<10000x128xf32, #tpu.memory_space<hbm>>
      tpu.enqueue_indirect_dma source(%dma_start3A_1423 : memref<10000x128xf32, #tpu.memory_space<hbm>>) target(%arg7 : memref<80x128xf32, #tpu.memory_space<vmem>>) offsets(%dma_start3A_1420 : memref<80xi32, #tpu.memory_space<vmem>>) semaphore(%arg12 : memref<!tpu.dma_semaphore, #tpu.memory_space<semaphore_mem>>)
      %dma_wait3A_1424 = arith.constant 0 : i32
      %dma_wait3A_1425 = arith.constant 0 : i32
      %dma_wait3A_1426 = arith.constant 0 : i32
      %dma_wait3A_1427 = arith.constant 0 : i32
      %dma_wait3A_1428 = tpu.memref_slice %arg6[%dma_wait3A_1424, %dma_wait3A_1425, %dma_wait3A_1426, %dma_wait3A_1427] : memref<2x16x2x80xi32, #tpu.memory_space<vmem>> -> memref<1x1x1x80xi32, #tpu.memory_space<vmem>>
      %dma_wait3A_1429 = tpu.memref_squeeze %dma_wait3A_1428 : memref<1x1x1x80xi32, #tpu.memory_space<vmem>> -> memref<80xi32, #tpu.memory_space<vmem>>
      %dma_wait3A_1430 = arith.constant 0 : i32
      %dma_wait3A_1431 = arith.constant 0 : i32
      %dma_wait3A_1432 = tpu.memref_slice %arg2[%dma_wait3A_1430, %dma_wait3A_1431] : memref<10000x128xf32, #tpu.memory_space<hbm>> -> memref<10000x128xf32, #tpu.memory_space<hbm>>
      tpu.wait_indirect_dma semaphore(%arg14 : memref<!tpu.dma_semaphore, #tpu.memory_space<semaphore_mem>>) src(%dma_wait3A_1432 : memref<10000x128xf32, #tpu.memory_space<hbm>>) dst(%arg9 : memref<80x128xf32, #tpu.memory_space<vmem>>)
      %dma_start3A_1433 = arith.constant 1 : i32
      %dma_start3A_1434 = arith.constant 2 : i32
      %dma_start3A_1435 = arith.constant 1 : i32
      %dma_start3A_1436 = arith.constant 0 : i32
      %dma_start3A_1437 = tpu.memref_slice %arg6[%dma_start3A_1433, %dma_start3A_1434, %dma_start3A_1435, %dma_start3A_1436] : memref<2x16x2x80xi32, #tpu.memory_space<vmem>> -> memref<1x1x1x80xi32, #tpu.memory_space<vmem>>
      %dma_start3A_1438 = tpu.memref_squeeze %dma_start3A_1437 : memref<1x1x1x80xi32, #tpu.memory_space<vmem>> -> memref<80xi32, #tpu.memory_space<vmem>>
      %dma_start3A_1439 = arith.constant 0 : i32
      %dma_start3A_1440 = arith.constant 0 : i32
      %dma_start3A_1441 = tpu.memref_slice %arg11[%dma_start3A_1439, %dma_start3A_1440] : memref<10240x128xf32, #tpu.memory_space<vmem_shared>> -> memref<10240x128xf32, #tpu.memory_space<vmem_shared>>
      tpu.enqueue_indirect_dma source(%arg9 : memref<80x128xf32, #tpu.memory_space<vmem>>) target(%dma_start3A_1441 : memref<10240x128xf32, #tpu.memory_space<vmem_shared>>) offsets(%dma_start3A_1438 : memref<80xi32, #tpu.memory_space<vmem>>) semaphore(%arg18 : memref<!tpu.dma_semaphore, #tpu.memory_space<semaphore_mem>>) {add = true}
      %dma_wait3A_1442 = arith.constant 0 : i32
      %dma_wait3A_1443 = arith.constant 0 : i32
      %dma_wait3A_1444 = arith.constant 1 : i32
      %dma_wait3A_1445 = arith.constant 0 : i32
      %dma_wait3A_1446 = tpu.memref_slice %arg6[%dma_wait3A_1442, %dma_wait3A_1443, %dma_wait3A_1444, %dma_wait3A_1445] : memref<2x16x2x80xi32, #tpu.memory_space<vmem>> -> memref<1x1x1x80xi32, #tpu.memory_space<vmem>>
      %dma_wait3A_1447 = tpu.memref_squeeze %dma_wait3A_1446 : memref<1x1x1x80xi32, #tpu.memory_space<vmem>> -> memref<80xi32, #tpu.memory_space<vmem>>
      %dma_wait3A_1448 = arith.constant 0 : i32
      %dma_wait3A_1449 = arith.constant 0 : i32
      %dma_wait3A_1450 = tpu.memref_slice %arg11[%dma_wait3A_1448, %dma_wait3A_1449] : memref<10240x128xf32, #tpu.memory_space<vmem_shared>> -> memref<10240x128xf32, #tpu.memory_space<vmem_shared>>
      tpu.wait_indirect_dma semaphore(%arg17 : memref<!tpu.dma_semaphore, #tpu.memory_space<semaphore_mem>>) src(%arg8 : memref<80x128xf32, #tpu.memory_space<vmem>>) dst(%dma_wait3A_1450 : memref<10240x128xf32, #tpu.memory_space<vmem_shared>>)
      %dma_start3A_1451 = arith.constant 1 : i32
      %dma_start3A_1452 = arith.constant 5 : i32
      %dma_start3A_1453 = arith.constant 0 : i32
      %dma_start3A_1454 = arith.constant 0 : i32
      %dma_start3A_1455 = tpu.memref_slice %arg6[%dma_start3A_1451, %dma_start3A_1452, %dma_start3A_1453, %dma_start3A_1454] : memref<2x16x2x80xi32, #tpu.memory_space<vmem>> -> memref<1x1x1x80xi32, #tpu.memory_space<vmem>>
      %dma_start3A_1456 = tpu.memref_squeeze %dma_start3A_1455 : memref<1x1x1x80xi32, #tpu.memory_space<vmem>> -> memref<80xi32, #tpu.memory_space<vmem>>
      %dma_start3A_1457 = arith.constant 0 : i32
      %dma_start3A_1458 = arith.constant 0 : i32
      %dma_start3A_1459 = tpu.memref_slice %arg2[%dma_start3A_1457, %dma_start3A_1458] : memref<10000x128xf32, #tpu.memory_space<hbm>> -> memref<10000x128xf32, #tpu.memory_space<hbm>>
      tpu.enqueue_indirect_dma source(%dma_start3A_1459 : memref<10000x128xf32, #tpu.memory_space<hbm>>) target(%arg8 : memref<80x128xf32, #tpu.memory_space<vmem>>) offsets(%dma_start3A_1456 : memref<80xi32, #tpu.memory_space<vmem>>) semaphore(%arg13 : memref<!tpu.dma_semaphore, #tpu.memory_space<semaphore_mem>>)
      %dma_wait3A_1460 = arith.constant 0 : i32
      %dma_wait3A_1461 = arith.constant 0 : i32
      %dma_wait3A_1462 = arith.constant 0 : i32
      %dma_wait3A_1463 = arith.constant 0 : i32
      %dma_wait3A_1464 = tpu.memref_slice %arg6[%dma_wait3A_1460, %dma_wait3A_1461, %dma_wait3A_1462, %dma_wait3A_1463] : memref<2x16x2x80xi32, #tpu.memory_space<vmem>> -> memref<1x1x1x80xi32, #tpu.memory_space<vmem>>
      %dma_wait3A_1465 = tpu.memref_squeeze %dma_wait3A_1464 : memref<1x1x1x80xi32, #tpu.memory_space<vmem>> -> memref<80xi32, #tpu.memory_space<vmem>>
      %dma_wait3A_1466 = arith.constant 0 : i32
      %dma_wait3A_1467 = arith.constant 0 : i32
      %dma_wait3A_1468 = tpu.memref_slice %arg2[%dma_wait3A_1466, %dma_wait3A_1467] : memref<10000x128xf32, #tpu.memory_space<hbm>> -> memref<10000x128xf32, #tpu.memory_space<hbm>>
      tpu.wait_indirect_dma semaphore(%arg15 : memref<!tpu.dma_semaphore, #tpu.memory_space<semaphore_mem>>) src(%dma_wait3A_1468 : memref<10000x128xf32, #tpu.memory_space<hbm>>) dst(%arg10 : memref<80x128xf32, #tpu.memory_space<vmem>>)
      %dma_start3A_1469 = arith.constant 1 : i32
      %dma_start3A_1470 = arith.constant 3 : i32
      %dma_start3A_1471 = arith.constant 1 : i32
      %dma_start3A_1472 = arith.constant 0 : i32
      %dma_start3A_1473 = tpu.memref_slice %arg6[%dma_start3A_1469, %dma_start3A_1470, %dma_start3A_1471, %dma_start3A_1472] : memref<2x16x2x80xi32, #tpu.memory_space<vmem>> -> memref<1x1x1x80xi32, #tpu.memory_space<vmem>>
      %dma_start3A_1474 = tpu.memref_squeeze %dma_start3A_1473 : memref<1x1x1x80xi32, #tpu.memory_space<vmem>> -> memref<80xi32, #tpu.memory_space<vmem>>
      %dma_start3A_1475 = arith.constant 0 : i32
      %dma_start3A_1476 = arith.constant 0 : i32
      %dma_start3A_1477 = tpu.memref_slice %arg11[%dma_start3A_1475, %dma_start3A_1476] : memref<10240x128xf32, #tpu.memory_space<vmem_shared>> -> memref<10240x128xf32, #tpu.memory_space<vmem_shared>>
      tpu.enqueue_indirect_dma source(%arg10 : memref<80x128xf32, #tpu.memory_space<vmem>>) target(%dma_start3A_1477 : memref<10240x128xf32, #tpu.memory_space<vmem_shared>>) offsets(%dma_start3A_1474 : memref<80xi32, #tpu.memory_space<vmem>>) semaphore(%arg19 : memref<!tpu.dma_semaphore, #tpu.memory_space<semaphore_mem>>) {add = true}
      %dma_wait3A_1478 = arith.constant 0 : i32
      %dma_wait3A_1479 = arith.constant 0 : i32
      %dma_wait3A_1480 = arith.constant 1 : i32
      %dma_wait3A_1481 = arith.constant 0 : i32
      %dma_wait3A_1482 = tpu.memref_slice %arg6[%dma_wait3A_1478, %dma_wait3A_1479, %dma_wait3A_1480, %dma_wait3A_1481] : memref<2x16x2x80xi32, #tpu.memory_space<vmem>> -> memref<1x1x1x80xi32, #tpu.memory_space<vmem>>
      %dma_wait3A_1483 = tpu.memref_squeeze %dma_wait3A_1482 : memref<1x1x1x80xi32, #tpu.memory_space<vmem>> -> memref<80xi32, #tpu.memory_space<vmem>>
      %dma_wait3A_1484 = arith.constant 0 : i32
      %dma_wait3A_1485 = arith.constant 0 : i32
      %dma_wait3A_1486 = tpu.memref_slice %arg11[%dma_wait3A_1484, %dma_wait3A_1485] : memref<10240x128xf32, #tpu.memory_space<vmem_shared>> -> memref<10240x128xf32, #tpu.memory_space<vmem_shared>>
      tpu.wait_indirect_dma semaphore(%arg18 : memref<!tpu.dma_semaphore, #tpu.memory_space<semaphore_mem>>) src(%arg9 : memref<80x128xf32, #tpu.memory_space<vmem>>) dst(%dma_wait3A_1486 : memref<10240x128xf32, #tpu.memory_space<vmem_shared>>)
      %dma_start3A_1487 = arith.constant 1 : i32
      %dma_start3A_1488 = arith.constant 6 : i32
      %dma_start3A_1489 = arith.constant 0 : i32
      %dma_start3A_1490 = arith.constant 0 : i32
      %dma_start3A_1491 = tpu.memref_slice %arg6[%dma_start3A_1487, %dma_start3A_1488, %dma_start3A_1489, %dma_start3A_1490] : memref<2x16x2x80xi32, #tpu.memory_space<vmem>> -> memref<1x1x1x80xi32, #tpu.memory_space<vmem>>
      %dma_start3A_1492 = tpu.memref_squeeze %dma_start3A_1491 : memref<1x1x1x80xi32, #tpu.memory_space<vmem>> -> memref<80xi32, #tpu.memory_space<vmem>>
      %dma_start3A_1493 = arith.constant 0 : i32
      %dma_start3A_1494 = arith.constant 0 : i32
      %dma_start3A_1495 = tpu.memref_slice %arg2[%dma_start3A_1493, %dma_start3A_1494] : memref<10000x128xf32, #tpu.memory_space<hbm>> -> memref<10000x128xf32, #tpu.memory_space<hbm>>
      tpu.enqueue_indirect_dma source(%dma_start3A_1495 : memref<10000x128xf32, #tpu.memory_space<hbm>>) target(%arg9 : memref<80x128xf32, #tpu.memory_space<vmem>>) offsets(%dma_start3A_1492 : memref<80xi32, #tpu.memory_space<vmem>>) semaphore(%arg14 : memref<!tpu.dma_semaphore, #tpu.memory_space<semaphore_mem>>)
      %dma_wait3A_1496 = arith.constant 0 : i32
      %dma_wait3A_1497 = arith.constant 0 : i32
      %dma_wait3A_1498 = arith.constant 0 : i32
      %dma_wait3A_1499 = arith.constant 0 : i32
      %dma_wait3A_1500 = tpu.memref_slice %arg6[%dma_wait3A_1496, %dma_wait3A_1497, %dma_wait3A_1498, %dma_wait3A_1499] : memref<2x16x2x80xi32, #tpu.memory_space<vmem>> -> memref<1x1x1x80xi32, #tpu.memory_space<vmem>>
      %dma_wait3A_1501 = tpu.memref_squeeze %dma_wait3A_1500 : memref<1x1x1x80xi32, #tpu.memory_space<vmem>> -> memref<80xi32, #tpu.memory_space<vmem>>
      %dma_wait3A_1502 = arith.constant 0 : i32
      %dma_wait3A_1503 = arith.constant 0 : i32
      %dma_wait3A_1504 = tpu.memref_slice %arg2[%dma_wait3A_1502, %dma_wait3A_1503] : memref<10000x128xf32, #tpu.memory_space<hbm>> -> memref<10000x128xf32, #tpu.memory_space<hbm>>
      tpu.wait_indirect_dma semaphore(%arg12 : memref<!tpu.dma_semaphore, #tpu.memory_space<semaphore_mem>>) src(%dma_wait3A_1504 : memref<10000x128xf32, #tpu.memory_space<hbm>>) dst(%arg7 : memref<80x128xf32, #tpu.memory_space<vmem>>)
      %dma_start3A_1505 = arith.constant 1 : i32
      %dma_start3A_1506 = arith.constant 4 : i32
      %dma_start3A_1507 = arith.constant 1 : i32
      %dma_start3A_1508 = arith.constant 0 : i32
      %dma_start3A_1509 = tpu.memref_slice %arg6[%dma_start3A_1505, %dma_start3A_1506, %dma_start3A_1507, %dma_start3A_1508] : memref<2x16x2x80xi32, #tpu.memory_space<vmem>> -> memref<1x1x1x80xi32, #tpu.memory_space<vmem>>
      %dma_start3A_1510 = tpu.memref_squeeze %dma_start3A_1509 : memref<1x1x1x80xi32, #tpu.memory_space<vmem>> -> memref<80xi32, #tpu.memory_space<vmem>>
      %dma_start3A_1511 = arith.constant 0 : i32
      %dma_start3A_1512 = arith.constant 0 : i32
      %dma_start3A_1513 = tpu.memref_slice %arg11[%dma_start3A_1511, %dma_start3A_1512] : memref<10240x128xf32, #tpu.memory_space<vmem_shared>> -> memref<10240x128xf32, #tpu.memory_space<vmem_shared>>
      tpu.enqueue_indirect_dma source(%arg7 : memref<80x128xf32, #tpu.memory_space<vmem>>) target(%dma_start3A_1513 : memref<10240x128xf32, #tpu.memory_space<vmem_shared>>) offsets(%dma_start3A_1510 : memref<80xi32, #tpu.memory_space<vmem>>) semaphore(%arg16 : memref<!tpu.dma_semaphore, #tpu.memory_space<semaphore_mem>>) {add = true}
      %dma_wait3A_1514 = arith.constant 0 : i32
      %dma_wait3A_1515 = arith.constant 0 : i32
      %dma_wait3A_1516 = arith.constant 1 : i32
      %dma_wait3A_1517 = arith.constant 0 : i32
      %dma_wait3A_1518 = tpu.memref_slice %arg6[%dma_wait3A_1514, %dma_wait3A_1515, %dma_wait3A_1516, %dma_wait3A_1517] : memref<2x16x2x80xi32, #tpu.memory_space<vmem>> -> memref<1x1x1x80xi32, #tpu.memory_space<vmem>>
      %dma_wait3A_1519 = tpu.memref_squeeze %dma_wait3A_1518 : memref<1x1x1x80xi32, #tpu.memory_space<vmem>> -> memref<80xi32, #tpu.memory_space<vmem>>
      %dma_wait3A_1520 = arith.constant 0 : i32
      %dma_wait3A_1521 = arith.constant 0 : i32
      %dma_wait3A_1522 = tpu.memref_slice %arg11[%dma_wait3A_1520, %dma_wait3A_1521] : memref<10240x128xf32, #tpu.memory_space<vmem_shared>> -> memref<10240x128xf32, #tpu.memory_space<vmem_shared>>
      tpu.wait_indirect_dma semaphore(%arg19 : memref<!tpu.dma_semaphore, #tpu.memory_space<semaphore_mem>>) src(%arg10 : memref<80x128xf32, #tpu.memory_space<vmem>>) dst(%dma_wait3A_1522 : memref<10240x128xf32, #tpu.memory_space<vmem_shared>>)
      %dma_start3A_1523 = arith.constant 1 : i32
      %dma_start3A_1524 = arith.constant 7 : i32
      %dma_start3A_1525 = arith.constant 0 : i32
      %dma_start3A_1526 = arith.constant 0 : i32
      %dma_start3A_1527 = tpu.memref_slice %arg6[%dma_start3A_1523, %dma_start3A_1524, %dma_start3A_1525, %dma_start3A_1526] : memref<2x16x2x80xi32, #tpu.memory_space<vmem>> -> memref<1x1x1x80xi32, #tpu.memory_space<vmem>>
      %dma_start3A_1528 = tpu.memref_squeeze %dma_start3A_1527 : memref<1x1x1x80xi32, #tpu.memory_space<vmem>> -> memref<80xi32, #tpu.memory_space<vmem>>
      %dma_start3A_1529 = arith.constant 0 : i32
      %dma_start3A_1530 = arith.constant 0 : i32
      %dma_start3A_1531 = tpu.memref_slice %arg2[%dma_start3A_1529, %dma_start3A_1530] : memref<10000x128xf32, #tpu.memory_space<hbm>> -> memref<10000x128xf32, #tpu.memory_space<hbm>>
      tpu.enqueue_indirect_dma source(%dma_start3A_1531 : memref<10000x128xf32, #tpu.memory_space<hbm>>) target(%arg10 : memref<80x128xf32, #tpu.memory_space<vmem>>) offsets(%dma_start3A_1528 : memref<80xi32, #tpu.memory_space<vmem>>) semaphore(%arg15 : memref<!tpu.dma_semaphore, #tpu.memory_space<semaphore_mem>>)
      %dma_wait3A_1532 = arith.constant 0 : i32
      %dma_wait3A_1533 = arith.constant 0 : i32
      %dma_wait3A_1534 = arith.constant 0 : i32
      %dma_wait3A_1535 = arith.constant 0 : i32
      %dma_wait3A_1536 = tpu.memref_slice %arg6[%dma_wait3A_1532, %dma_wait3A_1533, %dma_wait3A_1534, %dma_wait3A_1535] : memref<2x16x2x80xi32, #tpu.memory_space<vmem>> -> memref<1x1x1x80xi32, #tpu.memory_space<vmem>>
      %dma_wait3A_1537 = tpu.memref_squeeze %dma_wait3A_1536 : memref<1x1x1x80xi32, #tpu.memory_space<vmem>> -> memref<80xi32, #tpu.memory_space<vmem>>
      %dma_wait3A_1538 = arith.constant 0 : i32
      %dma_wait3A_1539 = arith.constant 0 : i32
      %dma_wait3A_1540 = tpu.memref_slice %arg2[%dma_wait3A_1538, %dma_wait3A_1539] : memref<10000x128xf32, #tpu.memory_space<hbm>> -> memref<10000x128xf32, #tpu.memory_space<hbm>>
      tpu.wait_indirect_dma semaphore(%arg13 : memref<!tpu.dma_semaphore, #tpu.memory_space<semaphore_mem>>) src(%dma_wait3A_1540 : memref<10000x128xf32, #tpu.memory_space<hbm>>) dst(%arg8 : memref<80x128xf32, #tpu.memory_space<vmem>>)
      %dma_start3A_1541 = arith.constant 1 : i32
      %dma_start3A_1542 = arith.constant 5 : i32
      %dma_start3A_1543 = arith.constant 1 : i32
      %dma_start3A_1544 = arith.constant 0 : i32
      %dma_start3A_1545 = tpu.memref_slice %arg6[%dma_start3A_1541, %dma_start3A_1542, %dma_start3A_1543, %dma_start3A_1544] : memref<2x16x2x80xi32, #tpu.memory_space<vmem>> -> memref<1x1x1x80xi32, #tpu.memory_space<vmem>>
      %dma_start3A_1546 = tpu.memref_squeeze %dma_start3A_1545 : memref<1x1x1x80xi32, #tpu.memory_space<vmem>> -> memref<80xi32, #tpu.memory_space<vmem>>
      %dma_start3A_1547 = arith.constant 0 : i32
      %dma_start3A_1548 = arith.constant 0 : i32
      %dma_start3A_1549 = tpu.memref_slice %arg11[%dma_start3A_1547, %dma_start3A_1548] : memref<10240x128xf32, #tpu.memory_space<vmem_shared>> -> memref<10240x128xf32, #tpu.memory_space<vmem_shared>>
      tpu.enqueue_indirect_dma source(%arg8 : memref<80x128xf32, #tpu.memory_space<vmem>>) target(%dma_start3A_1549 : memref<10240x128xf32, #tpu.memory_space<vmem_shared>>) offsets(%dma_start3A_1546 : memref<80xi32, #tpu.memory_space<vmem>>) semaphore(%arg17 : memref<!tpu.dma_semaphore, #tpu.memory_space<semaphore_mem>>) {add = true}
      %dma_wait3A_1550 = arith.constant 0 : i32
      %dma_wait3A_1551 = arith.constant 0 : i32
      %dma_wait3A_1552 = arith.constant 1 : i32
      %dma_wait3A_1553 = arith.constant 0 : i32
      %dma_wait3A_1554 = tpu.memref_slice %arg6[%dma_wait3A_1550, %dma_wait3A_1551, %dma_wait3A_1552, %dma_wait3A_1553] : memref<2x16x2x80xi32, #tpu.memory_space<vmem>> -> memref<1x1x1x80xi32, #tpu.memory_space<vmem>>
      %dma_wait3A_1555 = tpu.memref_squeeze %dma_wait3A_1554 : memref<1x1x1x80xi32, #tpu.memory_space<vmem>> -> memref<80xi32, #tpu.memory_space<vmem>>
      %dma_wait3A_1556 = arith.constant 0 : i32
      %dma_wait3A_1557 = arith.constant 0 : i32
      %dma_wait3A_1558 = tpu.memref_slice %arg11[%dma_wait3A_1556, %dma_wait3A_1557] : memref<10240x128xf32, #tpu.memory_space<vmem_shared>> -> memref<10240x128xf32, #tpu.memory_space<vmem_shared>>
      tpu.wait_indirect_dma semaphore(%arg16 : memref<!tpu.dma_semaphore, #tpu.memory_space<semaphore_mem>>) src(%arg7 : memref<80x128xf32, #tpu.memory_space<vmem>>) dst(%dma_wait3A_1558 : memref<10240x128xf32, #tpu.memory_space<vmem_shared>>)
      %dma_start3A_1559 = arith.constant 1 : i32
      %dma_start3A_1560 = arith.constant 8 : i32
      %dma_start3A_1561 = arith.constant 0 : i32
      %dma_start3A_1562 = arith.constant 0 : i32
      %dma_start3A_1563 = tpu.memref_slice %arg6[%dma_start3A_1559, %dma_start3A_1560, %dma_start3A_1561, %dma_start3A_1562] : memref<2x16x2x80xi32, #tpu.memory_space<vmem>> -> memref<1x1x1x80xi32, #tpu.memory_space<vmem>>
      %dma_start3A_1564 = tpu.memref_squeeze %dma_start3A_1563 : memref<1x1x1x80xi32, #tpu.memory_space<vmem>> -> memref<80xi32, #tpu.memory_space<vmem>>
      %dma_start3A_1565 = arith.constant 0 : i32
      %dma_start3A_1566 = arith.constant 0 : i32
      %dma_start3A_1567 = tpu.memref_slice %arg2[%dma_start3A_1565, %dma_start3A_1566] : memref<10000x128xf32, #tpu.memory_space<hbm>> -> memref<10000x128xf32, #tpu.memory_space<hbm>>
      tpu.enqueue_indirect_dma source(%dma_start3A_1567 : memref<10000x128xf32, #tpu.memory_space<hbm>>) target(%arg7 : memref<80x128xf32, #tpu.memory_space<vmem>>) offsets(%dma_start3A_1564 : memref<80xi32, #tpu.memory_space<vmem>>) semaphore(%arg12 : memref<!tpu.dma_semaphore, #tpu.memory_space<semaphore_mem>>)
      %dma_wait3A_1568 = arith.constant 0 : i32
      %dma_wait3A_1569 = arith.constant 0 : i32
      %dma_wait3A_1570 = arith.constant 0 : i32
      %dma_wait3A_1571 = arith.constant 0 : i32
      %dma_wait3A_1572 = tpu.memref_slice %arg6[%dma_wait3A_1568, %dma_wait3A_1569, %dma_wait3A_1570, %dma_wait3A_1571] : memref<2x16x2x80xi32, #tpu.memory_space<vmem>> -> memref<1x1x1x80xi32, #tpu.memory_space<vmem>>
      %dma_wait3A_1573 = tpu.memref_squeeze %dma_wait3A_1572 : memref<1x1x1x80xi32, #tpu.memory_space<vmem>> -> memref<80xi32, #tpu.memory_space<vmem>>
      %dma_wait3A_1574 = arith.constant 0 : i32
      %dma_wait3A_1575 = arith.constant 0 : i32
      %dma_wait3A_1576 = tpu.memref_slice %arg2[%dma_wait3A_1574, %dma_wait3A_1575] : memref<10000x128xf32, #tpu.memory_space<hbm>> -> memref<10000x128xf32, #tpu.memory_space<hbm>>
      tpu.wait_indirect_dma semaphore(%arg14 : memref<!tpu.dma_semaphore, #tpu.memory_space<semaphore_mem>>) src(%dma_wait3A_1576 : memref<10000x128xf32, #tpu.memory_space<hbm>>) dst(%arg9 : memref<80x128xf32, #tpu.memory_space<vmem>>)
      %dma_start3A_1577 = arith.constant 1 : i32
      %dma_start3A_1578 = arith.constant 6 : i32
      %dma_start3A_1579 = arith.constant 1 : i32
      %dma_start3A_1580 = arith.constant 0 : i32
      %dma_start3A_1581 = tpu.memref_slice %arg6[%dma_start3A_1577, %dma_start3A_1578, %dma_start3A_1579, %dma_start3A_1580] : memref<2x16x2x80xi32, #tpu.memory_space<vmem>> -> memref<1x1x1x80xi32, #tpu.memory_space<vmem>>
      %dma_start3A_1582 = tpu.memref_squeeze %dma_start3A_1581 : memref<1x1x1x80xi32, #tpu.memory_space<vmem>> -> memref<80xi32, #tpu.memory_space<vmem>>
      %dma_start3A_1583 = arith.constant 0 : i32
      %dma_start3A_1584 = arith.constant 0 : i32
      %dma_start3A_1585 = tpu.memref_slice %arg11[%dma_start3A_1583, %dma_start3A_1584] : memref<10240x128xf32, #tpu.memory_space<vmem_shared>> -> memref<10240x128xf32, #tpu.memory_space<vmem_shared>>
      tpu.enqueue_indirect_dma source(%arg9 : memref<80x128xf32, #tpu.memory_space<vmem>>) target(%dma_start3A_1585 : memref<10240x128xf32, #tpu.memory_space<vmem_shared>>) offsets(%dma_start3A_1582 : memref<80xi32, #tpu.memory_space<vmem>>) semaphore(%arg18 : memref<!tpu.dma_semaphore, #tpu.memory_space<semaphore_mem>>) {add = true}
      %dma_wait3A_1586 = arith.constant 0 : i32
      %dma_wait3A_1587 = arith.constant 0 : i32
      %dma_wait3A_1588 = arith.constant 1 : i32
      %dma_wait3A_1589 = arith.constant 0 : i32
      %dma_wait3A_1590 = tpu.memref_slice %arg6[%dma_wait3A_1586, %dma_wait3A_1587, %dma_wait3A_1588, %dma_wait3A_1589] : memref<2x16x2x80xi32, #tpu.memory_space<vmem>> -> memref<1x1x1x80xi32, #tpu.memory_space<vmem>>
      %dma_wait3A_1591 = tpu.memref_squeeze %dma_wait3A_1590 : memref<1x1x1x80xi32, #tpu.memory_space<vmem>> -> memref<80xi32, #tpu.memory_space<vmem>>
      %dma_wait3A_1592 = arith.constant 0 : i32
      %dma_wait3A_1593 = arith.constant 0 : i32
      %dma_wait3A_1594 = tpu.memref_slice %arg11[%dma_wait3A_1592, %dma_wait3A_1593] : memref<10240x128xf32, #tpu.memory_space<vmem_shared>> -> memref<10240x128xf32, #tpu.memory_space<vmem_shared>>
      tpu.wait_indirect_dma semaphore(%arg17 : memref<!tpu.dma_semaphore, #tpu.memory_space<semaphore_mem>>) src(%arg8 : memref<80x128xf32, #tpu.memory_space<vmem>>) dst(%dma_wait3A_1594 : memref<10240x128xf32, #tpu.memory_space<vmem_shared>>)
      %dma_start3A_1595 = arith.constant 1 : i32
      %dma_start3A_1596 = arith.constant 9 : i32
      %dma_start3A_1597 = arith.constant 0 : i32
      %dma_start3A_1598 = arith.constant 0 : i32
      %dma_start3A_1599 = tpu.memref_slice %arg6[%dma_start3A_1595, %dma_start3A_1596, %dma_start3A_1597, %dma_start3A_1598] : memref<2x16x2x80xi32, #tpu.memory_space<vmem>> -> memref<1x1x1x80xi32, #tpu.memory_space<vmem>>
      %dma_start3A_1600 = tpu.memref_squeeze %dma_start3A_1599 : memref<1x1x1x80xi32, #tpu.memory_space<vmem>> -> memref<80xi32, #tpu.memory_space<vmem>>
      %dma_start3A_1601 = arith.constant 0 : i32
      %dma_start3A_1602 = arith.constant 0 : i32
      %dma_start3A_1603 = tpu.memref_slice %arg2[%dma_start3A_1601, %dma_start3A_1602] : memref<10000x128xf32, #tpu.memory_space<hbm>> -> memref<10000x128xf32, #tpu.memory_space<hbm>>
      tpu.enqueue_indirect_dma source(%dma_start3A_1603 : memref<10000x128xf32, #tpu.memory_space<hbm>>) target(%arg8 : memref<80x128xf32, #tpu.memory_space<vmem>>) offsets(%dma_start3A_1600 : memref<80xi32, #tpu.memory_space<vmem>>) semaphore(%arg13 : memref<!tpu.dma_semaphore, #tpu.memory_space<semaphore_mem>>)
      %dma_wait3A_1604 = arith.constant 0 : i32
      %dma_wait3A_1605 = arith.constant 0 : i32
      %dma_wait3A_1606 = arith.constant 0 : i32
      %dma_wait3A_1607 = arith.constant 0 : i32
      %dma_wait3A_1608 = tpu.memref_slice %arg6[%dma_wait3A_1604, %dma_wait3A_1605, %dma_wait3A_1606, %dma_wait3A_1607] : memref<2x16x2x80xi32, #tpu.memory_space<vmem>> -> memref<1x1x1x80xi32, #tpu.memory_space<vmem>>
      %dma_wait3A_1609 = tpu.memref_squeeze %dma_wait3A_1608 : memref<1x1x1x80xi32, #tpu.memory_space<vmem>> -> memref<80xi32, #tpu.memory_space<vmem>>
      %dma_wait3A_1610 = arith.constant 0 : i32
      %dma_wait3A_1611 = arith.constant 0 : i32
      %dma_wait3A_1612 = tpu.memref_slice %arg2[%dma_wait3A_1610, %dma_wait3A_1611] : memref<10000x128xf32, #tpu.memory_space<hbm>> -> memref<10000x128xf32, #tpu.memory_space<hbm>>
      tpu.wait_indirect_dma semaphore(%arg15 : memref<!tpu.dma_semaphore, #tpu.memory_space<semaphore_mem>>) src(%dma_wait3A_1612 : memref<10000x128xf32, #tpu.memory_space<hbm>>) dst(%arg10 : memref<80x128xf32, #tpu.memory_space<vmem>>)
      %dma_start3A_1613 = arith.constant 1 : i32
      %dma_start3A_1614 = arith.constant 7 : i32
      %dma_start3A_1615 = arith.constant 1 : i32
      %dma_start3A_1616 = arith.constant 0 : i32
      %dma_start3A_1617 = tpu.memref_slice %arg6[%dma_start3A_1613, %dma_start3A_1614, %dma_start3A_1615, %dma_start3A_1616] : memref<2x16x2x80xi32, #tpu.memory_space<vmem>> -> memref<1x1x1x80xi32, #tpu.memory_space<vmem>>
      %dma_start3A_1618 = tpu.memref_squeeze %dma_start3A_1617 : memref<1x1x1x80xi32, #tpu.memory_space<vmem>> -> memref<80xi32, #tpu.memory_space<vmem>>
      %dma_start3A_1619 = arith.constant 0 : i32
      %dma_start3A_1620 = arith.constant 0 : i32
      %dma_start3A_1621 = tpu.memref_slice %arg11[%dma_start3A_1619, %dma_start3A_1620] : memref<10240x128xf32, #tpu.memory_space<vmem_shared>> -> memref<10240x128xf32, #tpu.memory_space<vmem_shared>>
      tpu.enqueue_indirect_dma source(%arg10 : memref<80x128xf32, #tpu.memory_space<vmem>>) target(%dma_start3A_1621 : memref<10240x128xf32, #tpu.memory_space<vmem_shared>>) offsets(%dma_start3A_1618 : memref<80xi32, #tpu.memory_space<vmem>>) semaphore(%arg19 : memref<!tpu.dma_semaphore, #tpu.memory_space<semaphore_mem>>) {add = true}
      %dma_wait3A_1622 = arith.constant 0 : i32
      %dma_wait3A_1623 = arith.constant 0 : i32
      %dma_wait3A_1624 = arith.constant 1 : i32
      %dma_wait3A_1625 = arith.constant 0 : i32
      %dma_wait3A_1626 = tpu.memref_slice %arg6[%dma_wait3A_1622, %dma_wait3A_1623, %dma_wait3A_1624, %dma_wait3A_1625] : memref<2x16x2x80xi32, #tpu.memory_space<vmem>> -> memref<1x1x1x80xi32, #tpu.memory_space<vmem>>
      %dma_wait3A_1627 = tpu.memref_squeeze %dma_wait3A_1626 : memref<1x1x1x80xi32, #tpu.memory_space<vmem>> -> memref<80xi32, #tpu.memory_space<vmem>>
      %dma_wait3A_1628 = arith.constant 0 : i32
      %dma_wait3A_1629 = arith.constant 0 : i32
      %dma_wait3A_1630 = tpu.memref_slice %arg11[%dma_wait3A_1628, %dma_wait3A_1629] : memref<10240x128xf32, #tpu.memory_space<vmem_shared>> -> memref<10240x128xf32, #tpu.memory_space<vmem_shared>>
      tpu.wait_indirect_dma semaphore(%arg18 : memref<!tpu.dma_semaphore, #tpu.memory_space<semaphore_mem>>) src(%arg9 : memref<80x128xf32, #tpu.memory_space<vmem>>) dst(%dma_wait3A_1630 : memref<10240x128xf32, #tpu.memory_space<vmem_shared>>)
      %dma_start3A_1631 = arith.constant 1 : i32
      %dma_start3A_1632 = arith.constant 10 : i32
      %dma_start3A_1633 = arith.constant 0 : i32
      %dma_start3A_1634 = arith.constant 0 : i32
      %dma_start3A_1635 = tpu.memref_slice %arg6[%dma_start3A_1631, %dma_start3A_1632, %dma_start3A_1633, %dma_start3A_1634] : memref<2x16x2x80xi32, #tpu.memory_space<vmem>> -> memref<1x1x1x80xi32, #tpu.memory_space<vmem>>
      %dma_start3A_1636 = tpu.memref_squeeze %dma_start3A_1635 : memref<1x1x1x80xi32, #tpu.memory_space<vmem>> -> memref<80xi32, #tpu.memory_space<vmem>>
      %dma_start3A_1637 = arith.constant 0 : i32
      %dma_start3A_1638 = arith.constant 0 : i32
      %dma_start3A_1639 = tpu.memref_slice %arg2[%dma_start3A_1637, %dma_start3A_1638] : memref<10000x128xf32, #tpu.memory_space<hbm>> -> memref<10000x128xf32, #tpu.memory_space<hbm>>
      tpu.enqueue_indirect_dma source(%dma_start3A_1639 : memref<10000x128xf32, #tpu.memory_space<hbm>>) target(%arg9 : memref<80x128xf32, #tpu.memory_space<vmem>>) offsets(%dma_start3A_1636 : memref<80xi32, #tpu.memory_space<vmem>>) semaphore(%arg14 : memref<!tpu.dma_semaphore, #tpu.memory_space<semaphore_mem>>)
      %dma_wait3A_1640 = arith.constant 0 : i32
      %dma_wait3A_1641 = arith.constant 0 : i32
      %dma_wait3A_1642 = arith.constant 0 : i32
      %dma_wait3A_1643 = arith.constant 0 : i32
      %dma_wait3A_1644 = tpu.memref_slice %arg6[%dma_wait3A_1640, %dma_wait3A_1641, %dma_wait3A_1642, %dma_wait3A_1643] : memref<2x16x2x80xi32, #tpu.memory_space<vmem>> -> memref<1x1x1x80xi32, #tpu.memory_space<vmem>>
      %dma_wait3A_1645 = tpu.memref_squeeze %dma_wait3A_1644 : memref<1x1x1x80xi32, #tpu.memory_space<vmem>> -> memref<80xi32, #tpu.memory_space<vmem>>
      %dma_wait3A_1646 = arith.constant 0 : i32
      %dma_wait3A_1647 = arith.constant 0 : i32
      %dma_wait3A_1648 = tpu.memref_slice %arg2[%dma_wait3A_1646, %dma_wait3A_1647] : memref<10000x128xf32, #tpu.memory_space<hbm>> -> memref<10000x128xf32, #tpu.memory_space<hbm>>
      tpu.wait_indirect_dma semaphore(%arg12 : memref<!tpu.dma_semaphore, #tpu.memory_space<semaphore_mem>>) src(%dma_wait3A_1648 : memref<10000x128xf32, #tpu.memory_space<hbm>>) dst(%arg7 : memref<80x128xf32, #tpu.memory_space<vmem>>)
      %dma_start3A_1649 = arith.constant 1 : i32
      %dma_start3A_1650 = arith.constant 8 : i32
      %dma_start3A_1651 = arith.constant 1 : i32
      %dma_start3A_1652 = arith.constant 0 : i32
      %dma_start3A_1653 = tpu.memref_slice %arg6[%dma_start3A_1649, %dma_start3A_1650, %dma_start3A_1651, %dma_start3A_1652] : memref<2x16x2x80xi32, #tpu.memory_space<vmem>> -> memref<1x1x1x80xi32, #tpu.memory_space<vmem>>
      %dma_start3A_1654 = tpu.memref_squeeze %dma_start3A_1653 : memref<1x1x1x80xi32, #tpu.memory_space<vmem>> -> memref<80xi32, #tpu.memory_space<vmem>>
      %dma_start3A_1655 = arith.constant 0 : i32
      %dma_start3A_1656 = arith.constant 0 : i32
      %dma_start3A_1657 = tpu.memref_slice %arg11[%dma_start3A_1655, %dma_start3A_1656] : memref<10240x128xf32, #tpu.memory_space<vmem_shared>> -> memref<10240x128xf32, #tpu.memory_space<vmem_shared>>
      tpu.enqueue_indirect_dma source(%arg7 : memref<80x128xf32, #tpu.memory_space<vmem>>) target(%dma_start3A_1657 : memref<10240x128xf32, #tpu.memory_space<vmem_shared>>) offsets(%dma_start3A_1654 : memref<80xi32, #tpu.memory_space<vmem>>) semaphore(%arg16 : memref<!tpu.dma_semaphore, #tpu.memory_space<semaphore_mem>>) {add = true}
      %dma_wait3A_1658 = arith.constant 0 : i32
      %dma_wait3A_1659 = arith.constant 0 : i32
      %dma_wait3A_1660 = arith.constant 1 : i32
      %dma_wait3A_1661 = arith.constant 0 : i32
      %dma_wait3A_1662 = tpu.memref_slice %arg6[%dma_wait3A_1658, %dma_wait3A_1659, %dma_wait3A_1660, %dma_wait3A_1661] : memref<2x16x2x80xi32, #tpu.memory_space<vmem>> -> memref<1x1x1x80xi32, #tpu.memory_space<vmem>>
      %dma_wait3A_1663 = tpu.memref_squeeze %dma_wait3A_1662 : memref<1x1x1x80xi32, #tpu.memory_space<vmem>> -> memref<80xi32, #tpu.memory_space<vmem>>
      %dma_wait3A_1664 = arith.constant 0 : i32
      %dma_wait3A_1665 = arith.constant 0 : i32
      %dma_wait3A_1666 = tpu.memref_slice %arg11[%dma_wait3A_1664, %dma_wait3A_1665] : memref<10240x128xf32, #tpu.memory_space<vmem_shared>> -> memref<10240x128xf32, #tpu.memory_space<vmem_shared>>
      tpu.wait_indirect_dma semaphore(%arg19 : memref<!tpu.dma_semaphore, #tpu.memory_space<semaphore_mem>>) src(%arg10 : memref<80x128xf32, #tpu.memory_space<vmem>>) dst(%dma_wait3A_1666 : memref<10240x128xf32, #tpu.memory_space<vmem_shared>>)
      %dma_start3A_1667 = arith.constant 1 : i32
      %dma_start3A_1668 = arith.constant 11 : i32
      %dma_start3A_1669 = arith.constant 0 : i32
      %dma_start3A_1670 = arith.constant 0 : i32
      %dma_start3A_1671 = tpu.memref_slice %arg6[%dma_start3A_1667, %dma_start3A_1668, %dma_start3A_1669, %dma_start3A_1670] : memref<2x16x2x80xi32, #tpu.memory_space<vmem>> -> memref<1x1x1x80xi32, #tpu.memory_space<vmem>>
      %dma_start3A_1672 = tpu.memref_squeeze %dma_start3A_1671 : memref<1x1x1x80xi32, #tpu.memory_space<vmem>> -> memref<80xi32, #tpu.memory_space<vmem>>
      %dma_start3A_1673 = arith.constant 0 : i32
      %dma_start3A_1674 = arith.constant 0 : i32
      %dma_start3A_1675 = tpu.memref_slice %arg2[%dma_start3A_1673, %dma_start3A_1674] : memref<10000x128xf32, #tpu.memory_space<hbm>> -> memref<10000x128xf32, #tpu.memory_space<hbm>>
      tpu.enqueue_indirect_dma source(%dma_start3A_1675 : memref<10000x128xf32, #tpu.memory_space<hbm>>) target(%arg10 : memref<80x128xf32, #tpu.memory_space<vmem>>) offsets(%dma_start3A_1672 : memref<80xi32, #tpu.memory_space<vmem>>) semaphore(%arg15 : memref<!tpu.dma_semaphore, #tpu.memory_space<semaphore_mem>>)
      %dma_wait3A_1676 = arith.constant 0 : i32
      %dma_wait3A_1677 = arith.constant 0 : i32
      %dma_wait3A_1678 = arith.constant 0 : i32
      %dma_wait3A_1679 = arith.constant 0 : i32
      %dma_wait3A_1680 = tpu.memref_slice %arg6[%dma_wait3A_1676, %dma_wait3A_1677, %dma_wait3A_1678, %dma_wait3A_1679] : memref<2x16x2x80xi32, #tpu.memory_space<vmem>> -> memref<1x1x1x80xi32, #tpu.memory_space<vmem>>
      %dma_wait3A_1681 = tpu.memref_squeeze %dma_wait3A_1680 : memref<1x1x1x80xi32, #tpu.memory_space<vmem>> -> memref<80xi32, #tpu.memory_space<vmem>>
      %dma_wait3A_1682 = arith.constant 0 : i32
      %dma_wait3A_1683 = arith.constant 0 : i32
      %dma_wait3A_1684 = tpu.memref_slice %arg2[%dma_wait3A_1682, %dma_wait3A_1683] : memref<10000x128xf32, #tpu.memory_space<hbm>> -> memref<10000x128xf32, #tpu.memory_space<hbm>>
      tpu.wait_indirect_dma semaphore(%arg13 : memref<!tpu.dma_semaphore, #tpu.memory_space<semaphore_mem>>) src(%dma_wait3A_1684 : memref<10000x128xf32, #tpu.memory_space<hbm>>) dst(%arg8 : memref<80x128xf32, #tpu.memory_space<vmem>>)
      %dma_start3A_1685 = arith.constant 1 : i32
      %dma_start3A_1686 = arith.constant 9 : i32
      %dma_start3A_1687 = arith.constant 1 : i32
      %dma_start3A_1688 = arith.constant 0 : i32
      %dma_start3A_1689 = tpu.memref_slice %arg6[%dma_start3A_1685, %dma_start3A_1686, %dma_start3A_1687, %dma_start3A_1688] : memref<2x16x2x80xi32, #tpu.memory_space<vmem>> -> memref<1x1x1x80xi32, #tpu.memory_space<vmem>>
      %dma_start3A_1690 = tpu.memref_squeeze %dma_start3A_1689 : memref<1x1x1x80xi32, #tpu.memory_space<vmem>> -> memref<80xi32, #tpu.memory_space<vmem>>
      %dma_start3A_1691 = arith.constant 0 : i32
      %dma_start3A_1692 = arith.constant 0 : i32
      %dma_start3A_1693 = tpu.memref_slice %arg11[%dma_start3A_1691, %dma_start3A_1692] : memref<10240x128xf32, #tpu.memory_space<vmem_shared>> -> memref<10240x128xf32, #tpu.memory_space<vmem_shared>>
      tpu.enqueue_indirect_dma source(%arg8 : memref<80x128xf32, #tpu.memory_space<vmem>>) target(%dma_start3A_1693 : memref<10240x128xf32, #tpu.memory_space<vmem_shared>>) offsets(%dma_start3A_1690 : memref<80xi32, #tpu.memory_space<vmem>>) semaphore(%arg17 : memref<!tpu.dma_semaphore, #tpu.memory_space<semaphore_mem>>) {add = true}
      %dma_wait3A_1694 = arith.constant 0 : i32
      %dma_wait3A_1695 = arith.constant 0 : i32
      %dma_wait3A_1696 = arith.constant 1 : i32
      %dma_wait3A_1697 = arith.constant 0 : i32
      %dma_wait3A_1698 = tpu.memref_slice %arg6[%dma_wait3A_1694, %dma_wait3A_1695, %dma_wait3A_1696, %dma_wait3A_1697] : memref<2x16x2x80xi32, #tpu.memory_space<vmem>> -> memref<1x1x1x80xi32, #tpu.memory_space<vmem>>
      %dma_wait3A_1699 = tpu.memref_squeeze %dma_wait3A_1698 : memref<1x1x1x80xi32, #tpu.memory_space<vmem>> -> memref<80xi32, #tpu.memory_space<vmem>>
      %dma_wait3A_1700 = arith.constant 0 : i32
      %dma_wait3A_1701 = arith.constant 0 : i32
      %dma_wait3A_1702 = tpu.memref_slice %arg11[%dma_wait3A_1700, %dma_wait3A_1701] : memref<10240x128xf32, #tpu.memory_space<vmem_shared>> -> memref<10240x128xf32, #tpu.memory_space<vmem_shared>>
      tpu.wait_indirect_dma semaphore(%arg16 : memref<!tpu.dma_semaphore, #tpu.memory_space<semaphore_mem>>) src(%arg7 : memref<80x128xf32, #tpu.memory_space<vmem>>) dst(%dma_wait3A_1702 : memref<10240x128xf32, #tpu.memory_space<vmem_shared>>)
      %dma_start3A_1703 = arith.constant 1 : i32
      %dma_start3A_1704 = arith.constant 12 : i32
      %dma_start3A_1705 = arith.constant 0 : i32
      %dma_start3A_1706 = arith.constant 0 : i32
      %dma_start3A_1707 = tpu.memref_slice %arg6[%dma_start3A_1703, %dma_start3A_1704, %dma_start3A_1705, %dma_start3A_1706] : memref<2x16x2x80xi32, #tpu.memory_space<vmem>> -> memref<1x1x1x80xi32, #tpu.memory_space<vmem>>
      %dma_start3A_1708 = tpu.memref_squeeze %dma_start3A_1707 : memref<1x1x1x80xi32, #tpu.memory_space<vmem>> -> memref<80xi32, #tpu.memory_space<vmem>>
      %dma_start3A_1709 = arith.constant 0 : i32
      %dma_start3A_1710 = arith.constant 0 : i32
      %dma_start3A_1711 = tpu.memref_slice %arg2[%dma_start3A_1709, %dma_start3A_1710] : memref<10000x128xf32, #tpu.memory_space<hbm>> -> memref<10000x128xf32, #tpu.memory_space<hbm>>
      tpu.enqueue_indirect_dma source(%dma_start3A_1711 : memref<10000x128xf32, #tpu.memory_space<hbm>>) target(%arg7 : memref<80x128xf32, #tpu.memory_space<vmem>>) offsets(%dma_start3A_1708 : memref<80xi32, #tpu.memory_space<vmem>>) semaphore(%arg12 : memref<!tpu.dma_semaphore, #tpu.memory_space<semaphore_mem>>)
      %dma_wait3A_1712 = arith.constant 0 : i32
      %dma_wait3A_1713 = arith.constant 0 : i32
      %dma_wait3A_1714 = arith.constant 0 : i32
      %dma_wait3A_1715 = arith.constant 0 : i32
      %dma_wait3A_1716 = tpu.memref_slice %arg6[%dma_wait3A_1712, %dma_wait3A_1713, %dma_wait3A_1714, %dma_wait3A_1715] : memref<2x16x2x80xi32, #tpu.memory_space<vmem>> -> memref<1x1x1x80xi32, #tpu.memory_space<vmem>>
      %dma_wait3A_1717 = tpu.memref_squeeze %dma_wait3A_1716 : memref<1x1x1x80xi32, #tpu.memory_space<vmem>> -> memref<80xi32, #tpu.memory_space<vmem>>
      %dma_wait3A_1718 = arith.constant 0 : i32
      %dma_wait3A_1719 = arith.constant 0 : i32
      %dma_wait3A_1720 = tpu.memref_slice %arg2[%dma_wait3A_1718, %dma_wait3A_1719] : memref<10000x128xf32, #tpu.memory_space<hbm>> -> memref<10000x128xf32, #tpu.memory_space<hbm>>
      tpu.wait_indirect_dma semaphore(%arg14 : memref<!tpu.dma_semaphore, #tpu.memory_space<semaphore_mem>>) src(%dma_wait3A_1720 : memref<10000x128xf32, #tpu.memory_space<hbm>>) dst(%arg9 : memref<80x128xf32, #tpu.memory_space<vmem>>)
      %dma_start3A_1721 = arith.constant 1 : i32
      %dma_start3A_1722 = arith.constant 10 : i32
      %dma_start3A_1723 = arith.constant 1 : i32
      %dma_start3A_1724 = arith.constant 0 : i32
      %dma_start3A_1725 = tpu.memref_slice %arg6[%dma_start3A_1721, %dma_start3A_1722, %dma_start3A_1723, %dma_start3A_1724] : memref<2x16x2x80xi32, #tpu.memory_space<vmem>> -> memref<1x1x1x80xi32, #tpu.memory_space<vmem>>
      %dma_start3A_1726 = tpu.memref_squeeze %dma_start3A_1725 : memref<1x1x1x80xi32, #tpu.memory_space<vmem>> -> memref<80xi32, #tpu.memory_space<vmem>>
      %dma_start3A_1727 = arith.constant 0 : i32
      %dma_start3A_1728 = arith.constant 0 : i32
      %dma_start3A_1729 = tpu.memref_slice %arg11[%dma_start3A_1727, %dma_start3A_1728] : memref<10240x128xf32, #tpu.memory_space<vmem_shared>> -> memref<10240x128xf32, #tpu.memory_space<vmem_shared>>
      tpu.enqueue_indirect_dma source(%arg9 : memref<80x128xf32, #tpu.memory_space<vmem>>) target(%dma_start3A_1729 : memref<10240x128xf32, #tpu.memory_space<vmem_shared>>) offsets(%dma_start3A_1726 : memref<80xi32, #tpu.memory_space<vmem>>) semaphore(%arg18 : memref<!tpu.dma_semaphore, #tpu.memory_space<semaphore_mem>>) {add = true}
      %dma_wait3A_1730 = arith.constant 0 : i32
      %dma_wait3A_1731 = arith.constant 0 : i32
      %dma_wait3A_1732 = arith.constant 1 : i32
      %dma_wait3A_1733 = arith.constant 0 : i32
      %dma_wait3A_1734 = tpu.memref_slice %arg6[%dma_wait3A_1730, %dma_wait3A_1731, %dma_wait3A_1732, %dma_wait3A_1733] : memref<2x16x2x80xi32, #tpu.memory_space<vmem>> -> memref<1x1x1x80xi32, #tpu.memory_space<vmem>>
      %dma_wait3A_1735 = tpu.memref_squeeze %dma_wait3A_1734 : memref<1x1x1x80xi32, #tpu.memory_space<vmem>> -> memref<80xi32, #tpu.memory_space<vmem>>
      %dma_wait3A_1736 = arith.constant 0 : i32
      %dma_wait3A_1737 = arith.constant 0 : i32
      %dma_wait3A_1738 = tpu.memref_slice %arg11[%dma_wait3A_1736, %dma_wait3A_1737] : memref<10240x128xf32, #tpu.memory_space<vmem_shared>> -> memref<10240x128xf32, #tpu.memory_space<vmem_shared>>
      tpu.wait_indirect_dma semaphore(%arg17 : memref<!tpu.dma_semaphore, #tpu.memory_space<semaphore_mem>>) src(%arg8 : memref<80x128xf32, #tpu.memory_space<vmem>>) dst(%dma_wait3A_1738 : memref<10240x128xf32, #tpu.memory_space<vmem_shared>>)
      %dma_start3A_1739 = arith.constant 1 : i32
      %dma_start3A_1740 = arith.constant 13 : i32
      %dma_start3A_1741 = arith.constant 0 : i32
      %dma_start3A_1742 = arith.constant 0 : i32
      %dma_start3A_1743 = tpu.memref_slice %arg6[%dma_start3A_1739, %dma_start3A_1740, %dma_start3A_1741, %dma_start3A_1742] : memref<2x16x2x80xi32, #tpu.memory_space<vmem>> -> memref<1x1x1x80xi32, #tpu.memory_space<vmem>>
      %dma_start3A_1744 = tpu.memref_squeeze %dma_start3A_1743 : memref<1x1x1x80xi32, #tpu.memory_space<vmem>> -> memref<80xi32, #tpu.memory_space<vmem>>
      %dma_start3A_1745 = arith.constant 0 : i32
      %dma_start3A_1746 = arith.constant 0 : i32
      %dma_start3A_1747 = tpu.memref_slice %arg2[%dma_start3A_1745, %dma_start3A_1746] : memref<10000x128xf32, #tpu.memory_space<hbm>> -> memref<10000x128xf32, #tpu.memory_space<hbm>>
      tpu.enqueue_indirect_dma source(%dma_start3A_1747 : memref<10000x128xf32, #tpu.memory_space<hbm>>) target(%arg8 : memref<80x128xf32, #tpu.memory_space<vmem>>) offsets(%dma_start3A_1744 : memref<80xi32, #tpu.memory_space<vmem>>) semaphore(%arg13 : memref<!tpu.dma_semaphore, #tpu.memory_space<semaphore_mem>>)
      %dma_wait3A_1748 = arith.constant 0 : i32
      %dma_wait3A_1749 = arith.constant 0 : i32
      %dma_wait3A_1750 = arith.constant 0 : i32
      %dma_wait3A_1751 = arith.constant 0 : i32
      %dma_wait3A_1752 = tpu.memref_slice %arg6[%dma_wait3A_1748, %dma_wait3A_1749, %dma_wait3A_1750, %dma_wait3A_1751] : memref<2x16x2x80xi32, #tpu.memory_space<vmem>> -> memref<1x1x1x80xi32, #tpu.memory_space<vmem>>
      %dma_wait3A_1753 = tpu.memref_squeeze %dma_wait3A_1752 : memref<1x1x1x80xi32, #tpu.memory_space<vmem>> -> memref<80xi32, #tpu.memory_space<vmem>>
      %dma_wait3A_1754 = arith.constant 0 : i32
      %dma_wait3A_1755 = arith.constant 0 : i32
      %dma_wait3A_1756 = tpu.memref_slice %arg2[%dma_wait3A_1754, %dma_wait3A_1755] : memref<10000x128xf32, #tpu.memory_space<hbm>> -> memref<10000x128xf32, #tpu.memory_space<hbm>>
      tpu.wait_indirect_dma semaphore(%arg15 : memref<!tpu.dma_semaphore, #tpu.memory_space<semaphore_mem>>) src(%dma_wait3A_1756 : memref<10000x128xf32, #tpu.memory_space<hbm>>) dst(%arg10 : memref<80x128xf32, #tpu.memory_space<vmem>>)
      %dma_start3A_1757 = arith.constant 1 : i32
      %dma_start3A_1758 = arith.constant 11 : i32
      %dma_start3A_1759 = arith.constant 1 : i32
      %dma_start3A_1760 = arith.constant 0 : i32
      %dma_start3A_1761 = tpu.memref_slice %arg6[%dma_start3A_1757, %dma_start3A_1758, %dma_start3A_1759, %dma_start3A_1760] : memref<2x16x2x80xi32, #tpu.memory_space<vmem>> -> memref<1x1x1x80xi32, #tpu.memory_space<vmem>>
      %dma_start3A_1762 = tpu.memref_squeeze %dma_start3A_1761 : memref<1x1x1x80xi32, #tpu.memory_space<vmem>> -> memref<80xi32, #tpu.memory_space<vmem>>
      %dma_start3A_1763 = arith.constant 0 : i32
      %dma_start3A_1764 = arith.constant 0 : i32
      %dma_start3A_1765 = tpu.memref_slice %arg11[%dma_start3A_1763, %dma_start3A_1764] : memref<10240x128xf32, #tpu.memory_space<vmem_shared>> -> memref<10240x128xf32, #tpu.memory_space<vmem_shared>>
      tpu.enqueue_indirect_dma source(%arg10 : memref<80x128xf32, #tpu.memory_space<vmem>>) target(%dma_start3A_1765 : memref<10240x128xf32, #tpu.memory_space<vmem_shared>>) offsets(%dma_start3A_1762 : memref<80xi32, #tpu.memory_space<vmem>>) semaphore(%arg19 : memref<!tpu.dma_semaphore, #tpu.memory_space<semaphore_mem>>) {add = true}
      %dma_wait3A_1766 = arith.constant 0 : i32
      %dma_wait3A_1767 = arith.constant 0 : i32
      %dma_wait3A_1768 = arith.constant 1 : i32
      %dma_wait3A_1769 = arith.constant 0 : i32
      %dma_wait3A_1770 = tpu.memref_slice %arg6[%dma_wait3A_1766, %dma_wait3A_1767, %dma_wait3A_1768, %dma_wait3A_1769] : memref<2x16x2x80xi32, #tpu.memory_space<vmem>> -> memref<1x1x1x80xi32, #tpu.memory_space<vmem>>
      %dma_wait3A_1771 = tpu.memref_squeeze %dma_wait3A_1770 : memref<1x1x1x80xi32, #tpu.memory_space<vmem>> -> memref<80xi32, #tpu.memory_space<vmem>>
      %dma_wait3A_1772 = arith.constant 0 : i32
      %dma_wait3A_1773 = arith.constant 0 : i32
      %dma_wait3A_1774 = tpu.memref_slice %arg11[%dma_wait3A_1772, %dma_wait3A_1773] : memref<10240x128xf32, #tpu.memory_space<vmem_shared>> -> memref<10240x128xf32, #tpu.memory_space<vmem_shared>>
      tpu.wait_indirect_dma semaphore(%arg18 : memref<!tpu.dma_semaphore, #tpu.memory_space<semaphore_mem>>) src(%arg9 : memref<80x128xf32, #tpu.memory_space<vmem>>) dst(%dma_wait3A_1774 : memref<10240x128xf32, #tpu.memory_space<vmem_shared>>)
      %dma_start3A_1775 = arith.constant 1 : i32
      %dma_start3A_1776 = arith.constant 14 : i32
      %dma_start3A_1777 = arith.constant 0 : i32
      %dma_start3A_1778 = arith.constant 0 : i32
      %dma_start3A_1779 = tpu.memref_slice %arg6[%dma_start3A_1775, %dma_start3A_1776, %dma_start3A_1777, %dma_start3A_1778] : memref<2x16x2x80xi32, #tpu.memory_space<vmem>> -> memref<1x1x1x80xi32, #tpu.memory_space<vmem>>
      %dma_start3A_1780 = tpu.memref_squeeze %dma_start3A_1779 : memref<1x1x1x80xi32, #tpu.memory_space<vmem>> -> memref<80xi32, #tpu.memory_space<vmem>>
      %dma_start3A_1781 = arith.constant 0 : i32
      %dma_start3A_1782 = arith.constant 0 : i32
      %dma_start3A_1783 = tpu.memref_slice %arg2[%dma_start3A_1781, %dma_start3A_1782] : memref<10000x128xf32, #tpu.memory_space<hbm>> -> memref<10000x128xf32, #tpu.memory_space<hbm>>
      tpu.enqueue_indirect_dma source(%dma_start3A_1783 : memref<10000x128xf32, #tpu.memory_space<hbm>>) target(%arg9 : memref<80x128xf32, #tpu.memory_space<vmem>>) offsets(%dma_start3A_1780 : memref<80xi32, #tpu.memory_space<vmem>>) semaphore(%arg14 : memref<!tpu.dma_semaphore, #tpu.memory_space<semaphore_mem>>)
      %dma_wait3A_1784 = arith.constant 0 : i32
      %dma_wait3A_1785 = arith.constant 0 : i32
      %dma_wait3A_1786 = arith.constant 0 : i32
      %dma_wait3A_1787 = arith.constant 0 : i32
      %dma_wait3A_1788 = tpu.memref_slice %arg6[%dma_wait3A_1784, %dma_wait3A_1785, %dma_wait3A_1786, %dma_wait3A_1787] : memref<2x16x2x80xi32, #tpu.memory_space<vmem>> -> memref<1x1x1x80xi32, #tpu.memory_space<vmem>>
      %dma_wait3A_1789 = tpu.memref_squeeze %dma_wait3A_1788 : memref<1x1x1x80xi32, #tpu.memory_space<vmem>> -> memref<80xi32, #tpu.memory_space<vmem>>
      %dma_wait3A_1790 = arith.constant 0 : i32
      %dma_wait3A_1791 = arith.constant 0 : i32
      %dma_wait3A_1792 = tpu.memref_slice %arg2[%dma_wait3A_1790, %dma_wait3A_1791] : memref<10000x128xf32, #tpu.memory_space<hbm>> -> memref<10000x128xf32, #tpu.memory_space<hbm>>
      tpu.wait_indirect_dma semaphore(%arg12 : memref<!tpu.dma_semaphore, #tpu.memory_space<semaphore_mem>>) src(%dma_wait3A_1792 : memref<10000x128xf32, #tpu.memory_space<hbm>>) dst(%arg7 : memref<80x128xf32, #tpu.memory_space<vmem>>)
      %dma_start3A_1793 = arith.constant 1 : i32
      %dma_start3A_1794 = arith.constant 12 : i32
      %dma_start3A_1795 = arith.constant 1 : i32
      %dma_start3A_1796 = arith.constant 0 : i32
      %dma_start3A_1797 = tpu.memref_slice %arg6[%dma_start3A_1793, %dma_start3A_1794, %dma_start3A_1795, %dma_start3A_1796] : memref<2x16x2x80xi32, #tpu.memory_space<vmem>> -> memref<1x1x1x80xi32, #tpu.memory_space<vmem>>
      %dma_start3A_1798 = tpu.memref_squeeze %dma_start3A_1797 : memref<1x1x1x80xi32, #tpu.memory_space<vmem>> -> memref<80xi32, #tpu.memory_space<vmem>>
      %dma_start3A_1799 = arith.constant 0 : i32
      %dma_start3A_1800 = arith.constant 0 : i32
      %dma_start3A_1801 = tpu.memref_slice %arg11[%dma_start3A_1799, %dma_start3A_1800] : memref<10240x128xf32, #tpu.memory_space<vmem_shared>> -> memref<10240x128xf32, #tpu.memory_space<vmem_shared>>
      tpu.enqueue_indirect_dma source(%arg7 : memref<80x128xf32, #tpu.memory_space<vmem>>) target(%dma_start3A_1801 : memref<10240x128xf32, #tpu.memory_space<vmem_shared>>) offsets(%dma_start3A_1798 : memref<80xi32, #tpu.memory_space<vmem>>) semaphore(%arg16 : memref<!tpu.dma_semaphore, #tpu.memory_space<semaphore_mem>>) {add = true}
      %dma_wait3A_1802 = arith.constant 0 : i32
      %dma_wait3A_1803 = arith.constant 0 : i32
      %dma_wait3A_1804 = arith.constant 1 : i32
      %dma_wait3A_1805 = arith.constant 0 : i32
      %dma_wait3A_1806 = tpu.memref_slice %arg6[%dma_wait3A_1802, %dma_wait3A_1803, %dma_wait3A_1804, %dma_wait3A_1805] : memref<2x16x2x80xi32, #tpu.memory_space<vmem>> -> memref<1x1x1x80xi32, #tpu.memory_space<vmem>>
      %dma_wait3A_1807 = tpu.memref_squeeze %dma_wait3A_1806 : memref<1x1x1x80xi32, #tpu.memory_space<vmem>> -> memref<80xi32, #tpu.memory_space<vmem>>
      %dma_wait3A_1808 = arith.constant 0 : i32
      %dma_wait3A_1809 = arith.constant 0 : i32
      %dma_wait3A_1810 = tpu.memref_slice %arg11[%dma_wait3A_1808, %dma_wait3A_1809] : memref<10240x128xf32, #tpu.memory_space<vmem_shared>> -> memref<10240x128xf32, #tpu.memory_space<vmem_shared>>
      tpu.wait_indirect_dma semaphore(%arg19 : memref<!tpu.dma_semaphore, #tpu.memory_space<semaphore_mem>>) src(%arg10 : memref<80x128xf32, #tpu.memory_space<vmem>>) dst(%dma_wait3A_1810 : memref<10240x128xf32, #tpu.memory_space<vmem_shared>>)
      %dma_start3A_1811 = arith.constant 1 : i32
      %dma_start3A_1812 = arith.constant 15 : i32
      %dma_start3A_1813 = arith.constant 0 : i32
      %dma_start3A_1814 = arith.constant 0 : i32
      %dma_start3A_1815 = tpu.memref_slice %arg6[%dma_start3A_1811, %dma_start3A_1812, %dma_start3A_1813, %dma_start3A_1814] : memref<2x16x2x80xi32, #tpu.memory_space<vmem>> -> memref<1x1x1x80xi32, #tpu.memory_space<vmem>>
      %dma_start3A_1816 = tpu.memref_squeeze %dma_start3A_1815 : memref<1x1x1x80xi32, #tpu.memory_space<vmem>> -> memref<80xi32, #tpu.memory_space<vmem>>
      %dma_start3A_1817 = arith.constant 0 : i32
      %dma_start3A_1818 = arith.constant 0 : i32
      %dma_start3A_1819 = tpu.memref_slice %arg2[%dma_start3A_1817, %dma_start3A_1818] : memref<10000x128xf32, #tpu.memory_space<hbm>> -> memref<10000x128xf32, #tpu.memory_space<hbm>>
      tpu.enqueue_indirect_dma source(%dma_start3A_1819 : memref<10000x128xf32, #tpu.memory_space<hbm>>) target(%arg10 : memref<80x128xf32, #tpu.memory_space<vmem>>) offsets(%dma_start3A_1816 : memref<80xi32, #tpu.memory_space<vmem>>) semaphore(%arg15 : memref<!tpu.dma_semaphore, #tpu.memory_space<semaphore_mem>>)
      %dma_wait3A_1820 = arith.constant 0 : i32
      %dma_wait3A_1821 = arith.constant 0 : i32
      %dma_wait3A_1822 = arith.constant 0 : i32
      %dma_wait3A_1823 = arith.constant 0 : i32
      %dma_wait3A_1824 = tpu.memref_slice %arg6[%dma_wait3A_1820, %dma_wait3A_1821, %dma_wait3A_1822, %dma_wait3A_1823] : memref<2x16x2x80xi32, #tpu.memory_space<vmem>> -> memref<1x1x1x80xi32, #tpu.memory_space<vmem>>
      %dma_wait3A_1825 = tpu.memref_squeeze %dma_wait3A_1824 : memref<1x1x1x80xi32, #tpu.memory_space<vmem>> -> memref<80xi32, #tpu.memory_space<vmem>>
      %dma_wait3A_1826 = arith.constant 0 : i32
      %dma_wait3A_1827 = arith.constant 0 : i32
      %dma_wait3A_1828 = tpu.memref_slice %arg2[%dma_wait3A_1826, %dma_wait3A_1827] : memref<10000x128xf32, #tpu.memory_space<hbm>> -> memref<10000x128xf32, #tpu.memory_space<hbm>>
      tpu.wait_indirect_dma semaphore(%arg13 : memref<!tpu.dma_semaphore, #tpu.memory_space<semaphore_mem>>) src(%dma_wait3A_1828 : memref<10000x128xf32, #tpu.memory_space<hbm>>) dst(%arg8 : memref<80x128xf32, #tpu.memory_space<vmem>>)
      %dma_start3A_1829 = arith.constant 1 : i32
      %dma_start3A_1830 = arith.constant 13 : i32
      %dma_start3A_1831 = arith.constant 1 : i32
      %dma_start3A_1832 = arith.constant 0 : i32
      %dma_start3A_1833 = tpu.memref_slice %arg6[%dma_start3A_1829, %dma_start3A_1830, %dma_start3A_1831, %dma_start3A_1832] : memref<2x16x2x80xi32, #tpu.memory_space<vmem>> -> memref<1x1x1x80xi32, #tpu.memory_space<vmem>>
      %dma_start3A_1834 = tpu.memref_squeeze %dma_start3A_1833 : memref<1x1x1x80xi32, #tpu.memory_space<vmem>> -> memref<80xi32, #tpu.memory_space<vmem>>
      %dma_start3A_1835 = arith.constant 0 : i32
      %dma_start3A_1836 = arith.constant 0 : i32
      %dma_start3A_1837 = tpu.memref_slice %arg11[%dma_start3A_1835, %dma_start3A_1836] : memref<10240x128xf32, #tpu.memory_space<vmem_shared>> -> memref<10240x128xf32, #tpu.memory_space<vmem_shared>>
      tpu.enqueue_indirect_dma source(%arg8 : memref<80x128xf32, #tpu.memory_space<vmem>>) target(%dma_start3A_1837 : memref<10240x128xf32, #tpu.memory_space<vmem_shared>>) offsets(%dma_start3A_1834 : memref<80xi32, #tpu.memory_space<vmem>>) semaphore(%arg17 : memref<!tpu.dma_semaphore, #tpu.memory_space<semaphore_mem>>) {add = true}
      %mul3A_1838 = arith.constant 2 : i32
      %mul3A_1839 = arith.muli %mul3A_1838, %scan3A_1212 : i32
      %add3A_1840 = arith.constant 2 : i32
      %add3A_1841 = arith.addi %mul3A_1839, %add3A_1840 : i32
      %dma_wait3A_1842 = arith.constant 0 : i32
      %dma_wait3A_1843 = arith.constant 0 : i32
      %dma_wait3A_1844 = arith.constant 1 : i32
      %dma_wait3A_1845 = arith.constant 0 : i32
      %dma_wait3A_1846 = tpu.memref_slice %arg6[%dma_wait3A_1842, %dma_wait3A_1843, %dma_wait3A_1844, %dma_wait3A_1845] : memref<2x16x2x80xi32, #tpu.memory_space<vmem>> -> memref<1x1x1x80xi32, #tpu.memory_space<vmem>>
      %dma_wait3A_1847 = tpu.memref_squeeze %dma_wait3A_1846 : memref<1x1x1x80xi32, #tpu.memory_space<vmem>> -> memref<80xi32, #tpu.memory_space<vmem>>
      %dma_wait3A_1848 = arith.constant 0 : i32
      %dma_wait3A_1849 = arith.constant 0 : i32
      %dma_wait3A_1850 = tpu.memref_slice %arg11[%dma_wait3A_1848, %dma_wait3A_1849] : memref<10240x128xf32, #tpu.memory_space<vmem_shared>> -> memref<10240x128xf32, #tpu.memory_space<vmem_shared>>
      tpu.wait_indirect_dma semaphore(%arg16 : memref<!tpu.dma_semaphore, #tpu.memory_space<semaphore_mem>>) src(%arg7 : memref<80x128xf32, #tpu.memory_space<vmem>>) dst(%dma_wait3A_1850 : memref<10240x128xf32, #tpu.memory_space<vmem_shared>>)
      %dma_wait3A_1851 = arith.constant 0 : i32
      %dma_wait3A_1852 = arith.constant 0 : i32
      %dma_wait3A_1853 = arith.constant 0 : i32
      %dma_wait3A_1854 = arith.constant 0 : i32
      %dma_wait3A_1855 = arith.constant 0 : i32
      %dma_wait3A_1856 = tpu.memref_slice %arg6[%dma_wait3A_1852, %dma_wait3A_1853, %dma_wait3A_1854, %dma_wait3A_1855] : memref<2x16x2x80xi32, #tpu.memory_space<vmem>> -> memref<1x16x2x80xi32, #tpu.memory_space<vmem>>
      %dma_wait3A_1857 = tpu.memref_squeeze %dma_wait3A_1856 : memref<1x16x2x80xi32, #tpu.memory_space<vmem>> -> memref<16x2x80xi32, #tpu.memory_space<vmem>>
      %dma_wait3A_1858 = arith.constant 0 : i32
      %dma_wait3A_1859 = arith.constant 0 : i32
      %dma_wait3A_1860 = arith.constant 0 : i32
      %dma_wait3A_1861 = tpu.memref_slice %arg3[%add3A, %dma_wait3A_1851, %dma_wait3A_1858, %dma_wait3A_1859, %dma_wait3A_1860] : memref<32x8x16x2x80xi32, #tpu.memory_space<hbm>> -> memref<1x1x16x2x80xi32, #tpu.memory_space<hbm>>
      %dma_wait3A_1862 = tpu.memref_squeeze %dma_wait3A_1861 : memref<1x1x16x2x80xi32, #tpu.memory_space<hbm>> -> memref<16x2x80xi32, #tpu.memory_space<hbm>>
      %dma_wait3A_1863 = arith.constant 0 : i32
      %dma_wait3A_1864 = arith.constant 0 : i32
      %dma_wait3A_1865 = arith.constant 0 : i32
      %dma_wait3A_1866 = tpu.memref_slice %arg6[%dma_wait3A_1852, %dma_wait3A_1863, %dma_wait3A_1864, %dma_wait3A_1865] : memref<2x16x2x80xi32, #tpu.memory_space<vmem>> -> memref<1x16x2x80xi32, #tpu.memory_space<vmem>>
      %dma_wait3A_1867 = tpu.memref_squeeze %dma_wait3A_1866 : memref<1x16x2x80xi32, #tpu.memory_space<vmem>> -> memref<16x2x80xi32, #tpu.memory_space<vmem>>
      %dma_wait3A_1868 = arith.constant 0 : i32
      %dma_wait3A_1869 = arith.constant 0 : i32
      %dma_wait3A_1870 = arith.constant 0 : i32
      %dma_wait3A_1871 = tpu.memref_slice %arg3[%add3A, %dma_wait3A_1851, %dma_wait3A_1868, %dma_wait3A_1869, %dma_wait3A_1870] : memref<32x8x16x2x80xi32, #tpu.memory_space<hbm>> -> memref<1x1x16x2x80xi32, #tpu.memory_space<hbm>>
      %dma_wait3A_1872 = tpu.memref_squeeze %dma_wait3A_1871 : memref<1x1x16x2x80xi32, #tpu.memory_space<hbm>> -> memref<16x2x80xi32, #tpu.memory_space<hbm>>
      tpu.wait_dma2 semaphore(%arg20 : memref<!tpu.dma_semaphore, #tpu.memory_space<semaphore_mem>>) src(%dma_wait3A_1872 : memref<16x2x80xi32, #tpu.memory_space<hbm>>) dst(%dma_wait3A_1867 : memref<16x2x80xi32, #tpu.memory_space<vmem>>)
      %dma_start3A_1873 = arith.constant 0 : i32
      %dma_start3A_1874 = arith.constant 0 : i32
      %dma_start3A_1875 = arith.constant 0 : i32
      %dma_start3A_1876 = arith.constant 0 : i32
      %dma_start3A_1877 = tpu.memref_slice %arg6[%dma_start3A_1873, %dma_start3A_1874, %dma_start3A_1875, %dma_start3A_1876] : memref<2x16x2x80xi32, #tpu.memory_space<vmem>> -> memref<1x1x1x80xi32, #tpu.memory_space<vmem>>
      %dma_start3A_1878 = tpu.memref_squeeze %dma_start3A_1877 : memref<1x1x1x80xi32, #tpu.memory_space<vmem>> -> memref<80xi32, #tpu.memory_space<vmem>>
      %dma_start3A_1879 = arith.constant 0 : i32
      %dma_start3A_1880 = arith.constant 0 : i32
      %dma_start3A_1881 = tpu.memref_slice %arg2[%dma_start3A_1879, %dma_start3A_1880] : memref<10000x128xf32, #tpu.memory_space<hbm>> -> memref<10000x128xf32, #tpu.memory_space<hbm>>
      tpu.enqueue_indirect_dma source(%dma_start3A_1881 : memref<10000x128xf32, #tpu.memory_space<hbm>>) target(%arg7 : memref<80x128xf32, #tpu.memory_space<vmem>>) offsets(%dma_start3A_1878 : memref<80xi32, #tpu.memory_space<vmem>>) semaphore(%arg12 : memref<!tpu.dma_semaphore, #tpu.memory_space<semaphore_mem>>)
      %dma_wait3A_1882 = arith.constant 0 : i32
      %dma_wait3A_1883 = arith.constant 0 : i32
      %dma_wait3A_1884 = arith.constant 0 : i32
      %dma_wait3A_1885 = arith.constant 0 : i32
      %dma_wait3A_1886 = tpu.memref_slice %arg6[%dma_wait3A_1882, %dma_wait3A_1883, %dma_wait3A_1884, %dma_wait3A_1885] : memref<2x16x2x80xi32, #tpu.memory_space<vmem>> -> memref<1x1x1x80xi32, #tpu.memory_space<vmem>>
      %dma_wait3A_1887 = tpu.memref_squeeze %dma_wait3A_1886 : memref<1x1x1x80xi32, #tpu.memory_space<vmem>> -> memref<80xi32, #tpu.memory_space<vmem>>
      %dma_wait3A_1888 = arith.constant 0 : i32
      %dma_wait3A_1889 = arith.constant 0 : i32
      %dma_wait3A_1890 = tpu.memref_slice %arg2[%dma_wait3A_1888, %dma_wait3A_1889] : memref<10000x128xf32, #tpu.memory_space<hbm>> -> memref<10000x128xf32, #tpu.memory_space<hbm>>
      tpu.wait_indirect_dma semaphore(%arg14 : memref<!tpu.dma_semaphore, #tpu.memory_space<semaphore_mem>>) src(%dma_wait3A_1890 : memref<10000x128xf32, #tpu.memory_space<hbm>>) dst(%arg9 : memref<80x128xf32, #tpu.memory_space<vmem>>)
      %dma_start3A_1891 = arith.constant 1 : i32
      %dma_start3A_1892 = arith.constant 14 : i32
      %dma_start3A_1893 = arith.constant 1 : i32
      %dma_start3A_1894 = arith.constant 0 : i32
      %dma_start3A_1895 = tpu.memref_slice %arg6[%dma_start3A_1891, %dma_start3A_1892, %dma_start3A_1893, %dma_start3A_1894] : memref<2x16x2x80xi32, #tpu.memory_space<vmem>> -> memref<1x1x1x80xi32, #tpu.memory_space<vmem>>
      %dma_start3A_1896 = tpu.memref_squeeze %dma_start3A_1895 : memref<1x1x1x80xi32, #tpu.memory_space<vmem>> -> memref<80xi32, #tpu.memory_space<vmem>>
      %dma_start3A_1897 = arith.constant 0 : i32
      %dma_start3A_1898 = arith.constant 0 : i32
      %dma_start3A_1899 = tpu.memref_slice %arg11[%dma_start3A_1897, %dma_start3A_1898] : memref<10240x128xf32, #tpu.memory_space<vmem_shared>> -> memref<10240x128xf32, #tpu.memory_space<vmem_shared>>
      tpu.enqueue_indirect_dma source(%arg9 : memref<80x128xf32, #tpu.memory_space<vmem>>) target(%dma_start3A_1899 : memref<10240x128xf32, #tpu.memory_space<vmem_shared>>) offsets(%dma_start3A_1896 : memref<80xi32, #tpu.memory_space<vmem>>) semaphore(%arg18 : memref<!tpu.dma_semaphore, #tpu.memory_space<semaphore_mem>>) {add = true}
      %dma_wait3A_1900 = arith.constant 0 : i32
      %dma_wait3A_1901 = arith.constant 0 : i32
      %dma_wait3A_1902 = arith.constant 1 : i32
      %dma_wait3A_1903 = arith.constant 0 : i32
      %dma_wait3A_1904 = tpu.memref_slice %arg6[%dma_wait3A_1900, %dma_wait3A_1901, %dma_wait3A_1902, %dma_wait3A_1903] : memref<2x16x2x80xi32, #tpu.memory_space<vmem>> -> memref<1x1x1x80xi32, #tpu.memory_space<vmem>>
      %dma_wait3A_1905 = tpu.memref_squeeze %dma_wait3A_1904 : memref<1x1x1x80xi32, #tpu.memory_space<vmem>> -> memref<80xi32, #tpu.memory_space<vmem>>
      %dma_wait3A_1906 = arith.constant 0 : i32
      %dma_wait3A_1907 = arith.constant 0 : i32
      %dma_wait3A_1908 = tpu.memref_slice %arg11[%dma_wait3A_1906, %dma_wait3A_1907] : memref<10240x128xf32, #tpu.memory_space<vmem_shared>> -> memref<10240x128xf32, #tpu.memory_space<vmem_shared>>
      tpu.wait_indirect_dma semaphore(%arg17 : memref<!tpu.dma_semaphore, #tpu.memory_space<semaphore_mem>>) src(%arg8 : memref<80x128xf32, #tpu.memory_space<vmem>>) dst(%dma_wait3A_1908 : memref<10240x128xf32, #tpu.memory_space<vmem_shared>>)
      %dma_start3A_1909 = arith.constant 0 : i32
      %dma_start3A_1910 = arith.constant 1 : i32
      %dma_start3A_1911 = arith.constant 0 : i32
      %dma_start3A_1912 = arith.constant 0 : i32
      %dma_start3A_1913 = tpu.memref_slice %arg6[%dma_start3A_1909, %dma_start3A_1910, %dma_start3A_1911, %dma_start3A_1912] : memref<2x16x2x80xi32, #tpu.memory_space<vmem>> -> memref<1x1x1x80xi32, #tpu.memory_space<vmem>>
      %dma_start3A_1914 = tpu.memref_squeeze %dma_start3A_1913 : memref<1x1x1x80xi32, #tpu.memory_space<vmem>> -> memref<80xi32, #tpu.memory_space<vmem>>
      %dma_start3A_1915 = arith.constant 0 : i32
      %dma_start3A_1916 = arith.constant 0 : i32
      %dma_start3A_1917 = tpu.memref_slice %arg2[%dma_start3A_1915, %dma_start3A_1916] : memref<10000x128xf32, #tpu.memory_space<hbm>> -> memref<10000x128xf32, #tpu.memory_space<hbm>>
      tpu.enqueue_indirect_dma source(%dma_start3A_1917 : memref<10000x128xf32, #tpu.memory_space<hbm>>) target(%arg8 : memref<80x128xf32, #tpu.memory_space<vmem>>) offsets(%dma_start3A_1914 : memref<80xi32, #tpu.memory_space<vmem>>) semaphore(%arg13 : memref<!tpu.dma_semaphore, #tpu.memory_space<semaphore_mem>>)
      %dma_wait3A_1918 = arith.constant 0 : i32
      %dma_wait3A_1919 = arith.constant 0 : i32
      %dma_wait3A_1920 = arith.constant 0 : i32
      %dma_wait3A_1921 = arith.constant 0 : i32
      %dma_wait3A_1922 = tpu.memref_slice %arg6[%dma_wait3A_1918, %dma_wait3A_1919, %dma_wait3A_1920, %dma_wait3A_1921] : memref<2x16x2x80xi32, #tpu.memory_space<vmem>> -> memref<1x1x1x80xi32, #tpu.memory_space<vmem>>
      %dma_wait3A_1923 = tpu.memref_squeeze %dma_wait3A_1922 : memref<1x1x1x80xi32, #tpu.memory_space<vmem>> -> memref<80xi32, #tpu.memory_space<vmem>>
      %dma_wait3A_1924 = arith.constant 0 : i32
      %dma_wait3A_1925 = arith.constant 0 : i32
      %dma_wait3A_1926 = tpu.memref_slice %arg2[%dma_wait3A_1924, %dma_wait3A_1925] : memref<10000x128xf32, #tpu.memory_space<hbm>> -> memref<10000x128xf32, #tpu.memory_space<hbm>>
      tpu.wait_indirect_dma semaphore(%arg15 : memref<!tpu.dma_semaphore, #tpu.memory_space<semaphore_mem>>) src(%dma_wait3A_1926 : memref<10000x128xf32, #tpu.memory_space<hbm>>) dst(%arg10 : memref<80x128xf32, #tpu.memory_space<vmem>>)
      %dma_start3A_1927 = arith.constant 1 : i32
      %dma_start3A_1928 = arith.constant 15 : i32
      %dma_start3A_1929 = arith.constant 1 : i32
      %dma_start3A_1930 = arith.constant 0 : i32
      %dma_start3A_1931 = tpu.memref_slice %arg6[%dma_start3A_1927, %dma_start3A_1928, %dma_start3A_1929, %dma_start3A_1930] : memref<2x16x2x80xi32, #tpu.memory_space<vmem>> -> memref<1x1x1x80xi32, #tpu.memory_space<vmem>>
      %dma_start3A_1932 = tpu.memref_squeeze %dma_start3A_1931 : memref<1x1x1x80xi32, #tpu.memory_space<vmem>> -> memref<80xi32, #tpu.memory_space<vmem>>
      %dma_start3A_1933 = arith.constant 0 : i32
      %dma_start3A_1934 = arith.constant 0 : i32
      %dma_start3A_1935 = tpu.memref_slice %arg11[%dma_start3A_1933, %dma_start3A_1934] : memref<10240x128xf32, #tpu.memory_space<vmem_shared>> -> memref<10240x128xf32, #tpu.memory_space<vmem_shared>>
      tpu.enqueue_indirect_dma source(%arg10 : memref<80x128xf32, #tpu.memory_space<vmem>>) target(%dma_start3A_1935 : memref<10240x128xf32, #tpu.memory_space<vmem_shared>>) offsets(%dma_start3A_1932 : memref<80xi32, #tpu.memory_space<vmem>>) semaphore(%arg19 : memref<!tpu.dma_semaphore, #tpu.memory_space<semaphore_mem>>) {add = true}
      %dma_wait3A_1936 = arith.constant 0 : i32
      %dma_wait3A_1937 = arith.constant 0 : i32
      %dma_wait3A_1938 = arith.constant 1 : i32
      %dma_wait3A_1939 = arith.constant 0 : i32
      %dma_wait3A_1940 = tpu.memref_slice %arg6[%dma_wait3A_1936, %dma_wait3A_1937, %dma_wait3A_1938, %dma_wait3A_1939] : memref<2x16x2x80xi32, #tpu.memory_space<vmem>> -> memref<1x1x1x80xi32, #tpu.memory_space<vmem>>
      %dma_wait3A_1941 = tpu.memref_squeeze %dma_wait3A_1940 : memref<1x1x1x80xi32, #tpu.memory_space<vmem>> -> memref<80xi32, #tpu.memory_space<vmem>>
      %dma_wait3A_1942 = arith.constant 0 : i32
      %dma_wait3A_1943 = arith.constant 0 : i32
      %dma_wait3A_1944 = tpu.memref_slice %arg11[%dma_wait3A_1942, %dma_wait3A_1943] : memref<10240x128xf32, #tpu.memory_space<vmem_shared>> -> memref<10240x128xf32, #tpu.memory_space<vmem_shared>>
      tpu.wait_indirect_dma semaphore(%arg18 : memref<!tpu.dma_semaphore, #tpu.memory_space<semaphore_mem>>) src(%arg9 : memref<80x128xf32, #tpu.memory_space<vmem>>) dst(%dma_wait3A_1944 : memref<10240x128xf32, #tpu.memory_space<vmem_shared>>)
      %dma_start3A_1945 = arith.constant 0 : i32
      %dma_start3A_1946 = arith.constant 2 : i32
      %dma_start3A_1947 = arith.constant 0 : i32
      %dma_start3A_1948 = arith.constant 0 : i32
      %dma_start3A_1949 = tpu.memref_slice %arg6[%dma_start3A_1945, %dma_start3A_1946, %dma_start3A_1947, %dma_start3A_1948] : memref<2x16x2x80xi32, #tpu.memory_space<vmem>> -> memref<1x1x1x80xi32, #tpu.memory_space<vmem>>
      %dma_start3A_1950 = tpu.memref_squeeze %dma_start3A_1949 : memref<1x1x1x80xi32, #tpu.memory_space<vmem>> -> memref<80xi32, #tpu.memory_space<vmem>>
      %dma_start3A_1951 = arith.constant 0 : i32
      %dma_start3A_1952 = arith.constant 0 : i32
      %dma_start3A_1953 = tpu.memref_slice %arg2[%dma_start3A_1951, %dma_start3A_1952] : memref<10000x128xf32, #tpu.memory_space<hbm>> -> memref<10000x128xf32, #tpu.memory_space<hbm>>
      tpu.enqueue_indirect_dma source(%dma_start3A_1953 : memref<10000x128xf32, #tpu.memory_space<hbm>>) target(%arg9 : memref<80x128xf32, #tpu.memory_space<vmem>>) offsets(%dma_start3A_1950 : memref<80xi32, #tpu.memory_space<vmem>>) semaphore(%arg14 : memref<!tpu.dma_semaphore, #tpu.memory_space<semaphore_mem>>)
      %dma_wait3A_1954 = arith.constant 0 : i32
      %dma_wait3A_1955 = arith.constant 0 : i32
      %dma_wait3A_1956 = arith.constant 0 : i32
      %dma_wait3A_1957 = arith.constant 0 : i32
      %dma_wait3A_1958 = tpu.memref_slice %arg6[%dma_wait3A_1954, %dma_wait3A_1955, %dma_wait3A_1956, %dma_wait3A_1957] : memref<2x16x2x80xi32, #tpu.memory_space<vmem>> -> memref<1x1x1x80xi32, #tpu.memory_space<vmem>>
      %dma_wait3A_1959 = tpu.memref_squeeze %dma_wait3A_1958 : memref<1x1x1x80xi32, #tpu.memory_space<vmem>> -> memref<80xi32, #tpu.memory_space<vmem>>
      %dma_wait3A_1960 = arith.constant 0 : i32
      %dma_wait3A_1961 = arith.constant 0 : i32
      %dma_wait3A_1962 = tpu.memref_slice %arg2[%dma_wait3A_1960, %dma_wait3A_1961] : memref<10000x128xf32, #tpu.memory_space<hbm>> -> memref<10000x128xf32, #tpu.memory_space<hbm>>
      tpu.wait_indirect_dma semaphore(%arg12 : memref<!tpu.dma_semaphore, #tpu.memory_space<semaphore_mem>>) src(%dma_wait3A_1962 : memref<10000x128xf32, #tpu.memory_space<hbm>>) dst(%arg7 : memref<80x128xf32, #tpu.memory_space<vmem>>)
      %dma_start3A_1963 = arith.constant 0 : i32
      %dma_start3A_1964 = arith.constant 0 : i32
      %dma_start3A_1965 = arith.constant 1 : i32
      %dma_start3A_1966 = arith.constant 0 : i32
      %dma_start3A_1967 = tpu.memref_slice %arg6[%dma_start3A_1963, %dma_start3A_1964, %dma_start3A_1965, %dma_start3A_1966] : memref<2x16x2x80xi32, #tpu.memory_space<vmem>> -> memref<1x1x1x80xi32, #tpu.memory_space<vmem>>
      %dma_start3A_1968 = tpu.memref_squeeze %dma_start3A_1967 : memref<1x1x1x80xi32, #tpu.memory_space<vmem>> -> memref<80xi32, #tpu.memory_space<vmem>>
      %dma_start3A_1969 = arith.constant 0 : i32
      %dma_start3A_1970 = arith.constant 0 : i32
      %dma_start3A_1971 = tpu.memref_slice %arg11[%dma_start3A_1969, %dma_start3A_1970] : memref<10240x128xf32, #tpu.memory_space<vmem_shared>> -> memref<10240x128xf32, #tpu.memory_space<vmem_shared>>
      tpu.enqueue_indirect_dma source(%arg7 : memref<80x128xf32, #tpu.memory_space<vmem>>) target(%dma_start3A_1971 : memref<10240x128xf32, #tpu.memory_space<vmem_shared>>) offsets(%dma_start3A_1968 : memref<80xi32, #tpu.memory_space<vmem>>) semaphore(%arg16 : memref<!tpu.dma_semaphore, #tpu.memory_space<semaphore_mem>>) {add = true}
      %dma_wait3A_1972 = arith.constant 0 : i32
      %dma_wait3A_1973 = arith.constant 0 : i32
      %dma_wait3A_1974 = arith.constant 1 : i32
      %dma_wait3A_1975 = arith.constant 0 : i32
      %dma_wait3A_1976 = tpu.memref_slice %arg6[%dma_wait3A_1972, %dma_wait3A_1973, %dma_wait3A_1974, %dma_wait3A_1975] : memref<2x16x2x80xi32, #tpu.memory_space<vmem>> -> memref<1x1x1x80xi32, #tpu.memory_space<vmem>>
      %dma_wait3A_1977 = tpu.memref_squeeze %dma_wait3A_1976 : memref<1x1x1x80xi32, #tpu.memory_space<vmem>> -> memref<80xi32, #tpu.memory_space<vmem>>
      %dma_wait3A_1978 = arith.constant 0 : i32
      %dma_wait3A_1979 = arith.constant 0 : i32
      %dma_wait3A_1980 = tpu.memref_slice %arg11[%dma_wait3A_1978, %dma_wait3A_1979] : memref<10240x128xf32, #tpu.memory_space<vmem_shared>> -> memref<10240x128xf32, #tpu.memory_space<vmem_shared>>
      tpu.wait_indirect_dma semaphore(%arg19 : memref<!tpu.dma_semaphore, #tpu.memory_space<semaphore_mem>>) src(%arg10 : memref<80x128xf32, #tpu.memory_space<vmem>>) dst(%dma_wait3A_1980 : memref<10240x128xf32, #tpu.memory_space<vmem_shared>>)
      %dma_start3A_1981 = arith.constant 0 : i32
      %dma_start3A_1982 = arith.constant 3 : i32
      %dma_start3A_1983 = arith.constant 0 : i32
      %dma_start3A_1984 = arith.constant 0 : i32
      %dma_start3A_1985 = tpu.memref_slice %arg6[%dma_start3A_1981, %dma_start3A_1982, %dma_start3A_1983, %dma_start3A_1984] : memref<2x16x2x80xi32, #tpu.memory_space<vmem>> -> memref<1x1x1x80xi32, #tpu.memory_space<vmem>>
      %dma_start3A_1986 = tpu.memref_squeeze %dma_start3A_1985 : memref<1x1x1x80xi32, #tpu.memory_space<vmem>> -> memref<80xi32, #tpu.memory_space<vmem>>
      %dma_start3A_1987 = arith.constant 0 : i32
      %dma_start3A_1988 = arith.constant 0 : i32
      %dma_start3A_1989 = tpu.memref_slice %arg2[%dma_start3A_1987, %dma_start3A_1988] : memref<10000x128xf32, #tpu.memory_space<hbm>> -> memref<10000x128xf32, #tpu.memory_space<hbm>>
      tpu.enqueue_indirect_dma source(%dma_start3A_1989 : memref<10000x128xf32, #tpu.memory_space<hbm>>) target(%arg10 : memref<80x128xf32, #tpu.memory_space<vmem>>) offsets(%dma_start3A_1986 : memref<80xi32, #tpu.memory_space<vmem>>) semaphore(%arg15 : memref<!tpu.dma_semaphore, #tpu.memory_space<semaphore_mem>>)
      %dma_wait3A_1990 = arith.constant 0 : i32
      %dma_wait3A_1991 = arith.constant 0 : i32
      %dma_wait3A_1992 = arith.constant 0 : i32
      %dma_wait3A_1993 = arith.constant 0 : i32
      %dma_wait3A_1994 = tpu.memref_slice %arg6[%dma_wait3A_1990, %dma_wait3A_1991, %dma_wait3A_1992, %dma_wait3A_1993] : memref<2x16x2x80xi32, #tpu.memory_space<vmem>> -> memref<1x1x1x80xi32, #tpu.memory_space<vmem>>
      %dma_wait3A_1995 = tpu.memref_squeeze %dma_wait3A_1994 : memref<1x1x1x80xi32, #tpu.memory_space<vmem>> -> memref<80xi32, #tpu.memory_space<vmem>>
      %dma_wait3A_1996 = arith.constant 0 : i32
      %dma_wait3A_1997 = arith.constant 0 : i32
      %dma_wait3A_1998 = tpu.memref_slice %arg2[%dma_wait3A_1996, %dma_wait3A_1997] : memref<10000x128xf32, #tpu.memory_space<hbm>> -> memref<10000x128xf32, #tpu.memory_space<hbm>>
      tpu.wait_indirect_dma semaphore(%arg13 : memref<!tpu.dma_semaphore, #tpu.memory_space<semaphore_mem>>) src(%dma_wait3A_1998 : memref<10000x128xf32, #tpu.memory_space<hbm>>) dst(%arg8 : memref<80x128xf32, #tpu.memory_space<vmem>>)
      %dma_start3A_1999 = arith.constant 0 : i32
      %dma_start3A_2000 = arith.constant 1 : i32
      %dma_start3A_2001 = arith.constant 1 : i32
      %dma_start3A_2002 = arith.constant 0 : i32
      %dma_start3A_2003 = tpu.memref_slice %arg6[%dma_start3A_1999, %dma_start3A_2000, %dma_start3A_2001, %dma_start3A_2002] : memref<2x16x2x80xi32, #tpu.memory_space<vmem>> -> memref<1x1x1x80xi32, #tpu.memory_space<vmem>>
      %dma_start3A_2004 = tpu.memref_squeeze %dma_start3A_2003 : memref<1x1x1x80xi32, #tpu.memory_space<vmem>> -> memref<80xi32, #tpu.memory_space<vmem>>
      %dma_start3A_2005 = arith.constant 0 : i32
      %dma_start3A_2006 = arith.constant 0 : i32
      %dma_start3A_2007 = tpu.memref_slice %arg11[%dma_start3A_2005, %dma_start3A_2006] : memref<10240x128xf32, #tpu.memory_space<vmem_shared>> -> memref<10240x128xf32, #tpu.memory_space<vmem_shared>>
      tpu.enqueue_indirect_dma source(%arg8 : memref<80x128xf32, #tpu.memory_space<vmem>>) target(%dma_start3A_2007 : memref<10240x128xf32, #tpu.memory_space<vmem_shared>>) offsets(%dma_start3A_2004 : memref<80xi32, #tpu.memory_space<vmem>>) semaphore(%arg17 : memref<!tpu.dma_semaphore, #tpu.memory_space<semaphore_mem>>) {add = true}
      %dma_wait3A_2008 = arith.constant 0 : i32
      %dma_wait3A_2009 = arith.constant 0 : i32
      %dma_wait3A_2010 = arith.constant 1 : i32
      %dma_wait3A_2011 = arith.constant 0 : i32
      %dma_wait3A_2012 = tpu.memref_slice %arg6[%dma_wait3A_2008, %dma_wait3A_2009, %dma_wait3A_2010, %dma_wait3A_2011] : memref<2x16x2x80xi32, #tpu.memory_space<vmem>> -> memref<1x1x1x80xi32, #tpu.memory_space<vmem>>
      %dma_wait3A_2013 = tpu.memref_squeeze %dma_wait3A_2012 : memref<1x1x1x80xi32, #tpu.memory_space<vmem>> -> memref<80xi32, #tpu.memory_space<vmem>>
      %dma_wait3A_2014 = arith.constant 0 : i32
      %dma_wait3A_2015 = arith.constant 0 : i32
      %dma_wait3A_2016 = tpu.memref_slice %arg11[%dma_wait3A_2014, %dma_wait3A_2015] : memref<10240x128xf32, #tpu.memory_space<vmem_shared>> -> memref<10240x128xf32, #tpu.memory_space<vmem_shared>>
      tpu.wait_indirect_dma semaphore(%arg16 : memref<!tpu.dma_semaphore, #tpu.memory_space<semaphore_mem>>) src(%arg7 : memref<80x128xf32, #tpu.memory_space<vmem>>) dst(%dma_wait3A_2016 : memref<10240x128xf32, #tpu.memory_space<vmem_shared>>)
      %add3A_2017 = arith.constant 1 : i32
      %add3A_2018 = arith.addi %add3A_1841, %add3A_2017 : i32
      %dma_start3A_2019 = arith.constant 1 : i32
      %dma_start3A_2020 = arith.constant 0 : i32
      %dma_start3A_2021 = arith.constant 0 : i32
      %dma_start3A_2022 = arith.constant 0 : i32
      %dma_start3A_2023 = tpu.memref_slice %arg6[%dma_start3A_2019, %dma_start3A_2020, %dma_start3A_2021, %dma_start3A_2022] : memref<2x16x2x80xi32, #tpu.memory_space<vmem>> -> memref<1x16x2x80xi32, #tpu.memory_space<vmem>>
      %dma_start3A_2024 = tpu.memref_squeeze %dma_start3A_2023 : memref<1x16x2x80xi32, #tpu.memory_space<vmem>> -> memref<16x2x80xi32, #tpu.memory_space<vmem>>
      %dma_start3A_2025 = arith.constant 0 : i32
      %dma_start3A_2026 = arith.constant 0 : i32
      %dma_start3A_2027 = arith.constant 0 : i32
      %dma_start3A_2028 = tpu.memref_slice %arg3[%add3A, %add3A_2018, %dma_start3A_2025, %dma_start3A_2026, %dma_start3A_2027] : memref<32x8x16x2x80xi32, #tpu.memory_space<hbm>> -> memref<1x1x16x2x80xi32, #tpu.memory_space<hbm>>
      %dma_start3A_2029 = tpu.memref_squeeze %dma_start3A_2028 : memref<1x1x16x2x80xi32, #tpu.memory_space<hbm>> -> memref<16x2x80xi32, #tpu.memory_space<hbm>>
      %dma_start3A_2030 = arith.constant 0 : i32
      %dma_start3A_2031 = arith.constant 0 : i32
      %dma_start3A_2032 = arith.constant 0 : i32
      %dma_start3A_2033 = tpu.memref_slice %arg6[%dma_start3A_2019, %dma_start3A_2030, %dma_start3A_2031, %dma_start3A_2032] : memref<2x16x2x80xi32, #tpu.memory_space<vmem>> -> memref<1x16x2x80xi32, #tpu.memory_space<vmem>>
      %dma_start3A_2034 = tpu.memref_squeeze %dma_start3A_2033 : memref<1x16x2x80xi32, #tpu.memory_space<vmem>> -> memref<16x2x80xi32, #tpu.memory_space<vmem>>
      %dma_start3A_2035 = arith.constant 0 : i32
      %dma_start3A_2036 = arith.constant 0 : i32
      %dma_start3A_2037 = arith.constant 0 : i32
      %dma_start3A_2038 = tpu.memref_slice %arg3[%add3A, %add3A_2018, %dma_start3A_2035, %dma_start3A_2036, %dma_start3A_2037] : memref<32x8x16x2x80xi32, #tpu.memory_space<hbm>> -> memref<1x1x16x2x80xi32, #tpu.memory_space<hbm>>
      %dma_start3A_2039 = tpu.memref_squeeze %dma_start3A_2038 : memref<1x1x16x2x80xi32, #tpu.memory_space<hbm>> -> memref<16x2x80xi32, #tpu.memory_space<hbm>>
      tpu.enqueue_dma source(%dma_start3A_2039 : memref<16x2x80xi32, #tpu.memory_space<hbm>>) target(%dma_start3A_2034 : memref<16x2x80xi32, #tpu.memory_space<vmem>>) target_semaphore(%arg21 : memref<!tpu.dma_semaphore, #tpu.memory_space<semaphore_mem>>)
      %dma_start3A_2040 = arith.constant 0 : i32
      %dma_start3A_2041 = arith.constant 4 : i32
      %dma_start3A_2042 = arith.constant 0 : i32
      %dma_start3A_2043 = arith.constant 0 : i32
      %dma_start3A_2044 = tpu.memref_slice %arg6[%dma_start3A_2040, %dma_start3A_2041, %dma_start3A_2042, %dma_start3A_2043] : memref<2x16x2x80xi32, #tpu.memory_space<vmem>> -> memref<1x1x1x80xi32, #tpu.memory_space<vmem>>
      %dma_start3A_2045 = tpu.memref_squeeze %dma_start3A_2044 : memref<1x1x1x80xi32, #tpu.memory_space<vmem>> -> memref<80xi32, #tpu.memory_space<vmem>>
      %dma_start3A_2046 = arith.constant 0 : i32
      %dma_start3A_2047 = arith.constant 0 : i32
      %dma_start3A_2048 = tpu.memref_slice %arg2[%dma_start3A_2046, %dma_start3A_2047] : memref<10000x128xf32, #tpu.memory_space<hbm>> -> memref<10000x128xf32, #tpu.memory_space<hbm>>
      tpu.enqueue_indirect_dma source(%dma_start3A_2048 : memref<10000x128xf32, #tpu.memory_space<hbm>>) target(%arg7 : memref<80x128xf32, #tpu.memory_space<vmem>>) offsets(%dma_start3A_2045 : memref<80xi32, #tpu.memory_space<vmem>>) semaphore(%arg12 : memref<!tpu.dma_semaphore, #tpu.memory_space<semaphore_mem>>)
      %dma_wait3A_2049 = arith.constant 0 : i32
      %dma_wait3A_2050 = arith.constant 0 : i32
      %dma_wait3A_2051 = arith.constant 0 : i32
      %dma_wait3A_2052 = arith.constant 0 : i32
      %dma_wait3A_2053 = tpu.memref_slice %arg6[%dma_wait3A_2049, %dma_wait3A_2050, %dma_wait3A_2051, %dma_wait3A_2052] : memref<2x16x2x80xi32, #tpu.memory_space<vmem>> -> memref<1x1x1x80xi32, #tpu.memory_space<vmem>>
      %dma_wait3A_2054 = tpu.memref_squeeze %dma_wait3A_2053 : memref<1x1x1x80xi32, #tpu.memory_space<vmem>> -> memref<80xi32, #tpu.memory_space<vmem>>
      %dma_wait3A_2055 = arith.constant 0 : i32
      %dma_wait3A_2056 = arith.constant 0 : i32
      %dma_wait3A_2057 = tpu.memref_slice %arg2[%dma_wait3A_2055, %dma_wait3A_2056] : memref<10000x128xf32, #tpu.memory_space<hbm>> -> memref<10000x128xf32, #tpu.memory_space<hbm>>
      tpu.wait_indirect_dma semaphore(%arg14 : memref<!tpu.dma_semaphore, #tpu.memory_space<semaphore_mem>>) src(%dma_wait3A_2057 : memref<10000x128xf32, #tpu.memory_space<hbm>>) dst(%arg9 : memref<80x128xf32, #tpu.memory_space<vmem>>)
      %dma_start3A_2058 = arith.constant 0 : i32
      %dma_start3A_2059 = arith.constant 2 : i32
      %dma_start3A_2060 = arith.constant 1 : i32
      %dma_start3A_2061 = arith.constant 0 : i32
      %dma_start3A_2062 = tpu.memref_slice %arg6[%dma_start3A_2058, %dma_start3A_2059, %dma_start3A_2060, %dma_start3A_2061] : memref<2x16x2x80xi32, #tpu.memory_space<vmem>> -> memref<1x1x1x80xi32, #tpu.memory_space<vmem>>
      %dma_start3A_2063 = tpu.memref_squeeze %dma_start3A_2062 : memref<1x1x1x80xi32, #tpu.memory_space<vmem>> -> memref<80xi32, #tpu.memory_space<vmem>>
      %dma_start3A_2064 = arith.constant 0 : i32
      %dma_start3A_2065 = arith.constant 0 : i32
      %dma_start3A_2066 = tpu.memref_slice %arg11[%dma_start3A_2064, %dma_start3A_2065] : memref<10240x128xf32, #tpu.memory_space<vmem_shared>> -> memref<10240x128xf32, #tpu.memory_space<vmem_shared>>
      tpu.enqueue_indirect_dma source(%arg9 : memref<80x128xf32, #tpu.memory_space<vmem>>) target(%dma_start3A_2066 : memref<10240x128xf32, #tpu.memory_space<vmem_shared>>) offsets(%dma_start3A_2063 : memref<80xi32, #tpu.memory_space<vmem>>) semaphore(%arg18 : memref<!tpu.dma_semaphore, #tpu.memory_space<semaphore_mem>>) {add = true}
      %dma_wait3A_2067 = arith.constant 0 : i32
      %dma_wait3A_2068 = arith.constant 0 : i32
      %dma_wait3A_2069 = arith.constant 1 : i32
      %dma_wait3A_2070 = arith.constant 0 : i32
      %dma_wait3A_2071 = tpu.memref_slice %arg6[%dma_wait3A_2067, %dma_wait3A_2068, %dma_wait3A_2069, %dma_wait3A_2070] : memref<2x16x2x80xi32, #tpu.memory_space<vmem>> -> memref<1x1x1x80xi32, #tpu.memory_space<vmem>>
      %dma_wait3A_2072 = tpu.memref_squeeze %dma_wait3A_2071 : memref<1x1x1x80xi32, #tpu.memory_space<vmem>> -> memref<80xi32, #tpu.memory_space<vmem>>
      %dma_wait3A_2073 = arith.constant 0 : i32
      %dma_wait3A_2074 = arith.constant 0 : i32
      %dma_wait3A_2075 = tpu.memref_slice %arg11[%dma_wait3A_2073, %dma_wait3A_2074] : memref<10240x128xf32, #tpu.memory_space<vmem_shared>> -> memref<10240x128xf32, #tpu.memory_space<vmem_shared>>
      tpu.wait_indirect_dma semaphore(%arg17 : memref<!tpu.dma_semaphore, #tpu.memory_space<semaphore_mem>>) src(%arg8 : memref<80x128xf32, #tpu.memory_space<vmem>>) dst(%dma_wait3A_2075 : memref<10240x128xf32, #tpu.memory_space<vmem_shared>>)
      %dma_start3A_2076 = arith.constant 0 : i32
      %dma_start3A_2077 = arith.constant 5 : i32
      %dma_start3A_2078 = arith.constant 0 : i32
      %dma_start3A_2079 = arith.constant 0 : i32
      %dma_start3A_2080 = tpu.memref_slice %arg6[%dma_start3A_2076, %dma_start3A_2077, %dma_start3A_2078, %dma_start3A_2079] : memref<2x16x2x80xi32, #tpu.memory_space<vmem>> -> memref<1x1x1x80xi32, #tpu.memory_space<vmem>>
      %dma_start3A_2081 = tpu.memref_squeeze %dma_start3A_2080 : memref<1x1x1x80xi32, #tpu.memory_space<vmem>> -> memref<80xi32, #tpu.memory_space<vmem>>
      %dma_start3A_2082 = arith.constant 0 : i32
      %dma_start3A_2083 = arith.constant 0 : i32
      %dma_start3A_2084 = tpu.memref_slice %arg2[%dma_start3A_2082, %dma_start3A_2083] : memref<10000x128xf32, #tpu.memory_space<hbm>> -> memref<10000x128xf32, #tpu.memory_space<hbm>>
      tpu.enqueue_indirect_dma source(%dma_start3A_2084 : memref<10000x128xf32, #tpu.memory_space<hbm>>) target(%arg8 : memref<80x128xf32, #tpu.memory_space<vmem>>) offsets(%dma_start3A_2081 : memref<80xi32, #tpu.memory_space<vmem>>) semaphore(%arg13 : memref<!tpu.dma_semaphore, #tpu.memory_space<semaphore_mem>>)
      %dma_wait3A_2085 = arith.constant 0 : i32
      %dma_wait3A_2086 = arith.constant 0 : i32
      %dma_wait3A_2087 = arith.constant 0 : i32
      %dma_wait3A_2088 = arith.constant 0 : i32
      %dma_wait3A_2089 = tpu.memref_slice %arg6[%dma_wait3A_2085, %dma_wait3A_2086, %dma_wait3A_2087, %dma_wait3A_2088] : memref<2x16x2x80xi32, #tpu.memory_space<vmem>> -> memref<1x1x1x80xi32, #tpu.memory_space<vmem>>
      %dma_wait3A_2090 = tpu.memref_squeeze %dma_wait3A_2089 : memref<1x1x1x80xi32, #tpu.memory_space<vmem>> -> memref<80xi32, #tpu.memory_space<vmem>>
      %dma_wait3A_2091 = arith.constant 0 : i32
      %dma_wait3A_2092 = arith.constant 0 : i32
      %dma_wait3A_2093 = tpu.memref_slice %arg2[%dma_wait3A_2091, %dma_wait3A_2092] : memref<10000x128xf32, #tpu.memory_space<hbm>> -> memref<10000x128xf32, #tpu.memory_space<hbm>>
      tpu.wait_indirect_dma semaphore(%arg15 : memref<!tpu.dma_semaphore, #tpu.memory_space<semaphore_mem>>) src(%dma_wait3A_2093 : memref<10000x128xf32, #tpu.memory_space<hbm>>) dst(%arg10 : memref<80x128xf32, #tpu.memory_space<vmem>>)
      %dma_start3A_2094 = arith.constant 0 : i32
      %dma_start3A_2095 = arith.constant 3 : i32
      %dma_start3A_2096 = arith.constant 1 : i32
      %dma_start3A_2097 = arith.constant 0 : i32
      %dma_start3A_2098 = tpu.memref_slice %arg6[%dma_start3A_2094, %dma_start3A_2095, %dma_start3A_2096, %dma_start3A_2097] : memref<2x16x2x80xi32, #tpu.memory_space<vmem>> -> memref<1x1x1x80xi32, #tpu.memory_space<vmem>>
      %dma_start3A_2099 = tpu.memref_squeeze %dma_start3A_2098 : memref<1x1x1x80xi32, #tpu.memory_space<vmem>> -> memref<80xi32, #tpu.memory_space<vmem>>
      %dma_start3A_2100 = arith.constant 0 : i32
      %dma_start3A_2101 = arith.constant 0 : i32
      %dma_start3A_2102 = tpu.memref_slice %arg11[%dma_start3A_2100, %dma_start3A_2101] : memref<10240x128xf32, #tpu.memory_space<vmem_shared>> -> memref<10240x128xf32, #tpu.memory_space<vmem_shared>>
      tpu.enqueue_indirect_dma source(%arg10 : memref<80x128xf32, #tpu.memory_space<vmem>>) target(%dma_start3A_2102 : memref<10240x128xf32, #tpu.memory_space<vmem_shared>>) offsets(%dma_start3A_2099 : memref<80xi32, #tpu.memory_space<vmem>>) semaphore(%arg19 : memref<!tpu.dma_semaphore, #tpu.memory_space<semaphore_mem>>) {add = true}
      %dma_wait3A_2103 = arith.constant 0 : i32
      %dma_wait3A_2104 = arith.constant 0 : i32
      %dma_wait3A_2105 = arith.constant 1 : i32
      %dma_wait3A_2106 = arith.constant 0 : i32
      %dma_wait3A_2107 = tpu.memref_slice %arg6[%dma_wait3A_2103, %dma_wait3A_2104, %dma_wait3A_2105, %dma_wait3A_2106] : memref<2x16x2x80xi32, #tpu.memory_space<vmem>> -> memref<1x1x1x80xi32, #tpu.memory_space<vmem>>
      %dma_wait3A_2108 = tpu.memref_squeeze %dma_wait3A_2107 : memref<1x1x1x80xi32, #tpu.memory_space<vmem>> -> memref<80xi32, #tpu.memory_space<vmem>>
      %dma_wait3A_2109 = arith.constant 0 : i32
      %dma_wait3A_2110 = arith.constant 0 : i32
      %dma_wait3A_2111 = tpu.memref_slice %arg11[%dma_wait3A_2109, %dma_wait3A_2110] : memref<10240x128xf32, #tpu.memory_space<vmem_shared>> -> memref<10240x128xf32, #tpu.memory_space<vmem_shared>>
      tpu.wait_indirect_dma semaphore(%arg18 : memref<!tpu.dma_semaphore, #tpu.memory_space<semaphore_mem>>) src(%arg9 : memref<80x128xf32, #tpu.memory_space<vmem>>) dst(%dma_wait3A_2111 : memref<10240x128xf32, #tpu.memory_space<vmem_shared>>)
      %dma_start3A_2112 = arith.constant 0 : i32
      %dma_start3A_2113 = arith.constant 6 : i32
      %dma_start3A_2114 = arith.constant 0 : i32
      %dma_start3A_2115 = arith.constant 0 : i32
      %dma_start3A_2116 = tpu.memref_slice %arg6[%dma_start3A_2112, %dma_start3A_2113, %dma_start3A_2114, %dma_start3A_2115] : memref<2x16x2x80xi32, #tpu.memory_space<vmem>> -> memref<1x1x1x80xi32, #tpu.memory_space<vmem>>
      %dma_start3A_2117 = tpu.memref_squeeze %dma_start3A_2116 : memref<1x1x1x80xi32, #tpu.memory_space<vmem>> -> memref<80xi32, #tpu.memory_space<vmem>>
      %dma_start3A_2118 = arith.constant 0 : i32
      %dma_start3A_2119 = arith.constant 0 : i32
      %dma_start3A_2120 = tpu.memref_slice %arg2[%dma_start3A_2118, %dma_start3A_2119] : memref<10000x128xf32, #tpu.memory_space<hbm>> -> memref<10000x128xf32, #tpu.memory_space<hbm>>
      tpu.enqueue_indirect_dma source(%dma_start3A_2120 : memref<10000x128xf32, #tpu.memory_space<hbm>>) target(%arg9 : memref<80x128xf32, #tpu.memory_space<vmem>>) offsets(%dma_start3A_2117 : memref<80xi32, #tpu.memory_space<vmem>>) semaphore(%arg14 : memref<!tpu.dma_semaphore, #tpu.memory_space<semaphore_mem>>)
      %dma_wait3A_2121 = arith.constant 0 : i32
      %dma_wait3A_2122 = arith.constant 0 : i32
      %dma_wait3A_2123 = arith.constant 0 : i32
      %dma_wait3A_2124 = arith.constant 0 : i32
      %dma_wait3A_2125 = tpu.memref_slice %arg6[%dma_wait3A_2121, %dma_wait3A_2122, %dma_wait3A_2123, %dma_wait3A_2124] : memref<2x16x2x80xi32, #tpu.memory_space<vmem>> -> memref<1x1x1x80xi32, #tpu.memory_space<vmem>>
      %dma_wait3A_2126 = tpu.memref_squeeze %dma_wait3A_2125 : memref<1x1x1x80xi32, #tpu.memory_space<vmem>> -> memref<80xi32, #tpu.memory_space<vmem>>
      %dma_wait3A_2127 = arith.constant 0 : i32
      %dma_wait3A_2128 = arith.constant 0 : i32
      %dma_wait3A_2129 = tpu.memref_slice %arg2[%dma_wait3A_2127, %dma_wait3A_2128] : memref<10000x128xf32, #tpu.memory_space<hbm>> -> memref<10000x128xf32, #tpu.memory_space<hbm>>
      tpu.wait_indirect_dma semaphore(%arg12 : memref<!tpu.dma_semaphore, #tpu.memory_space<semaphore_mem>>) src(%dma_wait3A_2129 : memref<10000x128xf32, #tpu.memory_space<hbm>>) dst(%arg7 : memref<80x128xf32, #tpu.memory_space<vmem>>)
      %dma_start3A_2130 = arith.constant 0 : i32
      %dma_start3A_2131 = arith.constant 4 : i32
      %dma_start3A_2132 = arith.constant 1 : i32
      %dma_start3A_2133 = arith.constant 0 : i32
      %dma_start3A_2134 = tpu.memref_slice %arg6[%dma_start3A_2130, %dma_start3A_2131, %dma_start3A_2132, %dma_start3A_2133] : memref<2x16x2x80xi32, #tpu.memory_space<vmem>> -> memref<1x1x1x80xi32, #tpu.memory_space<vmem>>
      %dma_start3A_2135 = tpu.memref_squeeze %dma_start3A_2134 : memref<1x1x1x80xi32, #tpu.memory_space<vmem>> -> memref<80xi32, #tpu.memory_space<vmem>>
      %dma_start3A_2136 = arith.constant 0 : i32
      %dma_start3A_2137 = arith.constant 0 : i32
      %dma_start3A_2138 = tpu.memref_slice %arg11[%dma_start3A_2136, %dma_start3A_2137] : memref<10240x128xf32, #tpu.memory_space<vmem_shared>> -> memref<10240x128xf32, #tpu.memory_space<vmem_shared>>
      tpu.enqueue_indirect_dma source(%arg7 : memref<80x128xf32, #tpu.memory_space<vmem>>) target(%dma_start3A_2138 : memref<10240x128xf32, #tpu.memory_space<vmem_shared>>) offsets(%dma_start3A_2135 : memref<80xi32, #tpu.memory_space<vmem>>) semaphore(%arg16 : memref<!tpu.dma_semaphore, #tpu.memory_space<semaphore_mem>>) {add = true}
      %dma_wait3A_2139 = arith.constant 0 : i32
      %dma_wait3A_2140 = arith.constant 0 : i32
      %dma_wait3A_2141 = arith.constant 1 : i32
      %dma_wait3A_2142 = arith.constant 0 : i32
      %dma_wait3A_2143 = tpu.memref_slice %arg6[%dma_wait3A_2139, %dma_wait3A_2140, %dma_wait3A_2141, %dma_wait3A_2142] : memref<2x16x2x80xi32, #tpu.memory_space<vmem>> -> memref<1x1x1x80xi32, #tpu.memory_space<vmem>>
      %dma_wait3A_2144 = tpu.memref_squeeze %dma_wait3A_2143 : memref<1x1x1x80xi32, #tpu.memory_space<vmem>> -> memref<80xi32, #tpu.memory_space<vmem>>
      %dma_wait3A_2145 = arith.constant 0 : i32
      %dma_wait3A_2146 = arith.constant 0 : i32
      %dma_wait3A_2147 = tpu.memref_slice %arg11[%dma_wait3A_2145, %dma_wait3A_2146] : memref<10240x128xf32, #tpu.memory_space<vmem_shared>> -> memref<10240x128xf32, #tpu.memory_space<vmem_shared>>
      tpu.wait_indirect_dma semaphore(%arg19 : memref<!tpu.dma_semaphore, #tpu.memory_space<semaphore_mem>>) src(%arg10 : memref<80x128xf32, #tpu.memory_space<vmem>>) dst(%dma_wait3A_2147 : memref<10240x128xf32, #tpu.memory_space<vmem_shared>>)
      %dma_start3A_2148 = arith.constant 0 : i32
      %dma_start3A_2149 = arith.constant 7 : i32
      %dma_start3A_2150 = arith.constant 0 : i32
      %dma_start3A_2151 = arith.constant 0 : i32
      %dma_start3A_2152 = tpu.memref_slice %arg6[%dma_start3A_2148, %dma_start3A_2149, %dma_start3A_2150, %dma_start3A_2151] : memref<2x16x2x80xi32, #tpu.memory_space<vmem>> -> memref<1x1x1x80xi32, #tpu.memory_space<vmem>>
      %dma_start3A_2153 = tpu.memref_squeeze %dma_start3A_2152 : memref<1x1x1x80xi32, #tpu.memory_space<vmem>> -> memref<80xi32, #tpu.memory_space<vmem>>
      %dma_start3A_2154 = arith.constant 0 : i32
      %dma_start3A_2155 = arith.constant 0 : i32
      %dma_start3A_2156 = tpu.memref_slice %arg2[%dma_start3A_2154, %dma_start3A_2155] : memref<10000x128xf32, #tpu.memory_space<hbm>> -> memref<10000x128xf32, #tpu.memory_space<hbm>>
      tpu.enqueue_indirect_dma source(%dma_start3A_2156 : memref<10000x128xf32, #tpu.memory_space<hbm>>) target(%arg10 : memref<80x128xf32, #tpu.memory_space<vmem>>) offsets(%dma_start3A_2153 : memref<80xi32, #tpu.memory_space<vmem>>) semaphore(%arg15 : memref<!tpu.dma_semaphore, #tpu.memory_space<semaphore_mem>>)
      %dma_wait3A_2157 = arith.constant 0 : i32
      %dma_wait3A_2158 = arith.constant 0 : i32
      %dma_wait3A_2159 = arith.constant 0 : i32
      %dma_wait3A_2160 = arith.constant 0 : i32
      %dma_wait3A_2161 = tpu.memref_slice %arg6[%dma_wait3A_2157, %dma_wait3A_2158, %dma_wait3A_2159, %dma_wait3A_2160] : memref<2x16x2x80xi32, #tpu.memory_space<vmem>> -> memref<1x1x1x80xi32, #tpu.memory_space<vmem>>
      %dma_wait3A_2162 = tpu.memref_squeeze %dma_wait3A_2161 : memref<1x1x1x80xi32, #tpu.memory_space<vmem>> -> memref<80xi32, #tpu.memory_space<vmem>>
      %dma_wait3A_2163 = arith.constant 0 : i32
      %dma_wait3A_2164 = arith.constant 0 : i32
      %dma_wait3A_2165 = tpu.memref_slice %arg2[%dma_wait3A_2163, %dma_wait3A_2164] : memref<10000x128xf32, #tpu.memory_space<hbm>> -> memref<10000x128xf32, #tpu.memory_space<hbm>>
      tpu.wait_indirect_dma semaphore(%arg13 : memref<!tpu.dma_semaphore, #tpu.memory_space<semaphore_mem>>) src(%dma_wait3A_2165 : memref<10000x128xf32, #tpu.memory_space<hbm>>) dst(%arg8 : memref<80x128xf32, #tpu.memory_space<vmem>>)
      %dma_start3A_2166 = arith.constant 0 : i32
      %dma_start3A_2167 = arith.constant 5 : i32
      %dma_start3A_2168 = arith.constant 1 : i32
      %dma_start3A_2169 = arith.constant 0 : i32
      %dma_start3A_2170 = tpu.memref_slice %arg6[%dma_start3A_2166, %dma_start3A_2167, %dma_start3A_2168, %dma_start3A_2169] : memref<2x16x2x80xi32, #tpu.memory_space<vmem>> -> memref<1x1x1x80xi32, #tpu.memory_space<vmem>>
      %dma_start3A_2171 = tpu.memref_squeeze %dma_start3A_2170 : memref<1x1x1x80xi32, #tpu.memory_space<vmem>> -> memref<80xi32, #tpu.memory_space<vmem>>
      %dma_start3A_2172 = arith.constant 0 : i32
      %dma_start3A_2173 = arith.constant 0 : i32
      %dma_start3A_2174 = tpu.memref_slice %arg11[%dma_start3A_2172, %dma_start3A_2173] : memref<10240x128xf32, #tpu.memory_space<vmem_shared>> -> memref<10240x128xf32, #tpu.memory_space<vmem_shared>>
      tpu.enqueue_indirect_dma source(%arg8 : memref<80x128xf32, #tpu.memory_space<vmem>>) target(%dma_start3A_2174 : memref<10240x128xf32, #tpu.memory_space<vmem_shared>>) offsets(%dma_start3A_2171 : memref<80xi32, #tpu.memory_space<vmem>>) semaphore(%arg17 : memref<!tpu.dma_semaphore, #tpu.memory_space<semaphore_mem>>) {add = true}
      %dma_wait3A_2175 = arith.constant 0 : i32
      %dma_wait3A_2176 = arith.constant 0 : i32
      %dma_wait3A_2177 = arith.constant 1 : i32
      %dma_wait3A_2178 = arith.constant 0 : i32
      %dma_wait3A_2179 = tpu.memref_slice %arg6[%dma_wait3A_2175, %dma_wait3A_2176, %dma_wait3A_2177, %dma_wait3A_2178] : memref<2x16x2x80xi32, #tpu.memory_space<vmem>> -> memref<1x1x1x80xi32, #tpu.memory_space<vmem>>
      %dma_wait3A_2180 = tpu.memref_squeeze %dma_wait3A_2179 : memref<1x1x1x80xi32, #tpu.memory_space<vmem>> -> memref<80xi32, #tpu.memory_space<vmem>>
      %dma_wait3A_2181 = arith.constant 0 : i32
      %dma_wait3A_2182 = arith.constant 0 : i32
      %dma_wait3A_2183 = tpu.memref_slice %arg11[%dma_wait3A_2181, %dma_wait3A_2182] : memref<10240x128xf32, #tpu.memory_space<vmem_shared>> -> memref<10240x128xf32, #tpu.memory_space<vmem_shared>>
      tpu.wait_indirect_dma semaphore(%arg16 : memref<!tpu.dma_semaphore, #tpu.memory_space<semaphore_mem>>) src(%arg7 : memref<80x128xf32, #tpu.memory_space<vmem>>) dst(%dma_wait3A_2183 : memref<10240x128xf32, #tpu.memory_space<vmem_shared>>)
      %dma_start3A_2184 = arith.constant 0 : i32
      %dma_start3A_2185 = arith.constant 8 : i32
      %dma_start3A_2186 = arith.constant 0 : i32
      %dma_start3A_2187 = arith.constant 0 : i32
      %dma_start3A_2188 = tpu.memref_slice %arg6[%dma_start3A_2184, %dma_start3A_2185, %dma_start3A_2186, %dma_start3A_2187] : memref<2x16x2x80xi32, #tpu.memory_space<vmem>> -> memref<1x1x1x80xi32, #tpu.memory_space<vmem>>
      %dma_start3A_2189 = tpu.memref_squeeze %dma_start3A_2188 : memref<1x1x1x80xi32, #tpu.memory_space<vmem>> -> memref<80xi32, #tpu.memory_space<vmem>>
      %dma_start3A_2190 = arith.constant 0 : i32
      %dma_start3A_2191 = arith.constant 0 : i32
      %dma_start3A_2192 = tpu.memref_slice %arg2[%dma_start3A_2190, %dma_start3A_2191] : memref<10000x128xf32, #tpu.memory_space<hbm>> -> memref<10000x128xf32, #tpu.memory_space<hbm>>
      tpu.enqueue_indirect_dma source(%dma_start3A_2192 : memref<10000x128xf32, #tpu.memory_space<hbm>>) target(%arg7 : memref<80x128xf32, #tpu.memory_space<vmem>>) offsets(%dma_start3A_2189 : memref<80xi32, #tpu.memory_space<vmem>>) semaphore(%arg12 : memref<!tpu.dma_semaphore, #tpu.memory_space<semaphore_mem>>)
      %dma_wait3A_2193 = arith.constant 0 : i32
      %dma_wait3A_2194 = arith.constant 0 : i32
      %dma_wait3A_2195 = arith.constant 0 : i32
      %dma_wait3A_2196 = arith.constant 0 : i32
      %dma_wait3A_2197 = tpu.memref_slice %arg6[%dma_wait3A_2193, %dma_wait3A_2194, %dma_wait3A_2195, %dma_wait3A_2196] : memref<2x16x2x80xi32, #tpu.memory_space<vmem>> -> memref<1x1x1x80xi32, #tpu.memory_space<vmem>>
      %dma_wait3A_2198 = tpu.memref_squeeze %dma_wait3A_2197 : memref<1x1x1x80xi32, #tpu.memory_space<vmem>> -> memref<80xi32, #tpu.memory_space<vmem>>
      %dma_wait3A_2199 = arith.constant 0 : i32
      %dma_wait3A_2200 = arith.constant 0 : i32
      %dma_wait3A_2201 = tpu.memref_slice %arg2[%dma_wait3A_2199, %dma_wait3A_2200] : memref<10000x128xf32, #tpu.memory_space<hbm>> -> memref<10000x128xf32, #tpu.memory_space<hbm>>
      tpu.wait_indirect_dma semaphore(%arg14 : memref<!tpu.dma_semaphore, #tpu.memory_space<semaphore_mem>>) src(%dma_wait3A_2201 : memref<10000x128xf32, #tpu.memory_space<hbm>>) dst(%arg9 : memref<80x128xf32, #tpu.memory_space<vmem>>)
      %dma_start3A_2202 = arith.constant 0 : i32
      %dma_start3A_2203 = arith.constant 6 : i32
      %dma_start3A_2204 = arith.constant 1 : i32
      %dma_start3A_2205 = arith.constant 0 : i32
      %dma_start3A_2206 = tpu.memref_slice %arg6[%dma_start3A_2202, %dma_start3A_2203, %dma_start3A_2204, %dma_start3A_2205] : memref<2x16x2x80xi32, #tpu.memory_space<vmem>> -> memref<1x1x1x80xi32, #tpu.memory_space<vmem>>
      %dma_start3A_2207 = tpu.memref_squeeze %dma_start3A_2206 : memref<1x1x1x80xi32, #tpu.memory_space<vmem>> -> memref<80xi32, #tpu.memory_space<vmem>>
      %dma_start3A_2208 = arith.constant 0 : i32
      %dma_start3A_2209 = arith.constant 0 : i32
      %dma_start3A_2210 = tpu.memref_slice %arg11[%dma_start3A_2208, %dma_start3A_2209] : memref<10240x128xf32, #tpu.memory_space<vmem_shared>> -> memref<10240x128xf32, #tpu.memory_space<vmem_shared>>
      tpu.enqueue_indirect_dma source(%arg9 : memref<80x128xf32, #tpu.memory_space<vmem>>) target(%dma_start3A_2210 : memref<10240x128xf32, #tpu.memory_space<vmem_shared>>) offsets(%dma_start3A_2207 : memref<80xi32, #tpu.memory_space<vmem>>) semaphore(%arg18 : memref<!tpu.dma_semaphore, #tpu.memory_space<semaphore_mem>>) {add = true}
      %dma_wait3A_2211 = arith.constant 0 : i32
      %dma_wait3A_2212 = arith.constant 0 : i32
      %dma_wait3A_2213 = arith.constant 1 : i32
      %dma_wait3A_2214 = arith.constant 0 : i32
      %dma_wait3A_2215 = tpu.memref_slice %arg6[%dma_wait3A_2211, %dma_wait3A_2212, %dma_wait3A_2213, %dma_wait3A_2214] : memref<2x16x2x80xi32, #tpu.memory_space<vmem>> -> memref<1x1x1x80xi32, #tpu.memory_space<vmem>>
      %dma_wait3A_2216 = tpu.memref_squeeze %dma_wait3A_2215 : memref<1x1x1x80xi32, #tpu.memory_space<vmem>> -> memref<80xi32, #tpu.memory_space<vmem>>
      %dma_wait3A_2217 = arith.constant 0 : i32
      %dma_wait3A_2218 = arith.constant 0 : i32
      %dma_wait3A_2219 = tpu.memref_slice %arg11[%dma_wait3A_2217, %dma_wait3A_2218] : memref<10240x128xf32, #tpu.memory_space<vmem_shared>> -> memref<10240x128xf32, #tpu.memory_space<vmem_shared>>
      tpu.wait_indirect_dma semaphore(%arg17 : memref<!tpu.dma_semaphore, #tpu.memory_space<semaphore_mem>>) src(%arg8 : memref<80x128xf32, #tpu.memory_space<vmem>>) dst(%dma_wait3A_2219 : memref<10240x128xf32, #tpu.memory_space<vmem_shared>>)
      %dma_start3A_2220 = arith.constant 0 : i32
      %dma_start3A_2221 = arith.constant 9 : i32
      %dma_start3A_2222 = arith.constant 0 : i32
      %dma_start3A_2223 = arith.constant 0 : i32
      %dma_start3A_2224 = tpu.memref_slice %arg6[%dma_start3A_2220, %dma_start3A_2221, %dma_start3A_2222, %dma_start3A_2223] : memref<2x16x2x80xi32, #tpu.memory_space<vmem>> -> memref<1x1x1x80xi32, #tpu.memory_space<vmem>>
      %dma_start3A_2225 = tpu.memref_squeeze %dma_start3A_2224 : memref<1x1x1x80xi32, #tpu.memory_space<vmem>> -> memref<80xi32, #tpu.memory_space<vmem>>
      %dma_start3A_2226 = arith.constant 0 : i32
      %dma_start3A_2227 = arith.constant 0 : i32
      %dma_start3A_2228 = tpu.memref_slice %arg2[%dma_start3A_2226, %dma_start3A_2227] : memref<10000x128xf32, #tpu.memory_space<hbm>> -> memref<10000x128xf32, #tpu.memory_space<hbm>>
      tpu.enqueue_indirect_dma source(%dma_start3A_2228 : memref<10000x128xf32, #tpu.memory_space<hbm>>) target(%arg8 : memref<80x128xf32, #tpu.memory_space<vmem>>) offsets(%dma_start3A_2225 : memref<80xi32, #tpu.memory_space<vmem>>) semaphore(%arg13 : memref<!tpu.dma_semaphore, #tpu.memory_space<semaphore_mem>>)
      %dma_wait3A_2229 = arith.constant 0 : i32
      %dma_wait3A_2230 = arith.constant 0 : i32
      %dma_wait3A_2231 = arith.constant 0 : i32
      %dma_wait3A_2232 = arith.constant 0 : i32
      %dma_wait3A_2233 = tpu.memref_slice %arg6[%dma_wait3A_2229, %dma_wait3A_2230, %dma_wait3A_2231, %dma_wait3A_2232] : memref<2x16x2x80xi32, #tpu.memory_space<vmem>> -> memref<1x1x1x80xi32, #tpu.memory_space<vmem>>
      %dma_wait3A_2234 = tpu.memref_squeeze %dma_wait3A_2233 : memref<1x1x1x80xi32, #tpu.memory_space<vmem>> -> memref<80xi32, #tpu.memory_space<vmem>>
      %dma_wait3A_2235 = arith.constant 0 : i32
      %dma_wait3A_2236 = arith.constant 0 : i32
      %dma_wait3A_2237 = tpu.memref_slice %arg2[%dma_wait3A_2235, %dma_wait3A_2236] : memref<10000x128xf32, #tpu.memory_space<hbm>> -> memref<10000x128xf32, #tpu.memory_space<hbm>>
      tpu.wait_indirect_dma semaphore(%arg15 : memref<!tpu.dma_semaphore, #tpu.memory_space<semaphore_mem>>) src(%dma_wait3A_2237 : memref<10000x128xf32, #tpu.memory_space<hbm>>) dst(%arg10 : memref<80x128xf32, #tpu.memory_space<vmem>>)
      %dma_start3A_2238 = arith.constant 0 : i32
      %dma_start3A_2239 = arith.constant 7 : i32
      %dma_start3A_2240 = arith.constant 1 : i32
      %dma_start3A_2241 = arith.constant 0 : i32
      %dma_start3A_2242 = tpu.memref_slice %arg6[%dma_start3A_2238, %dma_start3A_2239, %dma_start3A_2240, %dma_start3A_2241] : memref<2x16x2x80xi32, #tpu.memory_space<vmem>> -> memref<1x1x1x80xi32, #tpu.memory_space<vmem>>
      %dma_start3A_2243 = tpu.memref_squeeze %dma_start3A_2242 : memref<1x1x1x80xi32, #tpu.memory_space<vmem>> -> memref<80xi32, #tpu.memory_space<vmem>>
      %dma_start3A_2244 = arith.constant 0 : i32
      %dma_start3A_2245 = arith.constant 0 : i32
      %dma_start3A_2246 = tpu.memref_slice %arg11[%dma_start3A_2244, %dma_start3A_2245] : memref<10240x128xf32, #tpu.memory_space<vmem_shared>> -> memref<10240x128xf32, #tpu.memory_space<vmem_shared>>
      tpu.enqueue_indirect_dma source(%arg10 : memref<80x128xf32, #tpu.memory_space<vmem>>) target(%dma_start3A_2246 : memref<10240x128xf32, #tpu.memory_space<vmem_shared>>) offsets(%dma_start3A_2243 : memref<80xi32, #tpu.memory_space<vmem>>) semaphore(%arg19 : memref<!tpu.dma_semaphore, #tpu.memory_space<semaphore_mem>>) {add = true}
      %dma_wait3A_2247 = arith.constant 0 : i32
      %dma_wait3A_2248 = arith.constant 0 : i32
      %dma_wait3A_2249 = arith.constant 1 : i32
      %dma_wait3A_2250 = arith.constant 0 : i32
      %dma_wait3A_2251 = tpu.memref_slice %arg6[%dma_wait3A_2247, %dma_wait3A_2248, %dma_wait3A_2249, %dma_wait3A_2250] : memref<2x16x2x80xi32, #tpu.memory_space<vmem>> -> memref<1x1x1x80xi32, #tpu.memory_space<vmem>>
      %dma_wait3A_2252 = tpu.memref_squeeze %dma_wait3A_2251 : memref<1x1x1x80xi32, #tpu.memory_space<vmem>> -> memref<80xi32, #tpu.memory_space<vmem>>
      %dma_wait3A_2253 = arith.constant 0 : i32
      %dma_wait3A_2254 = arith.constant 0 : i32
      %dma_wait3A_2255 = tpu.memref_slice %arg11[%dma_wait3A_2253, %dma_wait3A_2254] : memref<10240x128xf32, #tpu.memory_space<vmem_shared>> -> memref<10240x128xf32, #tpu.memory_space<vmem_shared>>
      tpu.wait_indirect_dma semaphore(%arg18 : memref<!tpu.dma_semaphore, #tpu.memory_space<semaphore_mem>>) src(%arg9 : memref<80x128xf32, #tpu.memory_space<vmem>>) dst(%dma_wait3A_2255 : memref<10240x128xf32, #tpu.memory_space<vmem_shared>>)
      %dma_start3A_2256 = arith.constant 0 : i32
      %dma_start3A_2257 = arith.constant 10 : i32
      %dma_start3A_2258 = arith.constant 0 : i32
      %dma_start3A_2259 = arith.constant 0 : i32
      %dma_start3A_2260 = tpu.memref_slice %arg6[%dma_start3A_2256, %dma_start3A_2257, %dma_start3A_2258, %dma_start3A_2259] : memref<2x16x2x80xi32, #tpu.memory_space<vmem>> -> memref<1x1x1x80xi32, #tpu.memory_space<vmem>>
      %dma_start3A_2261 = tpu.memref_squeeze %dma_start3A_2260 : memref<1x1x1x80xi32, #tpu.memory_space<vmem>> -> memref<80xi32, #tpu.memory_space<vmem>>
      %dma_start3A_2262 = arith.constant 0 : i32
      %dma_start3A_2263 = arith.constant 0 : i32
      %dma_start3A_2264 = tpu.memref_slice %arg2[%dma_start3A_2262, %dma_start3A_2263] : memref<10000x128xf32, #tpu.memory_space<hbm>> -> memref<10000x128xf32, #tpu.memory_space<hbm>>
      tpu.enqueue_indirect_dma source(%dma_start3A_2264 : memref<10000x128xf32, #tpu.memory_space<hbm>>) target(%arg9 : memref<80x128xf32, #tpu.memory_space<vmem>>) offsets(%dma_start3A_2261 : memref<80xi32, #tpu.memory_space<vmem>>) semaphore(%arg14 : memref<!tpu.dma_semaphore, #tpu.memory_space<semaphore_mem>>)
      %dma_wait3A_2265 = arith.constant 0 : i32
      %dma_wait3A_2266 = arith.constant 0 : i32
      %dma_wait3A_2267 = arith.constant 0 : i32
      %dma_wait3A_2268 = arith.constant 0 : i32
      %dma_wait3A_2269 = tpu.memref_slice %arg6[%dma_wait3A_2265, %dma_wait3A_2266, %dma_wait3A_2267, %dma_wait3A_2268] : memref<2x16x2x80xi32, #tpu.memory_space<vmem>> -> memref<1x1x1x80xi32, #tpu.memory_space<vmem>>
      %dma_wait3A_2270 = tpu.memref_squeeze %dma_wait3A_2269 : memref<1x1x1x80xi32, #tpu.memory_space<vmem>> -> memref<80xi32, #tpu.memory_space<vmem>>
      %dma_wait3A_2271 = arith.constant 0 : i32
      %dma_wait3A_2272 = arith.constant 0 : i32
      %dma_wait3A_2273 = tpu.memref_slice %arg2[%dma_wait3A_2271, %dma_wait3A_2272] : memref<10000x128xf32, #tpu.memory_space<hbm>> -> memref<10000x128xf32, #tpu.memory_space<hbm>>
      tpu.wait_indirect_dma semaphore(%arg12 : memref<!tpu.dma_semaphore, #tpu.memory_space<semaphore_mem>>) src(%dma_wait3A_2273 : memref<10000x128xf32, #tpu.memory_space<hbm>>) dst(%arg7 : memref<80x128xf32, #tpu.memory_space<vmem>>)
      %dma_start3A_2274 = arith.constant 0 : i32
      %dma_start3A_2275 = arith.constant 8 : i32
      %dma_start3A_2276 = arith.constant 1 : i32
      %dma_start3A_2277 = arith.constant 0 : i32
      %dma_start3A_2278 = tpu.memref_slice %arg6[%dma_start3A_2274, %dma_start3A_2275, %dma_start3A_2276, %dma_start3A_2277] : memref<2x16x2x80xi32, #tpu.memory_space<vmem>> -> memref<1x1x1x80xi32, #tpu.memory_space<vmem>>
      %dma_start3A_2279 = tpu.memref_squeeze %dma_start3A_2278 : memref<1x1x1x80xi32, #tpu.memory_space<vmem>> -> memref<80xi32, #tpu.memory_space<vmem>>
      %dma_start3A_2280 = arith.constant 0 : i32
      %dma_start3A_2281 = arith.constant 0 : i32
      %dma_start3A_2282 = tpu.memref_slice %arg11[%dma_start3A_2280, %dma_start3A_2281] : memref<10240x128xf32, #tpu.memory_space<vmem_shared>> -> memref<10240x128xf32, #tpu.memory_space<vmem_shared>>
      tpu.enqueue_indirect_dma source(%arg7 : memref<80x128xf32, #tpu.memory_space<vmem>>) target(%dma_start3A_2282 : memref<10240x128xf32, #tpu.memory_space<vmem_shared>>) offsets(%dma_start3A_2279 : memref<80xi32, #tpu.memory_space<vmem>>) semaphore(%arg16 : memref<!tpu.dma_semaphore, #tpu.memory_space<semaphore_mem>>) {add = true}
      %dma_wait3A_2283 = arith.constant 0 : i32
      %dma_wait3A_2284 = arith.constant 0 : i32
      %dma_wait3A_2285 = arith.constant 1 : i32
      %dma_wait3A_2286 = arith.constant 0 : i32
      %dma_wait3A_2287 = tpu.memref_slice %arg6[%dma_wait3A_2283, %dma_wait3A_2284, %dma_wait3A_2285, %dma_wait3A_2286] : memref<2x16x2x80xi32, #tpu.memory_space<vmem>> -> memref<1x1x1x80xi32, #tpu.memory_space<vmem>>
      %dma_wait3A_2288 = tpu.memref_squeeze %dma_wait3A_2287 : memref<1x1x1x80xi32, #tpu.memory_space<vmem>> -> memref<80xi32, #tpu.memory_space<vmem>>
      %dma_wait3A_2289 = arith.constant 0 : i32
      %dma_wait3A_2290 = arith.constant 0 : i32
      %dma_wait3A_2291 = tpu.memref_slice %arg11[%dma_wait3A_2289, %dma_wait3A_2290] : memref<10240x128xf32, #tpu.memory_space<vmem_shared>> -> memref<10240x128xf32, #tpu.memory_space<vmem_shared>>
      tpu.wait_indirect_dma semaphore(%arg19 : memref<!tpu.dma_semaphore, #tpu.memory_space<semaphore_mem>>) src(%arg10 : memref<80x128xf32, #tpu.memory_space<vmem>>) dst(%dma_wait3A_2291 : memref<10240x128xf32, #tpu.memory_space<vmem_shared>>)
      %dma_start3A_2292 = arith.constant 0 : i32
      %dma_start3A_2293 = arith.constant 11 : i32
      %dma_start3A_2294 = arith.constant 0 : i32
      %dma_start3A_2295 = arith.constant 0 : i32
      %dma_start3A_2296 = tpu.memref_slice %arg6[%dma_start3A_2292, %dma_start3A_2293, %dma_start3A_2294, %dma_start3A_2295] : memref<2x16x2x80xi32, #tpu.memory_space<vmem>> -> memref<1x1x1x80xi32, #tpu.memory_space<vmem>>
      %dma_start3A_2297 = tpu.memref_squeeze %dma_start3A_2296 : memref<1x1x1x80xi32, #tpu.memory_space<vmem>> -> memref<80xi32, #tpu.memory_space<vmem>>
      %dma_start3A_2298 = arith.constant 0 : i32
      %dma_start3A_2299 = arith.constant 0 : i32
      %dma_start3A_2300 = tpu.memref_slice %arg2[%dma_start3A_2298, %dma_start3A_2299] : memref<10000x128xf32, #tpu.memory_space<hbm>> -> memref<10000x128xf32, #tpu.memory_space<hbm>>
      tpu.enqueue_indirect_dma source(%dma_start3A_2300 : memref<10000x128xf32, #tpu.memory_space<hbm>>) target(%arg10 : memref<80x128xf32, #tpu.memory_space<vmem>>) offsets(%dma_start3A_2297 : memref<80xi32, #tpu.memory_space<vmem>>) semaphore(%arg15 : memref<!tpu.dma_semaphore, #tpu.memory_space<semaphore_mem>>)
      %dma_wait3A_2301 = arith.constant 0 : i32
      %dma_wait3A_2302 = arith.constant 0 : i32
      %dma_wait3A_2303 = arith.constant 0 : i32
      %dma_wait3A_2304 = arith.constant 0 : i32
      %dma_wait3A_2305 = tpu.memref_slice %arg6[%dma_wait3A_2301, %dma_wait3A_2302, %dma_wait3A_2303, %dma_wait3A_2304] : memref<2x16x2x80xi32, #tpu.memory_space<vmem>> -> memref<1x1x1x80xi32, #tpu.memory_space<vmem>>
      %dma_wait3A_2306 = tpu.memref_squeeze %dma_wait3A_2305 : memref<1x1x1x80xi32, #tpu.memory_space<vmem>> -> memref<80xi32, #tpu.memory_space<vmem>>
      %dma_wait3A_2307 = arith.constant 0 : i32
      %dma_wait3A_2308 = arith.constant 0 : i32
      %dma_wait3A_2309 = tpu.memref_slice %arg2[%dma_wait3A_2307, %dma_wait3A_2308] : memref<10000x128xf32, #tpu.memory_space<hbm>> -> memref<10000x128xf32, #tpu.memory_space<hbm>>
      tpu.wait_indirect_dma semaphore(%arg13 : memref<!tpu.dma_semaphore, #tpu.memory_space<semaphore_mem>>) src(%dma_wait3A_2309 : memref<10000x128xf32, #tpu.memory_space<hbm>>) dst(%arg8 : memref<80x128xf32, #tpu.memory_space<vmem>>)
      %dma_start3A_2310 = arith.constant 0 : i32
      %dma_start3A_2311 = arith.constant 9 : i32
      %dma_start3A_2312 = arith.constant 1 : i32
      %dma_start3A_2313 = arith.constant 0 : i32
      %dma_start3A_2314 = tpu.memref_slice %arg6[%dma_start3A_2310, %dma_start3A_2311, %dma_start3A_2312, %dma_start3A_2313] : memref<2x16x2x80xi32, #tpu.memory_space<vmem>> -> memref<1x1x1x80xi32, #tpu.memory_space<vmem>>
      %dma_start3A_2315 = tpu.memref_squeeze %dma_start3A_2314 : memref<1x1x1x80xi32, #tpu.memory_space<vmem>> -> memref<80xi32, #tpu.memory_space<vmem>>
      %dma_start3A_2316 = arith.constant 0 : i32
      %dma_start3A_2317 = arith.constant 0 : i32
      %dma_start3A_2318 = tpu.memref_slice %arg11[%dma_start3A_2316, %dma_start3A_2317] : memref<10240x128xf32, #tpu.memory_space<vmem_shared>> -> memref<10240x128xf32, #tpu.memory_space<vmem_shared>>
      tpu.enqueue_indirect_dma source(%arg8 : memref<80x128xf32, #tpu.memory_space<vmem>>) target(%dma_start3A_2318 : memref<10240x128xf32, #tpu.memory_space<vmem_shared>>) offsets(%dma_start3A_2315 : memref<80xi32, #tpu.memory_space<vmem>>) semaphore(%arg17 : memref<!tpu.dma_semaphore, #tpu.memory_space<semaphore_mem>>) {add = true}
      %dma_wait3A_2319 = arith.constant 0 : i32
      %dma_wait3A_2320 = arith.constant 0 : i32
      %dma_wait3A_2321 = arith.constant 1 : i32
      %dma_wait3A_2322 = arith.constant 0 : i32
      %dma_wait3A_2323 = tpu.memref_slice %arg6[%dma_wait3A_2319, %dma_wait3A_2320, %dma_wait3A_2321, %dma_wait3A_2322] : memref<2x16x2x80xi32, #tpu.memory_space<vmem>> -> memref<1x1x1x80xi32, #tpu.memory_space<vmem>>
      %dma_wait3A_2324 = tpu.memref_squeeze %dma_wait3A_2323 : memref<1x1x1x80xi32, #tpu.memory_space<vmem>> -> memref<80xi32, #tpu.memory_space<vmem>>
      %dma_wait3A_2325 = arith.constant 0 : i32
      %dma_wait3A_2326 = arith.constant 0 : i32
      %dma_wait3A_2327 = tpu.memref_slice %arg11[%dma_wait3A_2325, %dma_wait3A_2326] : memref<10240x128xf32, #tpu.memory_space<vmem_shared>> -> memref<10240x128xf32, #tpu.memory_space<vmem_shared>>
      tpu.wait_indirect_dma semaphore(%arg16 : memref<!tpu.dma_semaphore, #tpu.memory_space<semaphore_mem>>) src(%arg7 : memref<80x128xf32, #tpu.memory_space<vmem>>) dst(%dma_wait3A_2327 : memref<10240x128xf32, #tpu.memory_space<vmem_shared>>)
      %dma_start3A_2328 = arith.constant 0 : i32
      %dma_start3A_2329 = arith.constant 12 : i32
      %dma_start3A_2330 = arith.constant 0 : i32
      %dma_start3A_2331 = arith.constant 0 : i32
      %dma_start3A_2332 = tpu.memref_slice %arg6[%dma_start3A_2328, %dma_start3A_2329, %dma_start3A_2330, %dma_start3A_2331] : memref<2x16x2x80xi32, #tpu.memory_space<vmem>> -> memref<1x1x1x80xi32, #tpu.memory_space<vmem>>
      %dma_start3A_2333 = tpu.memref_squeeze %dma_start3A_2332 : memref<1x1x1x80xi32, #tpu.memory_space<vmem>> -> memref<80xi32, #tpu.memory_space<vmem>>
      %dma_start3A_2334 = arith.constant 0 : i32
      %dma_start3A_2335 = arith.constant 0 : i32
      %dma_start3A_2336 = tpu.memref_slice %arg2[%dma_start3A_2334, %dma_start3A_2335] : memref<10000x128xf32, #tpu.memory_space<hbm>> -> memref<10000x128xf32, #tpu.memory_space<hbm>>
      tpu.enqueue_indirect_dma source(%dma_start3A_2336 : memref<10000x128xf32, #tpu.memory_space<hbm>>) target(%arg7 : memref<80x128xf32, #tpu.memory_space<vmem>>) offsets(%dma_start3A_2333 : memref<80xi32, #tpu.memory_space<vmem>>) semaphore(%arg12 : memref<!tpu.dma_semaphore, #tpu.memory_space<semaphore_mem>>)
      %dma_wait3A_2337 = arith.constant 0 : i32
      %dma_wait3A_2338 = arith.constant 0 : i32
      %dma_wait3A_2339 = arith.constant 0 : i32
      %dma_wait3A_2340 = arith.constant 0 : i32
      %dma_wait3A_2341 = tpu.memref_slice %arg6[%dma_wait3A_2337, %dma_wait3A_2338, %dma_wait3A_2339, %dma_wait3A_2340] : memref<2x16x2x80xi32, #tpu.memory_space<vmem>> -> memref<1x1x1x80xi32, #tpu.memory_space<vmem>>
      %dma_wait3A_2342 = tpu.memref_squeeze %dma_wait3A_2341 : memref<1x1x1x80xi32, #tpu.memory_space<vmem>> -> memref<80xi32, #tpu.memory_space<vmem>>
      %dma_wait3A_2343 = arith.constant 0 : i32
      %dma_wait3A_2344 = arith.constant 0 : i32
      %dma_wait3A_2345 = tpu.memref_slice %arg2[%dma_wait3A_2343, %dma_wait3A_2344] : memref<10000x128xf32, #tpu.memory_space<hbm>> -> memref<10000x128xf32, #tpu.memory_space<hbm>>
      tpu.wait_indirect_dma semaphore(%arg14 : memref<!tpu.dma_semaphore, #tpu.memory_space<semaphore_mem>>) src(%dma_wait3A_2345 : memref<10000x128xf32, #tpu.memory_space<hbm>>) dst(%arg9 : memref<80x128xf32, #tpu.memory_space<vmem>>)
      %dma_start3A_2346 = arith.constant 0 : i32
      %dma_start3A_2347 = arith.constant 10 : i32
      %dma_start3A_2348 = arith.constant 1 : i32
      %dma_start3A_2349 = arith.constant 0 : i32
      %dma_start3A_2350 = tpu.memref_slice %arg6[%dma_start3A_2346, %dma_start3A_2347, %dma_start3A_2348, %dma_start3A_2349] : memref<2x16x2x80xi32, #tpu.memory_space<vmem>> -> memref<1x1x1x80xi32, #tpu.memory_space<vmem>>
      %dma_start3A_2351 = tpu.memref_squeeze %dma_start3A_2350 : memref<1x1x1x80xi32, #tpu.memory_space<vmem>> -> memref<80xi32, #tpu.memory_space<vmem>>
      %dma_start3A_2352 = arith.constant 0 : i32
      %dma_start3A_2353 = arith.constant 0 : i32
      %dma_start3A_2354 = tpu.memref_slice %arg11[%dma_start3A_2352, %dma_start3A_2353] : memref<10240x128xf32, #tpu.memory_space<vmem_shared>> -> memref<10240x128xf32, #tpu.memory_space<vmem_shared>>
      tpu.enqueue_indirect_dma source(%arg9 : memref<80x128xf32, #tpu.memory_space<vmem>>) target(%dma_start3A_2354 : memref<10240x128xf32, #tpu.memory_space<vmem_shared>>) offsets(%dma_start3A_2351 : memref<80xi32, #tpu.memory_space<vmem>>) semaphore(%arg18 : memref<!tpu.dma_semaphore, #tpu.memory_space<semaphore_mem>>) {add = true}
      %dma_wait3A_2355 = arith.constant 0 : i32
      %dma_wait3A_2356 = arith.constant 0 : i32
      %dma_wait3A_2357 = arith.constant 1 : i32
      %dma_wait3A_2358 = arith.constant 0 : i32
      %dma_wait3A_2359 = tpu.memref_slice %arg6[%dma_wait3A_2355, %dma_wait3A_2356, %dma_wait3A_2357, %dma_wait3A_2358] : memref<2x16x2x80xi32, #tpu.memory_space<vmem>> -> memref<1x1x1x80xi32, #tpu.memory_space<vmem>>
      %dma_wait3A_2360 = tpu.memref_squeeze %dma_wait3A_2359 : memref<1x1x1x80xi32, #tpu.memory_space<vmem>> -> memref<80xi32, #tpu.memory_space<vmem>>
      %dma_wait3A_2361 = arith.constant 0 : i32
      %dma_wait3A_2362 = arith.constant 0 : i32
      %dma_wait3A_2363 = tpu.memref_slice %arg11[%dma_wait3A_2361, %dma_wait3A_2362] : memref<10240x128xf32, #tpu.memory_space<vmem_shared>> -> memref<10240x128xf32, #tpu.memory_space<vmem_shared>>
      tpu.wait_indirect_dma semaphore(%arg17 : memref<!tpu.dma_semaphore, #tpu.memory_space<semaphore_mem>>) src(%arg8 : memref<80x128xf32, #tpu.memory_space<vmem>>) dst(%dma_wait3A_2363 : memref<10240x128xf32, #tpu.memory_space<vmem_shared>>)
      %dma_start3A_2364 = arith.constant 0 : i32
      %dma_start3A_2365 = arith.constant 13 : i32
      %dma_start3A_2366 = arith.constant 0 : i32
      %dma_start3A_2367 = arith.constant 0 : i32
      %dma_start3A_2368 = tpu.memref_slice %arg6[%dma_start3A_2364, %dma_start3A_2365, %dma_start3A_2366, %dma_start3A_2367] : memref<2x16x2x80xi32, #tpu.memory_space<vmem>> -> memref<1x1x1x80xi32, #tpu.memory_space<vmem>>
      %dma_start3A_2369 = tpu.memref_squeeze %dma_start3A_2368 : memref<1x1x1x80xi32, #tpu.memory_space<vmem>> -> memref<80xi32, #tpu.memory_space<vmem>>
      %dma_start3A_2370 = arith.constant 0 : i32
      %dma_start3A_2371 = arith.constant 0 : i32
      %dma_start3A_2372 = tpu.memref_slice %arg2[%dma_start3A_2370, %dma_start3A_2371] : memref<10000x128xf32, #tpu.memory_space<hbm>> -> memref<10000x128xf32, #tpu.memory_space<hbm>>
      tpu.enqueue_indirect_dma source(%dma_start3A_2372 : memref<10000x128xf32, #tpu.memory_space<hbm>>) target(%arg8 : memref<80x128xf32, #tpu.memory_space<vmem>>) offsets(%dma_start3A_2369 : memref<80xi32, #tpu.memory_space<vmem>>) semaphore(%arg13 : memref<!tpu.dma_semaphore, #tpu.memory_space<semaphore_mem>>)
      %dma_wait3A_2373 = arith.constant 0 : i32
      %dma_wait3A_2374 = arith.constant 0 : i32
      %dma_wait3A_2375 = arith.constant 0 : i32
      %dma_wait3A_2376 = arith.constant 0 : i32
      %dma_wait3A_2377 = tpu.memref_slice %arg6[%dma_wait3A_2373, %dma_wait3A_2374, %dma_wait3A_2375, %dma_wait3A_2376] : memref<2x16x2x80xi32, #tpu.memory_space<vmem>> -> memref<1x1x1x80xi32, #tpu.memory_space<vmem>>
      %dma_wait3A_2378 = tpu.memref_squeeze %dma_wait3A_2377 : memref<1x1x1x80xi32, #tpu.memory_space<vmem>> -> memref<80xi32, #tpu.memory_space<vmem>>
      %dma_wait3A_2379 = arith.constant 0 : i32
      %dma_wait3A_2380 = arith.constant 0 : i32
      %dma_wait3A_2381 = tpu.memref_slice %arg2[%dma_wait3A_2379, %dma_wait3A_2380] : memref<10000x128xf32, #tpu.memory_space<hbm>> -> memref<10000x128xf32, #tpu.memory_space<hbm>>
      tpu.wait_indirect_dma semaphore(%arg15 : memref<!tpu.dma_semaphore, #tpu.memory_space<semaphore_mem>>) src(%dma_wait3A_2381 : memref<10000x128xf32, #tpu.memory_space<hbm>>) dst(%arg10 : memref<80x128xf32, #tpu.memory_space<vmem>>)
      %dma_start3A_2382 = arith.constant 0 : i32
      %dma_start3A_2383 = arith.constant 11 : i32
      %dma_start3A_2384 = arith.constant 1 : i32
      %dma_start3A_2385 = arith.constant 0 : i32
      %dma_start3A_2386 = tpu.memref_slice %arg6[%dma_start3A_2382, %dma_start3A_2383, %dma_start3A_2384, %dma_start3A_2385] : memref<2x16x2x80xi32, #tpu.memory_space<vmem>> -> memref<1x1x1x80xi32, #tpu.memory_space<vmem>>
      %dma_start3A_2387 = tpu.memref_squeeze %dma_start3A_2386 : memref<1x1x1x80xi32, #tpu.memory_space<vmem>> -> memref<80xi32, #tpu.memory_space<vmem>>
      %dma_start3A_2388 = arith.constant 0 : i32
      %dma_start3A_2389 = arith.constant 0 : i32
      %dma_start3A_2390 = tpu.memref_slice %arg11[%dma_start3A_2388, %dma_start3A_2389] : memref<10240x128xf32, #tpu.memory_space<vmem_shared>> -> memref<10240x128xf32, #tpu.memory_space<vmem_shared>>
      tpu.enqueue_indirect_dma source(%arg10 : memref<80x128xf32, #tpu.memory_space<vmem>>) target(%dma_start3A_2390 : memref<10240x128xf32, #tpu.memory_space<vmem_shared>>) offsets(%dma_start3A_2387 : memref<80xi32, #tpu.memory_space<vmem>>) semaphore(%arg19 : memref<!tpu.dma_semaphore, #tpu.memory_space<semaphore_mem>>) {add = true}
      %dma_wait3A_2391 = arith.constant 0 : i32
      %dma_wait3A_2392 = arith.constant 0 : i32
      %dma_wait3A_2393 = arith.constant 1 : i32
      %dma_wait3A_2394 = arith.constant 0 : i32
      %dma_wait3A_2395 = tpu.memref_slice %arg6[%dma_wait3A_2391, %dma_wait3A_2392, %dma_wait3A_2393, %dma_wait3A_2394] : memref<2x16x2x80xi32, #tpu.memory_space<vmem>> -> memref<1x1x1x80xi32, #tpu.memory_space<vmem>>
      %dma_wait3A_2396 = tpu.memref_squeeze %dma_wait3A_2395 : memref<1x1x1x80xi32, #tpu.memory_space<vmem>> -> memref<80xi32, #tpu.memory_space<vmem>>
      %dma_wait3A_2397 = arith.constant 0 : i32
      %dma_wait3A_2398 = arith.constant 0 : i32
      %dma_wait3A_2399 = tpu.memref_slice %arg11[%dma_wait3A_2397, %dma_wait3A_2398] : memref<10240x128xf32, #tpu.memory_space<vmem_shared>> -> memref<10240x128xf32, #tpu.memory_space<vmem_shared>>
      tpu.wait_indirect_dma semaphore(%arg18 : memref<!tpu.dma_semaphore, #tpu.memory_space<semaphore_mem>>) src(%arg9 : memref<80x128xf32, #tpu.memory_space<vmem>>) dst(%dma_wait3A_2399 : memref<10240x128xf32, #tpu.memory_space<vmem_shared>>)
      %dma_start3A_2400 = arith.constant 0 : i32
      %dma_start3A_2401 = arith.constant 14 : i32
      %dma_start3A_2402 = arith.constant 0 : i32
      %dma_start3A_2403 = arith.constant 0 : i32
      %dma_start3A_2404 = tpu.memref_slice %arg6[%dma_start3A_2400, %dma_start3A_2401, %dma_start3A_2402, %dma_start3A_2403] : memref<2x16x2x80xi32, #tpu.memory_space<vmem>> -> memref<1x1x1x80xi32, #tpu.memory_space<vmem>>
      %dma_start3A_2405 = tpu.memref_squeeze %dma_start3A_2404 : memref<1x1x1x80xi32, #tpu.memory_space<vmem>> -> memref<80xi32, #tpu.memory_space<vmem>>
      %dma_start3A_2406 = arith.constant 0 : i32
      %dma_start3A_2407 = arith.constant 0 : i32
      %dma_start3A_2408 = tpu.memref_slice %arg2[%dma_start3A_2406, %dma_start3A_2407] : memref<10000x128xf32, #tpu.memory_space<hbm>> -> memref<10000x128xf32, #tpu.memory_space<hbm>>
      tpu.enqueue_indirect_dma source(%dma_start3A_2408 : memref<10000x128xf32, #tpu.memory_space<hbm>>) target(%arg9 : memref<80x128xf32, #tpu.memory_space<vmem>>) offsets(%dma_start3A_2405 : memref<80xi32, #tpu.memory_space<vmem>>) semaphore(%arg14 : memref<!tpu.dma_semaphore, #tpu.memory_space<semaphore_mem>>)
      %dma_wait3A_2409 = arith.constant 0 : i32
      %dma_wait3A_2410 = arith.constant 0 : i32
      %dma_wait3A_2411 = arith.constant 0 : i32
      %dma_wait3A_2412 = arith.constant 0 : i32
      %dma_wait3A_2413 = tpu.memref_slice %arg6[%dma_wait3A_2409, %dma_wait3A_2410, %dma_wait3A_2411, %dma_wait3A_2412] : memref<2x16x2x80xi32, #tpu.memory_space<vmem>> -> memref<1x1x1x80xi32, #tpu.memory_space<vmem>>
      %dma_wait3A_2414 = tpu.memref_squeeze %dma_wait3A_2413 : memref<1x1x1x80xi32, #tpu.memory_space<vmem>> -> memref<80xi32, #tpu.memory_space<vmem>>
      %dma_wait3A_2415 = arith.constant 0 : i32
      %dma_wait3A_2416 = arith.constant 0 : i32
      %dma_wait3A_2417 = tpu.memref_slice %arg2[%dma_wait3A_2415, %dma_wait3A_2416] : memref<10000x128xf32, #tpu.memory_space<hbm>> -> memref<10000x128xf32, #tpu.memory_space<hbm>>
      tpu.wait_indirect_dma semaphore(%arg12 : memref<!tpu.dma_semaphore, #tpu.memory_space<semaphore_mem>>) src(%dma_wait3A_2417 : memref<10000x128xf32, #tpu.memory_space<hbm>>) dst(%arg7 : memref<80x128xf32, #tpu.memory_space<vmem>>)
      %dma_start3A_2418 = arith.constant 0 : i32
      %dma_start3A_2419 = arith.constant 12 : i32
      %dma_start3A_2420 = arith.constant 1 : i32
      %dma_start3A_2421 = arith.constant 0 : i32
      %dma_start3A_2422 = tpu.memref_slice %arg6[%dma_start3A_2418, %dma_start3A_2419, %dma_start3A_2420, %dma_start3A_2421] : memref<2x16x2x80xi32, #tpu.memory_space<vmem>> -> memref<1x1x1x80xi32, #tpu.memory_space<vmem>>
      %dma_start3A_2423 = tpu.memref_squeeze %dma_start3A_2422 : memref<1x1x1x80xi32, #tpu.memory_space<vmem>> -> memref<80xi32, #tpu.memory_space<vmem>>
      %dma_start3A_2424 = arith.constant 0 : i32
      %dma_start3A_2425 = arith.constant 0 : i32
      %dma_start3A_2426 = tpu.memref_slice %arg11[%dma_start3A_2424, %dma_start3A_2425] : memref<10240x128xf32, #tpu.memory_space<vmem_shared>> -> memref<10240x128xf32, #tpu.memory_space<vmem_shared>>
      tpu.enqueue_indirect_dma source(%arg7 : memref<80x128xf32, #tpu.memory_space<vmem>>) target(%dma_start3A_2426 : memref<10240x128xf32, #tpu.memory_space<vmem_shared>>) offsets(%dma_start3A_2423 : memref<80xi32, #tpu.memory_space<vmem>>) semaphore(%arg16 : memref<!tpu.dma_semaphore, #tpu.memory_space<semaphore_mem>>) {add = true}
      %dma_wait3A_2427 = arith.constant 0 : i32
      %dma_wait3A_2428 = arith.constant 0 : i32
      %dma_wait3A_2429 = arith.constant 1 : i32
      %dma_wait3A_2430 = arith.constant 0 : i32
      %dma_wait3A_2431 = tpu.memref_slice %arg6[%dma_wait3A_2427, %dma_wait3A_2428, %dma_wait3A_2429, %dma_wait3A_2430] : memref<2x16x2x80xi32, #tpu.memory_space<vmem>> -> memref<1x1x1x80xi32, #tpu.memory_space<vmem>>
      %dma_wait3A_2432 = tpu.memref_squeeze %dma_wait3A_2431 : memref<1x1x1x80xi32, #tpu.memory_space<vmem>> -> memref<80xi32, #tpu.memory_space<vmem>>
      %dma_wait3A_2433 = arith.constant 0 : i32
      %dma_wait3A_2434 = arith.constant 0 : i32
      %dma_wait3A_2435 = tpu.memref_slice %arg11[%dma_wait3A_2433, %dma_wait3A_2434] : memref<10240x128xf32, #tpu.memory_space<vmem_shared>> -> memref<10240x128xf32, #tpu.memory_space<vmem_shared>>
      tpu.wait_indirect_dma semaphore(%arg19 : memref<!tpu.dma_semaphore, #tpu.memory_space<semaphore_mem>>) src(%arg10 : memref<80x128xf32, #tpu.memory_space<vmem>>) dst(%dma_wait3A_2435 : memref<10240x128xf32, #tpu.memory_space<vmem_shared>>)
      %dma_start3A_2436 = arith.constant 0 : i32
      %dma_start3A_2437 = arith.constant 15 : i32
      %dma_start3A_2438 = arith.constant 0 : i32
      %dma_start3A_2439 = arith.constant 0 : i32
      %dma_start3A_2440 = tpu.memref_slice %arg6[%dma_start3A_2436, %dma_start3A_2437, %dma_start3A_2438, %dma_start3A_2439] : memref<2x16x2x80xi32, #tpu.memory_space<vmem>> -> memref<1x1x1x80xi32, #tpu.memory_space<vmem>>
      %dma_start3A_2441 = tpu.memref_squeeze %dma_start3A_2440 : memref<1x1x1x80xi32, #tpu.memory_space<vmem>> -> memref<80xi32, #tpu.memory_space<vmem>>
      %dma_start3A_2442 = arith.constant 0 : i32
      %dma_start3A_2443 = arith.constant 0 : i32
      %dma_start3A_2444 = tpu.memref_slice %arg2[%dma_start3A_2442, %dma_start3A_2443] : memref<10000x128xf32, #tpu.memory_space<hbm>> -> memref<10000x128xf32, #tpu.memory_space<hbm>>
      tpu.enqueue_indirect_dma source(%dma_start3A_2444 : memref<10000x128xf32, #tpu.memory_space<hbm>>) target(%arg10 : memref<80x128xf32, #tpu.memory_space<vmem>>) offsets(%dma_start3A_2441 : memref<80xi32, #tpu.memory_space<vmem>>) semaphore(%arg15 : memref<!tpu.dma_semaphore, #tpu.memory_space<semaphore_mem>>)
      %dma_wait3A_2445 = arith.constant 0 : i32
      %dma_wait3A_2446 = arith.constant 0 : i32
      %dma_wait3A_2447 = arith.constant 0 : i32
      %dma_wait3A_2448 = arith.constant 0 : i32
      %dma_wait3A_2449 = tpu.memref_slice %arg6[%dma_wait3A_2445, %dma_wait3A_2446, %dma_wait3A_2447, %dma_wait3A_2448] : memref<2x16x2x80xi32, #tpu.memory_space<vmem>> -> memref<1x1x1x80xi32, #tpu.memory_space<vmem>>
      %dma_wait3A_2450 = tpu.memref_squeeze %dma_wait3A_2449 : memref<1x1x1x80xi32, #tpu.memory_space<vmem>> -> memref<80xi32, #tpu.memory_space<vmem>>
      %dma_wait3A_2451 = arith.constant 0 : i32
      %dma_wait3A_2452 = arith.constant 0 : i32
      %dma_wait3A_2453 = tpu.memref_slice %arg2[%dma_wait3A_2451, %dma_wait3A_2452] : memref<10000x128xf32, #tpu.memory_space<hbm>> -> memref<10000x128xf32, #tpu.memory_space<hbm>>
      tpu.wait_indirect_dma semaphore(%arg13 : memref<!tpu.dma_semaphore, #tpu.memory_space<semaphore_mem>>) src(%dma_wait3A_2453 : memref<10000x128xf32, #tpu.memory_space<hbm>>) dst(%arg8 : memref<80x128xf32, #tpu.memory_space<vmem>>)
      %dma_start3A_2454 = arith.constant 0 : i32
      %dma_start3A_2455 = arith.constant 13 : i32
      %dma_start3A_2456 = arith.constant 1 : i32
      %dma_start3A_2457 = arith.constant 0 : i32
      %dma_start3A_2458 = tpu.memref_slice %arg6[%dma_start3A_2454, %dma_start3A_2455, %dma_start3A_2456, %dma_start3A_2457] : memref<2x16x2x80xi32, #tpu.memory_space<vmem>> -> memref<1x1x1x80xi32, #tpu.memory_space<vmem>>
      %dma_start3A_2459 = tpu.memref_squeeze %dma_start3A_2458 : memref<1x1x1x80xi32, #tpu.memory_space<vmem>> -> memref<80xi32, #tpu.memory_space<vmem>>
      %dma_start3A_2460 = arith.constant 0 : i32
      %dma_start3A_2461 = arith.constant 0 : i32
      %dma_start3A_2462 = tpu.memref_slice %arg11[%dma_start3A_2460, %dma_start3A_2461] : memref<10240x128xf32, #tpu.memory_space<vmem_shared>> -> memref<10240x128xf32, #tpu.memory_space<vmem_shared>>
      tpu.enqueue_indirect_dma source(%arg8 : memref<80x128xf32, #tpu.memory_space<vmem>>) target(%dma_start3A_2462 : memref<10240x128xf32, #tpu.memory_space<vmem_shared>>) offsets(%dma_start3A_2459 : memref<80xi32, #tpu.memory_space<vmem>>) semaphore(%arg17 : memref<!tpu.dma_semaphore, #tpu.memory_space<semaphore_mem>>) {add = true}
    }
    %scan3A_540 = arith.constant 3 : i32
    %dma_wait3A_541 = arith.constant 0 : i32
    %dma_wait3A_542 = arith.constant 0 : i32
    %dma_wait3A_543 = arith.constant 1 : i32
    %dma_wait3A_544 = arith.constant 0 : i32
    %dma_wait3A_545 = tpu.memref_slice %arg6[%dma_wait3A_541, %dma_wait3A_542, %dma_wait3A_543, %dma_wait3A_544] : memref<2x16x2x80xi32, #tpu.memory_space<vmem>> -> memref<1x1x1x80xi32, #tpu.memory_space<vmem>>
    %dma_wait3A_546 = tpu.memref_squeeze %dma_wait3A_545 : memref<1x1x1x80xi32, #tpu.memory_space<vmem>> -> memref<80xi32, #tpu.memory_space<vmem>>
    %dma_wait3A_547 = arith.constant 0 : i32
    %dma_wait3A_548 = arith.constant 0 : i32
    %dma_wait3A_549 = tpu.memref_slice %arg11[%dma_wait3A_547, %dma_wait3A_548] : memref<10240x128xf32, #tpu.memory_space<vmem_shared>> -> memref<10240x128xf32, #tpu.memory_space<vmem_shared>>
    tpu.wait_indirect_dma semaphore(%arg16 : memref<!tpu.dma_semaphore, #tpu.memory_space<semaphore_mem>>) src(%arg7 : memref<80x128xf32, #tpu.memory_space<vmem>>) dst(%dma_wait3A_549 : memref<10240x128xf32, #tpu.memory_space<vmem_shared>>)
    %dma_wait3A_550 = arith.constant 0 : i32
    %dma_wait3A_551 = arith.constant 1 : i32
    %dma_wait3A_552 = arith.constant 0 : i32
    %dma_wait3A_553 = arith.constant 0 : i32
    %dma_wait3A_554 = arith.constant 0 : i32
    %dma_wait3A_555 = tpu.memref_slice %arg6[%dma_wait3A_551, %dma_wait3A_552, %dma_wait3A_553, %dma_wait3A_554] : memref<2x16x2x80xi32, #tpu.memory_space<vmem>> -> memref<1x16x2x80xi32, #tpu.memory_space<vmem>>
    %dma_wait3A_556 = tpu.memref_squeeze %dma_wait3A_555 : memref<1x16x2x80xi32, #tpu.memory_space<vmem>> -> memref<16x2x80xi32, #tpu.memory_space<vmem>>
    %dma_wait3A_557 = arith.constant 0 : i32
    %dma_wait3A_558 = arith.constant 0 : i32
    %dma_wait3A_559 = arith.constant 0 : i32
    %dma_wait3A_560 = tpu.memref_slice %arg3[%add3A, %dma_wait3A_550, %dma_wait3A_557, %dma_wait3A_558, %dma_wait3A_559] : memref<32x8x16x2x80xi32, #tpu.memory_space<hbm>> -> memref<1x1x16x2x80xi32, #tpu.memory_space<hbm>>
    %dma_wait3A_561 = tpu.memref_squeeze %dma_wait3A_560 : memref<1x1x16x2x80xi32, #tpu.memory_space<hbm>> -> memref<16x2x80xi32, #tpu.memory_space<hbm>>
    %dma_wait3A_562 = arith.constant 0 : i32
    %dma_wait3A_563 = arith.constant 0 : i32
    %dma_wait3A_564 = arith.constant 0 : i32
    %dma_wait3A_565 = tpu.memref_slice %arg6[%dma_wait3A_551, %dma_wait3A_562, %dma_wait3A_563, %dma_wait3A_564] : memref<2x16x2x80xi32, #tpu.memory_space<vmem>> -> memref<1x16x2x80xi32, #tpu.memory_space<vmem>>
    %dma_wait3A_566 = tpu.memref_squeeze %dma_wait3A_565 : memref<1x16x2x80xi32, #tpu.memory_space<vmem>> -> memref<16x2x80xi32, #tpu.memory_space<vmem>>
    %dma_wait3A_567 = arith.constant 0 : i32
    %dma_wait3A_568 = arith.constant 0 : i32
    %dma_wait3A_569 = arith.constant 0 : i32
    %dma_wait3A_570 = tpu.memref_slice %arg3[%add3A, %dma_wait3A_550, %dma_wait3A_567, %dma_wait3A_568, %dma_wait3A_569] : memref<32x8x16x2x80xi32, #tpu.memory_space<hbm>> -> memref<1x1x16x2x80xi32, #tpu.memory_space<hbm>>
    %dma_wait3A_571 = tpu.memref_squeeze %dma_wait3A_570 : memref<1x1x16x2x80xi32, #tpu.memory_space<hbm>> -> memref<16x2x80xi32, #tpu.memory_space<hbm>>
    tpu.wait_dma2 semaphore(%arg21 : memref<!tpu.dma_semaphore, #tpu.memory_space<semaphore_mem>>) src(%dma_wait3A_571 : memref<16x2x80xi32, #tpu.memory_space<hbm>>) dst(%dma_wait3A_566 : memref<16x2x80xi32, #tpu.memory_space<vmem>>)
    %dma_start3A_572 = arith.constant 1 : i32
    %dma_start3A_573 = arith.constant 0 : i32
    %dma_start3A_574 = arith.constant 0 : i32
    %dma_start3A_575 = arith.constant 0 : i32
    %dma_start3A_576 = tpu.memref_slice %arg6[%dma_start3A_572, %dma_start3A_573, %dma_start3A_574, %dma_start3A_575] : memref<2x16x2x80xi32, #tpu.memory_space<vmem>> -> memref<1x1x1x80xi32, #tpu.memory_space<vmem>>
    %dma_start3A_577 = tpu.memref_squeeze %dma_start3A_576 : memref<1x1x1x80xi32, #tpu.memory_space<vmem>> -> memref<80xi32, #tpu.memory_space<vmem>>
    %dma_start3A_578 = arith.constant 0 : i32
    %dma_start3A_579 = arith.constant 0 : i32
    %dma_start3A_580 = tpu.memref_slice %arg2[%dma_start3A_578, %dma_start3A_579] : memref<10000x128xf32, #tpu.memory_space<hbm>> -> memref<10000x128xf32, #tpu.memory_space<hbm>>
    tpu.enqueue_indirect_dma source(%dma_start3A_580 : memref<10000x128xf32, #tpu.memory_space<hbm>>) target(%arg7 : memref<80x128xf32, #tpu.memory_space<vmem>>) offsets(%dma_start3A_577 : memref<80xi32, #tpu.memory_space<vmem>>) semaphore(%arg12 : memref<!tpu.dma_semaphore, #tpu.memory_space<semaphore_mem>>)
    %dma_wait3A_581 = arith.constant 0 : i32
    %dma_wait3A_582 = arith.constant 0 : i32
    %dma_wait3A_583 = arith.constant 0 : i32
    %dma_wait3A_584 = arith.constant 0 : i32
    %dma_wait3A_585 = tpu.memref_slice %arg6[%dma_wait3A_581, %dma_wait3A_582, %dma_wait3A_583, %dma_wait3A_584] : memref<2x16x2x80xi32, #tpu.memory_space<vmem>> -> memref<1x1x1x80xi32, #tpu.memory_space<vmem>>
    %dma_wait3A_586 = tpu.memref_squeeze %dma_wait3A_585 : memref<1x1x1x80xi32, #tpu.memory_space<vmem>> -> memref<80xi32, #tpu.memory_space<vmem>>
    %dma_wait3A_587 = arith.constant 0 : i32
    %dma_wait3A_588 = arith.constant 0 : i32
    %dma_wait3A_589 = tpu.memref_slice %arg2[%dma_wait3A_587, %dma_wait3A_588] : memref<10000x128xf32, #tpu.memory_space<hbm>> -> memref<10000x128xf32, #tpu.memory_space<hbm>>
    tpu.wait_indirect_dma semaphore(%arg14 : memref<!tpu.dma_semaphore, #tpu.memory_space<semaphore_mem>>) src(%dma_wait3A_589 : memref<10000x128xf32, #tpu.memory_space<hbm>>) dst(%arg9 : memref<80x128xf32, #tpu.memory_space<vmem>>)
    %dma_start3A_590 = arith.constant 0 : i32
    %dma_start3A_591 = arith.constant 14 : i32
    %dma_start3A_592 = arith.constant 1 : i32
    %dma_start3A_593 = arith.constant 0 : i32
    %dma_start3A_594 = tpu.memref_slice %arg6[%dma_start3A_590, %dma_start3A_591, %dma_start3A_592, %dma_start3A_593] : memref<2x16x2x80xi32, #tpu.memory_space<vmem>> -> memref<1x1x1x80xi32, #tpu.memory_space<vmem>>
    %dma_start3A_595 = tpu.memref_squeeze %dma_start3A_594 : memref<1x1x1x80xi32, #tpu.memory_space<vmem>> -> memref<80xi32, #tpu.memory_space<vmem>>
    %dma_start3A_596 = arith.constant 0 : i32
    %dma_start3A_597 = arith.constant 0 : i32
    %dma_start3A_598 = tpu.memref_slice %arg11[%dma_start3A_596, %dma_start3A_597] : memref<10240x128xf32, #tpu.memory_space<vmem_shared>> -> memref<10240x128xf32, #tpu.memory_space<vmem_shared>>
    tpu.enqueue_indirect_dma source(%arg9 : memref<80x128xf32, #tpu.memory_space<vmem>>) target(%dma_start3A_598 : memref<10240x128xf32, #tpu.memory_space<vmem_shared>>) offsets(%dma_start3A_595 : memref<80xi32, #tpu.memory_space<vmem>>) semaphore(%arg18 : memref<!tpu.dma_semaphore, #tpu.memory_space<semaphore_mem>>) {add = true}
    %dma_wait3A_599 = arith.constant 0 : i32
    %dma_wait3A_600 = arith.constant 0 : i32
    %dma_wait3A_601 = arith.constant 1 : i32
    %dma_wait3A_602 = arith.constant 0 : i32
    %dma_wait3A_603 = tpu.memref_slice %arg6[%dma_wait3A_599, %dma_wait3A_600, %dma_wait3A_601, %dma_wait3A_602] : memref<2x16x2x80xi32, #tpu.memory_space<vmem>> -> memref<1x1x1x80xi32, #tpu.memory_space<vmem>>
    %dma_wait3A_604 = tpu.memref_squeeze %dma_wait3A_603 : memref<1x1x1x80xi32, #tpu.memory_space<vmem>> -> memref<80xi32, #tpu.memory_space<vmem>>
    %dma_wait3A_605 = arith.constant 0 : i32
    %dma_wait3A_606 = arith.constant 0 : i32
    %dma_wait3A_607 = tpu.memref_slice %arg11[%dma_wait3A_605, %dma_wait3A_606] : memref<10240x128xf32, #tpu.memory_space<vmem_shared>> -> memref<10240x128xf32, #tpu.memory_space<vmem_shared>>
    tpu.wait_indirect_dma semaphore(%arg17 : memref<!tpu.dma_semaphore, #tpu.memory_space<semaphore_mem>>) src(%arg8 : memref<80x128xf32, #tpu.memory_space<vmem>>) dst(%dma_wait3A_607 : memref<10240x128xf32, #tpu.memory_space<vmem_shared>>)
    %dma_start3A_608 = arith.constant 1 : i32
    %dma_start3A_609 = arith.constant 1 : i32
    %dma_start3A_610 = arith.constant 0 : i32
    %dma_start3A_611 = arith.constant 0 : i32
    %dma_start3A_612 = tpu.memref_slice %arg6[%dma_start3A_608, %dma_start3A_609, %dma_start3A_610, %dma_start3A_611] : memref<2x16x2x80xi32, #tpu.memory_space<vmem>> -> memref<1x1x1x80xi32, #tpu.memory_space<vmem>>
    %dma_start3A_613 = tpu.memref_squeeze %dma_start3A_612 : memref<1x1x1x80xi32, #tpu.memory_space<vmem>> -> memref<80xi32, #tpu.memory_space<vmem>>
    %dma_start3A_614 = arith.constant 0 : i32
    %dma_start3A_615 = arith.constant 0 : i32
    %dma_start3A_616 = tpu.memref_slice %arg2[%dma_start3A_614, %dma_start3A_615] : memref<10000x128xf32, #tpu.memory_space<hbm>> -> memref<10000x128xf32, #tpu.memory_space<hbm>>
    tpu.enqueue_indirect_dma source(%dma_start3A_616 : memref<10000x128xf32, #tpu.memory_space<hbm>>) target(%arg8 : memref<80x128xf32, #tpu.memory_space<vmem>>) offsets(%dma_start3A_613 : memref<80xi32, #tpu.memory_space<vmem>>) semaphore(%arg13 : memref<!tpu.dma_semaphore, #tpu.memory_space<semaphore_mem>>)
    %dma_wait3A_617 = arith.constant 0 : i32
    %dma_wait3A_618 = arith.constant 0 : i32
    %dma_wait3A_619 = arith.constant 0 : i32
    %dma_wait3A_620 = arith.constant 0 : i32
    %dma_wait3A_621 = tpu.memref_slice %arg6[%dma_wait3A_617, %dma_wait3A_618, %dma_wait3A_619, %dma_wait3A_620] : memref<2x16x2x80xi32, #tpu.memory_space<vmem>> -> memref<1x1x1x80xi32, #tpu.memory_space<vmem>>
    %dma_wait3A_622 = tpu.memref_squeeze %dma_wait3A_621 : memref<1x1x1x80xi32, #tpu.memory_space<vmem>> -> memref<80xi32, #tpu.memory_space<vmem>>
    %dma_wait3A_623 = arith.constant 0 : i32
    %dma_wait3A_624 = arith.constant 0 : i32
    %dma_wait3A_625 = tpu.memref_slice %arg2[%dma_wait3A_623, %dma_wait3A_624] : memref<10000x128xf32, #tpu.memory_space<hbm>> -> memref<10000x128xf32, #tpu.memory_space<hbm>>
    tpu.wait_indirect_dma semaphore(%arg15 : memref<!tpu.dma_semaphore, #tpu.memory_space<semaphore_mem>>) src(%dma_wait3A_625 : memref<10000x128xf32, #tpu.memory_space<hbm>>) dst(%arg10 : memref<80x128xf32, #tpu.memory_space<vmem>>)
    %dma_start3A_626 = arith.constant 0 : i32
    %dma_start3A_627 = arith.constant 15 : i32
    %dma_start3A_628 = arith.constant 1 : i32
    %dma_start3A_629 = arith.constant 0 : i32
    %dma_start3A_630 = tpu.memref_slice %arg6[%dma_start3A_626, %dma_start3A_627, %dma_start3A_628, %dma_start3A_629] : memref<2x16x2x80xi32, #tpu.memory_space<vmem>> -> memref<1x1x1x80xi32, #tpu.memory_space<vmem>>
    %dma_start3A_631 = tpu.memref_squeeze %dma_start3A_630 : memref<1x1x1x80xi32, #tpu.memory_space<vmem>> -> memref<80xi32, #tpu.memory_space<vmem>>
    %dma_start3A_632 = arith.constant 0 : i32
    %dma_start3A_633 = arith.constant 0 : i32
    %dma_start3A_634 = tpu.memref_slice %arg11[%dma_start3A_632, %dma_start3A_633] : memref<10240x128xf32, #tpu.memory_space<vmem_shared>> -> memref<10240x128xf32, #tpu.memory_space<vmem_shared>>
    tpu.enqueue_indirect_dma source(%arg10 : memref<80x128xf32, #tpu.memory_space<vmem>>) target(%dma_start3A_634 : memref<10240x128xf32, #tpu.memory_space<vmem_shared>>) offsets(%dma_start3A_631 : memref<80xi32, #tpu.memory_space<vmem>>) semaphore(%arg19 : memref<!tpu.dma_semaphore, #tpu.memory_space<semaphore_mem>>) {add = true}
    %dma_wait3A_635 = arith.constant 0 : i32
    %dma_wait3A_636 = arith.constant 0 : i32
    %dma_wait3A_637 = arith.constant 1 : i32
    %dma_wait3A_638 = arith.constant 0 : i32
    %dma_wait3A_639 = tpu.memref_slice %arg6[%dma_wait3A_635, %dma_wait3A_636, %dma_wait3A_637, %dma_wait3A_638] : memref<2x16x2x80xi32, #tpu.memory_space<vmem>> -> memref<1x1x1x80xi32, #tpu.memory_space<vmem>>
    %dma_wait3A_640 = tpu.memref_squeeze %dma_wait3A_639 : memref<1x1x1x80xi32, #tpu.memory_space<vmem>> -> memref<80xi32, #tpu.memory_space<vmem>>
    %dma_wait3A_641 = arith.constant 0 : i32
    %dma_wait3A_642 = arith.constant 0 : i32
    %dma_wait3A_643 = tpu.memref_slice %arg11[%dma_wait3A_641, %dma_wait3A_642] : memref<10240x128xf32, #tpu.memory_space<vmem_shared>> -> memref<10240x128xf32, #tpu.memory_space<vmem_shared>>
    tpu.wait_indirect_dma semaphore(%arg18 : memref<!tpu.dma_semaphore, #tpu.memory_space<semaphore_mem>>) src(%arg9 : memref<80x128xf32, #tpu.memory_space<vmem>>) dst(%dma_wait3A_643 : memref<10240x128xf32, #tpu.memory_space<vmem_shared>>)
    %dma_start3A_644 = arith.constant 1 : i32
    %dma_start3A_645 = arith.constant 2 : i32
    %dma_start3A_646 = arith.constant 0 : i32
    %dma_start3A_647 = arith.constant 0 : i32
    %dma_start3A_648 = tpu.memref_slice %arg6[%dma_start3A_644, %dma_start3A_645, %dma_start3A_646, %dma_start3A_647] : memref<2x16x2x80xi32, #tpu.memory_space<vmem>> -> memref<1x1x1x80xi32, #tpu.memory_space<vmem>>
    %dma_start3A_649 = tpu.memref_squeeze %dma_start3A_648 : memref<1x1x1x80xi32, #tpu.memory_space<vmem>> -> memref<80xi32, #tpu.memory_space<vmem>>
    %dma_start3A_650 = arith.constant 0 : i32
    %dma_start3A_651 = arith.constant 0 : i32
    %dma_start3A_652 = tpu.memref_slice %arg2[%dma_start3A_650, %dma_start3A_651] : memref<10000x128xf32, #tpu.memory_space<hbm>> -> memref<10000x128xf32, #tpu.memory_space<hbm>>
    tpu.enqueue_indirect_dma source(%dma_start3A_652 : memref<10000x128xf32, #tpu.memory_space<hbm>>) target(%arg9 : memref<80x128xf32, #tpu.memory_space<vmem>>) offsets(%dma_start3A_649 : memref<80xi32, #tpu.memory_space<vmem>>) semaphore(%arg14 : memref<!tpu.dma_semaphore, #tpu.memory_space<semaphore_mem>>)
    %dma_wait3A_653 = arith.constant 0 : i32
    %dma_wait3A_654 = arith.constant 0 : i32
    %dma_wait3A_655 = arith.constant 0 : i32
    %dma_wait3A_656 = arith.constant 0 : i32
    %dma_wait3A_657 = tpu.memref_slice %arg6[%dma_wait3A_653, %dma_wait3A_654, %dma_wait3A_655, %dma_wait3A_656] : memref<2x16x2x80xi32, #tpu.memory_space<vmem>> -> memref<1x1x1x80xi32, #tpu.memory_space<vmem>>
    %dma_wait3A_658 = tpu.memref_squeeze %dma_wait3A_657 : memref<1x1x1x80xi32, #tpu.memory_space<vmem>> -> memref<80xi32, #tpu.memory_space<vmem>>
    %dma_wait3A_659 = arith.constant 0 : i32
    %dma_wait3A_660 = arith.constant 0 : i32
    %dma_wait3A_661 = tpu.memref_slice %arg2[%dma_wait3A_659, %dma_wait3A_660] : memref<10000x128xf32, #tpu.memory_space<hbm>> -> memref<10000x128xf32, #tpu.memory_space<hbm>>
    tpu.wait_indirect_dma semaphore(%arg12 : memref<!tpu.dma_semaphore, #tpu.memory_space<semaphore_mem>>) src(%dma_wait3A_661 : memref<10000x128xf32, #tpu.memory_space<hbm>>) dst(%arg7 : memref<80x128xf32, #tpu.memory_space<vmem>>)
    %dma_start3A_662 = arith.constant 1 : i32
    %dma_start3A_663 = arith.constant 0 : i32
    %dma_start3A_664 = arith.constant 1 : i32
    %dma_start3A_665 = arith.constant 0 : i32
    %dma_start3A_666 = tpu.memref_slice %arg6[%dma_start3A_662, %dma_start3A_663, %dma_start3A_664, %dma_start3A_665] : memref<2x16x2x80xi32, #tpu.memory_space<vmem>> -> memref<1x1x1x80xi32, #tpu.memory_space<vmem>>
    %dma_start3A_667 = tpu.memref_squeeze %dma_start3A_666 : memref<1x1x1x80xi32, #tpu.memory_space<vmem>> -> memref<80xi32, #tpu.memory_space<vmem>>
    %dma_start3A_668 = arith.constant 0 : i32
    %dma_start3A_669 = arith.constant 0 : i32
    %dma_start3A_670 = tpu.memref_slice %arg11[%dma_start3A_668, %dma_start3A_669] : memref<10240x128xf32, #tpu.memory_space<vmem_shared>> -> memref<10240x128xf32, #tpu.memory_space<vmem_shared>>
    tpu.enqueue_indirect_dma source(%arg7 : memref<80x128xf32, #tpu.memory_space<vmem>>) target(%dma_start3A_670 : memref<10240x128xf32, #tpu.memory_space<vmem_shared>>) offsets(%dma_start3A_667 : memref<80xi32, #tpu.memory_space<vmem>>) semaphore(%arg16 : memref<!tpu.dma_semaphore, #tpu.memory_space<semaphore_mem>>) {add = true}
    %dma_wait3A_671 = arith.constant 0 : i32
    %dma_wait3A_672 = arith.constant 0 : i32
    %dma_wait3A_673 = arith.constant 1 : i32
    %dma_wait3A_674 = arith.constant 0 : i32
    %dma_wait3A_675 = tpu.memref_slice %arg6[%dma_wait3A_671, %dma_wait3A_672, %dma_wait3A_673, %dma_wait3A_674] : memref<2x16x2x80xi32, #tpu.memory_space<vmem>> -> memref<1x1x1x80xi32, #tpu.memory_space<vmem>>
    %dma_wait3A_676 = tpu.memref_squeeze %dma_wait3A_675 : memref<1x1x1x80xi32, #tpu.memory_space<vmem>> -> memref<80xi32, #tpu.memory_space<vmem>>
    %dma_wait3A_677 = arith.constant 0 : i32
    %dma_wait3A_678 = arith.constant 0 : i32
    %dma_wait3A_679 = tpu.memref_slice %arg11[%dma_wait3A_677, %dma_wait3A_678] : memref<10240x128xf32, #tpu.memory_space<vmem_shared>> -> memref<10240x128xf32, #tpu.memory_space<vmem_shared>>
    tpu.wait_indirect_dma semaphore(%arg19 : memref<!tpu.dma_semaphore, #tpu.memory_space<semaphore_mem>>) src(%arg10 : memref<80x128xf32, #tpu.memory_space<vmem>>) dst(%dma_wait3A_679 : memref<10240x128xf32, #tpu.memory_space<vmem_shared>>)
    %dma_start3A_680 = arith.constant 1 : i32
    %dma_start3A_681 = arith.constant 3 : i32
    %dma_start3A_682 = arith.constant 0 : i32
    %dma_start3A_683 = arith.constant 0 : i32
    %dma_start3A_684 = tpu.memref_slice %arg6[%dma_start3A_680, %dma_start3A_681, %dma_start3A_682, %dma_start3A_683] : memref<2x16x2x80xi32, #tpu.memory_space<vmem>> -> memref<1x1x1x80xi32, #tpu.memory_space<vmem>>
    %dma_start3A_685 = tpu.memref_squeeze %dma_start3A_684 : memref<1x1x1x80xi32, #tpu.memory_space<vmem>> -> memref<80xi32, #tpu.memory_space<vmem>>
    %dma_start3A_686 = arith.constant 0 : i32
    %dma_start3A_687 = arith.constant 0 : i32
    %dma_start3A_688 = tpu.memref_slice %arg2[%dma_start3A_686, %dma_start3A_687] : memref<10000x128xf32, #tpu.memory_space<hbm>> -> memref<10000x128xf32, #tpu.memory_space<hbm>>
    tpu.enqueue_indirect_dma source(%dma_start3A_688 : memref<10000x128xf32, #tpu.memory_space<hbm>>) target(%arg10 : memref<80x128xf32, #tpu.memory_space<vmem>>) offsets(%dma_start3A_685 : memref<80xi32, #tpu.memory_space<vmem>>) semaphore(%arg15 : memref<!tpu.dma_semaphore, #tpu.memory_space<semaphore_mem>>)
    %dma_wait3A_689 = arith.constant 0 : i32
    %dma_wait3A_690 = arith.constant 0 : i32
    %dma_wait3A_691 = arith.constant 0 : i32
    %dma_wait3A_692 = arith.constant 0 : i32
    %dma_wait3A_693 = tpu.memref_slice %arg6[%dma_wait3A_689, %dma_wait3A_690, %dma_wait3A_691, %dma_wait3A_692] : memref<2x16x2x80xi32, #tpu.memory_space<vmem>> -> memref<1x1x1x80xi32, #tpu.memory_space<vmem>>
    %dma_wait3A_694 = tpu.memref_squeeze %dma_wait3A_693 : memref<1x1x1x80xi32, #tpu.memory_space<vmem>> -> memref<80xi32, #tpu.memory_space<vmem>>
    %dma_wait3A_695 = arith.constant 0 : i32
    %dma_wait3A_696 = arith.constant 0 : i32
    %dma_wait3A_697 = tpu.memref_slice %arg2[%dma_wait3A_695, %dma_wait3A_696] : memref<10000x128xf32, #tpu.memory_space<hbm>> -> memref<10000x128xf32, #tpu.memory_space<hbm>>
    tpu.wait_indirect_dma semaphore(%arg13 : memref<!tpu.dma_semaphore, #tpu.memory_space<semaphore_mem>>) src(%dma_wait3A_697 : memref<10000x128xf32, #tpu.memory_space<hbm>>) dst(%arg8 : memref<80x128xf32, #tpu.memory_space<vmem>>)
    %dma_start3A_698 = arith.constant 1 : i32
    %dma_start3A_699 = arith.constant 1 : i32
    %dma_start3A_700 = arith.constant 1 : i32
    %dma_start3A_701 = arith.constant 0 : i32
    %dma_start3A_702 = tpu.memref_slice %arg6[%dma_start3A_698, %dma_start3A_699, %dma_start3A_700, %dma_start3A_701] : memref<2x16x2x80xi32, #tpu.memory_space<vmem>> -> memref<1x1x1x80xi32, #tpu.memory_space<vmem>>
    %dma_start3A_703 = tpu.memref_squeeze %dma_start3A_702 : memref<1x1x1x80xi32, #tpu.memory_space<vmem>> -> memref<80xi32, #tpu.memory_space<vmem>>
    %dma_start3A_704 = arith.constant 0 : i32
    %dma_start3A_705 = arith.constant 0 : i32
    %dma_start3A_706 = tpu.memref_slice %arg11[%dma_start3A_704, %dma_start3A_705] : memref<10240x128xf32, #tpu.memory_space<vmem_shared>> -> memref<10240x128xf32, #tpu.memory_space<vmem_shared>>
    tpu.enqueue_indirect_dma source(%arg8 : memref<80x128xf32, #tpu.memory_space<vmem>>) target(%dma_start3A_706 : memref<10240x128xf32, #tpu.memory_space<vmem_shared>>) offsets(%dma_start3A_703 : memref<80xi32, #tpu.memory_space<vmem>>) semaphore(%arg17 : memref<!tpu.dma_semaphore, #tpu.memory_space<semaphore_mem>>) {add = true}
    %dma_wait3A_707 = arith.constant 0 : i32
    %dma_wait3A_708 = arith.constant 0 : i32
    %dma_wait3A_709 = arith.constant 1 : i32
    %dma_wait3A_710 = arith.constant 0 : i32
    %dma_wait3A_711 = tpu.memref_slice %arg6[%dma_wait3A_707, %dma_wait3A_708, %dma_wait3A_709, %dma_wait3A_710] : memref<2x16x2x80xi32, #tpu.memory_space<vmem>> -> memref<1x1x1x80xi32, #tpu.memory_space<vmem>>
    %dma_wait3A_712 = tpu.memref_squeeze %dma_wait3A_711 : memref<1x1x1x80xi32, #tpu.memory_space<vmem>> -> memref<80xi32, #tpu.memory_space<vmem>>
    %dma_wait3A_713 = arith.constant 0 : i32
    %dma_wait3A_714 = arith.constant 0 : i32
    %dma_wait3A_715 = tpu.memref_slice %arg11[%dma_wait3A_713, %dma_wait3A_714] : memref<10240x128xf32, #tpu.memory_space<vmem_shared>> -> memref<10240x128xf32, #tpu.memory_space<vmem_shared>>
    tpu.wait_indirect_dma semaphore(%arg16 : memref<!tpu.dma_semaphore, #tpu.memory_space<semaphore_mem>>) src(%arg7 : memref<80x128xf32, #tpu.memory_space<vmem>>) dst(%dma_wait3A_715 : memref<10240x128xf32, #tpu.memory_space<vmem_shared>>)
    %dma_start3A_716 = arith.constant 1 : i32
    %dma_start3A_717 = arith.constant 4 : i32
    %dma_start3A_718 = arith.constant 0 : i32
    %dma_start3A_719 = arith.constant 0 : i32
    %dma_start3A_720 = tpu.memref_slice %arg6[%dma_start3A_716, %dma_start3A_717, %dma_start3A_718, %dma_start3A_719] : memref<2x16x2x80xi32, #tpu.memory_space<vmem>> -> memref<1x1x1x80xi32, #tpu.memory_space<vmem>>
    %dma_start3A_721 = tpu.memref_squeeze %dma_start3A_720 : memref<1x1x1x80xi32, #tpu.memory_space<vmem>> -> memref<80xi32, #tpu.memory_space<vmem>>
    %dma_start3A_722 = arith.constant 0 : i32
    %dma_start3A_723 = arith.constant 0 : i32
    %dma_start3A_724 = tpu.memref_slice %arg2[%dma_start3A_722, %dma_start3A_723] : memref<10000x128xf32, #tpu.memory_space<hbm>> -> memref<10000x128xf32, #tpu.memory_space<hbm>>
    tpu.enqueue_indirect_dma source(%dma_start3A_724 : memref<10000x128xf32, #tpu.memory_space<hbm>>) target(%arg7 : memref<80x128xf32, #tpu.memory_space<vmem>>) offsets(%dma_start3A_721 : memref<80xi32, #tpu.memory_space<vmem>>) semaphore(%arg12 : memref<!tpu.dma_semaphore, #tpu.memory_space<semaphore_mem>>)
    %dma_wait3A_725 = arith.constant 0 : i32
    %dma_wait3A_726 = arith.constant 0 : i32
    %dma_wait3A_727 = arith.constant 0 : i32
    %dma_wait3A_728 = arith.constant 0 : i32
    %dma_wait3A_729 = tpu.memref_slice %arg6[%dma_wait3A_725, %dma_wait3A_726, %dma_wait3A_727, %dma_wait3A_728] : memref<2x16x2x80xi32, #tpu.memory_space<vmem>> -> memref<1x1x1x80xi32, #tpu.memory_space<vmem>>
    %dma_wait3A_730 = tpu.memref_squeeze %dma_wait3A_729 : memref<1x1x1x80xi32, #tpu.memory_space<vmem>> -> memref<80xi32, #tpu.memory_space<vmem>>
    %dma_wait3A_731 = arith.constant 0 : i32
    %dma_wait3A_732 = arith.constant 0 : i32
    %dma_wait3A_733 = tpu.memref_slice %arg2[%dma_wait3A_731, %dma_wait3A_732] : memref<10000x128xf32, #tpu.memory_space<hbm>> -> memref<10000x128xf32, #tpu.memory_space<hbm>>
    tpu.wait_indirect_dma semaphore(%arg14 : memref<!tpu.dma_semaphore, #tpu.memory_space<semaphore_mem>>) src(%dma_wait3A_733 : memref<10000x128xf32, #tpu.memory_space<hbm>>) dst(%arg9 : memref<80x128xf32, #tpu.memory_space<vmem>>)
    %dma_start3A_734 = arith.constant 1 : i32
    %dma_start3A_735 = arith.constant 2 : i32
    %dma_start3A_736 = arith.constant 1 : i32
    %dma_start3A_737 = arith.constant 0 : i32
    %dma_start3A_738 = tpu.memref_slice %arg6[%dma_start3A_734, %dma_start3A_735, %dma_start3A_736, %dma_start3A_737] : memref<2x16x2x80xi32, #tpu.memory_space<vmem>> -> memref<1x1x1x80xi32, #tpu.memory_space<vmem>>
    %dma_start3A_739 = tpu.memref_squeeze %dma_start3A_738 : memref<1x1x1x80xi32, #tpu.memory_space<vmem>> -> memref<80xi32, #tpu.memory_space<vmem>>
    %dma_start3A_740 = arith.constant 0 : i32
    %dma_start3A_741 = arith.constant 0 : i32
    %dma_start3A_742 = tpu.memref_slice %arg11[%dma_start3A_740, %dma_start3A_741] : memref<10240x128xf32, #tpu.memory_space<vmem_shared>> -> memref<10240x128xf32, #tpu.memory_space<vmem_shared>>
    tpu.enqueue_indirect_dma source(%arg9 : memref<80x128xf32, #tpu.memory_space<vmem>>) target(%dma_start3A_742 : memref<10240x128xf32, #tpu.memory_space<vmem_shared>>) offsets(%dma_start3A_739 : memref<80xi32, #tpu.memory_space<vmem>>) semaphore(%arg18 : memref<!tpu.dma_semaphore, #tpu.memory_space<semaphore_mem>>) {add = true}
    %dma_wait3A_743 = arith.constant 0 : i32
    %dma_wait3A_744 = arith.constant 0 : i32
    %dma_wait3A_745 = arith.constant 1 : i32
    %dma_wait3A_746 = arith.constant 0 : i32
    %dma_wait3A_747 = tpu.memref_slice %arg6[%dma_wait3A_743, %dma_wait3A_744, %dma_wait3A_745, %dma_wait3A_746] : memref<2x16x2x80xi32, #tpu.memory_space<vmem>> -> memref<1x1x1x80xi32, #tpu.memory_space<vmem>>
    %dma_wait3A_748 = tpu.memref_squeeze %dma_wait3A_747 : memref<1x1x1x80xi32, #tpu.memory_space<vmem>> -> memref<80xi32, #tpu.memory_space<vmem>>
    %dma_wait3A_749 = arith.constant 0 : i32
    %dma_wait3A_750 = arith.constant 0 : i32
    %dma_wait3A_751 = tpu.memref_slice %arg11[%dma_wait3A_749, %dma_wait3A_750] : memref<10240x128xf32, #tpu.memory_space<vmem_shared>> -> memref<10240x128xf32, #tpu.memory_space<vmem_shared>>
    tpu.wait_indirect_dma semaphore(%arg17 : memref<!tpu.dma_semaphore, #tpu.memory_space<semaphore_mem>>) src(%arg8 : memref<80x128xf32, #tpu.memory_space<vmem>>) dst(%dma_wait3A_751 : memref<10240x128xf32, #tpu.memory_space<vmem_shared>>)
    %dma_start3A_752 = arith.constant 1 : i32
    %dma_start3A_753 = arith.constant 5 : i32
    %dma_start3A_754 = arith.constant 0 : i32
    %dma_start3A_755 = arith.constant 0 : i32
    %dma_start3A_756 = tpu.memref_slice %arg6[%dma_start3A_752, %dma_start3A_753, %dma_start3A_754, %dma_start3A_755] : memref<2x16x2x80xi32, #tpu.memory_space<vmem>> -> memref<1x1x1x80xi32, #tpu.memory_space<vmem>>
    %dma_start3A_757 = tpu.memref_squeeze %dma_start3A_756 : memref<1x1x1x80xi32, #tpu.memory_space<vmem>> -> memref<80xi32, #tpu.memory_space<vmem>>
    %dma_start3A_758 = arith.constant 0 : i32
    %dma_start3A_759 = arith.constant 0 : i32
    %dma_start3A_760 = tpu.memref_slice %arg2[%dma_start3A_758, %dma_start3A_759] : memref<10000x128xf32, #tpu.memory_space<hbm>> -> memref<10000x128xf32, #tpu.memory_space<hbm>>
    tpu.enqueue_indirect_dma source(%dma_start3A_760 : memref<10000x128xf32, #tpu.memory_space<hbm>>) target(%arg8 : memref<80x128xf32, #tpu.memory_space<vmem>>) offsets(%dma_start3A_757 : memref<80xi32, #tpu.memory_space<vmem>>) semaphore(%arg13 : memref<!tpu.dma_semaphore, #tpu.memory_space<semaphore_mem>>)
    %dma_wait3A_761 = arith.constant 0 : i32
    %dma_wait3A_762 = arith.constant 0 : i32
    %dma_wait3A_763 = arith.constant 0 : i32
    %dma_wait3A_764 = arith.constant 0 : i32
    %dma_wait3A_765 = tpu.memref_slice %arg6[%dma_wait3A_761, %dma_wait3A_762, %dma_wait3A_763, %dma_wait3A_764] : memref<2x16x2x80xi32, #tpu.memory_space<vmem>> -> memref<1x1x1x80xi32, #tpu.memory_space<vmem>>
    %dma_wait3A_766 = tpu.memref_squeeze %dma_wait3A_765 : memref<1x1x1x80xi32, #tpu.memory_space<vmem>> -> memref<80xi32, #tpu.memory_space<vmem>>
    %dma_wait3A_767 = arith.constant 0 : i32
    %dma_wait3A_768 = arith.constant 0 : i32
    %dma_wait3A_769 = tpu.memref_slice %arg2[%dma_wait3A_767, %dma_wait3A_768] : memref<10000x128xf32, #tpu.memory_space<hbm>> -> memref<10000x128xf32, #tpu.memory_space<hbm>>
    tpu.wait_indirect_dma semaphore(%arg15 : memref<!tpu.dma_semaphore, #tpu.memory_space<semaphore_mem>>) src(%dma_wait3A_769 : memref<10000x128xf32, #tpu.memory_space<hbm>>) dst(%arg10 : memref<80x128xf32, #tpu.memory_space<vmem>>)
    %dma_start3A_770 = arith.constant 1 : i32
    %dma_start3A_771 = arith.constant 3 : i32
    %dma_start3A_772 = arith.constant 1 : i32
    %dma_start3A_773 = arith.constant 0 : i32
    %dma_start3A_774 = tpu.memref_slice %arg6[%dma_start3A_770, %dma_start3A_771, %dma_start3A_772, %dma_start3A_773] : memref<2x16x2x80xi32, #tpu.memory_space<vmem>> -> memref<1x1x1x80xi32, #tpu.memory_space<vmem>>
    %dma_start3A_775 = tpu.memref_squeeze %dma_start3A_774 : memref<1x1x1x80xi32, #tpu.memory_space<vmem>> -> memref<80xi32, #tpu.memory_space<vmem>>
    %dma_start3A_776 = arith.constant 0 : i32
    %dma_start3A_777 = arith.constant 0 : i32
    %dma_start3A_778 = tpu.memref_slice %arg11[%dma_start3A_776, %dma_start3A_777] : memref<10240x128xf32, #tpu.memory_space<vmem_shared>> -> memref<10240x128xf32, #tpu.memory_space<vmem_shared>>
    tpu.enqueue_indirect_dma source(%arg10 : memref<80x128xf32, #tpu.memory_space<vmem>>) target(%dma_start3A_778 : memref<10240x128xf32, #tpu.memory_space<vmem_shared>>) offsets(%dma_start3A_775 : memref<80xi32, #tpu.memory_space<vmem>>) semaphore(%arg19 : memref<!tpu.dma_semaphore, #tpu.memory_space<semaphore_mem>>) {add = true}
    %dma_wait3A_779 = arith.constant 0 : i32
    %dma_wait3A_780 = arith.constant 0 : i32
    %dma_wait3A_781 = arith.constant 1 : i32
    %dma_wait3A_782 = arith.constant 0 : i32
    %dma_wait3A_783 = tpu.memref_slice %arg6[%dma_wait3A_779, %dma_wait3A_780, %dma_wait3A_781, %dma_wait3A_782] : memref<2x16x2x80xi32, #tpu.memory_space<vmem>> -> memref<1x1x1x80xi32, #tpu.memory_space<vmem>>
    %dma_wait3A_784 = tpu.memref_squeeze %dma_wait3A_783 : memref<1x1x1x80xi32, #tpu.memory_space<vmem>> -> memref<80xi32, #tpu.memory_space<vmem>>
    %dma_wait3A_785 = arith.constant 0 : i32
    %dma_wait3A_786 = arith.constant 0 : i32
    %dma_wait3A_787 = tpu.memref_slice %arg11[%dma_wait3A_785, %dma_wait3A_786] : memref<10240x128xf32, #tpu.memory_space<vmem_shared>> -> memref<10240x128xf32, #tpu.memory_space<vmem_shared>>
    tpu.wait_indirect_dma semaphore(%arg18 : memref<!tpu.dma_semaphore, #tpu.memory_space<semaphore_mem>>) src(%arg9 : memref<80x128xf32, #tpu.memory_space<vmem>>) dst(%dma_wait3A_787 : memref<10240x128xf32, #tpu.memory_space<vmem_shared>>)
    %dma_start3A_788 = arith.constant 1 : i32
    %dma_start3A_789 = arith.constant 6 : i32
    %dma_start3A_790 = arith.constant 0 : i32
    %dma_start3A_791 = arith.constant 0 : i32
    %dma_start3A_792 = tpu.memref_slice %arg6[%dma_start3A_788, %dma_start3A_789, %dma_start3A_790, %dma_start3A_791] : memref<2x16x2x80xi32, #tpu.memory_space<vmem>> -> memref<1x1x1x80xi32, #tpu.memory_space<vmem>>
    %dma_start3A_793 = tpu.memref_squeeze %dma_start3A_792 : memref<1x1x1x80xi32, #tpu.memory_space<vmem>> -> memref<80xi32, #tpu.memory_space<vmem>>
    %dma_start3A_794 = arith.constant 0 : i32
    %dma_start3A_795 = arith.constant 0 : i32
    %dma_start3A_796 = tpu.memref_slice %arg2[%dma_start3A_794, %dma_start3A_795] : memref<10000x128xf32, #tpu.memory_space<hbm>> -> memref<10000x128xf32, #tpu.memory_space<hbm>>
    tpu.enqueue_indirect_dma source(%dma_start3A_796 : memref<10000x128xf32, #tpu.memory_space<hbm>>) target(%arg9 : memref<80x128xf32, #tpu.memory_space<vmem>>) offsets(%dma_start3A_793 : memref<80xi32, #tpu.memory_space<vmem>>) semaphore(%arg14 : memref<!tpu.dma_semaphore, #tpu.memory_space<semaphore_mem>>)
    %dma_wait3A_797 = arith.constant 0 : i32
    %dma_wait3A_798 = arith.constant 0 : i32
    %dma_wait3A_799 = arith.constant 0 : i32
    %dma_wait3A_800 = arith.constant 0 : i32
    %dma_wait3A_801 = tpu.memref_slice %arg6[%dma_wait3A_797, %dma_wait3A_798, %dma_wait3A_799, %dma_wait3A_800] : memref<2x16x2x80xi32, #tpu.memory_space<vmem>> -> memref<1x1x1x80xi32, #tpu.memory_space<vmem>>
    %dma_wait3A_802 = tpu.memref_squeeze %dma_wait3A_801 : memref<1x1x1x80xi32, #tpu.memory_space<vmem>> -> memref<80xi32, #tpu.memory_space<vmem>>
    %dma_wait3A_803 = arith.constant 0 : i32
    %dma_wait3A_804 = arith.constant 0 : i32
    %dma_wait3A_805 = tpu.memref_slice %arg2[%dma_wait3A_803, %dma_wait3A_804] : memref<10000x128xf32, #tpu.memory_space<hbm>> -> memref<10000x128xf32, #tpu.memory_space<hbm>>
    tpu.wait_indirect_dma semaphore(%arg12 : memref<!tpu.dma_semaphore, #tpu.memory_space<semaphore_mem>>) src(%dma_wait3A_805 : memref<10000x128xf32, #tpu.memory_space<hbm>>) dst(%arg7 : memref<80x128xf32, #tpu.memory_space<vmem>>)
    %dma_start3A_806 = arith.constant 1 : i32
    %dma_start3A_807 = arith.constant 4 : i32
    %dma_start3A_808 = arith.constant 1 : i32
    %dma_start3A_809 = arith.constant 0 : i32
    %dma_start3A_810 = tpu.memref_slice %arg6[%dma_start3A_806, %dma_start3A_807, %dma_start3A_808, %dma_start3A_809] : memref<2x16x2x80xi32, #tpu.memory_space<vmem>> -> memref<1x1x1x80xi32, #tpu.memory_space<vmem>>
    %dma_start3A_811 = tpu.memref_squeeze %dma_start3A_810 : memref<1x1x1x80xi32, #tpu.memory_space<vmem>> -> memref<80xi32, #tpu.memory_space<vmem>>
    %dma_start3A_812 = arith.constant 0 : i32
    %dma_start3A_813 = arith.constant 0 : i32
    %dma_start3A_814 = tpu.memref_slice %arg11[%dma_start3A_812, %dma_start3A_813] : memref<10240x128xf32, #tpu.memory_space<vmem_shared>> -> memref<10240x128xf32, #tpu.memory_space<vmem_shared>>
    tpu.enqueue_indirect_dma source(%arg7 : memref<80x128xf32, #tpu.memory_space<vmem>>) target(%dma_start3A_814 : memref<10240x128xf32, #tpu.memory_space<vmem_shared>>) offsets(%dma_start3A_811 : memref<80xi32, #tpu.memory_space<vmem>>) semaphore(%arg16 : memref<!tpu.dma_semaphore, #tpu.memory_space<semaphore_mem>>) {add = true}
    %dma_wait3A_815 = arith.constant 0 : i32
    %dma_wait3A_816 = arith.constant 0 : i32
    %dma_wait3A_817 = arith.constant 1 : i32
    %dma_wait3A_818 = arith.constant 0 : i32
    %dma_wait3A_819 = tpu.memref_slice %arg6[%dma_wait3A_815, %dma_wait3A_816, %dma_wait3A_817, %dma_wait3A_818] : memref<2x16x2x80xi32, #tpu.memory_space<vmem>> -> memref<1x1x1x80xi32, #tpu.memory_space<vmem>>
    %dma_wait3A_820 = tpu.memref_squeeze %dma_wait3A_819 : memref<1x1x1x80xi32, #tpu.memory_space<vmem>> -> memref<80xi32, #tpu.memory_space<vmem>>
    %dma_wait3A_821 = arith.constant 0 : i32
    %dma_wait3A_822 = arith.constant 0 : i32
    %dma_wait3A_823 = tpu.memref_slice %arg11[%dma_wait3A_821, %dma_wait3A_822] : memref<10240x128xf32, #tpu.memory_space<vmem_shared>> -> memref<10240x128xf32, #tpu.memory_space<vmem_shared>>
    tpu.wait_indirect_dma semaphore(%arg19 : memref<!tpu.dma_semaphore, #tpu.memory_space<semaphore_mem>>) src(%arg10 : memref<80x128xf32, #tpu.memory_space<vmem>>) dst(%dma_wait3A_823 : memref<10240x128xf32, #tpu.memory_space<vmem_shared>>)
    %dma_start3A_824 = arith.constant 1 : i32
    %dma_start3A_825 = arith.constant 7 : i32
    %dma_start3A_826 = arith.constant 0 : i32
    %dma_start3A_827 = arith.constant 0 : i32
    %dma_start3A_828 = tpu.memref_slice %arg6[%dma_start3A_824, %dma_start3A_825, %dma_start3A_826, %dma_start3A_827] : memref<2x16x2x80xi32, #tpu.memory_space<vmem>> -> memref<1x1x1x80xi32, #tpu.memory_space<vmem>>
    %dma_start3A_829 = tpu.memref_squeeze %dma_start3A_828 : memref<1x1x1x80xi32, #tpu.memory_space<vmem>> -> memref<80xi32, #tpu.memory_space<vmem>>
    %dma_start3A_830 = arith.constant 0 : i32
    %dma_start3A_831 = arith.constant 0 : i32
    %dma_start3A_832 = tpu.memref_slice %arg2[%dma_start3A_830, %dma_start3A_831] : memref<10000x128xf32, #tpu.memory_space<hbm>> -> memref<10000x128xf32, #tpu.memory_space<hbm>>
    tpu.enqueue_indirect_dma source(%dma_start3A_832 : memref<10000x128xf32, #tpu.memory_space<hbm>>) target(%arg10 : memref<80x128xf32, #tpu.memory_space<vmem>>) offsets(%dma_start3A_829 : memref<80xi32, #tpu.memory_space<vmem>>) semaphore(%arg15 : memref<!tpu.dma_semaphore, #tpu.memory_space<semaphore_mem>>)
    %dma_wait3A_833 = arith.constant 0 : i32
    %dma_wait3A_834 = arith.constant 0 : i32
    %dma_wait3A_835 = arith.constant 0 : i32
    %dma_wait3A_836 = arith.constant 0 : i32
    %dma_wait3A_837 = tpu.memref_slice %arg6[%dma_wait3A_833, %dma_wait3A_834, %dma_wait3A_835, %dma_wait3A_836] : memref<2x16x2x80xi32, #tpu.memory_space<vmem>> -> memref<1x1x1x80xi32, #tpu.memory_space<vmem>>
    %dma_wait3A_838 = tpu.memref_squeeze %dma_wait3A_837 : memref<1x1x1x80xi32, #tpu.memory_space<vmem>> -> memref<80xi32, #tpu.memory_space<vmem>>
    %dma_wait3A_839 = arith.constant 0 : i32
    %dma_wait3A_840 = arith.constant 0 : i32
    %dma_wait3A_841 = tpu.memref_slice %arg2[%dma_wait3A_839, %dma_wait3A_840] : memref<10000x128xf32, #tpu.memory_space<hbm>> -> memref<10000x128xf32, #tpu.memory_space<hbm>>
    tpu.wait_indirect_dma semaphore(%arg13 : memref<!tpu.dma_semaphore, #tpu.memory_space<semaphore_mem>>) src(%dma_wait3A_841 : memref<10000x128xf32, #tpu.memory_space<hbm>>) dst(%arg8 : memref<80x128xf32, #tpu.memory_space<vmem>>)
    %dma_start3A_842 = arith.constant 1 : i32
    %dma_start3A_843 = arith.constant 5 : i32
    %dma_start3A_844 = arith.constant 1 : i32
    %dma_start3A_845 = arith.constant 0 : i32
    %dma_start3A_846 = tpu.memref_slice %arg6[%dma_start3A_842, %dma_start3A_843, %dma_start3A_844, %dma_start3A_845] : memref<2x16x2x80xi32, #tpu.memory_space<vmem>> -> memref<1x1x1x80xi32, #tpu.memory_space<vmem>>
    %dma_start3A_847 = tpu.memref_squeeze %dma_start3A_846 : memref<1x1x1x80xi32, #tpu.memory_space<vmem>> -> memref<80xi32, #tpu.memory_space<vmem>>
    %dma_start3A_848 = arith.constant 0 : i32
    %dma_start3A_849 = arith.constant 0 : i32
    %dma_start3A_850 = tpu.memref_slice %arg11[%dma_start3A_848, %dma_start3A_849] : memref<10240x128xf32, #tpu.memory_space<vmem_shared>> -> memref<10240x128xf32, #tpu.memory_space<vmem_shared>>
    tpu.enqueue_indirect_dma source(%arg8 : memref<80x128xf32, #tpu.memory_space<vmem>>) target(%dma_start3A_850 : memref<10240x128xf32, #tpu.memory_space<vmem_shared>>) offsets(%dma_start3A_847 : memref<80xi32, #tpu.memory_space<vmem>>) semaphore(%arg17 : memref<!tpu.dma_semaphore, #tpu.memory_space<semaphore_mem>>) {add = true}
    %dma_wait3A_851 = arith.constant 0 : i32
    %dma_wait3A_852 = arith.constant 0 : i32
    %dma_wait3A_853 = arith.constant 1 : i32
    %dma_wait3A_854 = arith.constant 0 : i32
    %dma_wait3A_855 = tpu.memref_slice %arg6[%dma_wait3A_851, %dma_wait3A_852, %dma_wait3A_853, %dma_wait3A_854] : memref<2x16x2x80xi32, #tpu.memory_space<vmem>> -> memref<1x1x1x80xi32, #tpu.memory_space<vmem>>
    %dma_wait3A_856 = tpu.memref_squeeze %dma_wait3A_855 : memref<1x1x1x80xi32, #tpu.memory_space<vmem>> -> memref<80xi32, #tpu.memory_space<vmem>>
    %dma_wait3A_857 = arith.constant 0 : i32
    %dma_wait3A_858 = arith.constant 0 : i32
    %dma_wait3A_859 = tpu.memref_slice %arg11[%dma_wait3A_857, %dma_wait3A_858] : memref<10240x128xf32, #tpu.memory_space<vmem_shared>> -> memref<10240x128xf32, #tpu.memory_space<vmem_shared>>
    tpu.wait_indirect_dma semaphore(%arg16 : memref<!tpu.dma_semaphore, #tpu.memory_space<semaphore_mem>>) src(%arg7 : memref<80x128xf32, #tpu.memory_space<vmem>>) dst(%dma_wait3A_859 : memref<10240x128xf32, #tpu.memory_space<vmem_shared>>)
    %dma_start3A_860 = arith.constant 1 : i32
    %dma_start3A_861 = arith.constant 8 : i32
    %dma_start3A_862 = arith.constant 0 : i32
    %dma_start3A_863 = arith.constant 0 : i32
    %dma_start3A_864 = tpu.memref_slice %arg6[%dma_start3A_860, %dma_start3A_861, %dma_start3A_862, %dma_start3A_863] : memref<2x16x2x80xi32, #tpu.memory_space<vmem>> -> memref<1x1x1x80xi32, #tpu.memory_space<vmem>>
    %dma_start3A_865 = tpu.memref_squeeze %dma_start3A_864 : memref<1x1x1x80xi32, #tpu.memory_space<vmem>> -> memref<80xi32, #tpu.memory_space<vmem>>
    %dma_start3A_866 = arith.constant 0 : i32
    %dma_start3A_867 = arith.constant 0 : i32
    %dma_start3A_868 = tpu.memref_slice %arg2[%dma_start3A_866, %dma_start3A_867] : memref<10000x128xf32, #tpu.memory_space<hbm>> -> memref<10000x128xf32, #tpu.memory_space<hbm>>
    tpu.enqueue_indirect_dma source(%dma_start3A_868 : memref<10000x128xf32, #tpu.memory_space<hbm>>) target(%arg7 : memref<80x128xf32, #tpu.memory_space<vmem>>) offsets(%dma_start3A_865 : memref<80xi32, #tpu.memory_space<vmem>>) semaphore(%arg12 : memref<!tpu.dma_semaphore, #tpu.memory_space<semaphore_mem>>)
    %dma_wait3A_869 = arith.constant 0 : i32
    %dma_wait3A_870 = arith.constant 0 : i32
    %dma_wait3A_871 = arith.constant 0 : i32
    %dma_wait3A_872 = arith.constant 0 : i32
    %dma_wait3A_873 = tpu.memref_slice %arg6[%dma_wait3A_869, %dma_wait3A_870, %dma_wait3A_871, %dma_wait3A_872] : memref<2x16x2x80xi32, #tpu.memory_space<vmem>> -> memref<1x1x1x80xi32, #tpu.memory_space<vmem>>
    %dma_wait3A_874 = tpu.memref_squeeze %dma_wait3A_873 : memref<1x1x1x80xi32, #tpu.memory_space<vmem>> -> memref<80xi32, #tpu.memory_space<vmem>>
    %dma_wait3A_875 = arith.constant 0 : i32
    %dma_wait3A_876 = arith.constant 0 : i32
    %dma_wait3A_877 = tpu.memref_slice %arg2[%dma_wait3A_875, %dma_wait3A_876] : memref<10000x128xf32, #tpu.memory_space<hbm>> -> memref<10000x128xf32, #tpu.memory_space<hbm>>
    tpu.wait_indirect_dma semaphore(%arg14 : memref<!tpu.dma_semaphore, #tpu.memory_space<semaphore_mem>>) src(%dma_wait3A_877 : memref<10000x128xf32, #tpu.memory_space<hbm>>) dst(%arg9 : memref<80x128xf32, #tpu.memory_space<vmem>>)
    %dma_start3A_878 = arith.constant 1 : i32
    %dma_start3A_879 = arith.constant 6 : i32
    %dma_start3A_880 = arith.constant 1 : i32
    %dma_start3A_881 = arith.constant 0 : i32
    %dma_start3A_882 = tpu.memref_slice %arg6[%dma_start3A_878, %dma_start3A_879, %dma_start3A_880, %dma_start3A_881] : memref<2x16x2x80xi32, #tpu.memory_space<vmem>> -> memref<1x1x1x80xi32, #tpu.memory_space<vmem>>
    %dma_start3A_883 = tpu.memref_squeeze %dma_start3A_882 : memref<1x1x1x80xi32, #tpu.memory_space<vmem>> -> memref<80xi32, #tpu.memory_space<vmem>>
    %dma_start3A_884 = arith.constant 0 : i32
    %dma_start3A_885 = arith.constant 0 : i32
    %dma_start3A_886 = tpu.memref_slice %arg11[%dma_start3A_884, %dma_start3A_885] : memref<10240x128xf32, #tpu.memory_space<vmem_shared>> -> memref<10240x128xf32, #tpu.memory_space<vmem_shared>>
    tpu.enqueue_indirect_dma source(%arg9 : memref<80x128xf32, #tpu.memory_space<vmem>>) target(%dma_start3A_886 : memref<10240x128xf32, #tpu.memory_space<vmem_shared>>) offsets(%dma_start3A_883 : memref<80xi32, #tpu.memory_space<vmem>>) semaphore(%arg18 : memref<!tpu.dma_semaphore, #tpu.memory_space<semaphore_mem>>) {add = true}
    %dma_wait3A_887 = arith.constant 0 : i32
    %dma_wait3A_888 = arith.constant 0 : i32
    %dma_wait3A_889 = arith.constant 1 : i32
    %dma_wait3A_890 = arith.constant 0 : i32
    %dma_wait3A_891 = tpu.memref_slice %arg6[%dma_wait3A_887, %dma_wait3A_888, %dma_wait3A_889, %dma_wait3A_890] : memref<2x16x2x80xi32, #tpu.memory_space<vmem>> -> memref<1x1x1x80xi32, #tpu.memory_space<vmem>>
    %dma_wait3A_892 = tpu.memref_squeeze %dma_wait3A_891 : memref<1x1x1x80xi32, #tpu.memory_space<vmem>> -> memref<80xi32, #tpu.memory_space<vmem>>
    %dma_wait3A_893 = arith.constant 0 : i32
    %dma_wait3A_894 = arith.constant 0 : i32
    %dma_wait3A_895 = tpu.memref_slice %arg11[%dma_wait3A_893, %dma_wait3A_894] : memref<10240x128xf32, #tpu.memory_space<vmem_shared>> -> memref<10240x128xf32, #tpu.memory_space<vmem_shared>>
    tpu.wait_indirect_dma semaphore(%arg17 : memref<!tpu.dma_semaphore, #tpu.memory_space<semaphore_mem>>) src(%arg8 : memref<80x128xf32, #tpu.memory_space<vmem>>) dst(%dma_wait3A_895 : memref<10240x128xf32, #tpu.memory_space<vmem_shared>>)
    %dma_start3A_896 = arith.constant 1 : i32
    %dma_start3A_897 = arith.constant 9 : i32
    %dma_start3A_898 = arith.constant 0 : i32
    %dma_start3A_899 = arith.constant 0 : i32
    %dma_start3A_900 = tpu.memref_slice %arg6[%dma_start3A_896, %dma_start3A_897, %dma_start3A_898, %dma_start3A_899] : memref<2x16x2x80xi32, #tpu.memory_space<vmem>> -> memref<1x1x1x80xi32, #tpu.memory_space<vmem>>
    %dma_start3A_901 = tpu.memref_squeeze %dma_start3A_900 : memref<1x1x1x80xi32, #tpu.memory_space<vmem>> -> memref<80xi32, #tpu.memory_space<vmem>>
    %dma_start3A_902 = arith.constant 0 : i32
    %dma_start3A_903 = arith.constant 0 : i32
    %dma_start3A_904 = tpu.memref_slice %arg2[%dma_start3A_902, %dma_start3A_903] : memref<10000x128xf32, #tpu.memory_space<hbm>> -> memref<10000x128xf32, #tpu.memory_space<hbm>>
    tpu.enqueue_indirect_dma source(%dma_start3A_904 : memref<10000x128xf32, #tpu.memory_space<hbm>>) target(%arg8 : memref<80x128xf32, #tpu.memory_space<vmem>>) offsets(%dma_start3A_901 : memref<80xi32, #tpu.memory_space<vmem>>) semaphore(%arg13 : memref<!tpu.dma_semaphore, #tpu.memory_space<semaphore_mem>>)
    %dma_wait3A_905 = arith.constant 0 : i32
    %dma_wait3A_906 = arith.constant 0 : i32
    %dma_wait3A_907 = arith.constant 0 : i32
    %dma_wait3A_908 = arith.constant 0 : i32
    %dma_wait3A_909 = tpu.memref_slice %arg6[%dma_wait3A_905, %dma_wait3A_906, %dma_wait3A_907, %dma_wait3A_908] : memref<2x16x2x80xi32, #tpu.memory_space<vmem>> -> memref<1x1x1x80xi32, #tpu.memory_space<vmem>>
    %dma_wait3A_910 = tpu.memref_squeeze %dma_wait3A_909 : memref<1x1x1x80xi32, #tpu.memory_space<vmem>> -> memref<80xi32, #tpu.memory_space<vmem>>
    %dma_wait3A_911 = arith.constant 0 : i32
    %dma_wait3A_912 = arith.constant 0 : i32
    %dma_wait3A_913 = tpu.memref_slice %arg2[%dma_wait3A_911, %dma_wait3A_912] : memref<10000x128xf32, #tpu.memory_space<hbm>> -> memref<10000x128xf32, #tpu.memory_space<hbm>>
    tpu.wait_indirect_dma semaphore(%arg15 : memref<!tpu.dma_semaphore, #tpu.memory_space<semaphore_mem>>) src(%dma_wait3A_913 : memref<10000x128xf32, #tpu.memory_space<hbm>>) dst(%arg10 : memref<80x128xf32, #tpu.memory_space<vmem>>)
    %dma_start3A_914 = arith.constant 1 : i32
    %dma_start3A_915 = arith.constant 7 : i32
    %dma_start3A_916 = arith.constant 1 : i32
    %dma_start3A_917 = arith.constant 0 : i32
    %dma_start3A_918 = tpu.memref_slice %arg6[%dma_start3A_914, %dma_start3A_915, %dma_start3A_916, %dma_start3A_917] : memref<2x16x2x80xi32, #tpu.memory_space<vmem>> -> memref<1x1x1x80xi32, #tpu.memory_space<vmem>>
    %dma_start3A_919 = tpu.memref_squeeze %dma_start3A_918 : memref<1x1x1x80xi32, #tpu.memory_space<vmem>> -> memref<80xi32, #tpu.memory_space<vmem>>
    %dma_start3A_920 = arith.constant 0 : i32
    %dma_start3A_921 = arith.constant 0 : i32
    %dma_start3A_922 = tpu.memref_slice %arg11[%dma_start3A_920, %dma_start3A_921] : memref<10240x128xf32, #tpu.memory_space<vmem_shared>> -> memref<10240x128xf32, #tpu.memory_space<vmem_shared>>
    tpu.enqueue_indirect_dma source(%arg10 : memref<80x128xf32, #tpu.memory_space<vmem>>) target(%dma_start3A_922 : memref<10240x128xf32, #tpu.memory_space<vmem_shared>>) offsets(%dma_start3A_919 : memref<80xi32, #tpu.memory_space<vmem>>) semaphore(%arg19 : memref<!tpu.dma_semaphore, #tpu.memory_space<semaphore_mem>>) {add = true}
    %dma_wait3A_923 = arith.constant 0 : i32
    %dma_wait3A_924 = arith.constant 0 : i32
    %dma_wait3A_925 = arith.constant 1 : i32
    %dma_wait3A_926 = arith.constant 0 : i32
    %dma_wait3A_927 = tpu.memref_slice %arg6[%dma_wait3A_923, %dma_wait3A_924, %dma_wait3A_925, %dma_wait3A_926] : memref<2x16x2x80xi32, #tpu.memory_space<vmem>> -> memref<1x1x1x80xi32, #tpu.memory_space<vmem>>
    %dma_wait3A_928 = tpu.memref_squeeze %dma_wait3A_927 : memref<1x1x1x80xi32, #tpu.memory_space<vmem>> -> memref<80xi32, #tpu.memory_space<vmem>>
    %dma_wait3A_929 = arith.constant 0 : i32
    %dma_wait3A_930 = arith.constant 0 : i32
    %dma_wait3A_931 = tpu.memref_slice %arg11[%dma_wait3A_929, %dma_wait3A_930] : memref<10240x128xf32, #tpu.memory_space<vmem_shared>> -> memref<10240x128xf32, #tpu.memory_space<vmem_shared>>
    tpu.wait_indirect_dma semaphore(%arg18 : memref<!tpu.dma_semaphore, #tpu.memory_space<semaphore_mem>>) src(%arg9 : memref<80x128xf32, #tpu.memory_space<vmem>>) dst(%dma_wait3A_931 : memref<10240x128xf32, #tpu.memory_space<vmem_shared>>)
    %dma_start3A_932 = arith.constant 1 : i32
    %dma_start3A_933 = arith.constant 10 : i32
    %dma_start3A_934 = arith.constant 0 : i32
    %dma_start3A_935 = arith.constant 0 : i32
    %dma_start3A_936 = tpu.memref_slice %arg6[%dma_start3A_932, %dma_start3A_933, %dma_start3A_934, %dma_start3A_935] : memref<2x16x2x80xi32, #tpu.memory_space<vmem>> -> memref<1x1x1x80xi32, #tpu.memory_space<vmem>>
    %dma_start3A_937 = tpu.memref_squeeze %dma_start3A_936 : memref<1x1x1x80xi32, #tpu.memory_space<vmem>> -> memref<80xi32, #tpu.memory_space<vmem>>
    %dma_start3A_938 = arith.constant 0 : i32
    %dma_start3A_939 = arith.constant 0 : i32
    %dma_start3A_940 = tpu.memref_slice %arg2[%dma_start3A_938, %dma_start3A_939] : memref<10000x128xf32, #tpu.memory_space<hbm>> -> memref<10000x128xf32, #tpu.memory_space<hbm>>
    tpu.enqueue_indirect_dma source(%dma_start3A_940 : memref<10000x128xf32, #tpu.memory_space<hbm>>) target(%arg9 : memref<80x128xf32, #tpu.memory_space<vmem>>) offsets(%dma_start3A_937 : memref<80xi32, #tpu.memory_space<vmem>>) semaphore(%arg14 : memref<!tpu.dma_semaphore, #tpu.memory_space<semaphore_mem>>)
    %dma_wait3A_941 = arith.constant 0 : i32
    %dma_wait3A_942 = arith.constant 0 : i32
    %dma_wait3A_943 = arith.constant 0 : i32
    %dma_wait3A_944 = arith.constant 0 : i32
    %dma_wait3A_945 = tpu.memref_slice %arg6[%dma_wait3A_941, %dma_wait3A_942, %dma_wait3A_943, %dma_wait3A_944] : memref<2x16x2x80xi32, #tpu.memory_space<vmem>> -> memref<1x1x1x80xi32, #tpu.memory_space<vmem>>
    %dma_wait3A_946 = tpu.memref_squeeze %dma_wait3A_945 : memref<1x1x1x80xi32, #tpu.memory_space<vmem>> -> memref<80xi32, #tpu.memory_space<vmem>>
    %dma_wait3A_947 = arith.constant 0 : i32
    %dma_wait3A_948 = arith.constant 0 : i32
    %dma_wait3A_949 = tpu.memref_slice %arg2[%dma_wait3A_947, %dma_wait3A_948] : memref<10000x128xf32, #tpu.memory_space<hbm>> -> memref<10000x128xf32, #tpu.memory_space<hbm>>
    tpu.wait_indirect_dma semaphore(%arg12 : memref<!tpu.dma_semaphore, #tpu.memory_space<semaphore_mem>>) src(%dma_wait3A_949 : memref<10000x128xf32, #tpu.memory_space<hbm>>) dst(%arg7 : memref<80x128xf32, #tpu.memory_space<vmem>>)
    %dma_start3A_950 = arith.constant 1 : i32
    %dma_start3A_951 = arith.constant 8 : i32
    %dma_start3A_952 = arith.constant 1 : i32
    %dma_start3A_953 = arith.constant 0 : i32
    %dma_start3A_954 = tpu.memref_slice %arg6[%dma_start3A_950, %dma_start3A_951, %dma_start3A_952, %dma_start3A_953] : memref<2x16x2x80xi32, #tpu.memory_space<vmem>> -> memref<1x1x1x80xi32, #tpu.memory_space<vmem>>
    %dma_start3A_955 = tpu.memref_squeeze %dma_start3A_954 : memref<1x1x1x80xi32, #tpu.memory_space<vmem>> -> memref<80xi32, #tpu.memory_space<vmem>>
    %dma_start3A_956 = arith.constant 0 : i32
    %dma_start3A_957 = arith.constant 0 : i32
    %dma_start3A_958 = tpu.memref_slice %arg11[%dma_start3A_956, %dma_start3A_957] : memref<10240x128xf32, #tpu.memory_space<vmem_shared>> -> memref<10240x128xf32, #tpu.memory_space<vmem_shared>>
    tpu.enqueue_indirect_dma source(%arg7 : memref<80x128xf32, #tpu.memory_space<vmem>>) target(%dma_start3A_958 : memref<10240x128xf32, #tpu.memory_space<vmem_shared>>) offsets(%dma_start3A_955 : memref<80xi32, #tpu.memory_space<vmem>>) semaphore(%arg16 : memref<!tpu.dma_semaphore, #tpu.memory_space<semaphore_mem>>) {add = true}
    %dma_wait3A_959 = arith.constant 0 : i32
    %dma_wait3A_960 = arith.constant 0 : i32
    %dma_wait3A_961 = arith.constant 1 : i32
    %dma_wait3A_962 = arith.constant 0 : i32
    %dma_wait3A_963 = tpu.memref_slice %arg6[%dma_wait3A_959, %dma_wait3A_960, %dma_wait3A_961, %dma_wait3A_962] : memref<2x16x2x80xi32, #tpu.memory_space<vmem>> -> memref<1x1x1x80xi32, #tpu.memory_space<vmem>>
    %dma_wait3A_964 = tpu.memref_squeeze %dma_wait3A_963 : memref<1x1x1x80xi32, #tpu.memory_space<vmem>> -> memref<80xi32, #tpu.memory_space<vmem>>
    %dma_wait3A_965 = arith.constant 0 : i32
    %dma_wait3A_966 = arith.constant 0 : i32
    %dma_wait3A_967 = tpu.memref_slice %arg11[%dma_wait3A_965, %dma_wait3A_966] : memref<10240x128xf32, #tpu.memory_space<vmem_shared>> -> memref<10240x128xf32, #tpu.memory_space<vmem_shared>>
    tpu.wait_indirect_dma semaphore(%arg19 : memref<!tpu.dma_semaphore, #tpu.memory_space<semaphore_mem>>) src(%arg10 : memref<80x128xf32, #tpu.memory_space<vmem>>) dst(%dma_wait3A_967 : memref<10240x128xf32, #tpu.memory_space<vmem_shared>>)
    %dma_start3A_968 = arith.constant 1 : i32
    %dma_start3A_969 = arith.constant 11 : i32
    %dma_start3A_970 = arith.constant 0 : i32
    %dma_start3A_971 = arith.constant 0 : i32
    %dma_start3A_972 = tpu.memref_slice %arg6[%dma_start3A_968, %dma_start3A_969, %dma_start3A_970, %dma_start3A_971] : memref<2x16x2x80xi32, #tpu.memory_space<vmem>> -> memref<1x1x1x80xi32, #tpu.memory_space<vmem>>
    %dma_start3A_973 = tpu.memref_squeeze %dma_start3A_972 : memref<1x1x1x80xi32, #tpu.memory_space<vmem>> -> memref<80xi32, #tpu.memory_space<vmem>>
    %dma_start3A_974 = arith.constant 0 : i32
    %dma_start3A_975 = arith.constant 0 : i32
    %dma_start3A_976 = tpu.memref_slice %arg2[%dma_start3A_974, %dma_start3A_975] : memref<10000x128xf32, #tpu.memory_space<hbm>> -> memref<10000x128xf32, #tpu.memory_space<hbm>>
    tpu.enqueue_indirect_dma source(%dma_start3A_976 : memref<10000x128xf32, #tpu.memory_space<hbm>>) target(%arg10 : memref<80x128xf32, #tpu.memory_space<vmem>>) offsets(%dma_start3A_973 : memref<80xi32, #tpu.memory_space<vmem>>) semaphore(%arg15 : memref<!tpu.dma_semaphore, #tpu.memory_space<semaphore_mem>>)
    %dma_wait3A_977 = arith.constant 0 : i32
    %dma_wait3A_978 = arith.constant 0 : i32
    %dma_wait3A_979 = arith.constant 0 : i32
    %dma_wait3A_980 = arith.constant 0 : i32
    %dma_wait3A_981 = tpu.memref_slice %arg6[%dma_wait3A_977, %dma_wait3A_978, %dma_wait3A_979, %dma_wait3A_980] : memref<2x16x2x80xi32, #tpu.memory_space<vmem>> -> memref<1x1x1x80xi32, #tpu.memory_space<vmem>>
    %dma_wait3A_982 = tpu.memref_squeeze %dma_wait3A_981 : memref<1x1x1x80xi32, #tpu.memory_space<vmem>> -> memref<80xi32, #tpu.memory_space<vmem>>
    %dma_wait3A_983 = arith.constant 0 : i32
    %dma_wait3A_984 = arith.constant 0 : i32
    %dma_wait3A_985 = tpu.memref_slice %arg2[%dma_wait3A_983, %dma_wait3A_984] : memref<10000x128xf32, #tpu.memory_space<hbm>> -> memref<10000x128xf32, #tpu.memory_space<hbm>>
    tpu.wait_indirect_dma semaphore(%arg13 : memref<!tpu.dma_semaphore, #tpu.memory_space<semaphore_mem>>) src(%dma_wait3A_985 : memref<10000x128xf32, #tpu.memory_space<hbm>>) dst(%arg8 : memref<80x128xf32, #tpu.memory_space<vmem>>)
    %dma_start3A_986 = arith.constant 1 : i32
    %dma_start3A_987 = arith.constant 9 : i32
    %dma_start3A_988 = arith.constant 1 : i32
    %dma_start3A_989 = arith.constant 0 : i32
    %dma_start3A_990 = tpu.memref_slice %arg6[%dma_start3A_986, %dma_start3A_987, %dma_start3A_988, %dma_start3A_989] : memref<2x16x2x80xi32, #tpu.memory_space<vmem>> -> memref<1x1x1x80xi32, #tpu.memory_space<vmem>>
    %dma_start3A_991 = tpu.memref_squeeze %dma_start3A_990 : memref<1x1x1x80xi32, #tpu.memory_space<vmem>> -> memref<80xi32, #tpu.memory_space<vmem>>
    %dma_start3A_992 = arith.constant 0 : i32
    %dma_start3A_993 = arith.constant 0 : i32
    %dma_start3A_994 = tpu.memref_slice %arg11[%dma_start3A_992, %dma_start3A_993] : memref<10240x128xf32, #tpu.memory_space<vmem_shared>> -> memref<10240x128xf32, #tpu.memory_space<vmem_shared>>
    tpu.enqueue_indirect_dma source(%arg8 : memref<80x128xf32, #tpu.memory_space<vmem>>) target(%dma_start3A_994 : memref<10240x128xf32, #tpu.memory_space<vmem_shared>>) offsets(%dma_start3A_991 : memref<80xi32, #tpu.memory_space<vmem>>) semaphore(%arg17 : memref<!tpu.dma_semaphore, #tpu.memory_space<semaphore_mem>>) {add = true}
    %dma_wait3A_995 = arith.constant 0 : i32
    %dma_wait3A_996 = arith.constant 0 : i32
    %dma_wait3A_997 = arith.constant 1 : i32
    %dma_wait3A_998 = arith.constant 0 : i32
    %dma_wait3A_999 = tpu.memref_slice %arg6[%dma_wait3A_995, %dma_wait3A_996, %dma_wait3A_997, %dma_wait3A_998] : memref<2x16x2x80xi32, #tpu.memory_space<vmem>> -> memref<1x1x1x80xi32, #tpu.memory_space<vmem>>
    %dma_wait3A_1000 = tpu.memref_squeeze %dma_wait3A_999 : memref<1x1x1x80xi32, #tpu.memory_space<vmem>> -> memref<80xi32, #tpu.memory_space<vmem>>
    %dma_wait3A_1001 = arith.constant 0 : i32
    %dma_wait3A_1002 = arith.constant 0 : i32
    %dma_wait3A_1003 = tpu.memref_slice %arg11[%dma_wait3A_1001, %dma_wait3A_1002] : memref<10240x128xf32, #tpu.memory_space<vmem_shared>> -> memref<10240x128xf32, #tpu.memory_space<vmem_shared>>
    tpu.wait_indirect_dma semaphore(%arg16 : memref<!tpu.dma_semaphore, #tpu.memory_space<semaphore_mem>>) src(%arg7 : memref<80x128xf32, #tpu.memory_space<vmem>>) dst(%dma_wait3A_1003 : memref<10240x128xf32, #tpu.memory_space<vmem_shared>>)
    %dma_start3A_1004 = arith.constant 1 : i32
    %dma_start3A_1005 = arith.constant 12 : i32
    %dma_start3A_1006 = arith.constant 0 : i32
    %dma_start3A_1007 = arith.constant 0 : i32
    %dma_start3A_1008 = tpu.memref_slice %arg6[%dma_start3A_1004, %dma_start3A_1005, %dma_start3A_1006, %dma_start3A_1007] : memref<2x16x2x80xi32, #tpu.memory_space<vmem>> -> memref<1x1x1x80xi32, #tpu.memory_space<vmem>>
    %dma_start3A_1009 = tpu.memref_squeeze %dma_start3A_1008 : memref<1x1x1x80xi32, #tpu.memory_space<vmem>> -> memref<80xi32, #tpu.memory_space<vmem>>
    %dma_start3A_1010 = arith.constant 0 : i32
    %dma_start3A_1011 = arith.constant 0 : i32
    %dma_start3A_1012 = tpu.memref_slice %arg2[%dma_start3A_1010, %dma_start3A_1011] : memref<10000x128xf32, #tpu.memory_space<hbm>> -> memref<10000x128xf32, #tpu.memory_space<hbm>>
    tpu.enqueue_indirect_dma source(%dma_start3A_1012 : memref<10000x128xf32, #tpu.memory_space<hbm>>) target(%arg7 : memref<80x128xf32, #tpu.memory_space<vmem>>) offsets(%dma_start3A_1009 : memref<80xi32, #tpu.memory_space<vmem>>) semaphore(%arg12 : memref<!tpu.dma_semaphore, #tpu.memory_space<semaphore_mem>>)
    %dma_wait3A_1013 = arith.constant 0 : i32
    %dma_wait3A_1014 = arith.constant 0 : i32
    %dma_wait3A_1015 = arith.constant 0 : i32
    %dma_wait3A_1016 = arith.constant 0 : i32
    %dma_wait3A_1017 = tpu.memref_slice %arg6[%dma_wait3A_1013, %dma_wait3A_1014, %dma_wait3A_1015, %dma_wait3A_1016] : memref<2x16x2x80xi32, #tpu.memory_space<vmem>> -> memref<1x1x1x80xi32, #tpu.memory_space<vmem>>
    %dma_wait3A_1018 = tpu.memref_squeeze %dma_wait3A_1017 : memref<1x1x1x80xi32, #tpu.memory_space<vmem>> -> memref<80xi32, #tpu.memory_space<vmem>>
    %dma_wait3A_1019 = arith.constant 0 : i32
    %dma_wait3A_1020 = arith.constant 0 : i32
    %dma_wait3A_1021 = tpu.memref_slice %arg2[%dma_wait3A_1019, %dma_wait3A_1020] : memref<10000x128xf32, #tpu.memory_space<hbm>> -> memref<10000x128xf32, #tpu.memory_space<hbm>>
    tpu.wait_indirect_dma semaphore(%arg14 : memref<!tpu.dma_semaphore, #tpu.memory_space<semaphore_mem>>) src(%dma_wait3A_1021 : memref<10000x128xf32, #tpu.memory_space<hbm>>) dst(%arg9 : memref<80x128xf32, #tpu.memory_space<vmem>>)
    %dma_start3A_1022 = arith.constant 1 : i32
    %dma_start3A_1023 = arith.constant 10 : i32
    %dma_start3A_1024 = arith.constant 1 : i32
    %dma_start3A_1025 = arith.constant 0 : i32
    %dma_start3A_1026 = tpu.memref_slice %arg6[%dma_start3A_1022, %dma_start3A_1023, %dma_start3A_1024, %dma_start3A_1025] : memref<2x16x2x80xi32, #tpu.memory_space<vmem>> -> memref<1x1x1x80xi32, #tpu.memory_space<vmem>>
    %dma_start3A_1027 = tpu.memref_squeeze %dma_start3A_1026 : memref<1x1x1x80xi32, #tpu.memory_space<vmem>> -> memref<80xi32, #tpu.memory_space<vmem>>
    %dma_start3A_1028 = arith.constant 0 : i32
    %dma_start3A_1029 = arith.constant 0 : i32
    %dma_start3A_1030 = tpu.memref_slice %arg11[%dma_start3A_1028, %dma_start3A_1029] : memref<10240x128xf32, #tpu.memory_space<vmem_shared>> -> memref<10240x128xf32, #tpu.memory_space<vmem_shared>>
    tpu.enqueue_indirect_dma source(%arg9 : memref<80x128xf32, #tpu.memory_space<vmem>>) target(%dma_start3A_1030 : memref<10240x128xf32, #tpu.memory_space<vmem_shared>>) offsets(%dma_start3A_1027 : memref<80xi32, #tpu.memory_space<vmem>>) semaphore(%arg18 : memref<!tpu.dma_semaphore, #tpu.memory_space<semaphore_mem>>) {add = true}
    %dma_wait3A_1031 = arith.constant 0 : i32
    %dma_wait3A_1032 = arith.constant 0 : i32
    %dma_wait3A_1033 = arith.constant 1 : i32
    %dma_wait3A_1034 = arith.constant 0 : i32
    %dma_wait3A_1035 = tpu.memref_slice %arg6[%dma_wait3A_1031, %dma_wait3A_1032, %dma_wait3A_1033, %dma_wait3A_1034] : memref<2x16x2x80xi32, #tpu.memory_space<vmem>> -> memref<1x1x1x80xi32, #tpu.memory_space<vmem>>
    %dma_wait3A_1036 = tpu.memref_squeeze %dma_wait3A_1035 : memref<1x1x1x80xi32, #tpu.memory_space<vmem>> -> memref<80xi32, #tpu.memory_space<vmem>>
    %dma_wait3A_1037 = arith.constant 0 : i32
    %dma_wait3A_1038 = arith.constant 0 : i32
    %dma_wait3A_1039 = tpu.memref_slice %arg11[%dma_wait3A_1037, %dma_wait3A_1038] : memref<10240x128xf32, #tpu.memory_space<vmem_shared>> -> memref<10240x128xf32, #tpu.memory_space<vmem_shared>>
    tpu.wait_indirect_dma semaphore(%arg17 : memref<!tpu.dma_semaphore, #tpu.memory_space<semaphore_mem>>) src(%arg8 : memref<80x128xf32, #tpu.memory_space<vmem>>) dst(%dma_wait3A_1039 : memref<10240x128xf32, #tpu.memory_space<vmem_shared>>)
    %dma_start3A_1040 = arith.constant 1 : i32
    %dma_start3A_1041 = arith.constant 13 : i32
    %dma_start3A_1042 = arith.constant 0 : i32
    %dma_start3A_1043 = arith.constant 0 : i32
    %dma_start3A_1044 = tpu.memref_slice %arg6[%dma_start3A_1040, %dma_start3A_1041, %dma_start3A_1042, %dma_start3A_1043] : memref<2x16x2x80xi32, #tpu.memory_space<vmem>> -> memref<1x1x1x80xi32, #tpu.memory_space<vmem>>
    %dma_start3A_1045 = tpu.memref_squeeze %dma_start3A_1044 : memref<1x1x1x80xi32, #tpu.memory_space<vmem>> -> memref<80xi32, #tpu.memory_space<vmem>>
    %dma_start3A_1046 = arith.constant 0 : i32
    %dma_start3A_1047 = arith.constant 0 : i32
    %dma_start3A_1048 = tpu.memref_slice %arg2[%dma_start3A_1046, %dma_start3A_1047] : memref<10000x128xf32, #tpu.memory_space<hbm>> -> memref<10000x128xf32, #tpu.memory_space<hbm>>
    tpu.enqueue_indirect_dma source(%dma_start3A_1048 : memref<10000x128xf32, #tpu.memory_space<hbm>>) target(%arg8 : memref<80x128xf32, #tpu.memory_space<vmem>>) offsets(%dma_start3A_1045 : memref<80xi32, #tpu.memory_space<vmem>>) semaphore(%arg13 : memref<!tpu.dma_semaphore, #tpu.memory_space<semaphore_mem>>)
    %dma_wait3A_1049 = arith.constant 0 : i32
    %dma_wait3A_1050 = arith.constant 0 : i32
    %dma_wait3A_1051 = arith.constant 0 : i32
    %dma_wait3A_1052 = arith.constant 0 : i32
    %dma_wait3A_1053 = tpu.memref_slice %arg6[%dma_wait3A_1049, %dma_wait3A_1050, %dma_wait3A_1051, %dma_wait3A_1052] : memref<2x16x2x80xi32, #tpu.memory_space<vmem>> -> memref<1x1x1x80xi32, #tpu.memory_space<vmem>>
    %dma_wait3A_1054 = tpu.memref_squeeze %dma_wait3A_1053 : memref<1x1x1x80xi32, #tpu.memory_space<vmem>> -> memref<80xi32, #tpu.memory_space<vmem>>
    %dma_wait3A_1055 = arith.constant 0 : i32
    %dma_wait3A_1056 = arith.constant 0 : i32
    %dma_wait3A_1057 = tpu.memref_slice %arg2[%dma_wait3A_1055, %dma_wait3A_1056] : memref<10000x128xf32, #tpu.memory_space<hbm>> -> memref<10000x128xf32, #tpu.memory_space<hbm>>
    tpu.wait_indirect_dma semaphore(%arg15 : memref<!tpu.dma_semaphore, #tpu.memory_space<semaphore_mem>>) src(%dma_wait3A_1057 : memref<10000x128xf32, #tpu.memory_space<hbm>>) dst(%arg10 : memref<80x128xf32, #tpu.memory_space<vmem>>)
    %dma_start3A_1058 = arith.constant 1 : i32
    %dma_start3A_1059 = arith.constant 11 : i32
    %dma_start3A_1060 = arith.constant 1 : i32
    %dma_start3A_1061 = arith.constant 0 : i32
    %dma_start3A_1062 = tpu.memref_slice %arg6[%dma_start3A_1058, %dma_start3A_1059, %dma_start3A_1060, %dma_start3A_1061] : memref<2x16x2x80xi32, #tpu.memory_space<vmem>> -> memref<1x1x1x80xi32, #tpu.memory_space<vmem>>
    %dma_start3A_1063 = tpu.memref_squeeze %dma_start3A_1062 : memref<1x1x1x80xi32, #tpu.memory_space<vmem>> -> memref<80xi32, #tpu.memory_space<vmem>>
    %dma_start3A_1064 = arith.constant 0 : i32
    %dma_start3A_1065 = arith.constant 0 : i32
    %dma_start3A_1066 = tpu.memref_slice %arg11[%dma_start3A_1064, %dma_start3A_1065] : memref<10240x128xf32, #tpu.memory_space<vmem_shared>> -> memref<10240x128xf32, #tpu.memory_space<vmem_shared>>
    tpu.enqueue_indirect_dma source(%arg10 : memref<80x128xf32, #tpu.memory_space<vmem>>) target(%dma_start3A_1066 : memref<10240x128xf32, #tpu.memory_space<vmem_shared>>) offsets(%dma_start3A_1063 : memref<80xi32, #tpu.memory_space<vmem>>) semaphore(%arg19 : memref<!tpu.dma_semaphore, #tpu.memory_space<semaphore_mem>>) {add = true}
    %dma_wait3A_1067 = arith.constant 0 : i32
    %dma_wait3A_1068 = arith.constant 0 : i32
    %dma_wait3A_1069 = arith.constant 1 : i32
    %dma_wait3A_1070 = arith.constant 0 : i32
    %dma_wait3A_1071 = tpu.memref_slice %arg6[%dma_wait3A_1067, %dma_wait3A_1068, %dma_wait3A_1069, %dma_wait3A_1070] : memref<2x16x2x80xi32, #tpu.memory_space<vmem>> -> memref<1x1x1x80xi32, #tpu.memory_space<vmem>>
    %dma_wait3A_1072 = tpu.memref_squeeze %dma_wait3A_1071 : memref<1x1x1x80xi32, #tpu.memory_space<vmem>> -> memref<80xi32, #tpu.memory_space<vmem>>
    %dma_wait3A_1073 = arith.constant 0 : i32
    %dma_wait3A_1074 = arith.constant 0 : i32
    %dma_wait3A_1075 = tpu.memref_slice %arg11[%dma_wait3A_1073, %dma_wait3A_1074] : memref<10240x128xf32, #tpu.memory_space<vmem_shared>> -> memref<10240x128xf32, #tpu.memory_space<vmem_shared>>
    tpu.wait_indirect_dma semaphore(%arg18 : memref<!tpu.dma_semaphore, #tpu.memory_space<semaphore_mem>>) src(%arg9 : memref<80x128xf32, #tpu.memory_space<vmem>>) dst(%dma_wait3A_1075 : memref<10240x128xf32, #tpu.memory_space<vmem_shared>>)
    %dma_start3A_1076 = arith.constant 1 : i32
    %dma_start3A_1077 = arith.constant 14 : i32
    %dma_start3A_1078 = arith.constant 0 : i32
    %dma_start3A_1079 = arith.constant 0 : i32
    %dma_start3A_1080 = tpu.memref_slice %arg6[%dma_start3A_1076, %dma_start3A_1077, %dma_start3A_1078, %dma_start3A_1079] : memref<2x16x2x80xi32, #tpu.memory_space<vmem>> -> memref<1x1x1x80xi32, #tpu.memory_space<vmem>>
    %dma_start3A_1081 = tpu.memref_squeeze %dma_start3A_1080 : memref<1x1x1x80xi32, #tpu.memory_space<vmem>> -> memref<80xi32, #tpu.memory_space<vmem>>
    %dma_start3A_1082 = arith.constant 0 : i32
    %dma_start3A_1083 = arith.constant 0 : i32
    %dma_start3A_1084 = tpu.memref_slice %arg2[%dma_start3A_1082, %dma_start3A_1083] : memref<10000x128xf32, #tpu.memory_space<hbm>> -> memref<10000x128xf32, #tpu.memory_space<hbm>>
    tpu.enqueue_indirect_dma source(%dma_start3A_1084 : memref<10000x128xf32, #tpu.memory_space<hbm>>) target(%arg9 : memref<80x128xf32, #tpu.memory_space<vmem>>) offsets(%dma_start3A_1081 : memref<80xi32, #tpu.memory_space<vmem>>) semaphore(%arg14 : memref<!tpu.dma_semaphore, #tpu.memory_space<semaphore_mem>>)
    %dma_wait3A_1085 = arith.constant 0 : i32
    %dma_wait3A_1086 = arith.constant 0 : i32
    %dma_wait3A_1087 = arith.constant 0 : i32
    %dma_wait3A_1088 = arith.constant 0 : i32
    %dma_wait3A_1089 = tpu.memref_slice %arg6[%dma_wait3A_1085, %dma_wait3A_1086, %dma_wait3A_1087, %dma_wait3A_1088] : memref<2x16x2x80xi32, #tpu.memory_space<vmem>> -> memref<1x1x1x80xi32, #tpu.memory_space<vmem>>
    %dma_wait3A_1090 = tpu.memref_squeeze %dma_wait3A_1089 : memref<1x1x1x80xi32, #tpu.memory_space<vmem>> -> memref<80xi32, #tpu.memory_space<vmem>>
    %dma_wait3A_1091 = arith.constant 0 : i32
    %dma_wait3A_1092 = arith.constant 0 : i32
    %dma_wait3A_1093 = tpu.memref_slice %arg2[%dma_wait3A_1091, %dma_wait3A_1092] : memref<10000x128xf32, #tpu.memory_space<hbm>> -> memref<10000x128xf32, #tpu.memory_space<hbm>>
    tpu.wait_indirect_dma semaphore(%arg12 : memref<!tpu.dma_semaphore, #tpu.memory_space<semaphore_mem>>) src(%dma_wait3A_1093 : memref<10000x128xf32, #tpu.memory_space<hbm>>) dst(%arg7 : memref<80x128xf32, #tpu.memory_space<vmem>>)
    %dma_start3A_1094 = arith.constant 1 : i32
    %dma_start3A_1095 = arith.constant 12 : i32
    %dma_start3A_1096 = arith.constant 1 : i32
    %dma_start3A_1097 = arith.constant 0 : i32
    %dma_start3A_1098 = tpu.memref_slice %arg6[%dma_start3A_1094, %dma_start3A_1095, %dma_start3A_1096, %dma_start3A_1097] : memref<2x16x2x80xi32, #tpu.memory_space<vmem>> -> memref<1x1x1x80xi32, #tpu.memory_space<vmem>>
    %dma_start3A_1099 = tpu.memref_squeeze %dma_start3A_1098 : memref<1x1x1x80xi32, #tpu.memory_space<vmem>> -> memref<80xi32, #tpu.memory_space<vmem>>
    %dma_start3A_1100 = arith.constant 0 : i32
    %dma_start3A_1101 = arith.constant 0 : i32
    %dma_start3A_1102 = tpu.memref_slice %arg11[%dma_start3A_1100, %dma_start3A_1101] : memref<10240x128xf32, #tpu.memory_space<vmem_shared>> -> memref<10240x128xf32, #tpu.memory_space<vmem_shared>>
    tpu.enqueue_indirect_dma source(%arg7 : memref<80x128xf32, #tpu.memory_space<vmem>>) target(%dma_start3A_1102 : memref<10240x128xf32, #tpu.memory_space<vmem_shared>>) offsets(%dma_start3A_1099 : memref<80xi32, #tpu.memory_space<vmem>>) semaphore(%arg16 : memref<!tpu.dma_semaphore, #tpu.memory_space<semaphore_mem>>) {add = true}
    %dma_wait3A_1103 = arith.constant 0 : i32
    %dma_wait3A_1104 = arith.constant 0 : i32
    %dma_wait3A_1105 = arith.constant 1 : i32
    %dma_wait3A_1106 = arith.constant 0 : i32
    %dma_wait3A_1107 = tpu.memref_slice %arg6[%dma_wait3A_1103, %dma_wait3A_1104, %dma_wait3A_1105, %dma_wait3A_1106] : memref<2x16x2x80xi32, #tpu.memory_space<vmem>> -> memref<1x1x1x80xi32, #tpu.memory_space<vmem>>
    %dma_wait3A_1108 = tpu.memref_squeeze %dma_wait3A_1107 : memref<1x1x1x80xi32, #tpu.memory_space<vmem>> -> memref<80xi32, #tpu.memory_space<vmem>>
    %dma_wait3A_1109 = arith.constant 0 : i32
    %dma_wait3A_1110 = arith.constant 0 : i32
    %dma_wait3A_1111 = tpu.memref_slice %arg11[%dma_wait3A_1109, %dma_wait3A_1110] : memref<10240x128xf32, #tpu.memory_space<vmem_shared>> -> memref<10240x128xf32, #tpu.memory_space<vmem_shared>>
    tpu.wait_indirect_dma semaphore(%arg19 : memref<!tpu.dma_semaphore, #tpu.memory_space<semaphore_mem>>) src(%arg10 : memref<80x128xf32, #tpu.memory_space<vmem>>) dst(%dma_wait3A_1111 : memref<10240x128xf32, #tpu.memory_space<vmem_shared>>)
    %dma_start3A_1112 = arith.constant 1 : i32
    %dma_start3A_1113 = arith.constant 15 : i32
    %dma_start3A_1114 = arith.constant 0 : i32
    %dma_start3A_1115 = arith.constant 0 : i32
    %dma_start3A_1116 = tpu.memref_slice %arg6[%dma_start3A_1112, %dma_start3A_1113, %dma_start3A_1114, %dma_start3A_1115] : memref<2x16x2x80xi32, #tpu.memory_space<vmem>> -> memref<1x1x1x80xi32, #tpu.memory_space<vmem>>
    %dma_start3A_1117 = tpu.memref_squeeze %dma_start3A_1116 : memref<1x1x1x80xi32, #tpu.memory_space<vmem>> -> memref<80xi32, #tpu.memory_space<vmem>>
    %dma_start3A_1118 = arith.constant 0 : i32
    %dma_start3A_1119 = arith.constant 0 : i32
    %dma_start3A_1120 = tpu.memref_slice %arg2[%dma_start3A_1118, %dma_start3A_1119] : memref<10000x128xf32, #tpu.memory_space<hbm>> -> memref<10000x128xf32, #tpu.memory_space<hbm>>
    tpu.enqueue_indirect_dma source(%dma_start3A_1120 : memref<10000x128xf32, #tpu.memory_space<hbm>>) target(%arg10 : memref<80x128xf32, #tpu.memory_space<vmem>>) offsets(%dma_start3A_1117 : memref<80xi32, #tpu.memory_space<vmem>>) semaphore(%arg15 : memref<!tpu.dma_semaphore, #tpu.memory_space<semaphore_mem>>)
    %dma_wait3A_1121 = arith.constant 0 : i32
    %dma_wait3A_1122 = arith.constant 0 : i32
    %dma_wait3A_1123 = arith.constant 0 : i32
    %dma_wait3A_1124 = arith.constant 0 : i32
    %dma_wait3A_1125 = tpu.memref_slice %arg6[%dma_wait3A_1121, %dma_wait3A_1122, %dma_wait3A_1123, %dma_wait3A_1124] : memref<2x16x2x80xi32, #tpu.memory_space<vmem>> -> memref<1x1x1x80xi32, #tpu.memory_space<vmem>>
    %dma_wait3A_1126 = tpu.memref_squeeze %dma_wait3A_1125 : memref<1x1x1x80xi32, #tpu.memory_space<vmem>> -> memref<80xi32, #tpu.memory_space<vmem>>
    %dma_wait3A_1127 = arith.constant 0 : i32
    %dma_wait3A_1128 = arith.constant 0 : i32
    %dma_wait3A_1129 = tpu.memref_slice %arg2[%dma_wait3A_1127, %dma_wait3A_1128] : memref<10000x128xf32, #tpu.memory_space<hbm>> -> memref<10000x128xf32, #tpu.memory_space<hbm>>
    tpu.wait_indirect_dma semaphore(%arg13 : memref<!tpu.dma_semaphore, #tpu.memory_space<semaphore_mem>>) src(%dma_wait3A_1129 : memref<10000x128xf32, #tpu.memory_space<hbm>>) dst(%arg8 : memref<80x128xf32, #tpu.memory_space<vmem>>)
    %dma_start3A_1130 = arith.constant 1 : i32
    %dma_start3A_1131 = arith.constant 13 : i32
    %dma_start3A_1132 = arith.constant 1 : i32
    %dma_start3A_1133 = arith.constant 0 : i32
    %dma_start3A_1134 = tpu.memref_slice %arg6[%dma_start3A_1130, %dma_start3A_1131, %dma_start3A_1132, %dma_start3A_1133] : memref<2x16x2x80xi32, #tpu.memory_space<vmem>> -> memref<1x1x1x80xi32, #tpu.memory_space<vmem>>
    %dma_start3A_1135 = tpu.memref_squeeze %dma_start3A_1134 : memref<1x1x1x80xi32, #tpu.memory_space<vmem>> -> memref<80xi32, #tpu.memory_space<vmem>>
    %dma_start3A_1136 = arith.constant 0 : i32
    %dma_start3A_1137 = arith.constant 0 : i32
    %dma_start3A_1138 = tpu.memref_slice %arg11[%dma_start3A_1136, %dma_start3A_1137] : memref<10240x128xf32, #tpu.memory_space<vmem_shared>> -> memref<10240x128xf32, #tpu.memory_space<vmem_shared>>
    tpu.enqueue_indirect_dma source(%arg8 : memref<80x128xf32, #tpu.memory_space<vmem>>) target(%dma_start3A_1138 : memref<10240x128xf32, #tpu.memory_space<vmem_shared>>) offsets(%dma_start3A_1135 : memref<80xi32, #tpu.memory_space<vmem>>) semaphore(%arg17 : memref<!tpu.dma_semaphore, #tpu.memory_space<semaphore_mem>>) {add = true}
    %dma_wait3A_1139 = arith.constant 0 : i32
    %dma_wait3A_1140 = arith.constant 0 : i32
    %dma_wait3A_1141 = arith.constant 0 : i32
    %dma_wait3A_1142 = arith.constant 0 : i32
    %dma_wait3A_1143 = tpu.memref_slice %arg6[%dma_wait3A_1139, %dma_wait3A_1140, %dma_wait3A_1141, %dma_wait3A_1142] : memref<2x16x2x80xi32, #tpu.memory_space<vmem>> -> memref<1x1x1x80xi32, #tpu.memory_space<vmem>>
    %dma_wait3A_1144 = tpu.memref_squeeze %dma_wait3A_1143 : memref<1x1x1x80xi32, #tpu.memory_space<vmem>> -> memref<80xi32, #tpu.memory_space<vmem>>
    %dma_wait3A_1145 = arith.constant 0 : i32
    %dma_wait3A_1146 = arith.constant 0 : i32
    %dma_wait3A_1147 = tpu.memref_slice %arg2[%dma_wait3A_1145, %dma_wait3A_1146] : memref<10000x128xf32, #tpu.memory_space<hbm>> -> memref<10000x128xf32, #tpu.memory_space<hbm>>
    tpu.wait_indirect_dma semaphore(%arg14 : memref<!tpu.dma_semaphore, #tpu.memory_space<semaphore_mem>>) src(%dma_wait3A_1147 : memref<10000x128xf32, #tpu.memory_space<hbm>>) dst(%arg9 : memref<80x128xf32, #tpu.memory_space<vmem>>)
    %dma_start3A_1148 = arith.constant 1 : i32
    %dma_start3A_1149 = arith.constant 14 : i32
    %dma_start3A_1150 = arith.constant 1 : i32
    %dma_start3A_1151 = arith.constant 0 : i32
    %dma_start3A_1152 = tpu.memref_slice %arg6[%dma_start3A_1148, %dma_start3A_1149, %dma_start3A_1150, %dma_start3A_1151] : memref<2x16x2x80xi32, #tpu.memory_space<vmem>> -> memref<1x1x1x80xi32, #tpu.memory_space<vmem>>
    %dma_start3A_1153 = tpu.memref_squeeze %dma_start3A_1152 : memref<1x1x1x80xi32, #tpu.memory_space<vmem>> -> memref<80xi32, #tpu.memory_space<vmem>>
    %dma_start3A_1154 = arith.constant 0 : i32
    %dma_start3A_1155 = arith.constant 0 : i32
    %dma_start3A_1156 = tpu.memref_slice %arg11[%dma_start3A_1154, %dma_start3A_1155] : memref<10240x128xf32, #tpu.memory_space<vmem_shared>> -> memref<10240x128xf32, #tpu.memory_space<vmem_shared>>
    tpu.enqueue_indirect_dma source(%arg9 : memref<80x128xf32, #tpu.memory_space<vmem>>) target(%dma_start3A_1156 : memref<10240x128xf32, #tpu.memory_space<vmem_shared>>) offsets(%dma_start3A_1153 : memref<80xi32, #tpu.memory_space<vmem>>) semaphore(%arg18 : memref<!tpu.dma_semaphore, #tpu.memory_space<semaphore_mem>>) {add = true}
    %dma_wait3A_1157 = arith.constant 0 : i32
    %dma_wait3A_1158 = arith.constant 0 : i32
    %dma_wait3A_1159 = arith.constant 0 : i32
    %dma_wait3A_1160 = arith.constant 0 : i32
    %dma_wait3A_1161 = tpu.memref_slice %arg6[%dma_wait3A_1157, %dma_wait3A_1158, %dma_wait3A_1159, %dma_wait3A_1160] : memref<2x16x2x80xi32, #tpu.memory_space<vmem>> -> memref<1x1x1x80xi32, #tpu.memory_space<vmem>>
    %dma_wait3A_1162 = tpu.memref_squeeze %dma_wait3A_1161 : memref<1x1x1x80xi32, #tpu.memory_space<vmem>> -> memref<80xi32, #tpu.memory_space<vmem>>
    %dma_wait3A_1163 = arith.constant 0 : i32
    %dma_wait3A_1164 = arith.constant 0 : i32
    %dma_wait3A_1165 = tpu.memref_slice %arg2[%dma_wait3A_1163, %dma_wait3A_1164] : memref<10000x128xf32, #tpu.memory_space<hbm>> -> memref<10000x128xf32, #tpu.memory_space<hbm>>
    tpu.wait_indirect_dma semaphore(%arg15 : memref<!tpu.dma_semaphore, #tpu.memory_space<semaphore_mem>>) src(%dma_wait3A_1165 : memref<10000x128xf32, #tpu.memory_space<hbm>>) dst(%arg10 : memref<80x128xf32, #tpu.memory_space<vmem>>)
    %dma_start3A_1166 = arith.constant 1 : i32
    %dma_start3A_1167 = arith.constant 15 : i32
    %dma_start3A_1168 = arith.constant 1 : i32
    %dma_start3A_1169 = arith.constant 0 : i32
    %dma_start3A_1170 = tpu.memref_slice %arg6[%dma_start3A_1166, %dma_start3A_1167, %dma_start3A_1168, %dma_start3A_1169] : memref<2x16x2x80xi32, #tpu.memory_space<vmem>> -> memref<1x1x1x80xi32, #tpu.memory_space<vmem>>
    %dma_start3A_1171 = tpu.memref_squeeze %dma_start3A_1170 : memref<1x1x1x80xi32, #tpu.memory_space<vmem>> -> memref<80xi32, #tpu.memory_space<vmem>>
    %dma_start3A_1172 = arith.constant 0 : i32
    %dma_start3A_1173 = arith.constant 0 : i32
    %dma_start3A_1174 = tpu.memref_slice %arg11[%dma_start3A_1172, %dma_start3A_1173] : memref<10240x128xf32, #tpu.memory_space<vmem_shared>> -> memref<10240x128xf32, #tpu.memory_space<vmem_shared>>
    tpu.enqueue_indirect_dma source(%arg10 : memref<80x128xf32, #tpu.memory_space<vmem>>) target(%dma_start3A_1174 : memref<10240x128xf32, #tpu.memory_space<vmem_shared>>) offsets(%dma_start3A_1171 : memref<80xi32, #tpu.memory_space<vmem>>) semaphore(%arg19 : memref<!tpu.dma_semaphore, #tpu.memory_space<semaphore_mem>>) {add = true}
    %dma_wait3A_1175 = arith.constant 0 : i32
    %dma_wait3A_1176 = arith.constant 0 : i32
    %dma_wait3A_1177 = arith.constant 1 : i32
    %dma_wait3A_1178 = arith.constant 0 : i32
    %dma_wait3A_1179 = tpu.memref_slice %arg6[%dma_wait3A_1175, %dma_wait3A_1176, %dma_wait3A_1177, %dma_wait3A_1178] : memref<2x16x2x80xi32, #tpu.memory_space<vmem>> -> memref<1x1x1x80xi32, #tpu.memory_space<vmem>>
    %dma_wait3A_1180 = tpu.memref_squeeze %dma_wait3A_1179 : memref<1x1x1x80xi32, #tpu.memory_space<vmem>> -> memref<80xi32, #tpu.memory_space<vmem>>
    %dma_wait3A_1181 = arith.constant 0 : i32
    %dma_wait3A_1182 = arith.constant 0 : i32
    %dma_wait3A_1183 = tpu.memref_slice %arg11[%dma_wait3A_1181, %dma_wait3A_1182] : memref<10240x128xf32, #tpu.memory_space<vmem_shared>> -> memref<10240x128xf32, #tpu.memory_space<vmem_shared>>
    tpu.wait_indirect_dma semaphore(%arg16 : memref<!tpu.dma_semaphore, #tpu.memory_space<semaphore_mem>>) src(%arg7 : memref<80x128xf32, #tpu.memory_space<vmem>>) dst(%dma_wait3A_1183 : memref<10240x128xf32, #tpu.memory_space<vmem_shared>>)
    %dma_wait3A_1184 = arith.constant 0 : i32
    %dma_wait3A_1185 = arith.constant 0 : i32
    %dma_wait3A_1186 = arith.constant 1 : i32
    %dma_wait3A_1187 = arith.constant 0 : i32
    %dma_wait3A_1188 = tpu.memref_slice %arg6[%dma_wait3A_1184, %dma_wait3A_1185, %dma_wait3A_1186, %dma_wait3A_1187] : memref<2x16x2x80xi32, #tpu.memory_space<vmem>> -> memref<1x1x1x80xi32, #tpu.memory_space<vmem>>
    %dma_wait3A_1189 = tpu.memref_squeeze %dma_wait3A_1188 : memref<1x1x1x80xi32, #tpu.memory_space<vmem>> -> memref<80xi32, #tpu.memory_space<vmem>>
    %dma_wait3A_1190 = arith.constant 0 : i32
    %dma_wait3A_1191 = arith.constant 0 : i32
    %dma_wait3A_1192 = tpu.memref_slice %arg11[%dma_wait3A_1190, %dma_wait3A_1191] : memref<10240x128xf32, #tpu.memory_space<vmem_shared>> -> memref<10240x128xf32, #tpu.memory_space<vmem_shared>>
    tpu.wait_indirect_dma semaphore(%arg17 : memref<!tpu.dma_semaphore, #tpu.memory_space<semaphore_mem>>) src(%arg8 : memref<80x128xf32, #tpu.memory_space<vmem>>) dst(%dma_wait3A_1192 : memref<10240x128xf32, #tpu.memory_space<vmem_shared>>)
    %dma_wait3A_1193 = arith.constant 0 : i32
    %dma_wait3A_1194 = arith.constant 0 : i32
    %dma_wait3A_1195 = arith.constant 1 : i32
    %dma_wait3A_1196 = arith.constant 0 : i32
    %dma_wait3A_1197 = tpu.memref_slice %arg6[%dma_wait3A_1193, %dma_wait3A_1194, %dma_wait3A_1195, %dma_wait3A_1196] : memref<2x16x2x80xi32, #tpu.memory_space<vmem>> -> memref<1x1x1x80xi32, #tpu.memory_space<vmem>>
    %dma_wait3A_1198 = tpu.memref_squeeze %dma_wait3A_1197 : memref<1x1x1x80xi32, #tpu.memory_space<vmem>> -> memref<80xi32, #tpu.memory_space<vmem>>
    %dma_wait3A_1199 = arith.constant 0 : i32
    %dma_wait3A_1200 = arith.constant 0 : i32
    %dma_wait3A_1201 = tpu.memref_slice %arg11[%dma_wait3A_1199, %dma_wait3A_1200] : memref<10240x128xf32, #tpu.memory_space<vmem_shared>> -> memref<10240x128xf32, #tpu.memory_space<vmem_shared>>
    tpu.wait_indirect_dma semaphore(%arg18 : memref<!tpu.dma_semaphore, #tpu.memory_space<semaphore_mem>>) src(%arg9 : memref<80x128xf32, #tpu.memory_space<vmem>>) dst(%dma_wait3A_1201 : memref<10240x128xf32, #tpu.memory_space<vmem_shared>>)
    %dma_wait3A_1202 = arith.constant 0 : i32
    %dma_wait3A_1203 = arith.constant 0 : i32
    %dma_wait3A_1204 = arith.constant 1 : i32
    %dma_wait3A_1205 = arith.constant 0 : i32
    %dma_wait3A_1206 = tpu.memref_slice %arg6[%dma_wait3A_1202, %dma_wait3A_1203, %dma_wait3A_1204, %dma_wait3A_1205] : memref<2x16x2x80xi32, #tpu.memory_space<vmem>> -> memref<1x1x1x80xi32, #tpu.memory_space<vmem>>
    %dma_wait3A_1207 = tpu.memref_squeeze %dma_wait3A_1206 : memref<1x1x1x80xi32, #tpu.memory_space<vmem>> -> memref<80xi32, #tpu.memory_space<vmem>>
    %dma_wait3A_1208 = arith.constant 0 : i32
    %dma_wait3A_1209 = arith.constant 0 : i32
    %dma_wait3A_1210 = tpu.memref_slice %arg11[%dma_wait3A_1208, %dma_wait3A_1209] : memref<10240x128xf32, #tpu.memory_space<vmem_shared>> -> memref<10240x128xf32, #tpu.memory_space<vmem_shared>>
    tpu.wait_indirect_dma semaphore(%arg19 : memref<!tpu.dma_semaphore, #tpu.memory_space<semaphore_mem>>) src(%arg10 : memref<80x128xf32, #tpu.memory_space<vmem>>) dst(%dma_wait3A_1210 : memref<10240x128xf32, #tpu.memory_space<vmem_shared>>)
    %barrier3A_1211 = arith.constant 0 : index
    tpu.barrier barrier_id(%barrier3A_1211)
    "tpu.region"() ({
      %run_scoped3A_1212 = tpu.sem_alloc : memref<!tpu.dma_semaphore, #tpu.memory_space<semaphore_mem>>
      %dma_start3A_1213 = arith.constant 0 : i32
      %dma_start3A_1214 = tpu.memref_slice %arg5[%arg0, %mul3A_2, %dma_start3A_1213] : memref<2x10240x128xf32, #tpu.memory_space<hbm>> -> memref<1x640x128xf32, #tpu.memory_space<hbm>>
      %dma_start3A_1215 = tpu.memref_squeeze %dma_start3A_1214 : memref<1x640x128xf32, #tpu.memory_space<hbm>> -> memref<640x128xf32, #tpu.memory_space<hbm>>
      %dma_start3A_1216 = arith.constant 0 : i32
      %dma_start3A_1217 = tpu.memref_slice %arg11[%mul3A_2, %dma_start3A_1216] : memref<10240x128xf32, #tpu.memory_space<vmem_shared>> -> memref<640x128xf32, #tpu.memory_space<vmem_shared>>
      tpu.enqueue_dma source(%dma_start3A_1217 : memref<640x128xf32, #tpu.memory_space<vmem_shared>>) target(%dma_start3A_1215 : memref<640x128xf32, #tpu.memory_space<hbm>>) target_semaphore(%run_scoped3A_1212 : memref<!tpu.dma_semaphore, #tpu.memory_space<semaphore_mem>>)
      %dma_wait3A_1218 = arith.constant 0 : i32
      %dma_wait3A_1219 = tpu.memref_slice %arg5[%arg0, %mul3A_2, %dma_wait3A_1218] : memref<2x10240x128xf32, #tpu.memory_space<hbm>> -> memref<1x640x128xf32, #tpu.memory_space<hbm>>
      %dma_wait3A_1220 = tpu.memref_squeeze %dma_wait3A_1219 : memref<1x640x128xf32, #tpu.memory_space<hbm>> -> memref<640x128xf32, #tpu.memory_space<hbm>>
      %dma_wait3A_1221 = arith.constant 0 : i32
      %dma_wait3A_1222 = tpu.memref_slice %arg11[%mul3A_2, %dma_wait3A_1221] : memref<10240x128xf32, #tpu.memory_space<vmem_shared>> -> memref<640x128xf32, #tpu.memory_space<vmem_shared>>
      tpu.wait_dma2 semaphore(%run_scoped3A_1212 : memref<!tpu.dma_semaphore, #tpu.memory_space<semaphore_mem>>) src(%dma_wait3A_1222 : memref<640x128xf32, #tpu.memory_space<vmem_shared>>) dst(%dma_wait3A_1220 : memref<640x128xf32, #tpu.memory_space<hbm>>)
      tpu.yield
    }) : () -> ()
    return
  }
}

module attributes {stable_mosaic.version = 14 : i64} {
  func.func @body(%arg0: memref<10000x128xf32, #tpu.memory_space<vmem>>, %arg1: memref<2x10240x128xf32, #tpu.memory_space<vmem>>, %arg2: memref<128x128xf32, #tpu.memory_space<vmem>>, %arg3: memref<1x128xf32, #tpu.memory_space<vmem>>, %arg4: memref<128x128xf32, #tpu.memory_space<vmem>>, %arg5: memref<1x128xf32, #tpu.memory_space<vmem>>, %arg6: memref<1x128xf32, #tpu.memory_space<vmem>>, %arg7: memref<1x128xf32, #tpu.memory_space<vmem>>, %arg8: memref<10000x128xf32, #tpu.memory_space<vmem>>) attributes {dimension_semantics = [], scalar_prefetch = 0 : i64, scratch_operands = 0 : i64, tpu.core_type = #tpu.core_type<tc>} {
    %get3A = arith.constant 0 : index
    %get3A_0 = arith.constant 0 : index
    %get3A_1 = vector.load %arg0[%get3A, %get3A_0] : memref<10000x128xf32, #tpu.memory_space<vmem>>, vector<10000x128xf32>
    %get3A_2 = arith.constant 0 : index
    %get3A_3 = arith.constant 0 : index
    %get3A_4 = arith.constant 0 : index
    %get3A_5 = vector.load %arg1[%get3A_2, %get3A_3, %get3A_4] : memref<2x10240x128xf32, #tpu.memory_space<vmem>>, vector<1x10000x128xf32>
    %get3A_6 = vector.shape_cast %get3A_5 : vector<1x10000x128xf32> to vector<10000x128xf32>
    %add3A = arith.addf %get3A_1, %get3A_6 : vector<10000x128xf32>
    %get3A_7 = arith.constant 1 : index
    %get3A_8 = arith.constant 0 : index
    %get3A_9 = arith.constant 0 : index
    %get3A_10 = vector.load %arg1[%get3A_7, %get3A_8, %get3A_9] : memref<2x10240x128xf32, #tpu.memory_space<vmem>>, vector<1x10000x128xf32>
    %get3A_11 = vector.shape_cast %get3A_10 : vector<1x10000x128xf32> to vector<10000x128xf32>
    %add3A_12 = arith.addf %add3A, %get3A_11 : vector<10000x128xf32>
    %get3A_13 = arith.constant 0 : index
    %get3A_14 = arith.constant 0 : index
    %get3A_15 = vector.load %arg2[%get3A_13, %get3A_14] : memref<128x128xf32, #tpu.memory_space<vmem>>, vector<128x128xf32>
    %dot_general3A = arith.constant dense<0.000000e+00> : vector<10000x128xf32>
    %dot_general3A_16 = tpu.matmul %add3A_12, %get3A_15, %dot_general3A {dimension_numbers = #tpu.dot_dimension_numbers<[1], [1], [0], [0], [0, 0, 1, 0], [], []>, precision = #tpu.contract_precision<fp32>, transpose_lhs_hint = false} : vector<10000x128xf32>, vector<128x128xf32>, vector<10000x128xf32> -> vector<10000x128xf32>
    %get3A_17 = arith.constant 0 : index
    %get3A_18 = arith.constant 0 : index
    %get3A_19 = vector.load %arg3[%get3A_17, %get3A_18] : memref<1x128xf32, #tpu.memory_space<vmem>>, vector<1x128xf32>
    %add3A_20 = vector.broadcast %get3A_19 : vector<1x128xf32> to vector<10000x128xf32>
    %add3A_21 = arith.addf %dot_general3A_16, %add3A_20 : vector<10000x128xf32>
    %max3A = arith.constant 0.000000e+00 : f32
    %max3A_22 = vector.broadcast %max3A : f32 to vector<10000x128xf32>
    %max3A_23 = arith.maximumf %add3A_21, %max3A_22 : vector<10000x128xf32>
    %get3A_24 = arith.constant 0 : index
    %get3A_25 = arith.constant 0 : index
    %get3A_26 = vector.load %arg4[%get3A_24, %get3A_25] : memref<128x128xf32, #tpu.memory_space<vmem>>, vector<128x128xf32>
    %dot_general3A_27 = arith.constant dense<0.000000e+00> : vector<10000x128xf32>
    %dot_general3A_28 = tpu.matmul %max3A_23, %get3A_26, %dot_general3A_27 {dimension_numbers = #tpu.dot_dimension_numbers<[1], [1], [0], [0], [0, 0, 1, 0], [], []>, precision = #tpu.contract_precision<fp32>, transpose_lhs_hint = false} : vector<10000x128xf32>, vector<128x128xf32>, vector<10000x128xf32> -> vector<10000x128xf32>
    %get3A_29 = arith.constant 0 : index
    %get3A_30 = arith.constant 0 : index
    %get3A_31 = vector.load %arg5[%get3A_29, %get3A_30] : memref<1x128xf32, #tpu.memory_space<vmem>>, vector<1x128xf32>
    %add3A_32 = vector.broadcast %get3A_31 : vector<1x128xf32> to vector<10000x128xf32>
    %add3A_33 = arith.addf %dot_general3A_28, %add3A_32 : vector<10000x128xf32>
    %max3A_34 = arith.constant 0.000000e+00 : f32
    %max3A_35 = vector.broadcast %max3A_34 : f32 to vector<10000x128xf32>
    %max3A_36 = arith.maximumf %add3A_33, %max3A_35 : vector<10000x128xf32>
    %reduce_sum3A = arith.constant dense<0.000000e+00> : vector<128xf32>
    %reduce_sum3A_37 = vector.multi_reduction <add>, %max3A_36, %reduce_sum3A [0] : vector<10000x128xf32> to vector<128xf32>
    %broadcast_in_dim3A = vector.shape_cast %reduce_sum3A_37 : vector<128xf32> to vector<1x128xf32>
    %div3A = arith.constant 1.000000e+04 : f32
    %div3A_38 = vector.broadcast %div3A : f32 to vector<1x128xf32>
    %div3A_39 = arith.divf %broadcast_in_dim3A, %div3A_38 : vector<1x128xf32>
    %mul3A = arith.mulf %max3A_36, %max3A_36 : vector<10000x128xf32>
    %reduce_sum3A_40 = arith.constant dense<0.000000e+00> : vector<128xf32>
    %reduce_sum3A_41 = vector.multi_reduction <add>, %mul3A, %reduce_sum3A_40 [0] : vector<10000x128xf32> to vector<128xf32>
    %broadcast_in_dim3A_42 = vector.shape_cast %reduce_sum3A_41 : vector<128xf32> to vector<1x128xf32>
    %div3A_43 = arith.constant 1.000000e+04 : f32
    %div3A_44 = vector.broadcast %div3A_43 : f32 to vector<1x128xf32>
    %div3A_45 = arith.divf %broadcast_in_dim3A_42, %div3A_44 : vector<1x128xf32>
    %mul3A_46 = arith.mulf %div3A_39, %div3A_39 : vector<1x128xf32>
    %sub3A = arith.subf %div3A_45, %mul3A_46 : vector<1x128xf32>
    %sub3A_47 = vector.broadcast %div3A_39 : vector<1x128xf32> to vector<10000x128xf32>
    %sub3A_48 = arith.subf %max3A_36, %sub3A_47 : vector<10000x128xf32>
    %add3A_49 = arith.constant 9.99999974E-6 : f32
    %add3A_50 = vector.broadcast %add3A_49 : f32 to vector<1x128xf32>
    %add3A_51 = arith.addf %sub3A, %add3A_50 : vector<1x128xf32>
    %rsqrt3A = math.rsqrt %add3A_51 : vector<1x128xf32>
    %mul3A_52 = vector.broadcast %rsqrt3A : vector<1x128xf32> to vector<10000x128xf32>
    %mul3A_53 = arith.mulf %sub3A_48, %mul3A_52 : vector<10000x128xf32>
    %get3A_54 = arith.constant 0 : index
    %get3A_55 = arith.constant 0 : index
    %get3A_56 = vector.load %arg6[%get3A_54, %get3A_55] : memref<1x128xf32, #tpu.memory_space<vmem>>, vector<1x128xf32>
    %mul3A_57 = vector.broadcast %get3A_56 : vector<1x128xf32> to vector<10000x128xf32>
    %mul3A_58 = arith.mulf %mul3A_53, %mul3A_57 : vector<10000x128xf32>
    %get3A_59 = arith.constant 0 : index
    %get3A_60 = arith.constant 0 : index
    %get3A_61 = vector.load %arg7[%get3A_59, %get3A_60] : memref<1x128xf32, #tpu.memory_space<vmem>>, vector<1x128xf32>
    %add3A_62 = vector.broadcast %get3A_61 : vector<1x128xf32> to vector<10000x128xf32>
    %add3A_63 = arith.addf %mul3A_58, %add3A_62 : vector<10000x128xf32>
    %swap3A = arith.constant 0 : index
    %swap3A_64 = arith.constant 0 : index
    %swap3A_65 = vector.load %arg8[%swap3A, %swap3A_64] : memref<10000x128xf32, #tpu.memory_space<vmem>>, vector<10000x128xf32>
    tpu.vector_store %arg8[%swap3A, %swap3A_64], %add3A_63 {strides = array<i32>} : memref<10000x128xf32, #tpu.memory_space<vmem>>, vector<10000x128xf32>,
    return
  }
}

</mosaic_0001>

<sc_bundles>
// kernel: kernel.4.cloned.1.call-start
scs
__scs_entry_jumppad:
0x0: {  	(pc) =	sbr.rel $0x88, $3  }
0x1: {  	(tag) =	ssettag $0x0;
	lr =	simm.s32 $0x1  }
0x2: {  	[smem:$0x3F99] =	sst lr;
	_ =	strace $0xD0000000  }
0x3: {  	_ = 	snop  }
0x4: {  	_ = 	snop  }
0x5: {  	_ = 	snop  }
0x6: {  	_ = 	snop  }
0x7: {  	_ = 	snop  }
__scs_overlays_trampoline_lowered:
0x8: {  	[smem:$0x3FA8] =	sst s0  }
0x9: {  	[smem:$0x3FA9] =	sst s1  }
0xa: {  	[smem:$0x3FAA] =	sst s2  }
0xb: {  	[smem:$0x3FAB] =	sst s3  }
0xc: {  	[smem:$0x3FAC] =	sst s4  }
0xd: {  	[smem:$0x3FAD] =	sst s5  }
0xe: {  	[smem:$0x3FAE] =	sst s6  }
0xf: {  	[smem:$0x3FAF] =	sst s7  }
0x10: {  	[smem:$0x3FB0] =	sst s8  }
0x11: {  	[smem:$0x3FB1] =	sst s9;
	s0 =	simm.s32 @!p0 $0x0  }
0x12: {  	s1 =	sld [smem:$0x3F97];
	s0 =	simm.s32 @p0 $0x1  }
0x13: {  	[smem:$0x3FB2] =	sst s0;
	s0 =	simm.s32 @!p1 $0x0  }
0x14: {  	s2 =	sld [smem:$0x3F96];
	s0 =	simm.s32 @p1 $0x1  }
0x15: {  	[smem:$0x3FB3] =	sst s0;
	s0 =	simm.s32 @!p2 $0x0  }
0x16: {  	s3 =	sld [smem:$0x3FDB];
	s0 =	simm.s32 @p2 $0x1  }
0x17: {  	s4 =	simm.s32 $0x1BF5;
	[smem:$0x3FB5] =	sst s0  }
0x18: {  	s0 =	sld [smem:$0x3F98];
	_ =	swait.ge [sflag:s4], $0x0  }
0x19: {  	s7 =	sld [smem:$0x3F99]  }
0x1a: {  	s8 =	sadd.s32 $0xFFFFE003, lr  }
0x1b: {  	s9 =	sadd.s32 $0xFFFFFEF7, lr;
	s5 =	simm.s32 $0xFFFFFFFF;
	p2 =	slt.u32 s8, $0xFFFFF086  }
0x1c: {  	p1 =	slt.u32 s9, $0xF7A;
	s5 =	simm.s32 @!p2 $0x0  }
0x1d: {  	s5 =	simm.s32 @p1 $0x1;
	p0 =	seq.s32 s7, s2  }
0x1e: {  	s7 =	smul.u32 @!p0 $0xF7A, s2;
	p2 =	seq.s32 @!p0 s5, $0x0  }
0x1f: {  	s9 =	smul.u32 $0xF7A, s1;
	s8 =	simm.s32 @!p0 $0x1BF5;
	p2 =	por !p2, p0  }
0x20: {  	[sflag:s8] =	ssyncset.s32 @!p0 $0xFFFFF086;
	s6 =	sadd.s32 @!p0 s3, s7;
	s7 =	simm.s32 @!p0 $0x108  }
0x21: {  	s3 =	sadd.s32 s3, s9;
	s6 =	sadd.s32 @!p0 $0x88, s6;
	s7 =	simm.s32 @p2 $0x1082  }
0x22: {  	[simem:s7], [sflag:s8] =	dma.local @!p0 [hbm:s6], $0xF7A  }
0x23: {  	s9 =	sor.u32 $0xD0000000, s2;
	s6 =	simm.s32 $0x108;
	_ =	swait.ge @!p0 [sflag:s8], $0x0  }
0x24: {  	s3 =	sadd.s32 $0x88, s3;
	s6 =	simm.s32 @!p1 $0x1082;
	[sflag:s4] =	ssyncset.s32 $0xFFFFF086  }
0x25: {  	[simem:s6], [sflag:s4] =	dma.local [hbm:s3], $0xF7A  }
0x26: {  	[smem:$0x3F99] =	sst s1;
	(tag) =	ssettag s2;
	_ =	strace s9  }
0x27: {  	s1 =	sld [smem:$0x3FA9]  }
0x28: {  	s2 =	sld [smem:$0x3FAA]  }
0x29: {  	s4 =	sld [smem:$0x3FAC]  }
0x2a: {  	p0 =	seq.s32 s5, $0x0;
	s5 =	sld [smem:$0x3FAD]  }
0x2b: {  	s6 =	sld [smem:$0x3FAE]  }
0x2c: {  	s7 =	sld [smem:$0x3FAF]  }
0x2d: {  	s3 =	simm.s32 $0x108;
	s8 =	sld [smem:$0x3FB0]  }
0x2e: {  	s3 =	simm.s32 @!p0 $0x1082;
	s9 =	sld [smem:$0x3FB1]  }
0x2f: {  	lr =	sadd.s32 s0, s3;
	s0 =	sld [smem:$0x3FA8]  }
0x30: {  	s3 =	sld [smem:$0x3FAB]  }
0x31: {  	[smem:$0x3FB4] =	sst s10  }
0x32: {  	s10 =	sld [smem:$0x3FB2];
	_ =	sdelay $0x3  }
0x33: {  	p0 =	seq.s32 s10, $0x1;
	s10 =	sld [smem:$0x3FB4];
	_ =	sdelay $0x3  }
0x34: {  	[smem:$0x3FB4] =	sst s10  }
0x35: {  	s10 =	sld [smem:$0x3FB3];
	_ =	sdelay $0x3  }
0x36: {  	p1 =	seq.s32 s10, $0x1;
	s10 =	sld [smem:$0x3FB4];
	_ =	sdelay $0x3  }
0x37: {  	[smem:$0x3FB4] =	sst s10  }
0x38: {  	s10 =	sld [smem:$0x3FB5]  }
0x39: {  	_ = 	snop;
	(pc) =	sbr.ind lr, $3  }
0x3a: {  	_ = 	snop  }
0x3b: {  	_ = 	snop  }
0x3c: {  	p2 =	seq.s32 s10, $0x1;
	s10 =	sld [smem:$0x3FB4]  }
0x3d: {  	_ =	shalt  }
0x3e: {  	_ =	shalt  }
0x3f: {  	_ =	shalt  }
0x40: {  	_ =	shalt  }
0x41: {  	_ =	shalt  }
0x42: {  	_ =	shalt  }
0x43: {  	_ =	shalt  }
0x44: {  	_ =	shalt  }
0x45: {  	_ =	shalt  }
0x46: {  	_ =	shalt  }
0x47: {  	_ =	shalt  }
0x48: {  	_ =	shalt  }
0x49: {  	_ =	shalt  }
0x4a: {  	_ =	shalt  }
0x4b: {  	_ =	shalt  }
0x4c: {  	_ =	shalt  }
0x4d: {  	_ =	shalt  }
0x4e: {  	_ =	shalt  }
0x4f: {  	_ =	shalt  }
0x50: {  	_ =	shalt  }
0x51: {  	_ =	shalt  }
0x52: {  	_ =	shalt  }
0x53: {  	_ =	shalt  }
0x54: {  	_ =	shalt  }
0x55: {  	_ =	shalt  }
0x56: {  	_ =	shalt  }
0x57: {  	_ =	shalt  }
0x58: {  	_ =	shalt  }
0x59: {  	_ =	shalt  }
0x5a: {  	_ =	shalt  }
0x5b: {  	_ =	shalt  }
0x5c: {  	_ =	shalt  }
0x5d: {  	_ =	shalt  }
0x5e: {  	_ =	shalt  }
0x5f: {  	_ =	shalt  }
0x60: {  	_ =	shalt  }
0x61: {  	_ =	shalt  }
0x62: {  	_ =	shalt  }
0x63: {  	_ =	shalt  }
0x64: {  	_ =	shalt  }
0x65: {  	_ =	shalt  }
0x66: {  	_ =	shalt  }
0x67: {  	_ =	shalt  }
0x68: {  	_ =	shalt  }
0x69: {  	_ =	shalt  }
0x6a: {  	_ =	shalt  }
0x6b: {  	_ =	shalt  }
0x6c: {  	_ =	shalt  }
0x6d: {  	_ =	shalt  }
0x6e: {  	_ =	shalt  }
0x6f: {  	_ =	shalt  }
0x70: {  	_ =	shalt  }
0x71: {  	_ =	shalt  }
0x72: {  	_ =	shalt  }
0x73: {  	_ =	shalt  }
0x74: {  	_ =	shalt  }
0x75: {  	_ =	shalt  }
0x76: {  	_ =	shalt  }
0x77: {  	_ =	shalt  }
0x78: {  	_ =	shalt  }
0x79: {  	_ =	shalt  }
0x7a: {  	_ =	shalt  }
0x7b: {  	_ =	shalt  }
0x7c: {  	_ =	shalt  }
0x7d: {  	_ =	shalt  }
0x7e: {  	_ =	shalt  }
0x7f: {  	_ =	shalt  }
0x80: {  	_ =	shalt  }
0x81: {  	_ =	shalt  }
0x82: {  	_ =	shalt  }
0x83: {  	_ =	shalt  }
0x84: {  	_ =	shalt  }
0x85: {  	_ =	shalt  }
0x86: {  	_ =	shalt  }
0x87: {  	_ =	shalt  }
.Lfunc_end0:
.L_simem_size_0:
called_computation_lowered:
.L_overlay_start_0:
0x88: {  	s2 =	sld [smem:$0x3FD9]  }
0x89: {  	s3 =	sld [smem:$0x3FFE];
	_ =	sdelay $0x1  }
0x8a: {  	s1 =	srdreg.scid  }
0x8b: {  	s0 =	sand.u32 $0x1, s1  }
0x8c: {  	s17 =	sshll.u32 s0, $0xA;
	s2 =	sadd.s32 s3, s2  }
0x8d: {  	s2 =	sadd.s32 s2, s17  }
0x8e: {  	[smem:$0x3FC0] =	sst s2  }
0x8f: {  	_ = 	snop  }
0x90: {  	s2 =	sld [smem:$0x3FC9]  }
0x91: {  	s18 =	sld [smem:$0x3FD0];
	(tm) =	ssettm $0x1  }
0x92: {  	s4 =	sld [smem:$0x3FFB];
	_ =	sdelay $0x3  }
0x93: {  	_ =	strace s4  }
0x94: {  	s4 =	sld [smem:$0x3FFC];
	_ =	sdelay $0x3  }
0x95: {  	_ =	strace s4  }
0x96: {  	s4 =	sld [smem:$0x3FFD];
	_ =	sdelay $0x3  }
0x97: {  	_ =	strace s4  }
0x98: {  	_ =	strace $0x8FFFFFFF  }
0x99: {  	s19 =	sld [smem:$0x3FDB];
	_ =	sdelay $0x1  }
0x9a: {  	s5 =	simm.s32 $_scs_section_size  }
0x9b: {  	s6 =	simm.s32 $_size__tile_overlayer_lowered;
	s7 =	simm.s32 $_tile_overlayer_lowered  }
0x9c: {  	s22 =	simm.s32 $0x1BFF;
	s21 =	sshll.u32 s7, $0x1;
	s4 =	sadd.s32 s5, s19  }
0x9d: {  	s8 =	simm.s32 $0x0;
	s20 =	sshll.u32 s6, $0x1;
	s6 =	sadd.s32 s21, s4  }
0x9e: {  	[timem:s8], [sflag:s22] =	dma.local [hbm:s6], s20  }
0x9f: {  	_ =	swait.ge [sflag:s22], s20  }
0xa0: {  	s5 =	ssub.s32 $0x0, s20;
	[sflag:s22] =	ssyncset.done $0x0  }
0xa1: {  	[sflag:s22] =	ssyncadd.s32 s5;
	_ =	sdelay $0x1  }
0xa2: {  	s23 =	simm.s32 $0x1B8B  }
0xa3: {  	_ =	swait.ge [sflag:s23], $0x1  }
0xa4: {  	[sflag:s23] =	ssyncset.done $0x0  }
0xa5: {  	s25 =	simm.s32 $0x1B8E;
	s24 =	sld [smem:$0x3FFE];
	[sflag:s23] =	ssyncadd.s32 $0xFFFFFFFF  }
0xa6: {  	s26 =	simm.s32 $execute0_lowered;
	[smem:$0x3FD2] =	sst s25  }
0xa7: {  	s6 =	sshll.u32 s26, $0x1;
	_ =	strace $0x80000046;
	[dreg:$0x1] =	wrdreg $0xFFFFFFFF  }
0xa8: {  	s28 =	simm.s32 $_size_execute0_lowered;
	s4 =	sadd.s32 s4, s6;
	[dreg:$0x0] =	wrdreg $0x0  }
0xa9: {  	s6 =	sshll.u32 s28, $0x1;
	[dreg:$0x2] =	wrdreg s4  }
0xaa: {  	[dreg:$0x3] =	wrdreg s6  }
0xab: {  	[dreg:$0x4] =	wrdreg $0xC0  }
0xac: {  	_ =	task [dreg:s8], $0x5FFFF  }
0xad: {  	[dreg:$0x1] =	wrdreg $0xFFFFFFFF  }
0xae: {  	[dreg:$0x0] =	wrdreg $0x60  }
0xaf: {  	[dreg:$0x2] =	wrdreg s2  }
0xb0: {  	[dreg:$0x3] =	wrdreg s18  }
0xb1: {  	[dreg:$0x4] =	wrdreg s24  }
0xb2: {  	[dreg:$0x5] =	wrdreg $0xC0000  }
0xb3: {  	[dreg:$0x6] =	wrdreg $0x9  }
0xb4: {  	_ =	task.clear_ibuf [dreg:s8], $0x7FFFF;
	_ =	strace $0x90000046  }
0xb5: {  	s29 =	simm.s32 $0x9;
	_ =	strace $0x80000048  }
0xb6: {  	_ =	swait.ge [sflag:s29], $0x1  }
0xb7: {  	[sflag:s29] =	ssyncadd.s32 $0xFFFFFFFF  }
0xb8: {  	_ =	strace $0x90000048  }
0xb9: {  	_ =	sfence  }
0xba: {  	s30 =	sld [smem:$0x0];
	_ =	sdelay $0x2  }
0xbb: {  	s31 =	sshll.u32 s1, $0xD;
	s1 =	sshrl.u32 s1, $0x2  }
0xbc: {  	s3 =	sand.u32 $0x4000, s31;
	s1 =	sadd.s32 s1, s30  }
0xbd: {  	s0 =	sor.u32 s3, s0;
	s1 =	sshll.u32 s1, $0x11  }
0xbe: {  	s0 =	sor.u32 s1, s0  }
0xbf: {  	s0 =	sadd.s32 $0x8F2B, s0  }
0xc0: {  	[sflag:s0] =	ssyncadd.remote.s32 $0x1  }
0xc1: {  	_ =	sfence.sel $0xFFFF  }
0xc2: {  	[dreg:$0x0] =	wrdreg $0xFFFFFFFF;
	(pc) =	sbr.abs _section_cstart, $3  }
0xc3: {  	[dreg:$0x1] =	wrdreg $0xFFFFFFFF  }
0xc4: {  	_ =	task.clear_ibuf [dreg:s8], $0x2FFFF;
	_ =	strace $0x9FFFFFFF  }
0xc5: {  	(tm) =	ssettm $0x7FFFFFFF  }
tec
execute0_lowered:
.L_overlay_start_1:
0x0: {  	(tag) =	ssettag $0x1  }
0x1: {  	s1 =	rddreg [dreg:$0x0]  }
0x2: {  	s0 =	rddreg [dreg:$0x1]  }
0x3: {  	s2 =	rddreg [dreg:$0x2]  }
0x4: {  	s3 =	rddreg [dreg:$0x3];
	s11 =	stileid.u32  }
0x5: {  	s5 =	srdreg.scid;
	s4 =	simm.s32 $0x0;
	s14 =	simm.s32 $0x1  }
0x6: {  	s15 =	simm.s32 $0x50;
	s16 =	simm.s32 $0x2000;
	s18 =	simm.s32 $0x4800  }
0x7: {  	s20 =	simm.s32 $0x7000;
	s28 =	simm.s32 $0x1000;
	s30 =	simm.s32 $0x3  }
0x8: {  	s19 =	simm.s32 $0xA;
	s6 =	smul.u32 $0x14000, s11;
	s5 =	sand.u32 $0x1, s5  }
0x9: {  	[smem:$0x7FF] =	sst s4;
	s10 =	smul.u32 $0x50000, s11;
	s24 =	sshll.u32 s11, $0xF  }
0xa: {  	s25 =	sshll.u32 s11, $0x6;
	s7 =	smul.u32 $0x140000, s5;
	_ =	strace $0x80000047  }
0xb: {  	s21 =	ssub.s32 $0x2, s5;
	s5 =	sshll.u32 s5, $0x13;
	[dreg:$0x7] =	wrdreg s25  }
0xc: {  	s26 =	sor.u32 $0x1C01, s25;
	s8 =	sshrl.u32 s6, $0x3;
	s9 =	sshrl.u32 s21, $0x1  }
0xd: {  	s23 =	sshrl.u32 s10, $0x2;
	s5 =	sor.u32 s24, s5;
	[dreg:$0x9] =	wrdreg s26  }
0xe: {  	s24 =	simm.s32 $0x2;
	s26 =	simm.s32 $0x5;
	s6 =	sadd.s32 s6, s7  }
0xf: {  	s8 =	sadd.s32 s8, s2;
	s22 =	ssub.s32 s21, s9;
	s7 =	sadd.s32 s23, s3  }
0x10: {  	s29 =	sor.u32 $0x3000, s5;
	s9 =	sshrl.u32 s5, $0x3;
	s5 =	sor.u32 $0x2000, s5  }
0x11: {  	s6 =	sshrl.u32 s6, $0x3;
	s8 =	sadd.s32 $0x1A00, s8;
	s9 =	sadd.s32 s0, s9  }
0x12: {  	s5 =	sshrl.u32 s5, $0x3;
	s31 =	smax.u32 s22, $0x1;
	[dreg:$0x8] =	wrdreg s8  }
0x13: {  	s10 =	sshrl.u32 s7, $0x3;
	s22 =	simm.s32 $0x9800;
	[dreg:$0xa] =	wrdreg s9  }
0x14: {  	s7 =	simm.s32 $0x0;
	s2 =	sadd.s32 s6, s2;
	[dreg:$0xd] =	wrdreg s31  }
0x15: {  	s8 =	sshrl.u32 s29, $0x3;
	s9 =	sadd.s32 $0x200, s9;
	[dreg:$0xe] =	wrdreg s10  }
0x16: {  	s6 =	simm.s32 $0x4;
	s8 =	sadd.s32 s8, s0;
	[dreg:$0xb] =	wrdreg s9  }
0x17: {  	s0 =	sadd.s32 s5, s0;
	s2 =	sadd.s32 $0x29A00, s2;
	[dreg:$0x5] =	wrdreg s8  }
0x18: {  	s9 =	simm.s32 $0x7;
	s5 =	simm.s32 $0x8;
	[dreg:$0xc] =	wrdreg s2  }
0x19: {  	[dreg:$0x6] =	wrdreg s0;
	s0 =	simm.s32 $0x6;
	s2 =	simm.s32 $0x9  }
.LBB2_1:
0x1a: {  	[dreg:$0xf] =	wrdreg s7  }
0x1b: {  	s8 =	rddreg [dreg:$0x8]  }
0x1c: {  	s11 =	rddreg [dreg:$0x9]  }
0x1d: {  	[spmem:s10], [sflag:s11] =	dma.local [hbm:s8], $0x2800  }
0x1e: {  	s12 =	simm.s32 $0xB;
	s8 =	rddreg [dreg:$0xa]  }
0x1f: {  	[tilespmem:s4], [sflag:$0xB] =	stream.linear.gather [hbm4b:s8+s4], $0x1000, $0x38;
	v63 =	vld [tilespmem:$0x0]  }
0x20: {  	_ =	swait.ge [sflag:s12], $0x1000  }
0x21: {  	[sflag:s12] =	ssyncset.done $0x0  }
0x22: {  	[sflag:s12] =	ssyncadd.s32 $0xFFFFF000  }
0x23: {  	_ =	swait.ge [sflag:s14], $0x2800  }
0x24: {  	[sflag:s14] =	ssyncset.done $0x0  }
0x25: {  	[sflag:s14] =	ssyncadd.s32 $0xFFFFD800  }
0x26: {  	[tilespmem:s16], [sflag:$0x1] =	stream.indirect.gather [hbm4b:s1+s15], $0x80, s4, s15, $0xb8;
	v63 =	vld [tilespmem:$0x0]  }
0x27: {  	s11 =	simm.s32 $0x100  }
0x28: {  	[tilespmem:s18], [sflag:$0x2] =	stream.indirect.gather [hbm4b:s1+s15], $0x80, s11, s15, $0xb8;
	v63 =	vld [tilespmem:$0x0]  }
0x29: {  	s12 =	simm.s32 $0x200  }
0x2a: {  	[tilespmem:s20], [sflag:$0x3] =	stream.indirect.gather [hbm4b:s1+s15], $0x80, s12, s15, $0xb8;
	v63 =	vld [tilespmem:$0x0]  }
0x2b: {  	s7 =	simm.s32 $0x300  }
0x2c: {  	[tilespmem:s22], [sflag:$0x4] =	stream.indirect.gather [hbm4b:s1+s15], $0x80, s7, s15, $0xb8;
	v63 =	vld [tilespmem:$0x0]  }
0x2d: {  	[bflag:$0x0] =	sbarrier.arrive $0xFFFF  }
0x2e: {  	_ =	swait.ge [sflag:s14], $0x2800  }
0x2f: {  	[sflag:s14] =	ssyncset.done $0x0  }
0x30: {  	s23 =	simm.s32 $0x80;
	[sflag:s14] =	ssyncadd.s32 $0xFFFFD800  }
0x31: {  	[spmem:s3] =	stream.indirect.scatter.add.f32 [tilespmem:s16], [sflag:$0x5], $0x80, s23, s15, $0xb8;
	v63 =	vld [tilespmem:$0x0]  }
0x32: {  	_ =	swait.ge [sflag:s24], $0x2800  }
0x33: {  	[sflag:s24] =	ssyncset.done $0x0  }
0x34: {  	s25 =	simm.s32 $0x180;
	[sflag:s24] =	ssyncadd.s32 $0xFFFFD800  }
0x35: {  	[spmem:s3] =	stream.indirect.scatter.add.f32 [tilespmem:s18], [sflag:$0x6], $0x80, s25, s15, $0xb8;
	v63 =	vld [tilespmem:$0x0]  }
0x36: {  	_ =	swait.ge [sflag:s26], $0x2800  }
0x37: {  	[sflag:s26] =	ssyncset.done $0x0  }
0x38: {  	s10 =	rddreg [dreg:$0xb];
	[sflag:s26] =	ssyncadd.s32 $0xFFFFD800  }
0x39: {  	[tilespmem:s28], [sflag:$0xA] =	stream.linear.gather [hbm4b:s10+s4], $0x1000, $0x38;
	v63 =	vld [tilespmem:$0x0]  }
0x3a: {  	s10 =	simm.s32 $0x400  }
0x3b: {  	[tilespmem:s16], [sflag:$0x1] =	stream.indirect.gather [hbm4b:s1+s15], $0x80, s10, s15, $0xb8;
	v63 =	vld [tilespmem:$0x0]  }
0x3c: {  	_ =	swait.ge [sflag:s30], $0x2800  }
0x3d: {  	[sflag:s30] =	ssyncset.done $0x0  }
0x3e: {  	s13 =	simm.s32 $0x280;
	[sflag:s30] =	ssyncadd.s32 $0xFFFFD800  }
0x3f: {  	[spmem:s3] =	stream.indirect.scatter.add.f32 [tilespmem:s20], [sflag:$0x7], $0x80, s13, s15, $0xb8;
	v63 =	vld [tilespmem:$0x0]  }
0x40: {  	_ =	swait.ge [sflag:s0], $0x2800  }
0x41: {  	[sflag:s0] =	ssyncset.done $0x0  }
0x42: {  	s17 =	simm.s32 $0x500;
	[sflag:s0] =	ssyncadd.s32 $0xFFFFD800  }
0x43: {  	[tilespmem:s18], [sflag:$0x2] =	stream.indirect.gather [hbm4b:s1+s15], $0x80, s17, s15, $0xb8;
	v63 =	vld [tilespmem:$0x0]  }
0x44: {  	_ =	swait.ge [sflag:s6], $0x2800  }
0x45: {  	[sflag:s6] =	ssyncset.done $0x0  }
0x46: {  	s21 =	simm.s32 $0x380;
	[sflag:s6] =	ssyncadd.s32 $0xFFFFD800  }
0x47: {  	[spmem:s3] =	stream.indirect.scatter.add.f32 [tilespmem:s22], [sflag:$0x8], $0x80, s21, s15, $0xb8;
	v63 =	vld [tilespmem:$0x0]  }
0x48: {  	_ =	swait.ge [sflag:s9], $0x2800  }
0x49: {  	[sflag:s9] =	ssyncset.done $0x0  }
0x4a: {  	s25 =	simm.s32 $0x600;
	[sflag:s9] =	ssyncadd.s32 $0xFFFFD800  }
0x4b: {  	[tilespmem:s20], [sflag:$0x3] =	stream.indirect.gather [hbm4b:s1+s15], $0x80, s25, s15, $0xb8;
	v63 =	vld [tilespmem:$0x0]  }
0x4c: {  	_ =	swait.ge [sflag:s14], $0x2800  }
0x4d: {  	[sflag:s14] =	ssyncset.done $0x0  }
0x4e: {  	s29 =	simm.s32 $0x480;
	[sflag:s14] =	ssyncadd.s32 $0xFFFFD800  }
0x4f: {  	[spmem:s3] =	stream.indirect.scatter.add.f32 [tilespmem:s16], [sflag:$0x5], $0x80, s29, s15, $0xb8;
	v63 =	vld [tilespmem:$0x0]  }
0x50: {  	_ =	swait.ge [sflag:s5], $0x2800  }
0x51: {  	[sflag:s5] =	ssyncset.done $0x0  }
0x52: {  	s31 =	simm.s32 $0x700;
	[sflag:s5] =	ssyncadd.s32 $0xFFFFD800  }
0x53: {  	[tilespmem:s22], [sflag:$0x4] =	stream.indirect.gather [hbm4b:s1+s15], $0x80, s31, s15, $0xb8;
	v63 =	vld [tilespmem:$0x0]  }
0x54: {  	_ =	swait.ge [sflag:s24], $0x2800  }
0x55: {  	[sflag:s24] =	ssyncset.done $0x0  }
0x56: {  	s8 =	simm.s32 $0x580;
	[sflag:s24] =	ssyncadd.s32 $0xFFFFD800  }
0x57: {  	[spmem:s3] =	stream.indirect.scatter.add.f32 [tilespmem:s18], [sflag:$0x6], $0x80, s8, s15, $0xb8;
	v63 =	vld [tilespmem:$0x0]  }
0x58: {  	_ =	swait.ge [sflag:s26], $0x2800  }
0x59: {  	[sflag:s26] =	ssyncset.done $0x0  }
0x5a: {  	s8 =	simm.s32 $0x800;
	[sflag:s26] =	ssyncadd.s32 $0xFFFFD800  }
0x5b: {  	[tilespmem:s16], [sflag:$0x1] =	stream.indirect.gather [hbm4b:s1+s15], $0x80, s8, s15, $0xb8;
	v63 =	vld [tilespmem:$0x0]  }
0x5c: {  	_ =	swait.ge [sflag:s30], $0x2800  }
0x5d: {  	[sflag:s30] =	ssyncset.done $0x0  }
0x5e: {  	s8 =	simm.s32 $0x680;
	[sflag:s30] =	ssyncadd.s32 $0xFFFFD800  }
0x5f: {  	[spmem:s3] =	stream.indirect.scatter.add.f32 [tilespmem:s20], [sflag:$0x7], $0x80, s8, s15, $0xb8;
	v63 =	vld [tilespmem:$0x0]  }
0x60: {  	_ =	swait.ge [sflag:s0], $0x2800  }
0x61: {  	[sflag:s0] =	ssyncset.done $0x0  }
0x62: {  	s8 =	simm.s32 $0x900;
	[sflag:s0] =	ssyncadd.s32 $0xFFFFD800  }
0x63: {  	[tilespmem:s18], [sflag:$0x2] =	stream.indirect.gather [hbm4b:s1+s15], $0x80, s8, s15, $0xb8;
	v63 =	vld [tilespmem:$0x0]  }
0x64: {  	_ =	swait.ge [sflag:s6], $0x2800  }
0x65: {  	[sflag:s6] =	ssyncset.done $0x0  }
0x66: {  	s8 =	simm.s32 $0x780;
	[sflag:s6] =	ssyncadd.s32 $0xFFFFD800  }
0x67: {  	[spmem:s3] =	stream.indirect.scatter.add.f32 [tilespmem:s22], [sflag:$0x8], $0x80, s8, s15, $0xb8;
	v63 =	vld [tilespmem:$0x0]  }
0x68: {  	_ =	swait.ge [sflag:s9], $0x2800  }
0x69: {  	[sflag:s9] =	ssyncset.done $0x0  }
0x6a: {  	s8 =	simm.s32 $0xA00;
	[sflag:s9] =	ssyncadd.s32 $0xFFFFD800  }
0x6b: {  	[tilespmem:s20], [sflag:$0x3] =	stream.indirect.gather [hbm4b:s1+s15], $0x80, s8, s15, $0xb8;
	v63 =	vld [tilespmem:$0x0]  }
0x6c: {  	_ =	swait.ge [sflag:s14], $0x2800  }
0x6d: {  	[sflag:s14] =	ssyncset.done $0x0  }
0x6e: {  	s8 =	simm.s32 $0x880;
	[sflag:s14] =	ssyncadd.s32 $0xFFFFD800  }
0x6f: {  	[spmem:s3] =	stream.indirect.scatter.add.f32 [tilespmem:s16], [sflag:$0x5], $0x80, s8, s15, $0xb8;
	v63 =	vld [tilespmem:$0x0]  }
0x70: {  	_ =	swait.ge [sflag:s5], $0x2800  }
0x71: {  	[sflag:s5] =	ssyncset.done $0x0  }
0x72: {  	s8 =	simm.s32 $0xB00;
	[sflag:s5] =	ssyncadd.s32 $0xFFFFD800  }
0x73: {  	[tilespmem:s22], [sflag:$0x4] =	stream.indirect.gather [hbm4b:s1+s15], $0x80, s8, s15, $0xb8;
	v63 =	vld [tilespmem:$0x0]  }
0x74: {  	_ =	swait.ge [sflag:s24], $0x2800  }
0x75: {  	[sflag:s24] =	ssyncset.done $0x0  }
0x76: {  	s8 =	simm.s32 $0x980;
	[sflag:s24] =	ssyncadd.s32 $0xFFFFD800  }
0x77: {  	[spmem:s3] =	stream.indirect.scatter.add.f32 [tilespmem:s18], [sflag:$0x6], $0x80, s8, s15, $0xb8;
	v63 =	vld [tilespmem:$0x0]  }
0x78: {  	_ =	swait.ge [sflag:s26], $0x2800  }
0x79: {  	[sflag:s26] =	ssyncset.done $0x0  }
0x7a: {  	s8 =	simm.s32 $0xC00;
	[sflag:s26] =	ssyncadd.s32 $0xFFFFD800  }
0x7b: {  	[tilespmem:s16], [sflag:$0x1] =	stream.indirect.gather [hbm4b:s1+s15], $0x80, s8, s15, $0xb8;
	v63 =	vld [tilespmem:$0x0]  }
0x7c: {  	_ =	swait.ge [sflag:s30], $0x2800  }
0x7d: {  	[sflag:s30] =	ssyncset.done $0x0  }
0x7e: {  	s8 =	simm.s32 $0xA80;
	[sflag:s30] =	ssyncadd.s32 $0xFFFFD800  }
0x7f: {  	[spmem:s3] =	stream.indirect.scatter.add.f32 [tilespmem:s20], [sflag:$0x7], $0x80, s8, s15, $0xb8;
	v63 =	vld [tilespmem:$0x0]  }
0x80: {  	_ =	swait.ge [sflag:s0], $0x2800  }
0x81: {  	[sflag:s0] =	ssyncset.done $0x0  }
0x82: {  	s8 =	simm.s32 $0xD00;
	[sflag:s0] =	ssyncadd.s32 $0xFFFFD800  }
0x83: {  	[tilespmem:s18], [sflag:$0x2] =	stream.indirect.gather [hbm4b:s1+s15], $0x80, s8, s15, $0xb8;
	v63 =	vld [tilespmem:$0x0]  }
0x84: {  	_ =	swait.ge [sflag:s6], $0x2800  }
0x85: {  	[sflag:s6] =	ssyncset.done $0x0  }
0x86: {  	s8 =	simm.s32 $0xB80;
	[sflag:s6] =	ssyncadd.s32 $0xFFFFD800  }
0x87: {  	[spmem:s3] =	stream.indirect.scatter.add.f32 [tilespmem:s22], [sflag:$0x8], $0x80, s8, s15, $0xb8;
	v63 =	vld [tilespmem:$0x0]  }
0x88: {  	_ =	swait.ge [sflag:s9], $0x2800  }
0x89: {  	[sflag:s9] =	ssyncset.done $0x0  }
0x8a: {  	s8 =	simm.s32 $0xE00;
	[sflag:s9] =	ssyncadd.s32 $0xFFFFD800  }
0x8b: {  	[tilespmem:s20], [sflag:$0x3] =	stream.indirect.gather [hbm4b:s1+s15], $0x80, s8, s15, $0xb8;
	v63 =	vld [tilespmem:$0x0]  }
0x8c: {  	_ =	swait.ge [sflag:s14], $0x2800  }
0x8d: {  	[sflag:s14] =	ssyncset.done $0x0  }
0x8e: {  	s8 =	simm.s32 $0xC80;
	[sflag:s14] =	ssyncadd.s32 $0xFFFFD800  }
0x8f: {  	[spmem:s3] =	stream.indirect.scatter.add.f32 [tilespmem:s16], [sflag:$0x5], $0x80, s8, s15, $0xb8;
	v63 =	vld [tilespmem:$0x0]  }
0x90: {  	_ =	swait.ge [sflag:s5], $0x2800  }
0x91: {  	[sflag:s5] =	ssyncset.done $0x0  }
0x92: {  	s8 =	simm.s32 $0xF00;
	[sflag:s5] =	ssyncadd.s32 $0xFFFFD800  }
0x93: {  	[tilespmem:s22], [sflag:$0x4] =	stream.indirect.gather [hbm4b:s1+s15], $0x80, s8, s15, $0xb8;
	v63 =	vld [tilespmem:$0x0]  }
0x94: {  	_ =	swait.ge [sflag:s24], $0x2800  }
0x95: {  	[sflag:s24] =	ssyncset.done $0x0  }
0x96: {  	s8 =	simm.s32 $0xD80;
	[sflag:s24] =	ssyncadd.s32 $0xFFFFD800  }
0x97: {  	[spmem:s3] =	stream.indirect.scatter.add.f32 [tilespmem:s18], [sflag:$0x6], $0x80, s8, s15, $0xb8;
	v63 =	vld [tilespmem:$0x0]  }
0x98: {  	_ =	swait.ge [sflag:s26], $0x2800  }
0x99: {  	[sflag:s26] =	ssyncset.done $0x0  }
0x9a: {  	[sflag:s26] =	ssyncadd.s32 $0xFFFFD800  }
0x9b: {  	_ =	swait.ge [sflag:s19], $0x1000  }
0x9c: {  	[sflag:s19] =	ssyncset.done $0x0  }
0x9d: {  	[sflag:s19] =	ssyncadd.s32 $0xFFFFF000  }
0x9e: {  	[tilespmem:s16], [sflag:$0x1] =	stream.indirect.gather [hbm4b:s1+s15], $0x80, s28, s15, $0xb8;
	v63 =	vld [tilespmem:$0x0]  }
0x9f: {  	_ =	swait.ge [sflag:s30], $0x2800  }
0xa0: {  	[sflag:s30] =	ssyncset.done $0x0  }
0xa1: {  	s8 =	simm.s32 $0xE80;
	[sflag:s30] =	ssyncadd.s32 $0xFFFFD800  }
0xa2: {  	[spmem:s3] =	stream.indirect.scatter.add.f32 [tilespmem:s20], [sflag:$0x7], $0x80, s8, s15, $0xb8;
	v63 =	vld [tilespmem:$0x0]  }
0xa3: {  	_ =	swait.ge [sflag:s0], $0x2800  }
0xa4: {  	[sflag:s0] =	ssyncset.done $0x0  }
0xa5: {  	s8 =	simm.s32 $0x1100;
	[sflag:s0] =	ssyncadd.s32 $0xFFFFD800  }
0xa6: {  	[tilespmem:s18], [sflag:$0x2] =	stream.indirect.gather [hbm4b:s1+s15], $0x80, s8, s15, $0xb8;
	v63 =	vld [tilespmem:$0x0]  }
0xa7: {  	_ =	swait.ge [sflag:s6], $0x2800  }
0xa8: {  	[sflag:s6] =	ssyncset.done $0x0  }
0xa9: {  	s8 =	simm.s32 $0xF80;
	[sflag:s6] =	ssyncadd.s32 $0xFFFFD800  }
0xaa: {  	[spmem:s3] =	stream.indirect.scatter.add.f32 [tilespmem:s22], [sflag:$0x8], $0x80, s8, s15, $0xb8;
	v63 =	vld [tilespmem:$0x0]  }
0xab: {  	_ =	swait.ge [sflag:s9], $0x2800  }
0xac: {  	[sflag:s9] =	ssyncset.done $0x0  }
0xad: {  	s8 =	simm.s32 $0x1200;
	[sflag:s9] =	ssyncadd.s32 $0xFFFFD800  }
0xae: {  	[tilespmem:s20], [sflag:$0x3] =	stream.indirect.gather [hbm4b:s1+s15], $0x80, s8, s15, $0xb8;
	v63 =	vld [tilespmem:$0x0]  }
0xaf: {  	_ =	swait.ge [sflag:s14], $0x2800  }
0xb0: {  	[sflag:s14] =	ssyncset.done $0x0  }
0xb1: {  	s8 =	simm.s32 $0x1080;
	[sflag:s14] =	ssyncadd.s32 $0xFFFFD800  }
0xb2: {  	[spmem:s3] =	stream.indirect.scatter.add.f32 [tilespmem:s16], [sflag:$0x5], $0x80, s8, s15, $0xb8;
	v63 =	vld [tilespmem:$0x0]  }
0xb3: {  	_ =	swait.ge [sflag:s5], $0x2800  }
0xb4: {  	[sflag:s5] =	ssyncset.done $0x0  }
0xb5: {  	s8 =	simm.s32 $0x1300;
	[sflag:s5] =	ssyncadd.s32 $0xFFFFD800  }
0xb6: {  	[tilespmem:s22], [sflag:$0x4] =	stream.indirect.gather [hbm4b:s1+s15], $0x80, s8, s15, $0xb8;
	v63 =	vld [tilespmem:$0x0]  }
0xb7: {  	_ =	swait.ge [sflag:s24], $0x2800  }
0xb8: {  	[sflag:s24] =	ssyncset.done $0x0  }
0xb9: {  	s8 =	simm.s32 $0x1180;
	[sflag:s24] =	ssyncadd.s32 $0xFFFFD800  }
0xba: {  	[spmem:s3] =	stream.indirect.scatter.add.f32 [tilespmem:s18], [sflag:$0x6], $0x80, s8, s15, $0xb8;
	v63 =	vld [tilespmem:$0x0]  }
0xbb: {  	_ =	swait.ge [sflag:s26], $0x2800  }
0xbc: {  	s8 =	rddreg [dreg:$0x6];
	[sflag:s26] =	ssyncset.done $0x0  }
0xbd: {  	[sflag:s26] =	ssyncadd.s32 $0xFFFFD800;
	s8 =	sadd.s32 $0x0, s8  }
0xbe: {  	[tilespmem:s4], [sflag:$0x9] =	stream.linear.gather [hbm4b:s8+s4], $0x1000, $0x38;
	v63 =	vld [tilespmem:$0x0]  }
0xbf: {  	s8 =	simm.s32 $0x1400  }
0xc0: {  	[tilespmem:s16], [sflag:$0x1] =	stream.indirect.gather [hbm4b:s1+s15], $0x80, s8, s15, $0xb8;
	v63 =	vld [tilespmem:$0x0]  }
0xc1: {  	_ =	swait.ge [sflag:s30], $0x2800  }
0xc2: {  	[sflag:s30] =	ssyncset.done $0x0  }
0xc3: {  	s8 =	simm.s32 $0x1280;
	[sflag:s30] =	ssyncadd.s32 $0xFFFFD800  }
0xc4: {  	[spmem:s3] =	stream.indirect.scatter.add.f32 [tilespmem:s20], [sflag:$0x7], $0x80, s8, s15, $0xb8;
	v63 =	vld [tilespmem:$0x0]  }
0xc5: {  	_ =	swait.ge [sflag:s0], $0x2800  }
0xc6: {  	[sflag:s0] =	ssyncset.done $0x0  }
0xc7: {  	s8 =	simm.s32 $0x1500;
	[sflag:s0] =	ssyncadd.s32 $0xFFFFD800  }
0xc8: {  	[tilespmem:s18], [sflag:$0x2] =	stream.indirect.gather [hbm4b:s1+s15], $0x80, s8, s15, $0xb8;
	v63 =	vld [tilespmem:$0x0]  }
0xc9: {  	_ =	swait.ge [sflag:s6], $0x2800  }
0xca: {  	[sflag:s6] =	ssyncset.done $0x0  }
0xcb: {  	s8 =	simm.s32 $0x1380;
	[sflag:s6] =	ssyncadd.s32 $0xFFFFD800  }
0xcc: {  	[spmem:s3] =	stream.indirect.scatter.add.f32 [tilespmem:s22], [sflag:$0x8], $0x80, s8, s15, $0xb8;
	v63 =	vld [tilespmem:$0x0]  }
0xcd: {  	_ =	swait.ge [sflag:s9], $0x2800  }
0xce: {  	[sflag:s9] =	ssyncset.done $0x0  }
0xcf: {  	s8 =	simm.s32 $0x1600;
	[sflag:s9] =	ssyncadd.s32 $0xFFFFD800  }
0xd0: {  	[tilespmem:s20], [sflag:$0x3] =	stream.indirect.gather [hbm4b:s1+s15], $0x80, s8, s15, $0xb8;
	v63 =	vld [tilespmem:$0x0]  }
0xd1: {  	_ =	swait.ge [sflag:s14], $0x2800  }
0xd2: {  	[sflag:s14] =	ssyncset.done $0x0  }
0xd3: {  	s8 =	simm.s32 $0x1480;
	[sflag:s14] =	ssyncadd.s32 $0xFFFFD800  }
0xd4: {  	[spmem:s3] =	stream.indirect.scatter.add.f32 [tilespmem:s16], [sflag:$0x5], $0x80, s8, s15, $0xb8;
	v63 =	vld [tilespmem:$0x0]  }
0xd5: {  	_ =	swait.ge [sflag:s5], $0x2800  }
0xd6: {  	[sflag:s5] =	ssyncset.done $0x0  }
0xd7: {  	s8 =	simm.s32 $0x1700;
	[sflag:s5] =	ssyncadd.s32 $0xFFFFD800  }
0xd8: {  	[tilespmem:s22], [sflag:$0x4] =	stream.indirect.gather [hbm4b:s1+s15], $0x80, s8, s15, $0xb8;
	v63 =	vld [tilespmem:$0x0]  }
0xd9: {  	_ =	swait.ge [sflag:s24], $0x2800  }
0xda: {  	[sflag:s24] =	ssyncset.done $0x0  }
0xdb: {  	s8 =	simm.s32 $0x1580;
	[sflag:s24] =	ssyncadd.s32 $0xFFFFD800  }
0xdc: {  	[spmem:s3] =	stream.indirect.scatter.add.f32 [tilespmem:s18], [sflag:$0x6], $0x80, s8, s15, $0xb8;
	v63 =	vld [tilespmem:$0x0]  }
0xdd: {  	_ =	swait.ge [sflag:s26], $0x2800  }
0xde: {  	[sflag:s26] =	ssyncset.done $0x0  }
0xdf: {  	s8 =	simm.s32 $0x1800;
	[sflag:s26] =	ssyncadd.s32 $0xFFFFD800  }
0xe0: {  	[tilespmem:s16], [sflag:$0x1] =	stream.indirect.gather [hbm4b:s1+s15], $0x80, s8, s15, $0xb8;
	v63 =	vld [tilespmem:$0x0]  }
0xe1: {  	_ =	swait.ge [sflag:s30], $0x2800  }
0xe2: {  	[sflag:s30] =	ssyncset.done $0x0  }
0xe3: {  	s8 =	simm.s32 $0x1680;
	[sflag:s30] =	ssyncadd.s32 $0xFFFFD800  }
0xe4: {  	[spmem:s3] =	stream.indirect.scatter.add.f32 [tilespmem:s20], [sflag:$0x7], $0x80, s8, s15, $0xb8;
	v63 =	vld [tilespmem:$0x0]  }
0xe5: {  	_ =	swait.ge [sflag:s0], $0x2800  }
0xe6: {  	[sflag:s0] =	ssyncset.done $0x0  }
0xe7: {  	s8 =	simm.s32 $0x1900;
	[sflag:s0] =	ssyncadd.s32 $0xFFFFD800  }
0xe8: {  	[tilespmem:s18], [sflag:$0x2] =	stream.indirect.gather [hbm4b:s1+s15], $0x80, s8, s15, $0xb8;
	v63 =	vld [tilespmem:$0x0]  }
0xe9: {  	_ =	swait.ge [sflag:s6], $0x2800  }
0xea: {  	[sflag:s6] =	ssyncset.done $0x0  }
0xeb: {  	s8 =	simm.s32 $0x1780;
	[sflag:s6] =	ssyncadd.s32 $0xFFFFD800  }
0xec: {  	[spmem:s3] =	stream.indirect.scatter.add.f32 [tilespmem:s22], [sflag:$0x8], $0x80, s8, s15, $0xb8;
	v63 =	vld [tilespmem:$0x0]  }
0xed: {  	_ =	swait.ge [sflag:s9], $0x2800  }
0xee: {  	[sflag:s9] =	ssyncset.done $0x0  }
0xef: {  	s8 =	simm.s32 $0x1A00;
	[sflag:s9] =	ssyncadd.s32 $0xFFFFD800  }
0xf0: {  	[tilespmem:s20], [sflag:$0x3] =	stream.indirect.gather [hbm4b:s1+s15], $0x80, s8, s15, $0xb8;
	v63 =	vld [tilespmem:$0x0]  }
0xf1: {  	_ =	swait.ge [sflag:s14], $0x2800  }
0xf2: {  	[sflag:s14] =	ssyncset.done $0x0  }
0xf3: {  	s8 =	simm.s32 $0x1880;
	[sflag:s14] =	ssyncadd.s32 $0xFFFFD800  }
0xf4: {  	[spmem:s3] =	stream.indirect.scatter.add.f32 [tilespmem:s16], [sflag:$0x5], $0x80, s8, s15, $0xb8;
	v63 =	vld [tilespmem:$0x0]  }
0xf5: {  	_ =	swait.ge [sflag:s5], $0x2800  }
0xf6: {  	[sflag:s5] =	ssyncset.done $0x0  }
0xf7: {  	s8 =	simm.s32 $0x1B00;
	[sflag:s5] =	ssyncadd.s32 $0xFFFFD800  }
0xf8: {  	[tilespmem:s22], [sflag:$0x4] =	stream.indirect.gather [hbm4b:s1+s15], $0x80, s8, s15, $0xb8;
	v63 =	vld [tilespmem:$0x0]  }
0xf9: {  	_ =	swait.ge [sflag:s24], $0x2800  }
0xfa: {  	[sflag:s24] =	ssyncset.done $0x0  }
0xfb: {  	s8 =	simm.s32 $0x1980;
	[sflag:s24] =	ssyncadd.s32 $0xFFFFD800  }
0xfc: {  	[spmem:s3] =	stream.indirect.scatter.add.f32 [tilespmem:s18], [sflag:$0x6], $0x80, s8, s15, $0xb8;
	v63 =	vld [tilespmem:$0x0]  }
0xfd: {  	_ =	swait.ge [sflag:s26], $0x2800  }
0xfe: {  	[sflag:s26] =	ssyncset.done $0x0  }
0xff: {  	s8 =	simm.s32 $0x1C00;
	[sflag:s26] =	ssyncadd.s32 $0xFFFFD800  }
0x100: {  	[tilespmem:s16], [sflag:$0x1] =	stream.indirect.gather [hbm4b:s1+s15], $0x80, s8, s15, $0xb8;
	v63 =	vld [tilespmem:$0x0]  }
0x101: {  	_ =	swait.ge [sflag:s30], $0x2800  }
0x102: {  	[sflag:s30] =	ssyncset.done $0x0  }
0x103: {  	s8 =	simm.s32 $0x1A80;
	[sflag:s30] =	ssyncadd.s32 $0xFFFFD800  }
0x104: {  	[spmem:s3] =	stream.indirect.scatter.add.f32 [tilespmem:s20], [sflag:$0x7], $0x80, s8, s15, $0xb8;
	v63 =	vld [tilespmem:$0x0]  }
0x105: {  	_ =	swait.ge [sflag:s0], $0x2800  }
0x106: {  	[sflag:s0] =	ssyncset.done $0x0  }
0x107: {  	s8 =	simm.s32 $0x1D00;
	[sflag:s0] =	ssyncadd.s32 $0xFFFFD800  }
0x108: {  	[tilespmem:s18], [sflag:$0x2] =	stream.indirect.gather [hbm4b:s1+s15], $0x80, s8, s15, $0xb8;
	v63 =	vld [tilespmem:$0x0]  }
0x109: {  	_ =	swait.ge [sflag:s6], $0x2800  }
0x10a: {  	[sflag:s6] =	ssyncset.done $0x0  }
0x10b: {  	s8 =	simm.s32 $0x1B80;
	[sflag:s6] =	ssyncadd.s32 $0xFFFFD800  }
0x10c: {  	[spmem:s3] =	stream.indirect.scatter.add.f32 [tilespmem:s22], [sflag:$0x8], $0x80, s8, s15, $0xb8;
	v63 =	vld [tilespmem:$0x0]  }
0x10d: {  	_ =	swait.ge [sflag:s9], $0x2800  }
0x10e: {  	[sflag:s9] =	ssyncset.done $0x0  }
0x10f: {  	s8 =	simm.s32 $0x1E00;
	[sflag:s9] =	ssyncadd.s32 $0xFFFFD800  }
0x110: {  	[tilespmem:s20], [sflag:$0x3] =	stream.indirect.gather [hbm4b:s1+s15], $0x80, s8, s15, $0xb8;
	v63 =	vld [tilespmem:$0x0]  }
0x111: {  	_ =	swait.ge [sflag:s14], $0x2800  }
0x112: {  	[sflag:s14] =	ssyncset.done $0x0  }
0x113: {  	s8 =	simm.s32 $0x1C80;
	[sflag:s14] =	ssyncadd.s32 $0xFFFFD800  }
0x114: {  	[spmem:s3] =	stream.indirect.scatter.add.f32 [tilespmem:s16], [sflag:$0x5], $0x80, s8, s15, $0xb8;
	v63 =	vld [tilespmem:$0x0]  }
0x115: {  	_ =	swait.ge [sflag:s5], $0x2800  }
0x116: {  	[sflag:s5] =	ssyncset.done $0x0  }
0x117: {  	s8 =	simm.s32 $0x1F00;
	[sflag:s5] =	ssyncadd.s32 $0xFFFFD800  }
0x118: {  	[tilespmem:s22], [sflag:$0x4] =	stream.indirect.gather [hbm4b:s1+s15], $0x80, s8, s15, $0xb8;
	v63 =	vld [tilespmem:$0x0]  }
0x119: {  	_ =	swait.ge [sflag:s24], $0x2800  }
0x11a: {  	[sflag:s24] =	ssyncset.done $0x0  }
0x11b: {  	s8 =	simm.s32 $0x1D80;
	[sflag:s24] =	ssyncadd.s32 $0xFFFFD800  }
0x11c: {  	[spmem:s3] =	stream.indirect.scatter.add.f32 [tilespmem:s18], [sflag:$0x6], $0x80, s8, s15, $0xb8;
	v63 =	vld [tilespmem:$0x0]  }
0x11d: {  	_ =	swait.ge [sflag:s26], $0x2800  }
0x11e: {  	[sflag:s26] =	ssyncset.done $0x0  }
0x11f: {  	[sflag:s26] =	ssyncadd.s32 $0xFFFFD800  }
0x120: {  	_ =	swait.ge [sflag:s2], $0x1000  }
0x121: {  	[sflag:s2] =	ssyncset.done $0x0  }
0x122: {  	[sflag:s2] =	ssyncadd.s32 $0xFFFFF000  }
0x123: {  	[tilespmem:s16], [sflag:$0x1] =	stream.indirect.gather [hbm4b:s1+s15], $0x80, s4, s15, $0xb8;
	v63 =	vld [tilespmem:$0x0]  }
0x124: {  	_ =	swait.ge [sflag:s30], $0x2800  }
0x125: {  	[sflag:s30] =	ssyncset.done $0x0  }
0x126: {  	s8 =	simm.s32 $0x1E80;
	[sflag:s30] =	ssyncadd.s32 $0xFFFFD800  }
0x127: {  	[spmem:s3] =	stream.indirect.scatter.add.f32 [tilespmem:s20], [sflag:$0x7], $0x80, s8, s15, $0xb8;
	v63 =	vld [tilespmem:$0x0]  }
0x128: {  	_ =	swait.ge [sflag:s0], $0x2800  }
0x129: {  	[sflag:s0] =	ssyncset.done $0x0  }
0x12a: {  	[sflag:s0] =	ssyncadd.s32 $0xFFFFD800  }
0x12b: {  	[tilespmem:s18], [sflag:$0x2] =	stream.indirect.gather [hbm4b:s1+s15], $0x80, s11, s15, $0xb8;
	v63 =	vld [tilespmem:$0x0]  }
0x12c: {  	_ =	swait.ge [sflag:s6], $0x2800  }
0x12d: {  	[sflag:s6] =	ssyncset.done $0x0  }
0x12e: {  	s11 =	simm.s32 $0x1F80;
	[sflag:s6] =	ssyncadd.s32 $0xFFFFD800  }
0x12f: {  	[spmem:s3] =	stream.indirect.scatter.add.f32 [tilespmem:s22], [sflag:$0x8], $0x80, s11, s15, $0xb8;
	v63 =	vld [tilespmem:$0x0]  }
0x130: {  	_ =	swait.ge [sflag:s9], $0x2800  }
0x131: {  	[sflag:s9] =	ssyncset.done $0x0  }
0x132: {  	[sflag:s9] =	ssyncadd.s32 $0xFFFFD800  }
0x133: {  	[tilespmem:s20], [sflag:$0x3] =	stream.indirect.gather [hbm4b:s1+s15], $0x80, s12, s15, $0xb8;
	v63 =	vld [tilespmem:$0x0]  }
0x134: {  	_ =	swait.ge [sflag:s14], $0x2800  }
0x135: {  	[sflag:s14] =	ssyncset.done $0x0  }
0x136: {  	[sflag:s14] =	ssyncadd.s32 $0xFFFFD800  }
0x137: {  	[spmem:s3] =	stream.indirect.scatter.add.f32 [tilespmem:s16], [sflag:$0x5], $0x80, s23, s15, $0xb8;
	v63 =	vld [tilespmem:$0x0]  }
0x138: {  	_ =	swait.ge [sflag:s5], $0x2800  }
0x139: {  	[sflag:s5] =	ssyncset.done $0x0  }
0x13a: {  	[sflag:s5] =	ssyncadd.s32 $0xFFFFD800  }
0x13b: {  	[tilespmem:s22], [sflag:$0x4] =	stream.indirect.gather [hbm4b:s1+s15], $0x80, s7, s15, $0xb8;
	v63 =	vld [tilespmem:$0x0]  }
0x13c: {  	_ =	swait.ge [sflag:s24], $0x2800  }
0x13d: {  	[sflag:s24] =	ssyncset.done $0x0  }
0x13e: {  	s23 =	simm.s32 $0x180;
	[sflag:s24] =	ssyncadd.s32 $0xFFFFD800  }
0x13f: {  	[spmem:s3] =	stream.indirect.scatter.add.f32 [tilespmem:s18], [sflag:$0x6], $0x80, s23, s15, $0xb8;
	v63 =	vld [tilespmem:$0x0]  }
0x140: {  	_ =	swait.ge [sflag:s26], $0x2800  }
0x141: {  	s7 =	rddreg [dreg:$0x5];
	[sflag:s26] =	ssyncset.done $0x0  }
0x142: {  	[sflag:s26] =	ssyncadd.s32 $0xFFFFD800;
	s8 =	sadd.s32 $0x0, s7  }
0x143: {  	[tilespmem:s28], [sflag:$0xA] =	stream.linear.gather [hbm4b:s8+s4], $0x1000, $0x38;
	v63 =	vld [tilespmem:$0x0]  }
0x144: {  	_ = 	snop  }
0x145: {  	[tilespmem:s16], [sflag:$0x1] =	stream.indirect.gather [hbm4b:s1+s15], $0x80, s10, s15, $0xb8;
	v63 =	vld [tilespmem:$0x0]  }
0x146: {  	_ =	swait.ge [sflag:s30], $0x2800  }
0x147: {  	[sflag:s30] =	ssyncset.done $0x0  }
0x148: {  	[sflag:s30] =	ssyncadd.s32 $0xFFFFD800  }
0x149: {  	[spmem:s3] =	stream.indirect.scatter.add.f32 [tilespmem:s20], [sflag:$0x7], $0x80, s13, s15, $0xb8;
	v63 =	vld [tilespmem:$0x0]  }
0x14a: {  	_ =	swait.ge [sflag:s0], $0x2800  }
0x14b: {  	[sflag:s0] =	ssyncset.done $0x0  }
0x14c: {  	[sflag:s0] =	ssyncadd.s32 $0xFFFFD800  }
0x14d: {  	[tilespmem:s18], [sflag:$0x2] =	stream.indirect.gather [hbm4b:s1+s15], $0x80, s17, s15, $0xb8;
	v63 =	vld [tilespmem:$0x0]  }
0x14e: {  	_ =	swait.ge [sflag:s6], $0x2800  }
0x14f: {  	[sflag:s6] =	ssyncset.done $0x0  }
0x150: {  	[sflag:s6] =	ssyncadd.s32 $0xFFFFD800  }
0x151: {  	[spmem:s3] =	stream.indirect.scatter.add.f32 [tilespmem:s22], [sflag:$0x8], $0x80, s21, s15, $0xb8;
	v63 =	vld [tilespmem:$0x0]  }
0x152: {  	_ =	swait.ge [sflag:s9], $0x2800  }
0x153: {  	[sflag:s9] =	ssyncset.done $0x0  }
0x154: {  	[sflag:s9] =	ssyncadd.s32 $0xFFFFD800  }
0x155: {  	[tilespmem:s20], [sflag:$0x3] =	stream.indirect.gather [hbm4b:s1+s15], $0x80, s25, s15, $0xb8;
	v63 =	vld [tilespmem:$0x0]  }
0x156: {  	_ =	swait.ge [sflag:s14], $0x2800  }
0x157: {  	[sflag:s14] =	ssyncset.done $0x0  }
0x158: {  	[sflag:s14] =	ssyncadd.s32 $0xFFFFD800  }
0x159: {  	[spmem:s3] =	stream.indirect.scatter.add.f32 [tilespmem:s16], [sflag:$0x5], $0x80, s29, s15, $0xb8;
	v63 =	vld [tilespmem:$0x0]  }
0x15a: {  	_ =	swait.ge [sflag:s5], $0x2800  }
0x15b: {  	[sflag:s5] =	ssyncset.done $0x0  }
0x15c: {  	[sflag:s5] =	ssyncadd.s32 $0xFFFFD800  }
0x15d: {  	[tilespmem:s22], [sflag:$0x4] =	stream.indirect.gather [hbm4b:s1+s15], $0x80, s31, s15, $0xb8;
	v63 =	vld [tilespmem:$0x0]  }
0x15e: {  	_ =	swait.ge [sflag:s24], $0x2800  }
0x15f: {  	[sflag:s24] =	ssyncset.done $0x0  }
0x160: {  	s10 =	simm.s32 $0x580;
	[sflag:s24] =	ssyncadd.s32 $0xFFFFD800  }
0x161: {  	[spmem:s3] =	stream.indirect.scatter.add.f32 [tilespmem:s18], [sflag:$0x6], $0x80, s10, s15, $0xb8;
	v63 =	vld [tilespmem:$0x0]  }
0x162: {  	_ =	swait.ge [sflag:s26], $0x2800  }
0x163: {  	[sflag:s26] =	ssyncset.done $0x0  }
0x164: {  	s11 =	simm.s32 $0x800;
	[sflag:s26] =	ssyncadd.s32 $0xFFFFD800  }
0x165: {  	[tilespmem:s16], [sflag:$0x1] =	stream.indirect.gather [hbm4b:s1+s15], $0x80, s11, s15, $0xb8;
	v63 =	vld [tilespmem:$0x0]  }
0x166: {  	_ =	swait.ge [sflag:s30], $0x2800  }
0x167: {  	[sflag:s30] =	ssyncset.done $0x0  }
0x168: {  	s12 =	simm.s32 $0x680;
	[sflag:s30] =	ssyncadd.s32 $0xFFFFD800  }
0x169: {  	[spmem:s3] =	stream.indirect.scatter.add.f32 [tilespmem:s20], [sflag:$0x7], $0x80, s12, s15, $0xb8;
	v63 =	vld [tilespmem:$0x0]  }
0x16a: {  	_ =	swait.ge [sflag:s0], $0x2800  }
0x16b: {  	[sflag:s0] =	ssyncset.done $0x0  }
0x16c: {  	s13 =	simm.s32 $0x900;
	[sflag:s0] =	ssyncadd.s32 $0xFFFFD800  }
0x16d: {  	[tilespmem:s18], [sflag:$0x2] =	stream.indirect.gather [hbm4b:s1+s15], $0x80, s13, s15, $0xb8;
	v63 =	vld [tilespmem:$0x0]  }
0x16e: {  	_ =	swait.ge [sflag:s6], $0x2800  }
0x16f: {  	[sflag:s6] =	ssyncset.done $0x0  }
0x170: {  	s17 =	simm.s32 $0x780;
	[sflag:s6] =	ssyncadd.s32 $0xFFFFD800  }
0x171: {  	[spmem:s3] =	stream.indirect.scatter.add.f32 [tilespmem:s22], [sflag:$0x8], $0x80, s17, s15, $0xb8;
	v63 =	vld [tilespmem:$0x0]  }
0x172: {  	_ =	swait.ge [sflag:s9], $0x2800  }
0x173: {  	[sflag:s9] =	ssyncset.done $0x0  }
0x174: {  	s21 =	simm.s32 $0xA00;
	[sflag:s9] =	ssyncadd.s32 $0xFFFFD800  }
0x175: {  	[tilespmem:s20], [sflag:$0x3] =	stream.indirect.gather [hbm4b:s1+s15], $0x80, s21, s15, $0xb8;
	v63 =	vld [tilespmem:$0x0]  }
0x176: {  	_ =	swait.ge [sflag:s14], $0x2800  }
0x177: {  	[sflag:s14] =	ssyncset.done $0x0  }
0x178: {  	s23 =	simm.s32 $0x880;
	[sflag:s14] =	ssyncadd.s32 $0xFFFFD800  }
0x179: {  	[spmem:s3] =	stream.indirect.scatter.add.f32 [tilespmem:s16], [sflag:$0x5], $0x80, s23, s15, $0xb8;
	v63 =	vld [tilespmem:$0x0]  }
0x17a: {  	_ =	swait.ge [sflag:s5], $0x2800  }
0x17b: {  	[sflag:s5] =	ssyncset.done $0x0  }
0x17c: {  	s25 =	simm.s32 $0xB00;
	[sflag:s5] =	ssyncadd.s32 $0xFFFFD800  }
0x17d: {  	[tilespmem:s22], [sflag:$0x4] =	stream.indirect.gather [hbm4b:s1+s15], $0x80, s25, s15, $0xb8;
	v63 =	vld [tilespmem:$0x0]  }
0x17e: {  	_ =	swait.ge [sflag:s24], $0x2800  }
0x17f: {  	[sflag:s24] =	ssyncset.done $0x0  }
0x180: {  	s8 =	simm.s32 $0x980;
	[sflag:s24] =	ssyncadd.s32 $0xFFFFD800  }
0x181: {  	[spmem:s3] =	stream.indirect.scatter.add.f32 [tilespmem:s18], [sflag:$0x6], $0x80, s8, s15, $0xb8;
	v63 =	vld [tilespmem:$0x0]  }
0x182: {  	_ =	swait.ge [sflag:s26], $0x2800  }
0x183: {  	[sflag:s26] =	ssyncset.done $0x0  }
0x184: {  	s10 =	simm.s32 $0xC00;
	[sflag:s26] =	ssyncadd.s32 $0xFFFFD800  }
0x185: {  	[tilespmem:s16], [sflag:$0x1] =	stream.indirect.gather [hbm4b:s1+s15], $0x80, s10, s15, $0xb8;
	v63 =	vld [tilespmem:$0x0]  }
0x186: {  	_ =	swait.ge [sflag:s30], $0x2800  }
0x187: {  	[sflag:s30] =	ssyncset.done $0x0  }
0x188: {  	s11 =	simm.s32 $0xA80;
	[sflag:s30] =	ssyncadd.s32 $0xFFFFD800  }
0x189: {  	[spmem:s3] =	stream.indirect.scatter.add.f32 [tilespmem:s20], [sflag:$0x7], $0x80, s11, s15, $0xb8;
	v63 =	vld [tilespmem:$0x0]  }
0x18a: {  	_ =	swait.ge [sflag:s0], $0x2800  }
0x18b: {  	[sflag:s0] =	ssyncset.done $0x0  }
0x18c: {  	s12 =	simm.s32 $0xD00;
	[sflag:s0] =	ssyncadd.s32 $0xFFFFD800  }
0x18d: {  	[tilespmem:s18], [sflag:$0x2] =	stream.indirect.gather [hbm4b:s1+s15], $0x80, s12, s15, $0xb8;
	v63 =	vld [tilespmem:$0x0]  }
0x18e: {  	_ =	swait.ge [sflag:s6], $0x2800  }
0x18f: {  	[sflag:s6] =	ssyncset.done $0x0  }
0x190: {  	s13 =	simm.s32 $0xB80;
	[sflag:s6] =	ssyncadd.s32 $0xFFFFD800  }
0x191: {  	[spmem:s3] =	stream.indirect.scatter.add.f32 [tilespmem:s22], [sflag:$0x8], $0x80, s13, s15, $0xb8;
	v63 =	vld [tilespmem:$0x0]  }
0x192: {  	_ =	swait.ge [sflag:s9], $0x2800  }
0x193: {  	[sflag:s9] =	ssyncset.done $0x0  }
0x194: {  	s17 =	simm.s32 $0xE00;
	[sflag:s9] =	ssyncadd.s32 $0xFFFFD800  }
0x195: {  	[tilespmem:s20], [sflag:$0x3] =	stream.indirect.gather [hbm4b:s1+s15], $0x80, s17, s15, $0xb8;
	v63 =	vld [tilespmem:$0x0]  }
0x196: {  	_ =	swait.ge [sflag:s14], $0x2800  }
0x197: {  	[sflag:s14] =	ssyncset.done $0x0  }
0x198: {  	s11 =	simm.s32 $0xC80;
	[sflag:s14] =	ssyncadd.s32 $0xFFFFD800  }
0x199: {  	[spmem:s3] =	stream.indirect.scatter.add.f32 [tilespmem:s16], [sflag:$0x5], $0x80, s11, s15, $0xb8;
	v63 =	vld [tilespmem:$0x0]  }
0x19a: {  	s7 =	simm.s32 $0xB80;
	_ =	swait.ge [sflag:s5], $0x2800  }
0x19b: {  	s29 =	simm.s32 $0xA80;
	s31 =	simm.s32 $0xD00;
	[sflag:s5] =	ssyncset.done $0x0  }
0x19c: {  	s21 =	simm.s32 $0xB00;
	s12 =	simm.s32 $0xF00;
	[sflag:s5] =	ssyncadd.s32 $0xFFFFD800  }
0x19d: {  	[tilespmem:s22], [sflag:$0x4] =	stream.indirect.gather [hbm4b:s1+s15], $0x80, s12, s15, $0xb8;
	v63 =	vld [tilespmem:$0x0]  }
0x19e: {  	s23 =	simm.s32 $0xC00;
	s25 =	simm.s32 $0x980;
	_ =	swait.ge [sflag:s24], $0x2800  }
0x19f: {  	s10 =	simm.s32 $0xE00;
	s13 =	simm.s32 $0xC80;
	[sflag:s24] =	ssyncset.done $0x0  }
0x1a0: {  	s17 =	simm.s32 $0xF00;
	s11 =	simm.s32 $0x400;
	[sflag:s24] =	ssyncadd.s32 $0xFFFFD800  }
.LBB2_2:
0x1a1: {  	s8 =	simm.s32 $0xD80  }
0x1a2: {  	[spmem:s3] =	stream.indirect.scatter.add.f32 [tilespmem:s18], [sflag:$0x6], $0x80, s8, s15, $0xb8;
	v63 =	vld [tilespmem:$0x0]  }
0x1a3: {  	_ =	swait.ge [sflag:s26], $0x2800  }
0x1a4: {  	[sflag:s26] =	ssyncset.done $0x0  }
0x1a5: {  	[sflag:s26] =	ssyncadd.s32 $0xFFFFD800  }
0x1a6: {  	_ =	swait.ge [sflag:s19], $0x1000  }
0x1a7: {  	[sflag:s19] =	ssyncset.done $0x0  }
0x1a8: {  	[sflag:s19] =	ssyncadd.s32 $0xFFFFF000  }
0x1a9: {  	[tilespmem:s16], [sflag:$0x1] =	stream.indirect.gather [hbm4b:s1+s15], $0x80, s28, s15, $0xb8;
	v63 =	vld [tilespmem:$0x0]  }
0x1aa: {  	_ =	swait.ge [sflag:s30], $0x2800  }
0x1ab: {  	[sflag:s30] =	ssyncset.done $0x0  }
0x1ac: {  	s12 =	simm.s32 $0xE80;
	[sflag:s30] =	ssyncadd.s32 $0xFFFFD800  }
0x1ad: {  	[spmem:s3] =	stream.indirect.scatter.add.f32 [tilespmem:s20], [sflag:$0x7], $0x80, s12, s15, $0xb8;
	v63 =	vld [tilespmem:$0x0]  }
0x1ae: {  	_ =	swait.ge [sflag:s0], $0x2800  }
0x1af: {  	[sflag:s0] =	ssyncset.done $0x0  }
0x1b0: {  	s12 =	simm.s32 $0x1100;
	[sflag:s0] =	ssyncadd.s32 $0xFFFFD800  }
0x1b1: {  	[tilespmem:s18], [sflag:$0x2] =	stream.indirect.gather [hbm4b:s1+s15], $0x80, s12, s15, $0xb8;
	v63 =	vld [tilespmem:$0x0]  }
0x1b2: {  	_ =	swait.ge [sflag:s6], $0x2800  }
0x1b3: {  	[sflag:s6] =	ssyncset.done $0x0  }
0x1b4: {  	s12 =	simm.s32 $0xF80;
	[sflag:s6] =	ssyncadd.s32 $0xFFFFD800  }
0x1b5: {  	[spmem:s3] =	stream.indirect.scatter.add.f32 [tilespmem:s22], [sflag:$0x8], $0x80, s12, s15, $0xb8;
	v63 =	vld [tilespmem:$0x0]  }
0x1b6: {  	_ =	swait.ge [sflag:s9], $0x2800  }
0x1b7: {  	[sflag:s9] =	ssyncset.done $0x0  }
0x1b8: {  	s12 =	simm.s32 $0x1200;
	[sflag:s9] =	ssyncadd.s32 $0xFFFFD800  }
0x1b9: {  	[tilespmem:s20], [sflag:$0x3] =	stream.indirect.gather [hbm4b:s1+s15], $0x80, s12, s15, $0xb8;
	v63 =	vld [tilespmem:$0x0]  }
0x1ba: {  	_ =	swait.ge [sflag:s14], $0x2800  }
0x1bb: {  	[sflag:s14] =	ssyncset.done $0x0  }
0x1bc: {  	s12 =	simm.s32 $0x1080;
	[sflag:s14] =	ssyncadd.s32 $0xFFFFD800  }
0x1bd: {  	[spmem:s3] =	stream.indirect.scatter.add.f32 [tilespmem:s16], [sflag:$0x5], $0x80, s12, s15, $0xb8;
	v63 =	vld [tilespmem:$0x0]  }
0x1be: {  	_ =	swait.ge [sflag:s5], $0x2800  }
0x1bf: {  	[sflag:s5] =	ssyncset.done $0x0  }
0x1c0: {  	s12 =	simm.s32 $0x1300;
	[sflag:s5] =	ssyncadd.s32 $0xFFFFD800  }
0x1c1: {  	[tilespmem:s22], [sflag:$0x4] =	stream.indirect.gather [hbm4b:s1+s15], $0x80, s12, s15, $0xb8;
	v63 =	vld [tilespmem:$0x0]  }
0x1c2: {  	_ =	swait.ge [sflag:s24], $0x2800  }
0x1c3: {  	[sflag:s24] =	ssyncset.done $0x0  }
0x1c4: {  	s12 =	simm.s32 $0x1180;
	[sflag:s24] =	ssyncadd.s32 $0xFFFFD800  }
0x1c5: {  	[spmem:s3] =	stream.indirect.scatter.add.f32 [tilespmem:s18], [sflag:$0x6], $0x80, s12, s15, $0xb8;
	v63 =	vld [tilespmem:$0x0]  }
0x1c6: {  	_ =	swait.ge [sflag:s26], $0x2800  }
0x1c7: {  	s8 =	smov.u32 s11;
	s12 =	rddreg [dreg:$0x6];
	[sflag:s26] =	ssyncset.done $0x0  }
0x1c8: {  	[sflag:s26] =	ssyncadd.s32 $0xFFFFD800;
	s12 =	sadd.s32 s8, s12  }
0x1c9: {  	[tilespmem:s4], [sflag:$0x9] =	stream.linear.gather [hbm4b:s12+s4], $0x1000, $0x38;
	v63 =	vld [tilespmem:$0x0]  }
0x1ca: {  	s12 =	simm.s32 $0x1400  }
0x1cb: {  	[tilespmem:s16], [sflag:$0x1] =	stream.indirect.gather [hbm4b:s1+s15], $0x80, s12, s15, $0xb8;
	v63 =	vld [tilespmem:$0x0]  }
0x1cc: {  	_ =	swait.ge [sflag:s30], $0x2800  }
0x1cd: {  	[sflag:s30] =	ssyncset.done $0x0  }
0x1ce: {  	s12 =	simm.s32 $0x1280;
	[sflag:s30] =	ssyncadd.s32 $0xFFFFD800  }
0x1cf: {  	[spmem:s3] =	stream.indirect.scatter.add.f32 [tilespmem:s20], [sflag:$0x7], $0x80, s12, s15, $0xb8;
	v63 =	vld [tilespmem:$0x0]  }
0x1d0: {  	_ =	swait.ge [sflag:s0], $0x2800  }
0x1d1: {  	[sflag:s0] =	ssyncset.done $0x0  }
0x1d2: {  	s12 =	simm.s32 $0x1500;
	[sflag:s0] =	ssyncadd.s32 $0xFFFFD800  }
0x1d3: {  	[tilespmem:s18], [sflag:$0x2] =	stream.indirect.gather [hbm4b:s1+s15], $0x80, s12, s15, $0xb8;
	v63 =	vld [tilespmem:$0x0]  }
0x1d4: {  	_ =	swait.ge [sflag:s6], $0x2800  }
0x1d5: {  	[sflag:s6] =	ssyncset.done $0x0  }
0x1d6: {  	s12 =	simm.s32 $0x1380;
	[sflag:s6] =	ssyncadd.s32 $0xFFFFD800  }
0x1d7: {  	[spmem:s3] =	stream.indirect.scatter.add.f32 [tilespmem:s22], [sflag:$0x8], $0x80, s12, s15, $0xb8;
	v63 =	vld [tilespmem:$0x0]  }
0x1d8: {  	_ =	swait.ge [sflag:s9], $0x2800  }
0x1d9: {  	[sflag:s9] =	ssyncset.done $0x0  }
0x1da: {  	s12 =	simm.s32 $0x1600;
	[sflag:s9] =	ssyncadd.s32 $0xFFFFD800  }
0x1db: {  	[tilespmem:s20], [sflag:$0x3] =	stream.indirect.gather [hbm4b:s1+s15], $0x80, s12, s15, $0xb8;
	v63 =	vld [tilespmem:$0x0]  }
0x1dc: {  	_ =	swait.ge [sflag:s14], $0x2800  }
0x1dd: {  	[sflag:s14] =	ssyncset.done $0x0  }
0x1de: {  	s12 =	simm.s32 $0x1480;
	[sflag:s14] =	ssyncadd.s32 $0xFFFFD800  }
0x1df: {  	[spmem:s3] =	stream.indirect.scatter.add.f32 [tilespmem:s16], [sflag:$0x5], $0x80, s12, s15, $0xb8;
	v63 =	vld [tilespmem:$0x0]  }
0x1e0: {  	_ =	swait.ge [sflag:s5], $0x2800  }
0x1e1: {  	[sflag:s5] =	ssyncset.done $0x0  }
0x1e2: {  	s12 =	simm.s32 $0x1700;
	[sflag:s5] =	ssyncadd.s32 $0xFFFFD800  }
0x1e3: {  	[tilespmem:s22], [sflag:$0x4] =	stream.indirect.gather [hbm4b:s1+s15], $0x80, s12, s15, $0xb8;
	v63 =	vld [tilespmem:$0x0]  }
0x1e4: {  	_ =	swait.ge [sflag:s24], $0x2800  }
0x1e5: {  	[sflag:s24] =	ssyncset.done $0x0  }
0x1e6: {  	s12 =	simm.s32 $0x1580;
	[sflag:s24] =	ssyncadd.s32 $0xFFFFD800  }
0x1e7: {  	[spmem:s3] =	stream.indirect.scatter.add.f32 [tilespmem:s18], [sflag:$0x6], $0x80, s12, s15, $0xb8;
	v63 =	vld [tilespmem:$0x0]  }
0x1e8: {  	_ =	swait.ge [sflag:s26], $0x2800  }
0x1e9: {  	[sflag:s26] =	ssyncset.done $0x0  }
0x1ea: {  	s12 =	simm.s32 $0x1800;
	[sflag:s26] =	ssyncadd.s32 $0xFFFFD800  }
0x1eb: {  	[tilespmem:s16], [sflag:$0x1] =	stream.indirect.gather [hbm4b:s1+s15], $0x80, s12, s15, $0xb8;
	v63 =	vld [tilespmem:$0x0]  }
0x1ec: {  	_ =	swait.ge [sflag:s30], $0x2800  }
0x1ed: {  	[sflag:s30] =	ssyncset.done $0x0  }
0x1ee: {  	s12 =	simm.s32 $0x1680;
	[sflag:s30] =	ssyncadd.s32 $0xFFFFD800  }
0x1ef: {  	[spmem:s3] =	stream.indirect.scatter.add.f32 [tilespmem:s20], [sflag:$0x7], $0x80, s12, s15, $0xb8;
	v63 =	vld [tilespmem:$0x0]  }
0x1f0: {  	_ =	swait.ge [sflag:s0], $0x2800  }
0x1f1: {  	[sflag:s0] =	ssyncset.done $0x0  }
0x1f2: {  	s12 =	simm.s32 $0x1900;
	[sflag:s0] =	ssyncadd.s32 $0xFFFFD800  }
0x1f3: {  	[tilespmem:s18], [sflag:$0x2] =	stream.indirect.gather [hbm4b:s1+s15], $0x80, s12, s15, $0xb8;
	v63 =	vld [tilespmem:$0x0]  }
0x1f4: {  	_ =	swait.ge [sflag:s6], $0x2800  }
0x1f5: {  	[sflag:s6] =	ssyncset.done $0x0  }
0x1f6: {  	s12 =	simm.s32 $0x1780;
	[sflag:s6] =	ssyncadd.s32 $0xFFFFD800  }
0x1f7: {  	[spmem:s3] =	stream.indirect.scatter.add.f32 [tilespmem:s22], [sflag:$0x8], $0x80, s12, s15, $0xb8;
	v63 =	vld [tilespmem:$0x0]  }
0x1f8: {  	_ =	swait.ge [sflag:s9], $0x2800  }
0x1f9: {  	[sflag:s9] =	ssyncset.done $0x0  }
0x1fa: {  	s12 =	simm.s32 $0x1A00;
	[sflag:s9] =	ssyncadd.s32 $0xFFFFD800  }
0x1fb: {  	[tilespmem:s20], [sflag:$0x3] =	stream.indirect.gather [hbm4b:s1+s15], $0x80, s12, s15, $0xb8;
	v63 =	vld [tilespmem:$0x0]  }
0x1fc: {  	_ =	swait.ge [sflag:s14], $0x2800  }
0x1fd: {  	[sflag:s14] =	ssyncset.done $0x0  }
0x1fe: {  	s12 =	simm.s32 $0x1880;
	[sflag:s14] =	ssyncadd.s32 $0xFFFFD800  }
0x1ff: {  	[spmem:s3] =	stream.indirect.scatter.add.f32 [tilespmem:s16], [sflag:$0x5], $0x80, s12, s15, $0xb8;
	v63 =	vld [tilespmem:$0x0]  }
0x200: {  	_ =	swait.ge [sflag:s5], $0x2800  }
0x201: {  	[sflag:s5] =	ssyncset.done $0x0  }
0x202: {  	s12 =	simm.s32 $0x1B00;
	[sflag:s5] =	ssyncadd.s32 $0xFFFFD800  }
0x203: {  	[tilespmem:s22], [sflag:$0x4] =	stream.indirect.gather [hbm4b:s1+s15], $0x80, s12, s15, $0xb8;
	v63 =	vld [tilespmem:$0x0]  }
0x204: {  	_ =	swait.ge [sflag:s24], $0x2800  }
0x205: {  	[sflag:s24] =	ssyncset.done $0x0  }
0x206: {  	s12 =	simm.s32 $0x1980;
	[sflag:s24] =	ssyncadd.s32 $0xFFFFD800  }
0x207: {  	[spmem:s3] =	stream.indirect.scatter.add.f32 [tilespmem:s18], [sflag:$0x6], $0x80, s12, s15, $0xb8;
	v63 =	vld [tilespmem:$0x0]  }
0x208: {  	_ =	swait.ge [sflag:s26], $0x2800  }
0x209: {  	[sflag:s26] =	ssyncset.done $0x0  }
0x20a: {  	s12 =	simm.s32 $0x1C00;
	[sflag:s26] =	ssyncadd.s32 $0xFFFFD800  }
0x20b: {  	[tilespmem:s16], [sflag:$0x1] =	stream.indirect.gather [hbm4b:s1+s15], $0x80, s12, s15, $0xb8;
	v63 =	vld [tilespmem:$0x0]  }
0x20c: {  	_ =	swait.ge [sflag:s30], $0x2800  }
0x20d: {  	[sflag:s30] =	ssyncset.done $0x0  }
0x20e: {  	s12 =	simm.s32 $0x1A80;
	[sflag:s30] =	ssyncadd.s32 $0xFFFFD800  }
0x20f: {  	[spmem:s3] =	stream.indirect.scatter.add.f32 [tilespmem:s20], [sflag:$0x7], $0x80, s12, s15, $0xb8;
	v63 =	vld [tilespmem:$0x0]  }
0x210: {  	_ =	swait.ge [sflag:s0], $0x2800  }
0x211: {  	[sflag:s0] =	ssyncset.done $0x0  }
0x212: {  	s12 =	simm.s32 $0x1D00;
	[sflag:s0] =	ssyncadd.s32 $0xFFFFD800  }
0x213: {  	[tilespmem:s18], [sflag:$0x2] =	stream.indirect.gather [hbm4b:s1+s15], $0x80, s12, s15, $0xb8;
	v63 =	vld [tilespmem:$0x0]  }
0x214: {  	_ =	swait.ge [sflag:s6], $0x2800  }
0x215: {  	[sflag:s6] =	ssyncset.done $0x0  }
0x216: {  	s12 =	simm.s32 $0x1B80;
	[sflag:s6] =	ssyncadd.s32 $0xFFFFD800  }
0x217: {  	[spmem:s3] =	stream.indirect.scatter.add.f32 [tilespmem:s22], [sflag:$0x8], $0x80, s12, s15, $0xb8;
	v63 =	vld [tilespmem:$0x0]  }
0x218: {  	_ =	swait.ge [sflag:s9], $0x2800  }
0x219: {  	[sflag:s9] =	ssyncset.done $0x0  }
0x21a: {  	s12 =	simm.s32 $0x1E00;
	[sflag:s9] =	ssyncadd.s32 $0xFFFFD800  }
0x21b: {  	[tilespmem:s20], [sflag:$0x3] =	stream.indirect.gather [hbm4b:s1+s15], $0x80, s12, s15, $0xb8;
	v63 =	vld [tilespmem:$0x0]  }
0x21c: {  	_ =	swait.ge [sflag:s14], $0x2800  }
0x21d: {  	[sflag:s14] =	ssyncset.done $0x0  }
0x21e: {  	s12 =	simm.s32 $0x1C80;
	[sflag:s14] =	ssyncadd.s32 $0xFFFFD800  }
0x21f: {  	[spmem:s3] =	stream.indirect.scatter.add.f32 [tilespmem:s16], [sflag:$0x5], $0x80, s12, s15, $0xb8;
	v63 =	vld [tilespmem:$0x0]  }
0x220: {  	_ =	swait.ge [sflag:s5], $0x2800  }
0x221: {  	[sflag:s5] =	ssyncset.done $0x0  }
0x222: {  	s12 =	simm.s32 $0x1F00;
	[sflag:s5] =	ssyncadd.s32 $0xFFFFD800  }
0x223: {  	[tilespmem:s22], [sflag:$0x4] =	stream.indirect.gather [hbm4b:s1+s15], $0x80, s12, s15, $0xb8;
	v63 =	vld [tilespmem:$0x0]  }
0x224: {  	_ =	swait.ge [sflag:s24], $0x2800  }
0x225: {  	[sflag:s24] =	ssyncset.done $0x0  }
0x226: {  	s12 =	simm.s32 $0x1D80;
	[sflag:s24] =	ssyncadd.s32 $0xFFFFD800  }
0x227: {  	[spmem:s3] =	stream.indirect.scatter.add.f32 [tilespmem:s18], [sflag:$0x6], $0x80, s12, s15, $0xb8;
	v63 =	vld [tilespmem:$0x0]  }
0x228: {  	_ =	swait.ge [sflag:s26], $0x2800  }
0x229: {  	[sflag:s26] =	ssyncset.done $0x0  }
0x22a: {  	[sflag:s26] =	ssyncadd.s32 $0xFFFFD800  }
0x22b: {  	_ =	swait.ge [sflag:s2], $0x1000  }
0x22c: {  	[sflag:s2] =	ssyncset.done $0x0  }
0x22d: {  	[sflag:s2] =	ssyncadd.s32 $0xFFFFF000  }
0x22e: {  	[tilespmem:s16], [sflag:$0x1] =	stream.indirect.gather [hbm4b:s1+s15], $0x80, s4, s15, $0xb8;
	v63 =	vld [tilespmem:$0x0]  }
0x22f: {  	_ =	swait.ge [sflag:s30], $0x2800  }
0x230: {  	[sflag:s30] =	ssyncset.done $0x0  }
0x231: {  	s12 =	simm.s32 $0x1E80;
	[sflag:s30] =	ssyncadd.s32 $0xFFFFD800  }
0x232: {  	[spmem:s3] =	stream.indirect.scatter.add.f32 [tilespmem:s20], [sflag:$0x7], $0x80, s12, s15, $0xb8;
	v63 =	vld [tilespmem:$0x0]  }
0x233: {  	_ =	swait.ge [sflag:s0], $0x2800  }
0x234: {  	[sflag:s0] =	ssyncset.done $0x0  }
0x235: {  	s12 =	simm.s32 $0x100;
	[sflag:s0] =	ssyncadd.s32 $0xFFFFD800  }
0x236: {  	[tilespmem:s18], [sflag:$0x2] =	stream.indirect.gather [hbm4b:s1+s15], $0x80, s12, s15, $0xb8;
	v63 =	vld [tilespmem:$0x0]  }
0x237: {  	_ =	swait.ge [sflag:s6], $0x2800  }
0x238: {  	[sflag:s6] =	ssyncset.done $0x0  }
0x239: {  	s12 =	simm.s32 $0x1F80;
	[sflag:s6] =	ssyncadd.s32 $0xFFFFD800  }
0x23a: {  	[spmem:s3] =	stream.indirect.scatter.add.f32 [tilespmem:s22], [sflag:$0x8], $0x80, s12, s15, $0xb8;
	v63 =	vld [tilespmem:$0x0]  }
0x23b: {  	_ =	swait.ge [sflag:s9], $0x2800  }
0x23c: {  	[sflag:s9] =	ssyncset.done $0x0  }
0x23d: {  	s12 =	simm.s32 $0x200;
	[sflag:s9] =	ssyncadd.s32 $0xFFFFD800  }
0x23e: {  	[tilespmem:s20], [sflag:$0x3] =	stream.indirect.gather [hbm4b:s1+s15], $0x80, s12, s15, $0xb8;
	v63 =	vld [tilespmem:$0x0]  }
0x23f: {  	_ =	swait.ge [sflag:s14], $0x2800  }
0x240: {  	[sflag:s14] =	ssyncset.done $0x0  }
0x241: {  	s12 =	simm.s32 $0x80;
	[sflag:s14] =	ssyncadd.s32 $0xFFFFD800  }
0x242: {  	[spmem:s3] =	stream.indirect.scatter.add.f32 [tilespmem:s16], [sflag:$0x5], $0x80, s12, s15, $0xb8;
	v63 =	vld [tilespmem:$0x0]  }
0x243: {  	_ =	swait.ge [sflag:s5], $0x2800  }
0x244: {  	[sflag:s5] =	ssyncset.done $0x0  }
0x245: {  	s12 =	simm.s32 $0x300;
	[sflag:s5] =	ssyncadd.s32 $0xFFFFD800  }
0x246: {  	[tilespmem:s22], [sflag:$0x4] =	stream.indirect.gather [hbm4b:s1+s15], $0x80, s12, s15, $0xb8;
	v63 =	vld [tilespmem:$0x0]  }
0x247: {  	_ =	swait.ge [sflag:s24], $0x2800  }
0x248: {  	[sflag:s24] =	ssyncset.done $0x0  }
0x249: {  	s12 =	simm.s32 $0x180;
	[sflag:s24] =	ssyncadd.s32 $0xFFFFD800  }
0x24a: {  	[spmem:s3] =	stream.indirect.scatter.add.f32 [tilespmem:s18], [sflag:$0x6], $0x80, s12, s15, $0xb8;
	v63 =	vld [tilespmem:$0x0]  }
0x24b: {  	_ =	swait.ge [sflag:s26], $0x2800  }
0x24c: {  	s12 =	rddreg [dreg:$0x5];
	[sflag:s26] =	ssyncset.done $0x0  }
0x24d: {  	[sflag:s26] =	ssyncadd.s32 $0xFFFFD800;
	s8 =	sadd.s32 s8, s12  }
0x24e: {  	[tilespmem:s28], [sflag:$0xA] =	stream.linear.gather [hbm4b:s8+s4], $0x1000, $0x38;
	v63 =	vld [tilespmem:$0x0]  }
0x24f: {  	s12 =	simm.s32 $0x400  }
0x250: {  	[tilespmem:s16], [sflag:$0x1] =	stream.indirect.gather [hbm4b:s1+s15], $0x80, s12, s15, $0xb8;
	v63 =	vld [tilespmem:$0x0]  }
0x251: {  	_ =	swait.ge [sflag:s30], $0x2800  }
0x252: {  	[sflag:s30] =	ssyncset.done $0x0  }
0x253: {  	s12 =	simm.s32 $0x280;
	[sflag:s30] =	ssyncadd.s32 $0xFFFFD800  }
0x254: {  	[spmem:s3] =	stream.indirect.scatter.add.f32 [tilespmem:s20], [sflag:$0x7], $0x80, s12, s15, $0xb8;
	v63 =	vld [tilespmem:$0x0]  }
0x255: {  	_ =	swait.ge [sflag:s0], $0x2800  }
0x256: {  	[sflag:s0] =	ssyncset.done $0x0  }
0x257: {  	s12 =	simm.s32 $0x500;
	[sflag:s0] =	ssyncadd.s32 $0xFFFFD800  }
0x258: {  	[tilespmem:s18], [sflag:$0x2] =	stream.indirect.gather [hbm4b:s1+s15], $0x80, s12, s15, $0xb8;
	v63 =	vld [tilespmem:$0x0]  }
0x259: {  	_ =	swait.ge [sflag:s6], $0x2800  }
0x25a: {  	[sflag:s6] =	ssyncset.done $0x0  }
0x25b: {  	s12 =	simm.s32 $0x380;
	[sflag:s6] =	ssyncadd.s32 $0xFFFFD800  }
0x25c: {  	[spmem:s3] =	stream.indirect.scatter.add.f32 [tilespmem:s22], [sflag:$0x8], $0x80, s12, s15, $0xb8;
	v63 =	vld [tilespmem:$0x0]  }
0x25d: {  	_ =	swait.ge [sflag:s9], $0x2800  }
0x25e: {  	[sflag:s9] =	ssyncset.done $0x0  }
0x25f: {  	s12 =	simm.s32 $0x600;
	[sflag:s9] =	ssyncadd.s32 $0xFFFFD800  }
0x260: {  	[tilespmem:s20], [sflag:$0x3] =	stream.indirect.gather [hbm4b:s1+s15], $0x80, s12, s15, $0xb8;
	v63 =	vld [tilespmem:$0x0]  }
0x261: {  	_ =	swait.ge [sflag:s14], $0x2800  }
0x262: {  	[sflag:s14] =	ssyncset.done $0x0  }
0x263: {  	s12 =	simm.s32 $0x480;
	[sflag:s14] =	ssyncadd.s32 $0xFFFFD800  }
0x264: {  	[spmem:s3] =	stream.indirect.scatter.add.f32 [tilespmem:s16], [sflag:$0x5], $0x80, s12, s15, $0xb8;
	v63 =	vld [tilespmem:$0x0]  }
0x265: {  	_ =	swait.ge [sflag:s5], $0x2800  }
0x266: {  	[sflag:s5] =	ssyncset.done $0x0  }
0x267: {  	s12 =	simm.s32 $0x700;
	[sflag:s5] =	ssyncadd.s32 $0xFFFFD800  }
0x268: {  	[tilespmem:s22], [sflag:$0x4] =	stream.indirect.gather [hbm4b:s1+s15], $0x80, s12, s15, $0xb8;
	v63 =	vld [tilespmem:$0x0]  }
0x269: {  	_ =	swait.ge [sflag:s24], $0x2800  }
0x26a: {  	[sflag:s24] =	ssyncset.done $0x0  }
0x26b: {  	s12 =	simm.s32 $0x580;
	[sflag:s24] =	ssyncadd.s32 $0xFFFFD800  }
0x26c: {  	[spmem:s3] =	stream.indirect.scatter.add.f32 [tilespmem:s18], [sflag:$0x6], $0x80, s12, s15, $0xb8;
	v63 =	vld [tilespmem:$0x0]  }
0x26d: {  	_ =	swait.ge [sflag:s26], $0x2800  }
0x26e: {  	[sflag:s26] =	ssyncset.done $0x0  }
0x26f: {  	s12 =	simm.s32 $0x800;
	[sflag:s26] =	ssyncadd.s32 $0xFFFFD800  }
0x270: {  	[tilespmem:s16], [sflag:$0x1] =	stream.indirect.gather [hbm4b:s1+s15], $0x80, s12, s15, $0xb8;
	v63 =	vld [tilespmem:$0x0]  }
0x271: {  	_ =	swait.ge [sflag:s30], $0x2800  }
0x272: {  	[sflag:s30] =	ssyncset.done $0x0  }
0x273: {  	s12 =	simm.s32 $0x680;
	[sflag:s30] =	ssyncadd.s32 $0xFFFFD800  }
0x274: {  	[spmem:s3] =	stream.indirect.scatter.add.f32 [tilespmem:s20], [sflag:$0x7], $0x80, s12, s15, $0xb8;
	v63 =	vld [tilespmem:$0x0]  }
0x275: {  	_ =	swait.ge [sflag:s0], $0x2800  }
0x276: {  	[sflag:s0] =	ssyncset.done $0x0  }
0x277: {  	s12 =	simm.s32 $0x900;
	[sflag:s0] =	ssyncadd.s32 $0xFFFFD800  }
0x278: {  	[tilespmem:s18], [sflag:$0x2] =	stream.indirect.gather [hbm4b:s1+s15], $0x80, s12, s15, $0xb8;
	v63 =	vld [tilespmem:$0x0]  }
0x279: {  	_ =	swait.ge [sflag:s6], $0x2800  }
0x27a: {  	[sflag:s6] =	ssyncset.done $0x0  }
0x27b: {  	s12 =	simm.s32 $0x780;
	[sflag:s6] =	ssyncadd.s32 $0xFFFFD800  }
0x27c: {  	[spmem:s3] =	stream.indirect.scatter.add.f32 [tilespmem:s22], [sflag:$0x8], $0x80, s12, s15, $0xb8;
	v63 =	vld [tilespmem:$0x0]  }
0x27d: {  	_ =	swait.ge [sflag:s9], $0x2800  }
0x27e: {  	[sflag:s9] =	ssyncset.done $0x0  }
0x27f: {  	s12 =	simm.s32 $0xA00;
	[sflag:s9] =	ssyncadd.s32 $0xFFFFD800  }
0x280: {  	[tilespmem:s20], [sflag:$0x3] =	stream.indirect.gather [hbm4b:s1+s15], $0x80, s12, s15, $0xb8;
	v63 =	vld [tilespmem:$0x0]  }
0x281: {  	_ =	swait.ge [sflag:s14], $0x2800  }
0x282: {  	[sflag:s14] =	ssyncset.done $0x0  }
0x283: {  	s12 =	simm.s32 $0x880;
	[sflag:s14] =	ssyncadd.s32 $0xFFFFD800  }
0x284: {  	[spmem:s3] =	stream.indirect.scatter.add.f32 [tilespmem:s16], [sflag:$0x5], $0x80, s12, s15, $0xb8;
	v63 =	vld [tilespmem:$0x0]  }
0x285: {  	_ =	swait.ge [sflag:s5], $0x2800  }
0x286: {  	[sflag:s5] =	ssyncset.done $0x0  }
0x287: {  	[sflag:s5] =	ssyncadd.s32 $0xFFFFD800  }
0x288: {  	[tilespmem:s22], [sflag:$0x4] =	stream.indirect.gather [hbm4b:s1+s15], $0x80, s21, s15, $0xb8;
	v63 =	vld [tilespmem:$0x0]  }
0x289: {  	_ =	swait.ge [sflag:s24], $0x2800  }
0x28a: {  	[sflag:s24] =	ssyncset.done $0x0  }
0x28b: {  	[sflag:s24] =	ssyncadd.s32 $0xFFFFD800  }
0x28c: {  	[spmem:s3] =	stream.indirect.scatter.add.f32 [tilespmem:s18], [sflag:$0x6], $0x80, s25, s15, $0xb8;
	v63 =	vld [tilespmem:$0x0]  }
0x28d: {  	_ =	swait.ge [sflag:s26], $0x2800  }
0x28e: {  	[sflag:s26] =	ssyncset.done $0x0  }
0x28f: {  	[sflag:s26] =	ssyncadd.s32 $0xFFFFD800  }
0x290: {  	[tilespmem:s16], [sflag:$0x1] =	stream.indirect.gather [hbm4b:s1+s15], $0x80, s23, s15, $0xb8;
	v63 =	vld [tilespmem:$0x0]  }
0x291: {  	_ =	swait.ge [sflag:s30], $0x2800  }
0x292: {  	[sflag:s30] =	ssyncset.done $0x0  }
0x293: {  	[sflag:s30] =	ssyncadd.s32 $0xFFFFD800  }
0x294: {  	[spmem:s3] =	stream.indirect.scatter.add.f32 [tilespmem:s20], [sflag:$0x7], $0x80, s29, s15, $0xb8;
	v63 =	vld [tilespmem:$0x0]  }
0x295: {  	_ =	swait.ge [sflag:s0], $0x2800  }
0x296: {  	[sflag:s0] =	ssyncset.done $0x0  }
0x297: {  	[sflag:s0] =	ssyncadd.s32 $0xFFFFD800  }
0x298: {  	[tilespmem:s18], [sflag:$0x2] =	stream.indirect.gather [hbm4b:s1+s15], $0x80, s31, s15, $0xb8;
	v63 =	vld [tilespmem:$0x0]  }
0x299: {  	_ =	swait.ge [sflag:s6], $0x2800  }
0x29a: {  	[sflag:s6] =	ssyncset.done $0x0  }
0x29b: {  	[sflag:s6] =	ssyncadd.s32 $0xFFFFD800  }
0x29c: {  	[spmem:s3] =	stream.indirect.scatter.add.f32 [tilespmem:s22], [sflag:$0x8], $0x80, s7, s15, $0xb8;
	v63 =	vld [tilespmem:$0x0]  }
0x29d: {  	_ =	swait.ge [sflag:s9], $0x2800  }
0x29e: {  	[sflag:s9] =	ssyncset.done $0x0  }
0x29f: {  	[sflag:s9] =	ssyncadd.s32 $0xFFFFD800  }
0x2a0: {  	[tilespmem:s20], [sflag:$0x3] =	stream.indirect.gather [hbm4b:s1+s15], $0x80, s10, s15, $0xb8;
	v63 =	vld [tilespmem:$0x0]  }
0x2a1: {  	_ =	swait.ge [sflag:s14], $0x2800  }
0x2a2: {  	[sflag:s14] =	ssyncset.done $0x0  }
0x2a3: {  	[sflag:s14] =	ssyncadd.s32 $0xFFFFD800  }
0x2a4: {  	[spmem:s3] =	stream.indirect.scatter.add.f32 [tilespmem:s16], [sflag:$0x5], $0x80, s13, s15, $0xb8;
	v63 =	vld [tilespmem:$0x0]  }
0x2a5: {  	_ =	swait.ge [sflag:s5], $0x2800  }
0x2a6: {  	p0 =	sne.s32 s11, $0x800;
	[sflag:s5] =	ssyncset.done $0x0  }
.Ltmp0:
0x2a7: {  	[sflag:s5] =	ssyncadd.s32 $0xFFFFD800;
	(pc) =	sbr.rel @p0 .LBB2_2-.Ltmp0, $4  }
0x2a8: {  	[tilespmem:s22], [sflag:$0x4] =	stream.indirect.gather [hbm4b:s1+s15], $0x80, s17, s15, $0xb8;
	v63 =	vld [tilespmem:$0x0]  }
0x2a9: {  	_ =	swait.ge [sflag:s24], $0x2800  }
0x2aa: {  	[sflag:s24] =	ssyncset.done $0x0  }
0x2ab: {  	s11 =	sadd.s32 $0x400, s11;
	[sflag:s24] =	ssyncadd.s32 $0xFFFFD800  }
0x2ac: {  	s7 =	simm.s32 $0xD80  }
0x2ad: {  	[spmem:s3] =	stream.indirect.scatter.add.f32 [tilespmem:s18], [sflag:$0x6], $0x80, s7, s15, $0xb8;
	v63 =	vld [tilespmem:$0x0]  }
0x2ae: {  	_ =	swait.ge [sflag:s26], $0x2800  }
0x2af: {  	[sflag:s26] =	ssyncset.done $0x0  }
0x2b0: {  	[sflag:s26] =	ssyncadd.s32 $0xFFFFD800  }
0x2b1: {  	_ =	swait.ge [sflag:s19], $0x1000  }
0x2b2: {  	[sflag:s19] =	ssyncset.done $0x0  }
0x2b3: {  	[sflag:s19] =	ssyncadd.s32 $0xFFFFF000  }
0x2b4: {  	[tilespmem:s16], [sflag:$0x1] =	stream.indirect.gather [hbm4b:s1+s15], $0x80, s28, s15, $0xb8;
	v63 =	vld [tilespmem:$0x0]  }
0x2b5: {  	_ =	swait.ge [sflag:s30], $0x2800  }
0x2b6: {  	[sflag:s30] =	ssyncset.done $0x0  }
0x2b7: {  	s25 =	simm.s32 $0xE80;
	[sflag:s30] =	ssyncadd.s32 $0xFFFFD800  }
0x2b8: {  	[spmem:s3] =	stream.indirect.scatter.add.f32 [tilespmem:s20], [sflag:$0x7], $0x80, s25, s15, $0xb8;
	v63 =	vld [tilespmem:$0x0]  }
0x2b9: {  	_ =	swait.ge [sflag:s0], $0x2800  }
0x2ba: {  	[sflag:s0] =	ssyncset.done $0x0  }
0x2bb: {  	s29 =	simm.s32 $0x1100;
	[sflag:s0] =	ssyncadd.s32 $0xFFFFD800  }
0x2bc: {  	[tilespmem:s18], [sflag:$0x2] =	stream.indirect.gather [hbm4b:s1+s15], $0x80, s29, s15, $0xb8;
	v63 =	vld [tilespmem:$0x0]  }
0x2bd: {  	_ =	swait.ge [sflag:s6], $0x2800  }
0x2be: {  	[sflag:s6] =	ssyncset.done $0x0  }
0x2bf: {  	s31 =	simm.s32 $0xF80;
	[sflag:s6] =	ssyncadd.s32 $0xFFFFD800  }
0x2c0: {  	[spmem:s3] =	stream.indirect.scatter.add.f32 [tilespmem:s22], [sflag:$0x8], $0x80, s31, s15, $0xb8;
	v63 =	vld [tilespmem:$0x0]  }
0x2c1: {  	_ =	swait.ge [sflag:s9], $0x2800  }
0x2c2: {  	[sflag:s9] =	ssyncset.done $0x0  }
0x2c3: {  	s8 =	simm.s32 $0x1200;
	[sflag:s9] =	ssyncadd.s32 $0xFFFFD800  }
0x2c4: {  	[tilespmem:s20], [sflag:$0x3] =	stream.indirect.gather [hbm4b:s1+s15], $0x80, s8, s15, $0xb8;
	v63 =	vld [tilespmem:$0x0]  }
0x2c5: {  	_ =	swait.ge [sflag:s14], $0x2800  }
0x2c6: {  	[sflag:s14] =	ssyncset.done $0x0  }
0x2c7: {  	s10 =	simm.s32 $0x1080;
	[sflag:s14] =	ssyncadd.s32 $0xFFFFD800  }
0x2c8: {  	[spmem:s3] =	stream.indirect.scatter.add.f32 [tilespmem:s16], [sflag:$0x5], $0x80, s10, s15, $0xb8;
	v63 =	vld [tilespmem:$0x0]  }
0x2c9: {  	_ =	swait.ge [sflag:s5], $0x2800  }
0x2ca: {  	[sflag:s5] =	ssyncset.done $0x0  }
0x2cb: {  	s11 =	simm.s32 $0x1300;
	[sflag:s5] =	ssyncadd.s32 $0xFFFFD800  }
0x2cc: {  	[tilespmem:s22], [sflag:$0x4] =	stream.indirect.gather [hbm4b:s1+s15], $0x80, s11, s15, $0xb8;
	v63 =	vld [tilespmem:$0x0]  }
0x2cd: {  	_ =	swait.ge [sflag:s24], $0x2800  }
0x2ce: {  	[sflag:s24] =	ssyncset.done $0x0  }
0x2cf: {  	s12 =	simm.s32 $0x1180;
	[sflag:s24] =	ssyncadd.s32 $0xFFFFD800  }
0x2d0: {  	[spmem:s3] =	stream.indirect.scatter.add.f32 [tilespmem:s18], [sflag:$0x6], $0x80, s12, s15, $0xb8;
	v63 =	vld [tilespmem:$0x0]  }
0x2d1: {  	_ =	swait.ge [sflag:s26], $0x2800  }
0x2d2: {  	[sflag:s26] =	ssyncset.done $0x0  }
0x2d3: {  	s13 =	simm.s32 $0x1400;
	[sflag:s26] =	ssyncadd.s32 $0xFFFFD800  }
0x2d4: {  	[tilespmem:s16], [sflag:$0x1] =	stream.indirect.gather [hbm4b:s1+s15], $0x80, s13, s15, $0xb8;
	v63 =	vld [tilespmem:$0x0]  }
0x2d5: {  	_ =	swait.ge [sflag:s30], $0x2800  }
0x2d6: {  	[sflag:s30] =	ssyncset.done $0x0  }
0x2d7: {  	s17 =	simm.s32 $0x1280;
	[sflag:s30] =	ssyncadd.s32 $0xFFFFD800  }
0x2d8: {  	[spmem:s3] =	stream.indirect.scatter.add.f32 [tilespmem:s20], [sflag:$0x7], $0x80, s17, s15, $0xb8;
	v63 =	vld [tilespmem:$0x0]  }
0x2d9: {  	_ =	swait.ge [sflag:s0], $0x2800  }
0x2da: {  	[sflag:s0] =	ssyncset.done $0x0  }
0x2db: {  	s21 =	simm.s32 $0x1500;
	[sflag:s0] =	ssyncadd.s32 $0xFFFFD800  }
0x2dc: {  	[tilespmem:s18], [sflag:$0x2] =	stream.indirect.gather [hbm4b:s1+s15], $0x80, s21, s15, $0xb8;
	v63 =	vld [tilespmem:$0x0]  }
0x2dd: {  	_ =	swait.ge [sflag:s6], $0x2800  }
0x2de: {  	[sflag:s6] =	ssyncset.done $0x0  }
0x2df: {  	s23 =	simm.s32 $0x1380;
	[sflag:s6] =	ssyncadd.s32 $0xFFFFD800  }
0x2e0: {  	[spmem:s3] =	stream.indirect.scatter.add.f32 [tilespmem:s22], [sflag:$0x8], $0x80, s23, s15, $0xb8;
	v63 =	vld [tilespmem:$0x0]  }
0x2e1: {  	_ =	swait.ge [sflag:s9], $0x2800  }
0x2e2: {  	[sflag:s9] =	ssyncset.done $0x0  }
0x2e3: {  	s25 =	simm.s32 $0x1600;
	[sflag:s9] =	ssyncadd.s32 $0xFFFFD800  }
0x2e4: {  	[tilespmem:s20], [sflag:$0x3] =	stream.indirect.gather [hbm4b:s1+s15], $0x80, s25, s15, $0xb8;
	v63 =	vld [tilespmem:$0x0]  }
0x2e5: {  	_ =	swait.ge [sflag:s14], $0x2800  }
0x2e6: {  	[sflag:s14] =	ssyncset.done $0x0  }
0x2e7: {  	s29 =	simm.s32 $0x1480;
	[sflag:s14] =	ssyncadd.s32 $0xFFFFD800  }
0x2e8: {  	[spmem:s3] =	stream.indirect.scatter.add.f32 [tilespmem:s16], [sflag:$0x5], $0x80, s29, s15, $0xb8;
	v63 =	vld [tilespmem:$0x0]  }
0x2e9: {  	_ =	swait.ge [sflag:s5], $0x2800  }
0x2ea: {  	[sflag:s5] =	ssyncset.done $0x0  }
0x2eb: {  	s31 =	simm.s32 $0x1700;
	[sflag:s5] =	ssyncadd.s32 $0xFFFFD800  }
0x2ec: {  	[tilespmem:s22], [sflag:$0x4] =	stream.indirect.gather [hbm4b:s1+s15], $0x80, s31, s15, $0xb8;
	v63 =	vld [tilespmem:$0x0]  }
0x2ed: {  	_ =	swait.ge [sflag:s24], $0x2800  }
0x2ee: {  	[sflag:s24] =	ssyncset.done $0x0  }
0x2ef: {  	s8 =	simm.s32 $0x1580;
	[sflag:s24] =	ssyncadd.s32 $0xFFFFD800  }
0x2f0: {  	[spmem:s3] =	stream.indirect.scatter.add.f32 [tilespmem:s18], [sflag:$0x6], $0x80, s8, s15, $0xb8;
	v63 =	vld [tilespmem:$0x0]  }
0x2f1: {  	_ =	swait.ge [sflag:s26], $0x2800  }
0x2f2: {  	[sflag:s26] =	ssyncset.done $0x0  }
0x2f3: {  	s10 =	simm.s32 $0x1800;
	[sflag:s26] =	ssyncadd.s32 $0xFFFFD800  }
0x2f4: {  	[tilespmem:s16], [sflag:$0x1] =	stream.indirect.gather [hbm4b:s1+s15], $0x80, s10, s15, $0xb8;
	v63 =	vld [tilespmem:$0x0]  }
0x2f5: {  	_ =	swait.ge [sflag:s30], $0x2800  }
0x2f6: {  	[sflag:s30] =	ssyncset.done $0x0  }
0x2f7: {  	s11 =	simm.s32 $0x1680;
	[sflag:s30] =	ssyncadd.s32 $0xFFFFD800  }
0x2f8: {  	[spmem:s3] =	stream.indirect.scatter.add.f32 [tilespmem:s20], [sflag:$0x7], $0x80, s11, s15, $0xb8;
	v63 =	vld [tilespmem:$0x0]  }
0x2f9: {  	_ =	swait.ge [sflag:s0], $0x2800  }
0x2fa: {  	[sflag:s0] =	ssyncset.done $0x0  }
0x2fb: {  	s12 =	simm.s32 $0x1900;
	[sflag:s0] =	ssyncadd.s32 $0xFFFFD800  }
0x2fc: {  	[tilespmem:s18], [sflag:$0x2] =	stream.indirect.gather [hbm4b:s1+s15], $0x80, s12, s15, $0xb8;
	v63 =	vld [tilespmem:$0x0]  }
0x2fd: {  	_ =	swait.ge [sflag:s6], $0x2800  }
0x2fe: {  	[sflag:s6] =	ssyncset.done $0x0  }
0x2ff: {  	s13 =	simm.s32 $0x1780;
	[sflag:s6] =	ssyncadd.s32 $0xFFFFD800  }
0x300: {  	[spmem:s3] =	stream.indirect.scatter.add.f32 [tilespmem:s22], [sflag:$0x8], $0x80, s13, s15, $0xb8;
	v63 =	vld [tilespmem:$0x0]  }
0x301: {  	_ =	swait.ge [sflag:s9], $0x2800  }
0x302: {  	[sflag:s9] =	ssyncset.done $0x0  }
0x303: {  	s17 =	simm.s32 $0x1A00;
	[sflag:s9] =	ssyncadd.s32 $0xFFFFD800  }
0x304: {  	[tilespmem:s20], [sflag:$0x3] =	stream.indirect.gather [hbm4b:s1+s15], $0x80, s17, s15, $0xb8;
	v63 =	vld [tilespmem:$0x0]  }
0x305: {  	_ =	swait.ge [sflag:s14], $0x2800  }
0x306: {  	[sflag:s14] =	ssyncset.done $0x0  }
0x307: {  	s21 =	simm.s32 $0x1880;
	[sflag:s14] =	ssyncadd.s32 $0xFFFFD800  }
0x308: {  	[spmem:s3] =	stream.indirect.scatter.add.f32 [tilespmem:s16], [sflag:$0x5], $0x80, s21, s15, $0xb8;
	v63 =	vld [tilespmem:$0x0]  }
0x309: {  	_ =	swait.ge [sflag:s5], $0x2800  }
0x30a: {  	[sflag:s5] =	ssyncset.done $0x0  }
0x30b: {  	s23 =	simm.s32 $0x1B00;
	[sflag:s5] =	ssyncadd.s32 $0xFFFFD800  }
0x30c: {  	[tilespmem:s22], [sflag:$0x4] =	stream.indirect.gather [hbm4b:s1+s15], $0x80, s23, s15, $0xb8;
	v63 =	vld [tilespmem:$0x0]  }
0x30d: {  	_ =	swait.ge [sflag:s24], $0x2800  }
0x30e: {  	[sflag:s24] =	ssyncset.done $0x0  }
0x30f: {  	s25 =	simm.s32 $0x1980;
	[sflag:s24] =	ssyncadd.s32 $0xFFFFD800  }
0x310: {  	[spmem:s3] =	stream.indirect.scatter.add.f32 [tilespmem:s18], [sflag:$0x6], $0x80, s25, s15, $0xb8;
	v63 =	vld [tilespmem:$0x0]  }
0x311: {  	_ =	swait.ge [sflag:s26], $0x2800  }
0x312: {  	[sflag:s26] =	ssyncset.done $0x0  }
0x313: {  	s29 =	simm.s32 $0x1C00;
	[sflag:s26] =	ssyncadd.s32 $0xFFFFD800  }
0x314: {  	[tilespmem:s16], [sflag:$0x1] =	stream.indirect.gather [hbm4b:s1+s15], $0x80, s29, s15, $0xb8;
	v63 =	vld [tilespmem:$0x0]  }
0x315: {  	_ =	swait.ge [sflag:s30], $0x2800  }
0x316: {  	[sflag:s30] =	ssyncset.done $0x0  }
0x317: {  	s31 =	simm.s32 $0x1A80;
	[sflag:s30] =	ssyncadd.s32 $0xFFFFD800  }
0x318: {  	[spmem:s3] =	stream.indirect.scatter.add.f32 [tilespmem:s20], [sflag:$0x7], $0x80, s31, s15, $0xb8;
	v63 =	vld [tilespmem:$0x0]  }
0x319: {  	_ =	swait.ge [sflag:s0], $0x2800  }
0x31a: {  	[sflag:s0] =	ssyncset.done $0x0  }
0x31b: {  	s8 =	simm.s32 $0x1D00;
	[sflag:s0] =	ssyncadd.s32 $0xFFFFD800  }
0x31c: {  	[tilespmem:s18], [sflag:$0x2] =	stream.indirect.gather [hbm4b:s1+s15], $0x80, s8, s15, $0xb8;
	v63 =	vld [tilespmem:$0x0]  }
0x31d: {  	_ =	swait.ge [sflag:s6], $0x2800  }
0x31e: {  	[sflag:s6] =	ssyncset.done $0x0  }
0x31f: {  	s10 =	simm.s32 $0x1B80;
	[sflag:s6] =	ssyncadd.s32 $0xFFFFD800  }
0x320: {  	[spmem:s3] =	stream.indirect.scatter.add.f32 [tilespmem:s22], [sflag:$0x8], $0x80, s10, s15, $0xb8;
	v63 =	vld [tilespmem:$0x0]  }
0x321: {  	_ =	swait.ge [sflag:s9], $0x2800  }
0x322: {  	[sflag:s9] =	ssyncset.done $0x0  }
0x323: {  	s11 =	simm.s32 $0x1E00;
	[sflag:s9] =	ssyncadd.s32 $0xFFFFD800  }
0x324: {  	[tilespmem:s20], [sflag:$0x3] =	stream.indirect.gather [hbm4b:s1+s15], $0x80, s11, s15, $0xb8;
	v63 =	vld [tilespmem:$0x0]  }
0x325: {  	_ =	swait.ge [sflag:s14], $0x2800  }
0x326: {  	[sflag:s14] =	ssyncset.done $0x0  }
0x327: {  	s12 =	simm.s32 $0x1C80;
	[sflag:s14] =	ssyncadd.s32 $0xFFFFD800  }
0x328: {  	[spmem:s3] =	stream.indirect.scatter.add.f32 [tilespmem:s16], [sflag:$0x5], $0x80, s12, s15, $0xb8;
	v63 =	vld [tilespmem:$0x0]  }
0x329: {  	_ =	swait.ge [sflag:s5], $0x2800  }
0x32a: {  	[sflag:s5] =	ssyncset.done $0x0  }
0x32b: {  	s13 =	simm.s32 $0x1F00;
	[sflag:s5] =	ssyncadd.s32 $0xFFFFD800  }
0x32c: {  	[tilespmem:s22], [sflag:$0x4] =	stream.indirect.gather [hbm4b:s1+s15], $0x80, s13, s15, $0xb8;
	v63 =	vld [tilespmem:$0x0]  }
0x32d: {  	_ =	swait.ge [sflag:s24], $0x2800  }
0x32e: {  	[sflag:s24] =	ssyncset.done $0x0  }
0x32f: {  	s17 =	simm.s32 $0x1D80;
	[sflag:s24] =	ssyncadd.s32 $0xFFFFD800  }
0x330: {  	[spmem:s3] =	stream.indirect.scatter.add.f32 [tilespmem:s18], [sflag:$0x6], $0x80, s17, s15, $0xb8;
	v63 =	vld [tilespmem:$0x0]  }
0x331: {  	_ =	swait.ge [sflag:s30], $0x2800  }
0x332: {  	[sflag:s30] =	ssyncset.done $0x0  }
0x333: {  	s21 =	simm.s32 $0x1E80;
	[sflag:s30] =	ssyncadd.s32 $0xFFFFD800  }
0x334: {  	[spmem:s3] =	stream.indirect.scatter.add.f32 [tilespmem:s20], [sflag:$0x7], $0x80, s21, s15, $0xb8;
	v63 =	vld [tilespmem:$0x0]  }
0x335: {  	_ =	swait.ge [sflag:s6], $0x2800  }
0x336: {  	[sflag:s6] =	ssyncset.done $0x0  }
0x337: {  	s23 =	simm.s32 $0x1F80;
	[sflag:s6] =	ssyncadd.s32 $0xFFFFD800  }
0x338: {  	[spmem:s3] =	stream.indirect.scatter.add.f32 [tilespmem:s22], [sflag:$0x8], $0x80, s23, s15, $0xb8;
	v63 =	vld [tilespmem:$0x0]  }
0x339: {  	_ =	swait.ge [sflag:s26], $0x2800  }
0x33a: {  	[sflag:s26] =	ssyncset.done $0x0  }
0x33b: {  	[sflag:s26] =	ssyncadd.s32 $0xFFFFD800  }
0x33c: {  	_ =	swait.ge [sflag:s0], $0x2800  }
0x33d: {  	[sflag:s0] =	ssyncset.done $0x0  }
0x33e: {  	[sflag:s0] =	ssyncadd.s32 $0xFFFFD800  }
0x33f: {  	_ =	swait.ge [sflag:s9], $0x2800  }
0x340: {  	[sflag:s9] =	ssyncset.done $0x0  }
0x341: {  	[sflag:s9] =	ssyncadd.s32 $0xFFFFD800  }
0x342: {  	_ =	swait.ge [sflag:s5], $0x2800  }
0x343: {  	[sflag:s5] =	ssyncset.done $0x0  }
0x344: {  	[sflag:s5] =	ssyncadd.s32 $0xFFFFD800  }
0x345: {  	[bflag:$0x0] =	sbarrier.arrive $0xFFFF  }
0x346: {  	s8 =	rddreg [dreg:$0x7]  }
0x347: {  	s11 =	rddreg [dreg:$0xc]  }
0x348: {  	s25 =	simm.s32 $0xB;
	s10 =	rddreg [dreg:$0xe];
	s8 =	sor.u32 $0x1C0B, s8  }
0x349: {  	[hbm:s11], [sflag:s8] =	dma.local [spmem:s10], $0x2800  }
0x34a: {  	_ =	swait.ge [sflag:s25], $0x2800  }
0x34b: {  	s29 =	rddreg [dreg:$0xf]  }
0x34c: {  	s31 =	rddreg [dreg:$0xd];
	s7 =	sadd.s32 $0x1, s29  }
0x34d: {  	p0 =	sne.s32 s7, s31  }
.Ltmp1:
0x34e: {  	_ = 	snop;
	(pc) =	sbr.rel @p0 .LBB2_1-.Ltmp1, $3  }
0x34f: {  	_ =	sdelay $0x1  }
0x350: {  	[sflag:s25] =	ssyncset.done $0x0  }
0x351: {  	[sflag:s25] =	ssyncadd.s32 $0xFFFFD800  }
0x352: {  	_ =	sfence.sel $0x180000  }
0x353: {  	[bflag:$0x0] =	sbarrier.arrive $0xFFFF  }
0x354: {  	_ =	strace $0x90000047  }
0x355: {  	s0 =	stileid.u32;
	[bflag:$0x2] =	sbarrier.arrive $0xFFFF  }
0x356: {  	p0 =	sne.s32 s0, $0x0;
	s0 =	rddreg [dreg:$0x4]  }
0x357: {  	s0 =	sadd.s32 @!p0 $0x100000, s0  }
0x358: {  	[sflag:s0] =	ssyncadd.tile.s32 @!p0 $0x1;
	_ =	shalt  }
.Lfunc_end2:
_tile_overlayer_lowered:
.L_overlay_start_2:
0x359: {  	(tag) =	ssettag $0x2  }
0x35a: {  	s0 =	rddreg [dreg:$0x0];
	s2 =	stileid.u32  }
0x35b: {  	s1 =	rddreg [dreg:$0x1];
	p0 =	sne.s32 s2, $0x0  }
0x35c: {  	s3 =	rddreg [dreg:$0x2];
	[bflag:$0x3] =	sbarrier.arrive $0xFFFF;
	s2 =	simm.s32 @!p0 $0x1C0B  }
0x35d: {  	[timem:s3], [sflag:s2] =	dma.local @!p0 [hbm:s0], s1  }
0x35e: {  	s0 =	simm.s32 @!p0 $0xB  }
0x35f: {  	_ =	swait.ge @!p0 [sflag:s0], s1  }
0x360: {  	s1 =	ssub.s32 @!p0 $0x0, s1;
	[sflag:s0] =	ssyncset.done @!p0 $0x0  }
0x361: {  	[sflag:s0] =	ssyncadd.s32 @!p0 s1  }
0x362: {  	[bflag:$0x3] =	sbarrier.arrive $0xFFFF  }
0x363: {  	_ =	shalt  }

</sc_bundles>
